<compile_context>
chip_gen: v7x
topology: tpu7x:2x2x1
jax: 0.10.2.dev20260603
libtpu: 0.0.44.dev20260713+nightly
codegen_flags: <defaults>
</compile_context>

<pallas_src>
import functools

import jax
import jax.numpy as jnp
from jax import lax
from jax.experimental import pallas as pl
from jax.experimental.pallas import tpu as pltpu
from jax.experimental.pallas import tpu_sc as plsc

K = 16
P = 1024
B = 8
EPS = 1e-5

NUM_SC_CORES = 2
NUM_SUBCORES = 16
NUM_TILES = NUM_SC_CORES * NUM_SUBCORES
LANES = 16


def _lrelu(x):
    return jnp.where(x >= 0, x, 0.2 * x)



_ROWS = 1024


def _knn_body(pr_ref, pc_ref, out_ref):
    rows = pr_ref[0]
    cols = pc_ref[0]
    d = ((rows[:, 0:1] - cols[0:1, :]) ** 2
         + (rows[:, 1:2] - cols[1:2, :]) ** 2
         + (rows[:, 2:3] - cols[2:3, :]) ** 2)
    d = jnp.maximum(d, jnp.float32(2.0**-126))
    col_iota = lax.broadcasted_iota(jnp.int32, (_ROWS, P), 1)
    keys = lax.bitcast_convert_type(
        (lax.bitcast_convert_type(d, jnp.int32) & jnp.int32(~1023)) | col_iota,
        jnp.float32)
    inf = jnp.float32(jnp.inf)
    for k in range(K):
        m = jnp.min(keys, axis=1)
        out_ref[0, k, :] = (lax.bitcast_convert_type(m, jnp.int32)
                            & jnp.int32(1023))
        keys = jnp.where(keys == m[:, None], inf, keys)


def _knn(pos_r, pos_c):
    return pl.pallas_call(
        _knn_body,
        grid=(B, P // _ROWS),
        in_specs=[
            pl.BlockSpec((1, _ROWS, 3), lambda b, r: (b, r, 0)),
            pl.BlockSpec((1, 3, P), lambda b, r: (b, 0, 0)),
        ],
        out_specs=pl.BlockSpec((1, K, _ROWS), lambda b, r: (b, 0, r)),
        out_shape=jax.ShapeDtypeStruct((B, K, P), jnp.int32),
    )(pos_r, pos_c)



def _layer_mm(xa, xm, wd, wj, beta, cin, cout, fuse_in):
    def body(xa_ref, xm_ref, wd_ref, wj_ref, bt_ref, a_ref, bm_ref):
        if fuse_in:
            x = _lrelu(xa_ref[0] + xm_ref[0])
        else:
            x = xa_ref[0]
        if cin <= 4:
            a = jnp.zeros((cout, P), jnp.float32)
            bm = jnp.zeros((cout, P), jnp.float32)
            for c in range(cin):
                a = a + wd_ref[:, c:c + 1] * x[c:c + 1, :]
                bm = bm + wj_ref[:, c:c + 1] * x[c:c + 1, :]
        else:
            a = jnp.dot(wd_ref[...], x, preferred_element_type=jnp.float32)
            bm = jnp.dot(wj_ref[...], x, preferred_element_type=jnp.float32)
        a_ref[0] = a + bt_ref[...]
        bm_ref[0] = bm

    return pl.pallas_call(
        body,
        grid=(B,),
        in_specs=[
            pl.BlockSpec((1, cin, P), lambda b: (b, 0, 0)),
            pl.BlockSpec((1, cin, P), lambda b: (b, 0, 0)),
            pl.BlockSpec((cout, cin), lambda b: (0, 0)),
            pl.BlockSpec((cout, cin), lambda b: (0, 0)),
            pl.BlockSpec((cout, 1), lambda b: (0, 0)),
        ],
        out_specs=[
            pl.BlockSpec((1, cout, P), lambda b: (b, 0, 0)),
            pl.BlockSpec((1, cout, P), lambda b: (b, 0, 0)),
        ],
        out_shape=[
            jax.ShapeDtypeStruct((B, cout, P), jnp.float32),
            jax.ShapeDtypeStruct((B, cout, P), jnp.float32),
        ],
    )(xa, xm, wd, wj, beta)



_SC_CH = {64: 16, 128: 32, 256: 32}


def _sc_gather_max(bm_t, idx_t, cout):
    ch_sz = _SC_CH[cout]
    nch = cout // ch_sz
    ntasks = B * nch
    tasks_per_tile = ntasks // NUM_TILES
    mesh = plsc.VectorSubcoreMesh(core_axis_name="c", subcore_axis_name="s")

    @functools.partial(
        pl.kernel,
        mesh=mesh,
        out_type=jax.ShapeDtypeStruct((B, cout, P), jnp.float32),
        scratch_types=[
            pltpu.VMEM((ch_sz, P), jnp.float32),
            pltpu.VMEM((ch_sz, P), jnp.float32),
            pltpu.VMEM((K, P), jnp.int32),
            pltpu.VMEM((ch_sz, P), jnp.float32),
            pltpu.SemaphoreType.DMA,
            pltpu.SemaphoreType.DMA,
        ],
        compiler_params=pltpu.CompilerParams(needs_layout_passes=False),
    )
    def k(bm_hbm, idx_hbm, out_hbm, bm_v0, bm_v1, idx_v, out_v, sem0, sem1):
        wid = lax.axis_index("s") * NUM_SC_CORES + lax.axis_index("c")
        lane = lax.iota(jnp.int32, LANES)
        b = (wid * tasks_per_tile) // nch
        bufs = [(bm_v0, sem0), (bm_v1, sem1)]

        def task_c0(i):
            return ((wid * tasks_per_tile + i) % nch) * ch_sz

        cp = pltpu.async_copy(bm_hbm.at[b, pl.ds(task_c0(0), ch_sz)],
                              bm_v0, sem0)
        pltpu.sync_copy(idx_hbm.at[b], idx_v)
        for i in range(tasks_per_tile):
            bm_v = bufs[i % 2][0]
            c0 = task_c0(i)
            cp.wait()
            if i + 1 < tasks_per_tile:
                nbuf, nsem = bufs[(i + 1) % 2]
                cp = pltpu.async_copy(
                    bm_hbm.at[b, pl.ds(task_c0(i + 1), ch_sz)], nbuf, nsem)

            def pg_body(pg, _):
                pvec = pg * LANES + lane
                jv = [plsc.load_gather(
                          idx_v, [jnp.full((LANES,), kk, jnp.int32), pvec])
                      for kk in range(K)]

                def c_body(c, _):
                    cvec = jnp.broadcast_to(c, (LANES,)).astype(jnp.int32)
                    m = jnp.full((LANES,), -jnp.inf, jnp.float32)
                    for kk in range(K):
                        v = plsc.load_gather(bm_v, [cvec, jv[kk]])
                        m = jnp.maximum(m, v)
                    plsc.store_scatter(out_v, [cvec, pvec], m)
                    return 0

                lax.fori_loop(0, ch_sz, c_body, 0)
                return 0

            lax.fori_loop(0, P // LANES, pg_body, 0)
            pltpu.sync_copy(out_v, out_hbm.at[b, pl.ds(c0, ch_sz)])

    return k(bm_t, idx_t)



def _conv5_part1(a1, m1, a2, m2, a3, m3, w5a):
    def body(a1_r, m1_r, a2_r, m2_r, a3_r, m3_r, w_ref, out_ref):
        xcat = jnp.concatenate(
            [_lrelu(a1_r[0] + m1_r[0]), _lrelu(a2_r[0] + m2_r[0]),
             _lrelu(a3_r[0] + m3_r[0])], axis=0)
        h = jnp.dot(w_ref[...].astype(jnp.bfloat16),
                    xcat.astype(jnp.bfloat16),
                    preferred_element_type=jnp.float32)
        out_ref[0] = h.astype(jnp.bfloat16)

    return pl.pallas_call(
        body,
        grid=(B,),
        in_specs=[
            pl.BlockSpec((1, 64, P), lambda b: (b, 0, 0)),
            pl.BlockSpec((1, 64, P), lambda b: (b, 0, 0)),
            pl.BlockSpec((1, 64, P), lambda b: (b, 0, 0)),
            pl.BlockSpec((1, 64, P), lambda b: (b, 0, 0)),
            pl.BlockSpec((1, 128, P), lambda b: (b, 0, 0)),
            pl.BlockSpec((1, 128, P), lambda b: (b, 0, 0)),
            pl.BlockSpec((1024, 256), lambda b: (0, 0)),
        ],
        out_specs=pl.BlockSpec((1, 1024, P), lambda b: (b, 0, 0)),
        out_shape=jax.ShapeDtypeStruct((B, 1024, P), jnp.bfloat16),
    )(a1, m1, a2, m2, a3, m3, w5a)


def _conv5_part2_head(h123, a4, m4, w5b, b5, w6, b6, w7, b7, w8, b8):
    def body(h123_r, a4_r, m4_r, w5_ref, b5_ref,
             w6_ref, b6_ref, w7_ref, b7_ref, w8_ref, b8_ref,
             out_ref, pooled_v):
        bidx = pl.program_id(0)
        x4 = _lrelu(a4_r[0] + m4_r[0])
        h = jnp.dot(w5_ref[...].astype(jnp.bfloat16),
                    x4.astype(jnp.bfloat16),
                    preferred_element_type=jnp.float32)
        h = _lrelu(h + h123_r[0].astype(jnp.float32) + b5_ref[...])
        mx = jnp.max(h, axis=1)
        av = jnp.sum(h, axis=1) * jnp.float32(1.0 / P)
        pooled_v[pl.ds(bidx, 1), :] = jnp.concatenate([mx, av], axis=0)[None, :]

        @pl.when(bidx == B - 1)
        def _():
            dn = (((1,), (1,)), ((), ()))
            z = lax.dot_general(pooled_v[...], w6_ref[...], dn,
                                preferred_element_type=jnp.float32)
            z = _lrelu(z + b6_ref[...])
            z = lax.dot_general(z, w7_ref[...], dn,
                                preferred_element_type=jnp.float32)
            z = _lrelu(z + b7_ref[...])
            z = lax.dot_general(z, w8_ref[...], dn,
                                preferred_element_type=jnp.float32)
            out_ref[...] = z + b8_ref[...]

    specs = [
        pl.BlockSpec((1, 1024, P), lambda b: (b, 0, 0)),
        pl.BlockSpec((1, 256, P), lambda b: (b, 0, 0)),
        pl.BlockSpec((1, 256, P), lambda b: (b, 0, 0)),
    ]
    for shp in ((1024, 256), (1024, 1), (512, 2048), (1, 512),
                (256, 512), (1, 256), (40, 256), (1, 40)):
        specs.append(pl.BlockSpec(shp, lambda b: (0, 0)))
    return pl.pallas_call(
        body,
        grid=(B,),
        in_specs=specs,
        out_specs=pl.BlockSpec((B, 40), lambda b: (0, 0)),
        out_shape=jax.ShapeDtypeStruct((B, 40), jnp.float32),
        scratch_shapes=[pltpu.VMEM((B, 2048), jnp.float32)],
    )(h123, a4, m4, w5b, b5, w6, b6, w7, b7, w8, b8)



def kernel(pos, batch, W1, g1, b1, W2, g2, b2, W3, g3, b3, W4, g4, b4,
           W5, g5, b5, W6, g6, b6, W7, bias7, g7, b7, W8, bias8):
    del batch
    pos_r = pos.reshape(B, P, 3)
    pos_c = jnp.transpose(pos_r, (0, 2, 1))

    idx_t = _knn(pos_r, pos_c)

    inv = 1.0 / jnp.sqrt(jnp.float32(1.0 + EPS))

    def prep(W, g, bb, cin):
        ws = W * (g * inv)[:, None]
        wi, wj = ws[:, :cin], ws[:, cin:]
        return wi - wj, wj, bb[:, None]

    ams = []
    xa, xm = pos_c, pos_c
    fuse = False
    for (W, g, bb, cin, cout) in ((W1, g1, b1, 3, 64),
                                  (W2, g2, b2, 64, 64),
                                  (W3, g3, b3, 64, 128),
                                  (W4, g4, b4, 128, 256)):
        wd, wj, bt = prep(W, g, bb, cin)
        a_t, bm_t = _layer_mm(xa, xm, wd, wj, bt, cin, cout, fuse)
        m_t = _sc_gather_max(bm_t, idx_t, cout)
        ams.extend([a_t, m_t])
        xa, xm, fuse = a_t, m_t, True

    w5s = W5 * (g5 * inv)[:, None]
    w6s = W6 * (g6 * inv)[:, None]
    w7s = W7 * (g7 * inv)[:, None]
    b7s = (bias7 * g7 * inv + b7)
    a1, m1, a2, m2, a3, m3, a4, m4 = ams
    h123 = _conv5_part1(a1, m1, a2, m2, a3, m3, w5s[:, :256])
    return _conv5_part2_head(h123, a4, m4, w5s[:, 256:], b5[:, None],
                             w6s, b6[None, :], w7s, b7s[None, :],
                             W8, bias8[None, :])

# --- scband reference (transcript-rebuilt; emitter-appended) ---
"""Pipeline reference for scband-edge-conv-model-49065706389731 (READ-ONLY COPY).

The authoritative reference and input builder live on the scoring server;
editing this copy changes nothing except your own understanding.
"""

import jax, jax.numpy as jnp
import numpy as np

K = 16
P = 1024
EPS = 1e-5

def bn(x, gamma, beta):
    # eval-mode batchnorm with running_mean=0, running_var=1
    return gamma * x / jnp.sqrt(1.0 + EPS) + beta

def lrelu(x):
    return jnp.where(x >= 0, x, 0.2 * x)

def knn_idx(pos_b):
    # pos_b: [B, P, 3]; knn_graph with loop=True (self included, distance 0)
    d = jnp.sum((pos_b[:, :, None, :] - pos_b[:, None, :, :]) ** 2, axis=-1)
    _, idx = jax.lax.top_k(-d, K)
    return idx  # [B, P, K]

def edge_conv(x, idx, W, gamma, beta):
    # EdgeConv: max_j LeakyReLU(BN(W @ cat[x_i, x_j - x_i]))
    x_j = jax.vmap(lambda xb, ib: jnp.take(xb, ib, axis=0))(x, idx)  # [B,P,K,C]
    x_i = jnp.broadcast_to(x[:, :, None, :], x_j.shape)
    feat = jnp.concatenate([x_i, x_j - x_i], axis=-1)  # [B,P,K,2C]
    h = lrelu(bn(jnp.einsum('bpkc,oc->bpko', feat, W), gamma, beta))
    return jnp.max(h, axis=2)  # [B,P,Cout]

def setup_inputs(seed: int = 0):
    key = jax.random.key(seed)
    ks = jax.random.split(key, 24)
    B = 8
    N = B * P
    pos = jax.random.normal(ks[0], (N, 3), dtype=jnp.float32)
    batch = jnp.repeat(jnp.arange(B), P)

    def mkW(k, cout, cin):
        return jax.random.normal(k, (cout, cin), dtype=jnp.float32) / np.sqrt(cin)

    def mkbn(k, c):
        k1, k2 = jax.random.split(k)
        g = jax.random.uniform(k1, (c,), dtype=jnp.float32, minval=0.5, maxval=1.5)
        b = 0.05 * jax.random.normal(k2, (c,), dtype=jnp.float32)
        return g, b

    W1 = mkW(ks[1], 64, 6);     g1, b1 = mkbn(ks[2], 64)
    W2 = mkW(ks[3], 64, 128);   g2, b2 = mkbn(ks[4], 64)
    W3 = mkW(ks[5], 128, 128);  g3, b3 = mkbn(ks[6], 128)
    W4 = mkW(ks[7], 256, 256);  g4, b4 = mkbn(ks[8], 256)
    W5 = mkW(ks[9], 1024, 512); g5, b5 = mkbn(ks[10], 1024)
    W6 = mkW(ks[11], 512, 2048); g6, b6 = mkbn(ks[12], 512)
    W7 = mkW(ks[13], 256, 512)
    bias7 = 0.05 * jax.random.normal(ks[14], (256,), dtype=jnp.float32)
    g7, b7 = mkbn(ks[15], 256)
    W8 = mkW(ks[16], 40, 256)
    bias8 = 0.05 * jax.random.normal(ks[17], (40,), dtype=jnp.float32)
    return {"pos": pos, "batch": batch,
            "W1": W1, "g1": g1, "b1": b1,
            "W2": W2, "g2": g2, "b2": b2,
            "W3": W3, "g3": g3, "b3": b3,
            "W4": W4, "g4": g4, "b4": b4,
            "W5": W5, "g5": g5, "b5": b5,
            "W6": W6, "g6": g6, "b6": b6,
            "W7": W7, "bias7": bias7, "g7": g7, "b7": b7,
            "W8": W8, "bias8": bias8}

def reference(pos, batch, W1, g1, b1, W2, g2, b2, W3, g3, b3, W4, g4, b4,
              W5, g5, b5, W6, g6, b6, W7, bias7, g7, b7, W8, bias8):
    B = pos.shape[0] // P
    pos_b = pos.reshape(B, P, 3)
    idx = knn_idx(pos_b)  # computed once from pos, reused by all EdgeConv layers
    x1 = edge_conv(pos_b, idx, W1, g1, b1)   # [B,P,64]
    x2 = edge_conv(x1, idx, W2, g2, b2)      # [B,P,64]
    x3 = edge_conv(x2, idx, W3, g3, b3)      # [B,P,128]
    x4 = edge_conv(x3, idx, W4, g4, b4)      # [B,P,256]
    x = jnp.concatenate([x1, x2, x3, x4], axis=-1)           # [B,P,512]
    x = lrelu(bn(jnp.einsum('bpc,oc->bpo', x, W5), g5, b5))  # conv5 -> [B,P,1024]
    xmax = jnp.max(x, axis=1)   # adaptive_max_pool1d -> [B,1024]
    xavg = jnp.mean(x, axis=1)  # adaptive_avg_pool1d -> [B,1024]
    x = jnp.concatenate([xmax, xavg], axis=-1)  # [B,2048]
    x = lrelu(bn(x @ W6.T, g6, b6))             # linear1 + bn6 (dropout eval = identity)
    x = lrelu(bn(x @ W7.T + bias7, g7, b7))     # linear2 + bn7
    return x @ W8.T + bias8                     # linear3 -> [B,40]

if __name__ == "__main__":
    import jax
    _d = setup_inputs()
    print(jax.jit(kernel)(*tuple(_d.values())))

</pallas_src>

<mosaic_0001>
#map = affine_map<(d0, d1) -> (0, 0, 0)>
module attributes {stable_mosaic.version = 14 : i64} {
  func.func @k(%arg0: i32, %arg1: i32, %arg2: memref<8x128x1024xf32, #tpu.memory_space<hbm>>, %arg3: memref<8x16x1024xi32, #tpu.memory_space<hbm>>, %arg4: memref<8x128x1024xf32, #tpu.memory_space<hbm>>, %arg5: memref<32x1024xf32, #tpu.memory_space<vmem>>, %arg6: memref<32x1024xf32, #tpu.memory_space<vmem>>, %arg7: memref<16x1024xi32, #tpu.memory_space<vmem>>, %arg8: memref<32x1024xf32, #tpu.memory_space<vmem>>, %arg9: memref<!tpu.dma_semaphore, #tpu.memory_space<semaphore_mem>>, %arg10: memref<!tpu.dma_semaphore, #tpu.memory_space<semaphore_mem>>) attributes {dimension_semantics = [#tpu.dimension_semantics<core_parallel>, #tpu.dimension_semantics<subcore_parallel>], iteration_bounds = array<i64: 2, 16>, scalar_prefetch = 0 : i64, scratch_operands = 6 : i64, tpu.core_type = #tpu.core_type<sc_vector_subcore>, window_params = [{transform_indices = #map}, {transform_indices = #map}, {transform_indices = #map}]} {
    %mul3A = arith.constant 2 : i32
    %mul3A_0 = arith.muli %arg1, %mul3A : i32
    %add3A = arith.addi %mul3A_0, %arg0 : i32
    %iota3A = tpu.iota {dimensions = array<i32: 0>} : vector<16xi32>
    %mul3A_1 = arith.constant 1 : i32
    %mul3A_2 = arith.muli %add3A, %mul3A_1 : i32
    %jit3A = arith.constant 4 : i32
    %div3A = arith.divsi %mul3A_2, %jit3A : i32
    %sign3A = arith.constant 0 : i32
    %sign3A_3 = arith.cmpi sgt, %mul3A_2, %sign3A : i32
    %sign3A_4 = arith.extui %sign3A_3 : i1 to i32
    %sign3A_5 = arith.constant 0 : i32
    %sign3A_6 = arith.cmpi slt, %mul3A_2, %sign3A_5 : i32
    %sign3A_7 = arith.extui %sign3A_6 : i1 to i32
    %sign3A_8 = arith.subi %sign3A_4, %sign3A_7 : i32
    %sign3A_9 = arith.constant 0 : i32
    %sign3A_10 = arith.cmpi sgt, %jit3A, %sign3A_9 : i32
    %sign3A_11 = arith.extui %sign3A_10 : i1 to i32
    %sign3A_12 = arith.constant 0 : i32
    %sign3A_13 = arith.cmpi slt, %jit3A, %sign3A_12 : i32
    %sign3A_14 = arith.extui %sign3A_13 : i1 to i32
    %sign3A_15 = arith.subi %sign3A_11, %sign3A_14 : i32
    %ne3A = arith.cmpi ne, %sign3A_8, %sign3A_15 : i32
    %rem3A = arith.remsi %mul3A_2, %jit3A : i32
    %ne3A_16 = arith.constant 0 : i32
    %ne3A_17 = arith.cmpi ne, %rem3A, %ne3A_16 : i32
    %and3A = arith.andi %ne3A, %ne3A_17 : i1
    %sub3A = arith.constant 1 : i32
    %sub3A_18 = arith.subi %div3A, %sub3A : i32
    %select_n3A = arith.select %and3A, %sub3A_18, %div3A : i32
    %mul3A_19 = arith.constant 1 : i32
    %mul3A_20 = arith.muli %add3A, %mul3A_19 : i32
    %add3A_21 = arith.constant 0 : i32
    %add3A_22 = arith.addi %mul3A_20, %add3A_21 : i32
    %jit3A_23 = arith.constant 4 : i32
    %eq3A = arith.constant 0 : i32
    %eq3A_24 = arith.cmpi eq, %jit3A_23, %eq3A : i32
    %jit3A_25 = arith.constant 1 : i32
    %select_n3A_26 = arith.select %eq3A_24, %jit3A_25, %jit3A_23 : i32
    %rem3A_27 = arith.remsi %add3A_22, %select_n3A_26 : i32
    %ne3A_28 = arith.constant 0 : i32
    %ne3A_29 = arith.cmpi ne, %rem3A_27, %ne3A_28 : i32
    %lt3A = arith.constant 0 : i32
    %lt3A_30 = arith.cmpi slt, %rem3A_27, %lt3A : i32
    %lt3A_31 = arith.constant 0 : i32
    %lt3A_32 = arith.cmpi slt, %select_n3A_26, %lt3A_31 : i32
    %ne3A_33 = arith.xori %lt3A_30, %lt3A_32 : i1
    %and3A_34 = arith.andi %ne3A_33, %ne3A_29 : i1
    %add3A_35 = arith.addi %rem3A_27, %select_n3A_26 : i32
    %select_n3A_36 = arith.select %and3A_34, %add3A_35, %rem3A_27 : i32
    %mul3A_37 = arith.constant 32 : i32
    %mul3A_38 = arith.muli %select_n3A_36, %mul3A_37 : i32
    %dma_start3A = arith.constant 0 : i32
    %dma_start3A_39 = tpu.memref_slice %arg2[%select_n3A, %mul3A_38, %dma_start3A] : memref<8x128x1024xf32, #tpu.memory_space<hbm>> -> memref<1x32x1024xf32, #tpu.memory_space<hbm>>
    %dma_start3A_40 = tpu.memref_squeeze %dma_start3A_39 : memref<1x32x1024xf32, #tpu.memory_space<hbm>> -> memref<32x1024xf32, #tpu.memory_space<hbm>>
    %dma_start3A_41 = arith.constant 0 : i32
    %dma_start3A_42 = tpu.memref_slice %arg2[%select_n3A, %mul3A_38, %dma_start3A_41] : memref<8x128x1024xf32, #tpu.memory_space<hbm>> -> memref<1x32x1024xf32, #tpu.memory_space<hbm>>
    %dma_start3A_43 = tpu.memref_squeeze %dma_start3A_42 : memref<1x32x1024xf32, #tpu.memory_space<hbm>> -> memref<32x1024xf32, #tpu.memory_space<hbm>>
    tpu.enqueue_dma source(%dma_start3A_43 : memref<32x1024xf32, #tpu.memory_space<hbm>>) target(%arg5 : memref<32x1024xf32, #tpu.memory_space<vmem>>) target_semaphore(%arg9 : memref<!tpu.dma_semaphore, #tpu.memory_space<semaphore_mem>>)
    "tpu.region"() ({
      %run_scoped3A = tpu.sem_alloc : memref<!tpu.dma_semaphore, #tpu.memory_space<semaphore_mem>>
      %dma_start3A_77 = arith.constant 0 : i32
      %dma_start3A_78 = arith.constant 0 : i32
      %dma_start3A_79 = tpu.memref_slice %arg3[%select_n3A, %dma_start3A_77, %dma_start3A_78] : memref<8x16x1024xi32, #tpu.memory_space<hbm>> -> memref<1x16x1024xi32, #tpu.memory_space<hbm>>
      %dma_start3A_80 = tpu.memref_squeeze %dma_start3A_79 : memref<1x16x1024xi32, #tpu.memory_space<hbm>> -> memref<16x1024xi32, #tpu.memory_space<hbm>>
      %dma_start3A_81 = arith.constant 0 : i32
      %dma_start3A_82 = arith.constant 0 : i32
      %dma_start3A_83 = tpu.memref_slice %arg3[%select_n3A, %dma_start3A_81, %dma_start3A_82] : memref<8x16x1024xi32, #tpu.memory_space<hbm>> -> memref<1x16x1024xi32, #tpu.memory_space<hbm>>
      %dma_start3A_84 = tpu.memref_squeeze %dma_start3A_83 : memref<1x16x1024xi32, #tpu.memory_space<hbm>> -> memref<16x1024xi32, #tpu.memory_space<hbm>>
      tpu.enqueue_dma source(%dma_start3A_84 : memref<16x1024xi32, #tpu.memory_space<hbm>>) target(%arg7 : memref<16x1024xi32, #tpu.memory_space<vmem>>) target_semaphore(%run_scoped3A : memref<!tpu.dma_semaphore, #tpu.memory_space<semaphore_mem>>)
      %dma_wait3A_85 = arith.constant 0 : i32
      %dma_wait3A_86 = arith.constant 0 : i32
      %dma_wait3A_87 = tpu.memref_slice %arg3[%select_n3A, %dma_wait3A_85, %dma_wait3A_86] : memref<8x16x1024xi32, #tpu.memory_space<hbm>> -> memref<1x16x1024xi32, #tpu.memory_space<hbm>>
      %dma_wait3A_88 = tpu.memref_squeeze %dma_wait3A_87 : memref<1x16x1024xi32, #tpu.memory_space<hbm>> -> memref<16x1024xi32, #tpu.memory_space<hbm>>
      %dma_wait3A_89 = arith.constant 0 : i32
      %dma_wait3A_90 = arith.constant 0 : i32
      %dma_wait3A_91 = tpu.memref_slice %arg3[%select_n3A, %dma_wait3A_89, %dma_wait3A_90] : memref<8x16x1024xi32, #tpu.memory_space<hbm>> -> memref<1x16x1024xi32, #tpu.memory_space<hbm>>
      %dma_wait3A_92 = tpu.memref_squeeze %dma_wait3A_91 : memref<1x16x1024xi32, #tpu.memory_space<hbm>> -> memref<16x1024xi32, #tpu.memory_space<hbm>>
      tpu.wait_dma2 semaphore(%run_scoped3A : memref<!tpu.dma_semaphore, #tpu.memory_space<semaphore_mem>>) src(%dma_wait3A_92 : memref<16x1024xi32, #tpu.memory_space<hbm>>) dst(%arg7 : memref<16x1024xi32, #tpu.memory_space<vmem>>)
      tpu.yield
    }) : () -> ()
    %mul3A_44 = arith.constant 1 : i32
    %mul3A_45 = arith.muli %add3A, %mul3A_44 : i32
    %add3A_46 = arith.constant 0 : i32
    %add3A_47 = arith.addi %mul3A_45, %add3A_46 : i32
    %jit3A_48 = arith.constant 4 : i32
    %eq3A_49 = arith.constant 0 : i32
    %eq3A_50 = arith.cmpi eq, %jit3A_48, %eq3A_49 : i32
    %jit3A_51 = arith.constant 1 : i32
    %select_n3A_52 = arith.select %eq3A_50, %jit3A_51, %jit3A_48 : i32
    %rem3A_53 = arith.remsi %add3A_47, %select_n3A_52 : i32
    %ne3A_54 = arith.constant 0 : i32
    %ne3A_55 = arith.cmpi ne, %rem3A_53, %ne3A_54 : i32
    %lt3A_56 = arith.constant 0 : i32
    %lt3A_57 = arith.cmpi slt, %rem3A_53, %lt3A_56 : i32
    %lt3A_58 = arith.constant 0 : i32
    %lt3A_59 = arith.cmpi slt, %select_n3A_52, %lt3A_58 : i32
    %ne3A_60 = arith.xori %lt3A_57, %lt3A_59 : i1
    %and3A_61 = arith.andi %ne3A_60, %ne3A_55 : i1
    %add3A_62 = arith.addi %rem3A_53, %select_n3A_52 : i32
    %select_n3A_63 = arith.select %and3A_61, %add3A_62, %rem3A_53 : i32
    %mul3A_64 = arith.constant 32 : i32
    %mul3A_65 = arith.muli %select_n3A_63, %mul3A_64 : i32
    %dma_wait3A = arith.constant 0 : i32
    %dma_wait3A_66 = tpu.memref_slice %arg2[%select_n3A, %mul3A_38, %dma_wait3A] : memref<8x128x1024xf32, #tpu.memory_space<hbm>> -> memref<1x32x1024xf32, #tpu.memory_space<hbm>>
    %dma_wait3A_67 = tpu.memref_squeeze %dma_wait3A_66 : memref<1x32x1024xf32, #tpu.memory_space<hbm>> -> memref<32x1024xf32, #tpu.memory_space<hbm>>
    %dma_wait3A_68 = arith.constant 0 : i32
    %dma_wait3A_69 = tpu.memref_slice %arg2[%select_n3A, %mul3A_38, %dma_wait3A_68] : memref<8x128x1024xf32, #tpu.memory_space<hbm>> -> memref<1x32x1024xf32, #tpu.memory_space<hbm>>
    %dma_wait3A_70 = tpu.memref_squeeze %dma_wait3A_69 : memref<1x32x1024xf32, #tpu.memory_space<hbm>> -> memref<32x1024xf32, #tpu.memory_space<hbm>>
    tpu.wait_dma2 semaphore(%arg9 : memref<!tpu.dma_semaphore, #tpu.memory_space<semaphore_mem>>) src(%dma_wait3A_70 : memref<32x1024xf32, #tpu.memory_space<hbm>>) dst(%arg5 : memref<32x1024xf32, #tpu.memory_space<vmem>>)
    %scan3A = arith.constant 0 : i32
    %scan3A_71 = arith.constant 0 : i32
    %scan3A_72 = arith.constant 64 : i32
    %scan3A_73 = arith.addi %scan3A_71, %scan3A_72 : i32
    %scan3A_74 = arith.constant 1 : i32
    %scan3A_75 = scf.for %scan3A_77 = %scan3A_71 to %scan3A_73 step %scan3A_74 iter_args(%scan3A_78 = %scan3A) -> (i32)  : i32 {
      %mul3A_79 = arith.constant 16 : i32
      %mul3A_80 = arith.muli %scan3A_77, %mul3A_79 : i32
      %add3A_81 = vector.broadcast %mul3A_80 : i32 to vector<16xi32>
      %add3A_82 = arith.addi %add3A_81, %iota3A : vector<16xi32>
      %broadcast_in_dim3A = arith.constant 0 : i32
      %broadcast_in_dim3A_83 = vector.broadcast %broadcast_in_dim3A : i32 to vector<16xi32>
      %gather3A = tpu.vector_load_idx %arg7[%broadcast_in_dim3A_83, %add3A_82] : memref<16x1024xi32, #tpu.memory_space<vmem>>[vector<16xi32>, vector<16xi32>], vector<16xi32>,
      %broadcast_in_dim3A_84 = arith.constant 1 : i32
      %broadcast_in_dim3A_85 = vector.broadcast %broadcast_in_dim3A_84 : i32 to vector<16xi32>
      %gather3A_86 = tpu.vector_load_idx %arg7[%broadcast_in_dim3A_85, %add3A_82] : memref<16x1024xi32, #tpu.memory_space<vmem>>[vector<16xi32>, vector<16xi32>], vector<16xi32>,
      %broadcast_in_dim3A_87 = arith.constant 2 : i32
      %broadcast_in_dim3A_88 = vector.broadcast %broadcast_in_dim3A_87 : i32 to vector<16xi32>
      %gather3A_89 = tpu.vector_load_idx %arg7[%broadcast_in_dim3A_88, %add3A_82] : memref<16x1024xi32, #tpu.memory_space<vmem>>[vector<16xi32>, vector<16xi32>], vector<16xi32>,
      %broadcast_in_dim3A_90 = arith.constant 3 : i32
      %broadcast_in_dim3A_91 = vector.broadcast %broadcast_in_dim3A_90 : i32 to vector<16xi32>
      %gather3A_92 = tpu.vector_load_idx %arg7[%broadcast_in_dim3A_91, %add3A_82] : memref<16x1024xi32, #tpu.memory_space<vmem>>[vector<16xi32>, vector<16xi32>], vector<16xi32>,
      %broadcast_in_dim3A_93 = arith.constant 4 : i32
      %broadcast_in_dim3A_94 = vector.broadcast %broadcast_in_dim3A_93 : i32 to vector<16xi32>
      %gather3A_95 = tpu.vector_load_idx %arg7[%broadcast_in_dim3A_94, %add3A_82] : memref<16x1024xi32, #tpu.memory_space<vmem>>[vector<16xi32>, vector<16xi32>], vector<16xi32>,
      %broadcast_in_dim3A_96 = arith.constant 5 : i32
      %broadcast_in_dim3A_97 = vector.broadcast %broadcast_in_dim3A_96 : i32 to vector<16xi32>
      %gather3A_98 = tpu.vector_load_idx %arg7[%broadcast_in_dim3A_97, %add3A_82] : memref<16x1024xi32, #tpu.memory_space<vmem>>[vector<16xi32>, vector<16xi32>], vector<16xi32>,
      %broadcast_in_dim3A_99 = arith.constant 6 : i32
      %broadcast_in_dim3A_100 = vector.broadcast %broadcast_in_dim3A_99 : i32 to vector<16xi32>
      %gather3A_101 = tpu.vector_load_idx %arg7[%broadcast_in_dim3A_100, %add3A_82] : memref<16x1024xi32, #tpu.memory_space<vmem>>[vector<16xi32>, vector<16xi32>], vector<16xi32>,
      %broadcast_in_dim3A_102 = arith.constant 7 : i32
      %broadcast_in_dim3A_103 = vector.broadcast %broadcast_in_dim3A_102 : i32 to vector<16xi32>
      %gather3A_104 = tpu.vector_load_idx %arg7[%broadcast_in_dim3A_103, %add3A_82] : memref<16x1024xi32, #tpu.memory_space<vmem>>[vector<16xi32>, vector<16xi32>], vector<16xi32>,
      %broadcast_in_dim3A_105 = arith.constant 8 : i32
      %broadcast_in_dim3A_106 = vector.broadcast %broadcast_in_dim3A_105 : i32 to vector<16xi32>
      %gather3A_107 = tpu.vector_load_idx %arg7[%broadcast_in_dim3A_106, %add3A_82] : memref<16x1024xi32, #tpu.memory_space<vmem>>[vector<16xi32>, vector<16xi32>], vector<16xi32>,
      %broadcast_in_dim3A_108 = arith.constant 9 : i32
      %broadcast_in_dim3A_109 = vector.broadcast %broadcast_in_dim3A_108 : i32 to vector<16xi32>
      %gather3A_110 = tpu.vector_load_idx %arg7[%broadcast_in_dim3A_109, %add3A_82] : memref<16x1024xi32, #tpu.memory_space<vmem>>[vector<16xi32>, vector<16xi32>], vector<16xi32>,
      %broadcast_in_dim3A_111 = arith.constant 10 : i32
      %broadcast_in_dim3A_112 = vector.broadcast %broadcast_in_dim3A_111 : i32 to vector<16xi32>
      %gather3A_113 = tpu.vector_load_idx %arg7[%broadcast_in_dim3A_112, %add3A_82] : memref<16x1024xi32, #tpu.memory_space<vmem>>[vector<16xi32>, vector<16xi32>], vector<16xi32>,
      %broadcast_in_dim3A_114 = arith.constant 11 : i32
      %broadcast_in_dim3A_115 = vector.broadcast %broadcast_in_dim3A_114 : i32 to vector<16xi32>
      %gather3A_116 = tpu.vector_load_idx %arg7[%broadcast_in_dim3A_115, %add3A_82] : memref<16x1024xi32, #tpu.memory_space<vmem>>[vector<16xi32>, vector<16xi32>], vector<16xi32>,
      %broadcast_in_dim3A_117 = arith.constant 12 : i32
      %broadcast_in_dim3A_118 = vector.broadcast %broadcast_in_dim3A_117 : i32 to vector<16xi32>
      %gather3A_119 = tpu.vector_load_idx %arg7[%broadcast_in_dim3A_118, %add3A_82] : memref<16x1024xi32, #tpu.memory_space<vmem>>[vector<16xi32>, vector<16xi32>], vector<16xi32>,
      %broadcast_in_dim3A_120 = arith.constant 13 : i32
      %broadcast_in_dim3A_121 = vector.broadcast %broadcast_in_dim3A_120 : i32 to vector<16xi32>
      %gather3A_122 = tpu.vector_load_idx %arg7[%broadcast_in_dim3A_121, %add3A_82] : memref<16x1024xi32, #tpu.memory_space<vmem>>[vector<16xi32>, vector<16xi32>], vector<16xi32>,
      %broadcast_in_dim3A_123 = arith.constant 14 : i32
      %broadcast_in_dim3A_124 = vector.broadcast %broadcast_in_dim3A_123 : i32 to vector<16xi32>
      %gather3A_125 = tpu.vector_load_idx %arg7[%broadcast_in_dim3A_124, %add3A_82] : memref<16x1024xi32, #tpu.memory_space<vmem>>[vector<16xi32>, vector<16xi32>], vector<16xi32>,
      %broadcast_in_dim3A_126 = arith.constant 15 : i32
      %broadcast_in_dim3A_127 = vector.broadcast %broadcast_in_dim3A_126 : i32 to vector<16xi32>
      %gather3A_128 = tpu.vector_load_idx %arg7[%broadcast_in_dim3A_127, %add3A_82] : memref<16x1024xi32, #tpu.memory_space<vmem>>[vector<16xi32>, vector<16xi32>], vector<16xi32>,
      %scan3A_129 = arith.constant 0 : i32
      %scan3A_130 = arith.constant 0 : i32
      %scan3A_131 = arith.constant 32 : i32
      %scan3A_132 = arith.addi %scan3A_130, %scan3A_131 : i32
      %scan3A_133 = arith.constant 1 : i32
      %scan3A_134 = scf.for %scan3A_137 = %scan3A_130 to %scan3A_132 step %scan3A_133 iter_args(%scan3A_138 = %scan3A_129) -> (i32)  : i32 {
        %broadcast_in_dim3A_139 = vector.broadcast %scan3A_137 : i32 to vector<16xi32>
        %broadcast_in_dim3A_140 = arith.constant 0xFF800000 : f32
        %broadcast_in_dim3A_141 = vector.broadcast %broadcast_in_dim3A_140 : f32 to vector<16xf32>
        %gather3A_142 = tpu.vector_load_idx %arg5[%broadcast_in_dim3A_139, %gather3A] : memref<32x1024xf32, #tpu.memory_space<vmem>>[vector<16xi32>, vector<16xi32>], vector<16xf32>,
        %max3A = arith.maximumf %broadcast_in_dim3A_141, %gather3A_142 : vector<16xf32>
        %gather3A_143 = tpu.vector_load_idx %arg5[%broadcast_in_dim3A_139, %gather3A_86] : memref<32x1024xf32, #tpu.memory_space<vmem>>[vector<16xi32>, vector<16xi32>], vector<16xf32>,
        %max3A_144 = arith.maximumf %max3A, %gather3A_143 : vector<16xf32>
        %gather3A_145 = tpu.vector_load_idx %arg5[%broadcast_in_dim3A_139, %gather3A_89] : memref<32x1024xf32, #tpu.memory_space<vmem>>[vector<16xi32>, vector<16xi32>], vector<16xf32>,
        %max3A_146 = arith.maximumf %max3A_144, %gather3A_145 : vector<16xf32>
        %gather3A_147 = tpu.vector_load_idx %arg5[%broadcast_in_dim3A_139, %gather3A_92] : memref<32x1024xf32, #tpu.memory_space<vmem>>[vector<16xi32>, vector<16xi32>], vector<16xf32>,
        %max3A_148 = arith.maximumf %max3A_146, %gather3A_147 : vector<16xf32>
        %gather3A_149 = tpu.vector_load_idx %arg5[%broadcast_in_dim3A_139, %gather3A_95] : memref<32x1024xf32, #tpu.memory_space<vmem>>[vector<16xi32>, vector<16xi32>], vector<16xf32>,
        %max3A_150 = arith.maximumf %max3A_148, %gather3A_149 : vector<16xf32>
        %gather3A_151 = tpu.vector_load_idx %arg5[%broadcast_in_dim3A_139, %gather3A_98] : memref<32x1024xf32, #tpu.memory_space<vmem>>[vector<16xi32>, vector<16xi32>], vector<16xf32>,
        %max3A_152 = arith.maximumf %max3A_150, %gather3A_151 : vector<16xf32>
        %gather3A_153 = tpu.vector_load_idx %arg5[%broadcast_in_dim3A_139, %gather3A_101] : memref<32x1024xf32, #tpu.memory_space<vmem>>[vector<16xi32>, vector<16xi32>], vector<16xf32>,
        %max3A_154 = arith.maximumf %max3A_152, %gather3A_153 : vector<16xf32>
        %gather3A_155 = tpu.vector_load_idx %arg5[%broadcast_in_dim3A_139, %gather3A_104] : memref<32x1024xf32, #tpu.memory_space<vmem>>[vector<16xi32>, vector<16xi32>], vector<16xf32>,
        %max3A_156 = arith.maximumf %max3A_154, %gather3A_155 : vector<16xf32>
        %gather3A_157 = tpu.vector_load_idx %arg5[%broadcast_in_dim3A_139, %gather3A_107] : memref<32x1024xf32, #tpu.memory_space<vmem>>[vector<16xi32>, vector<16xi32>], vector<16xf32>,
        %max3A_158 = arith.maximumf %max3A_156, %gather3A_157 : vector<16xf32>
        %gather3A_159 = tpu.vector_load_idx %arg5[%broadcast_in_dim3A_139, %gather3A_110] : memref<32x1024xf32, #tpu.memory_space<vmem>>[vector<16xi32>, vector<16xi32>], vector<16xf32>,
        %max3A_160 = arith.maximumf %max3A_158, %gather3A_159 : vector<16xf32>
        %gather3A_161 = tpu.vector_load_idx %arg5[%broadcast_in_dim3A_139, %gather3A_113] : memref<32x1024xf32, #tpu.memory_space<vmem>>[vector<16xi32>, vector<16xi32>], vector<16xf32>,
        %max3A_162 = arith.maximumf %max3A_160, %gather3A_161 : vector<16xf32>
        %gather3A_163 = tpu.vector_load_idx %arg5[%broadcast_in_dim3A_139, %gather3A_116] : memref<32x1024xf32, #tpu.memory_space<vmem>>[vector<16xi32>, vector<16xi32>], vector<16xf32>,
        %max3A_164 = arith.maximumf %max3A_162, %gather3A_163 : vector<16xf32>
        %gather3A_165 = tpu.vector_load_idx %arg5[%broadcast_in_dim3A_139, %gather3A_119] : memref<32x1024xf32, #tpu.memory_space<vmem>>[vector<16xi32>, vector<16xi32>], vector<16xf32>,
        %max3A_166 = arith.maximumf %max3A_164, %gather3A_165 : vector<16xf32>
        %gather3A_167 = tpu.vector_load_idx %arg5[%broadcast_in_dim3A_139, %gather3A_122] : memref<32x1024xf32, #tpu.memory_space<vmem>>[vector<16xi32>, vector<16xi32>], vector<16xf32>,
        %max3A_168 = arith.maximumf %max3A_166, %gather3A_167 : vector<16xf32>
        %gather3A_169 = tpu.vector_load_idx %arg5[%broadcast_in_dim3A_139, %gather3A_125] : memref<32x1024xf32, #tpu.memory_space<vmem>>[vector<16xi32>, vector<16xi32>], vector<16xf32>,
        %max3A_170 = arith.maximumf %max3A_168, %gather3A_169 : vector<16xf32>
        %gather3A_171 = tpu.vector_load_idx %arg5[%broadcast_in_dim3A_139, %gather3A_128] : memref<32x1024xf32, #tpu.memory_space<vmem>>[vector<16xi32>, vector<16xi32>], vector<16xf32>,
        %max3A_172 = arith.maximumf %max3A_170, %gather3A_171 : vector<16xf32>
        tpu.vector_store_idx %arg8[%broadcast_in_dim3A_139, %add3A_82], %max3A_172 : memref<32x1024xf32, #tpu.memory_space<vmem>>[vector<16xi32>, vector<16xi32>], vector<16xf32>,
        %scan3A_173 = arith.constant 0 : i32
        scf.yield %scan3A_173 : i32
      }
      %scan3A_135 = arith.constant 32 : i32
      %scan3A_136 = arith.constant 0 : i32
      scf.yield %scan3A_136 : i32
    }
    %scan3A_76 = arith.constant 64 : i32
    "tpu.region"() ({
      %run_scoped3A = tpu.sem_alloc : memref<!tpu.dma_semaphore, #tpu.memory_space<semaphore_mem>>
      %dma_start3A_77 = arith.constant 0 : i32
      %dma_start3A_78 = tpu.memref_slice %arg4[%select_n3A, %mul3A_65, %dma_start3A_77] : memref<8x128x1024xf32, #tpu.memory_space<hbm>> -> memref<1x32x1024xf32, #tpu.memory_space<hbm>>
      %dma_start3A_79 = tpu.memref_squeeze %dma_start3A_78 : memref<1x32x1024xf32, #tpu.memory_space<hbm>> -> memref<32x1024xf32, #tpu.memory_space<hbm>>
      %dma_start3A_80 = arith.constant 0 : i32
      %dma_start3A_81 = tpu.memref_slice %arg4[%select_n3A, %mul3A_65, %dma_start3A_80] : memref<8x128x1024xf32, #tpu.memory_space<hbm>> -> memref<1x32x1024xf32, #tpu.memory_space<hbm>>
      %dma_start3A_82 = tpu.memref_squeeze %dma_start3A_81 : memref<1x32x1024xf32, #tpu.memory_space<hbm>> -> memref<32x1024xf32, #tpu.memory_space<hbm>>
      tpu.enqueue_dma source(%arg8 : memref<32x1024xf32, #tpu.memory_space<vmem>>) target(%dma_start3A_82 : memref<32x1024xf32, #tpu.memory_space<hbm>>) target_semaphore(%run_scoped3A : memref<!tpu.dma_semaphore, #tpu.memory_space<semaphore_mem>>)
      %dma_wait3A_83 = arith.constant 0 : i32
      %dma_wait3A_84 = tpu.memref_slice %arg4[%select_n3A, %mul3A_65, %dma_wait3A_83] : memref<8x128x1024xf32, #tpu.memory_space<hbm>> -> memref<1x32x1024xf32, #tpu.memory_space<hbm>>
      %dma_wait3A_85 = tpu.memref_squeeze %dma_wait3A_84 : memref<1x32x1024xf32, #tpu.memory_space<hbm>> -> memref<32x1024xf32, #tpu.memory_space<hbm>>
      %dma_wait3A_86 = arith.constant 0 : i32
      %dma_wait3A_87 = tpu.memref_slice %arg4[%select_n3A, %mul3A_65, %dma_wait3A_86] : memref<8x128x1024xf32, #tpu.memory_space<hbm>> -> memref<1x32x1024xf32, #tpu.memory_space<hbm>>
      %dma_wait3A_88 = tpu.memref_squeeze %dma_wait3A_87 : memref<1x32x1024xf32, #tpu.memory_space<hbm>> -> memref<32x1024xf32, #tpu.memory_space<hbm>>
      tpu.wait_dma2 semaphore(%run_scoped3A : memref<!tpu.dma_semaphore, #tpu.memory_space<semaphore_mem>>) src(%arg8 : memref<32x1024xf32, #tpu.memory_space<vmem>>) dst(%dma_wait3A_88 : memref<32x1024xf32, #tpu.memory_space<hbm>>)
      tpu.yield
    }) : () -> ()
    return
  }
}

#map = affine_map<(d0, d1) -> (0, 0, 0)>
module attributes {stable_mosaic.version = 14 : i64} {
  func.func @k(%arg0: i32, %arg1: i32, %arg2: memref<8x64x1024xf32, #tpu.memory_space<hbm>>, %arg3: memref<8x16x1024xi32, #tpu.memory_space<hbm>>, %arg4: memref<8x64x1024xf32, #tpu.memory_space<hbm>>, %arg5: memref<16x1024xf32, #tpu.memory_space<vmem>>, %arg6: memref<16x1024xf32, #tpu.memory_space<vmem>>, %arg7: memref<16x1024xi32, #tpu.memory_space<vmem>>, %arg8: memref<16x1024xf32, #tpu.memory_space<vmem>>, %arg9: memref<!tpu.dma_semaphore, #tpu.memory_space<semaphore_mem>>, %arg10: memref<!tpu.dma_semaphore, #tpu.memory_space<semaphore_mem>>) attributes {dimension_semantics = [#tpu.dimension_semantics<core_parallel>, #tpu.dimension_semantics<subcore_parallel>], iteration_bounds = array<i64: 2, 16>, scalar_prefetch = 0 : i64, scratch_operands = 6 : i64, tpu.core_type = #tpu.core_type<sc_vector_subcore>, window_params = [{transform_indices = #map}, {transform_indices = #map}, {transform_indices = #map}]} {
    %mul3A = arith.constant 2 : i32
    %mul3A_0 = arith.muli %arg1, %mul3A : i32
    %add3A = arith.addi %mul3A_0, %arg0 : i32
    %iota3A = tpu.iota {dimensions = array<i32: 0>} : vector<16xi32>
    %mul3A_1 = arith.constant 1 : i32
    %mul3A_2 = arith.muli %add3A, %mul3A_1 : i32
    %jit3A = arith.constant 4 : i32
    %div3A = arith.divsi %mul3A_2, %jit3A : i32
    %sign3A = arith.constant 0 : i32
    %sign3A_3 = arith.cmpi sgt, %mul3A_2, %sign3A : i32
    %sign3A_4 = arith.extui %sign3A_3 : i1 to i32
    %sign3A_5 = arith.constant 0 : i32
    %sign3A_6 = arith.cmpi slt, %mul3A_2, %sign3A_5 : i32
    %sign3A_7 = arith.extui %sign3A_6 : i1 to i32
    %sign3A_8 = arith.subi %sign3A_4, %sign3A_7 : i32
    %sign3A_9 = arith.constant 0 : i32
    %sign3A_10 = arith.cmpi sgt, %jit3A, %sign3A_9 : i32
    %sign3A_11 = arith.extui %sign3A_10 : i1 to i32
    %sign3A_12 = arith.constant 0 : i32
    %sign3A_13 = arith.cmpi slt, %jit3A, %sign3A_12 : i32
    %sign3A_14 = arith.extui %sign3A_13 : i1 to i32
    %sign3A_15 = arith.subi %sign3A_11, %sign3A_14 : i32
    %ne3A = arith.cmpi ne, %sign3A_8, %sign3A_15 : i32
    %rem3A = arith.remsi %mul3A_2, %jit3A : i32
    %ne3A_16 = arith.constant 0 : i32
    %ne3A_17 = arith.cmpi ne, %rem3A, %ne3A_16 : i32
    %and3A = arith.andi %ne3A, %ne3A_17 : i1
    %sub3A = arith.constant 1 : i32
    %sub3A_18 = arith.subi %div3A, %sub3A : i32
    %select_n3A = arith.select %and3A, %sub3A_18, %div3A : i32
    %mul3A_19 = arith.constant 1 : i32
    %mul3A_20 = arith.muli %add3A, %mul3A_19 : i32
    %add3A_21 = arith.constant 0 : i32
    %add3A_22 = arith.addi %mul3A_20, %add3A_21 : i32
    %jit3A_23 = arith.constant 4 : i32
    %eq3A = arith.constant 0 : i32
    %eq3A_24 = arith.cmpi eq, %jit3A_23, %eq3A : i32
    %jit3A_25 = arith.constant 1 : i32
    %select_n3A_26 = arith.select %eq3A_24, %jit3A_25, %jit3A_23 : i32
    %rem3A_27 = arith.remsi %add3A_22, %select_n3A_26 : i32
    %ne3A_28 = arith.constant 0 : i32
    %ne3A_29 = arith.cmpi ne, %rem3A_27, %ne3A_28 : i32
    %lt3A = arith.constant 0 : i32
    %lt3A_30 = arith.cmpi slt, %rem3A_27, %lt3A : i32
    %lt3A_31 = arith.constant 0 : i32
    %lt3A_32 = arith.cmpi slt, %select_n3A_26, %lt3A_31 : i32
    %ne3A_33 = arith.xori %lt3A_30, %lt3A_32 : i1
    %and3A_34 = arith.andi %ne3A_33, %ne3A_29 : i1
    %add3A_35 = arith.addi %rem3A_27, %select_n3A_26 : i32
    %select_n3A_36 = arith.select %and3A_34, %add3A_35, %rem3A_27 : i32
    %mul3A_37 = arith.constant 16 : i32
    %mul3A_38 = arith.muli %select_n3A_36, %mul3A_37 : i32
    %dma_start3A = arith.constant 0 : i32
    %dma_start3A_39 = tpu.memref_slice %arg2[%select_n3A, %mul3A_38, %dma_start3A] : memref<8x64x1024xf32, #tpu.memory_space<hbm>> -> memref<1x16x1024xf32, #tpu.memory_space<hbm>>
    %dma_start3A_40 = tpu.memref_squeeze %dma_start3A_39 : memref<1x16x1024xf32, #tpu.memory_space<hbm>> -> memref<16x1024xf32, #tpu.memory_space<hbm>>
    %dma_start3A_41 = arith.constant 0 : i32
    %dma_start3A_42 = tpu.memref_slice %arg2[%select_n3A, %mul3A_38, %dma_start3A_41] : memref<8x64x1024xf32, #tpu.memory_space<hbm>> -> memref<1x16x1024xf32, #tpu.memory_space<hbm>>
    %dma_start3A_43 = tpu.memref_squeeze %dma_start3A_42 : memref<1x16x1024xf32, #tpu.memory_space<hbm>> -> memref<16x1024xf32, #tpu.memory_space<hbm>>
    tpu.enqueue_dma source(%dma_start3A_43 : memref<16x1024xf32, #tpu.memory_space<hbm>>) target(%arg5 : memref<16x1024xf32, #tpu.memory_space<vmem>>) target_semaphore(%arg9 : memref<!tpu.dma_semaphore, #tpu.memory_space<semaphore_mem>>)
    "tpu.region"() ({
      %run_scoped3A = tpu.sem_alloc : memref<!tpu.dma_semaphore, #tpu.memory_space<semaphore_mem>>
      %dma_start3A_77 = arith.constant 0 : i32
      %dma_start3A_78 = arith.constant 0 : i32
      %dma_start3A_79 = tpu.memref_slice %arg3[%select_n3A, %dma_start3A_77, %dma_start3A_78] : memref<8x16x1024xi32, #tpu.memory_space<hbm>> -> memref<1x16x1024xi32, #tpu.memory_space<hbm>>
      %dma_start3A_80 = tpu.memref_squeeze %dma_start3A_79 : memref<1x16x1024xi32, #tpu.memory_space<hbm>> -> memref<16x1024xi32, #tpu.memory_space<hbm>>
      %dma_start3A_81 = arith.constant 0 : i32
      %dma_start3A_82 = arith.constant 0 : i32
      %dma_start3A_83 = tpu.memref_slice %arg3[%select_n3A, %dma_start3A_81, %dma_start3A_82] : memref<8x16x1024xi32, #tpu.memory_space<hbm>> -> memref<1x16x1024xi32, #tpu.memory_space<hbm>>
      %dma_start3A_84 = tpu.memref_squeeze %dma_start3A_83 : memref<1x16x1024xi32, #tpu.memory_space<hbm>> -> memref<16x1024xi32, #tpu.memory_space<hbm>>
      tpu.enqueue_dma source(%dma_start3A_84 : memref<16x1024xi32, #tpu.memory_space<hbm>>) target(%arg7 : memref<16x1024xi32, #tpu.memory_space<vmem>>) target_semaphore(%run_scoped3A : memref<!tpu.dma_semaphore, #tpu.memory_space<semaphore_mem>>)
      %dma_wait3A_85 = arith.constant 0 : i32
      %dma_wait3A_86 = arith.constant 0 : i32
      %dma_wait3A_87 = tpu.memref_slice %arg3[%select_n3A, %dma_wait3A_85, %dma_wait3A_86] : memref<8x16x1024xi32, #tpu.memory_space<hbm>> -> memref<1x16x1024xi32, #tpu.memory_space<hbm>>
      %dma_wait3A_88 = tpu.memref_squeeze %dma_wait3A_87 : memref<1x16x1024xi32, #tpu.memory_space<hbm>> -> memref<16x1024xi32, #tpu.memory_space<hbm>>
      %dma_wait3A_89 = arith.constant 0 : i32
      %dma_wait3A_90 = arith.constant 0 : i32
      %dma_wait3A_91 = tpu.memref_slice %arg3[%select_n3A, %dma_wait3A_89, %dma_wait3A_90] : memref<8x16x1024xi32, #tpu.memory_space<hbm>> -> memref<1x16x1024xi32, #tpu.memory_space<hbm>>
      %dma_wait3A_92 = tpu.memref_squeeze %dma_wait3A_91 : memref<1x16x1024xi32, #tpu.memory_space<hbm>> -> memref<16x1024xi32, #tpu.memory_space<hbm>>
      tpu.wait_dma2 semaphore(%run_scoped3A : memref<!tpu.dma_semaphore, #tpu.memory_space<semaphore_mem>>) src(%dma_wait3A_92 : memref<16x1024xi32, #tpu.memory_space<hbm>>) dst(%arg7 : memref<16x1024xi32, #tpu.memory_space<vmem>>)
      tpu.yield
    }) : () -> ()
    %mul3A_44 = arith.constant 1 : i32
    %mul3A_45 = arith.muli %add3A, %mul3A_44 : i32
    %add3A_46 = arith.constant 0 : i32
    %add3A_47 = arith.addi %mul3A_45, %add3A_46 : i32
    %jit3A_48 = arith.constant 4 : i32
    %eq3A_49 = arith.constant 0 : i32
    %eq3A_50 = arith.cmpi eq, %jit3A_48, %eq3A_49 : i32
    %jit3A_51 = arith.constant 1 : i32
    %select_n3A_52 = arith.select %eq3A_50, %jit3A_51, %jit3A_48 : i32
    %rem3A_53 = arith.remsi %add3A_47, %select_n3A_52 : i32
    %ne3A_54 = arith.constant 0 : i32
    %ne3A_55 = arith.cmpi ne, %rem3A_53, %ne3A_54 : i32
    %lt3A_56 = arith.constant 0 : i32
    %lt3A_57 = arith.cmpi slt, %rem3A_53, %lt3A_56 : i32
    %lt3A_58 = arith.constant 0 : i32
    %lt3A_59 = arith.cmpi slt, %select_n3A_52, %lt3A_58 : i32
    %ne3A_60 = arith.xori %lt3A_57, %lt3A_59 : i1
    %and3A_61 = arith.andi %ne3A_60, %ne3A_55 : i1
    %add3A_62 = arith.addi %rem3A_53, %select_n3A_52 : i32
    %select_n3A_63 = arith.select %and3A_61, %add3A_62, %rem3A_53 : i32
    %mul3A_64 = arith.constant 16 : i32
    %mul3A_65 = arith.muli %select_n3A_63, %mul3A_64 : i32
    %dma_wait3A = arith.constant 0 : i32
    %dma_wait3A_66 = tpu.memref_slice %arg2[%select_n3A, %mul3A_38, %dma_wait3A] : memref<8x64x1024xf32, #tpu.memory_space<hbm>> -> memref<1x16x1024xf32, #tpu.memory_space<hbm>>
    %dma_wait3A_67 = tpu.memref_squeeze %dma_wait3A_66 : memref<1x16x1024xf32, #tpu.memory_space<hbm>> -> memref<16x1024xf32, #tpu.memory_space<hbm>>
    %dma_wait3A_68 = arith.constant 0 : i32
    %dma_wait3A_69 = tpu.memref_slice %arg2[%select_n3A, %mul3A_38, %dma_wait3A_68] : memref<8x64x1024xf32, #tpu.memory_space<hbm>> -> memref<1x16x1024xf32, #tpu.memory_space<hbm>>
    %dma_wait3A_70 = tpu.memref_squeeze %dma_wait3A_69 : memref<1x16x1024xf32, #tpu.memory_space<hbm>> -> memref<16x1024xf32, #tpu.memory_space<hbm>>
    tpu.wait_dma2 semaphore(%arg9 : memref<!tpu.dma_semaphore, #tpu.memory_space<semaphore_mem>>) src(%dma_wait3A_70 : memref<16x1024xf32, #tpu.memory_space<hbm>>) dst(%arg5 : memref<16x1024xf32, #tpu.memory_space<vmem>>)
    %scan3A = arith.constant 0 : i32
    %scan3A_71 = arith.constant 0 : i32
    %scan3A_72 = arith.constant 64 : i32
    %scan3A_73 = arith.addi %scan3A_71, %scan3A_72 : i32
    %scan3A_74 = arith.constant 1 : i32
    %scan3A_75 = scf.for %scan3A_77 = %scan3A_71 to %scan3A_73 step %scan3A_74 iter_args(%scan3A_78 = %scan3A) -> (i32)  : i32 {
      %mul3A_79 = arith.constant 16 : i32
      %mul3A_80 = arith.muli %scan3A_77, %mul3A_79 : i32
      %add3A_81 = vector.broadcast %mul3A_80 : i32 to vector<16xi32>
      %add3A_82 = arith.addi %add3A_81, %iota3A : vector<16xi32>
      %broadcast_in_dim3A = arith.constant 0 : i32
      %broadcast_in_dim3A_83 = vector.broadcast %broadcast_in_dim3A : i32 to vector<16xi32>
      %gather3A = tpu.vector_load_idx %arg7[%broadcast_in_dim3A_83, %add3A_82] : memref<16x1024xi32, #tpu.memory_space<vmem>>[vector<16xi32>, vector<16xi32>], vector<16xi32>,
      %broadcast_in_dim3A_84 = arith.constant 1 : i32
      %broadcast_in_dim3A_85 = vector.broadcast %broadcast_in_dim3A_84 : i32 to vector<16xi32>
      %gather3A_86 = tpu.vector_load_idx %arg7[%broadcast_in_dim3A_85, %add3A_82] : memref<16x1024xi32, #tpu.memory_space<vmem>>[vector<16xi32>, vector<16xi32>], vector<16xi32>,
      %broadcast_in_dim3A_87 = arith.constant 2 : i32
      %broadcast_in_dim3A_88 = vector.broadcast %broadcast_in_dim3A_87 : i32 to vector<16xi32>
      %gather3A_89 = tpu.vector_load_idx %arg7[%broadcast_in_dim3A_88, %add3A_82] : memref<16x1024xi32, #tpu.memory_space<vmem>>[vector<16xi32>, vector<16xi32>], vector<16xi32>,
      %broadcast_in_dim3A_90 = arith.constant 3 : i32
      %broadcast_in_dim3A_91 = vector.broadcast %broadcast_in_dim3A_90 : i32 to vector<16xi32>
      %gather3A_92 = tpu.vector_load_idx %arg7[%broadcast_in_dim3A_91, %add3A_82] : memref<16x1024xi32, #tpu.memory_space<vmem>>[vector<16xi32>, vector<16xi32>], vector<16xi32>,
      %broadcast_in_dim3A_93 = arith.constant 4 : i32
      %broadcast_in_dim3A_94 = vector.broadcast %broadcast_in_dim3A_93 : i32 to vector<16xi32>
      %gather3A_95 = tpu.vector_load_idx %arg7[%broadcast_in_dim3A_94, %add3A_82] : memref<16x1024xi32, #tpu.memory_space<vmem>>[vector<16xi32>, vector<16xi32>], vector<16xi32>,
      %broadcast_in_dim3A_96 = arith.constant 5 : i32
      %broadcast_in_dim3A_97 = vector.broadcast %broadcast_in_dim3A_96 : i32 to vector<16xi32>
      %gather3A_98 = tpu.vector_load_idx %arg7[%broadcast_in_dim3A_97, %add3A_82] : memref<16x1024xi32, #tpu.memory_space<vmem>>[vector<16xi32>, vector<16xi32>], vector<16xi32>,
      %broadcast_in_dim3A_99 = arith.constant 6 : i32
      %broadcast_in_dim3A_100 = vector.broadcast %broadcast_in_dim3A_99 : i32 to vector<16xi32>
      %gather3A_101 = tpu.vector_load_idx %arg7[%broadcast_in_dim3A_100, %add3A_82] : memref<16x1024xi32, #tpu.memory_space<vmem>>[vector<16xi32>, vector<16xi32>], vector<16xi32>,
      %broadcast_in_dim3A_102 = arith.constant 7 : i32
      %broadcast_in_dim3A_103 = vector.broadcast %broadcast_in_dim3A_102 : i32 to vector<16xi32>
      %gather3A_104 = tpu.vector_load_idx %arg7[%broadcast_in_dim3A_103, %add3A_82] : memref<16x1024xi32, #tpu.memory_space<vmem>>[vector<16xi32>, vector<16xi32>], vector<16xi32>,
      %broadcast_in_dim3A_105 = arith.constant 8 : i32
      %broadcast_in_dim3A_106 = vector.broadcast %broadcast_in_dim3A_105 : i32 to vector<16xi32>
      %gather3A_107 = tpu.vector_load_idx %arg7[%broadcast_in_dim3A_106, %add3A_82] : memref<16x1024xi32, #tpu.memory_space<vmem>>[vector<16xi32>, vector<16xi32>], vector<16xi32>,
      %broadcast_in_dim3A_108 = arith.constant 9 : i32
      %broadcast_in_dim3A_109 = vector.broadcast %broadcast_in_dim3A_108 : i32 to vector<16xi32>
      %gather3A_110 = tpu.vector_load_idx %arg7[%broadcast_in_dim3A_109, %add3A_82] : memref<16x1024xi32, #tpu.memory_space<vmem>>[vector<16xi32>, vector<16xi32>], vector<16xi32>,
      %broadcast_in_dim3A_111 = arith.constant 10 : i32
      %broadcast_in_dim3A_112 = vector.broadcast %broadcast_in_dim3A_111 : i32 to vector<16xi32>
      %gather3A_113 = tpu.vector_load_idx %arg7[%broadcast_in_dim3A_112, %add3A_82] : memref<16x1024xi32, #tpu.memory_space<vmem>>[vector<16xi32>, vector<16xi32>], vector<16xi32>,
      %broadcast_in_dim3A_114 = arith.constant 11 : i32
      %broadcast_in_dim3A_115 = vector.broadcast %broadcast_in_dim3A_114 : i32 to vector<16xi32>
      %gather3A_116 = tpu.vector_load_idx %arg7[%broadcast_in_dim3A_115, %add3A_82] : memref<16x1024xi32, #tpu.memory_space<vmem>>[vector<16xi32>, vector<16xi32>], vector<16xi32>,
      %broadcast_in_dim3A_117 = arith.constant 12 : i32
      %broadcast_in_dim3A_118 = vector.broadcast %broadcast_in_dim3A_117 : i32 to vector<16xi32>
      %gather3A_119 = tpu.vector_load_idx %arg7[%broadcast_in_dim3A_118, %add3A_82] : memref<16x1024xi32, #tpu.memory_space<vmem>>[vector<16xi32>, vector<16xi32>], vector<16xi32>,
      %broadcast_in_dim3A_120 = arith.constant 13 : i32
      %broadcast_in_dim3A_121 = vector.broadcast %broadcast_in_dim3A_120 : i32 to vector<16xi32>
      %gather3A_122 = tpu.vector_load_idx %arg7[%broadcast_in_dim3A_121, %add3A_82] : memref<16x1024xi32, #tpu.memory_space<vmem>>[vector<16xi32>, vector<16xi32>], vector<16xi32>,
      %broadcast_in_dim3A_123 = arith.constant 14 : i32
      %broadcast_in_dim3A_124 = vector.broadcast %broadcast_in_dim3A_123 : i32 to vector<16xi32>
      %gather3A_125 = tpu.vector_load_idx %arg7[%broadcast_in_dim3A_124, %add3A_82] : memref<16x1024xi32, #tpu.memory_space<vmem>>[vector<16xi32>, vector<16xi32>], vector<16xi32>,
      %broadcast_in_dim3A_126 = arith.constant 15 : i32
      %broadcast_in_dim3A_127 = vector.broadcast %broadcast_in_dim3A_126 : i32 to vector<16xi32>
      %gather3A_128 = tpu.vector_load_idx %arg7[%broadcast_in_dim3A_127, %add3A_82] : memref<16x1024xi32, #tpu.memory_space<vmem>>[vector<16xi32>, vector<16xi32>], vector<16xi32>,
      %scan3A_129 = arith.constant 0 : i32
      %scan3A_130 = arith.constant 0 : i32
      %scan3A_131 = arith.constant 16 : i32
      %scan3A_132 = arith.addi %scan3A_130, %scan3A_131 : i32
      %scan3A_133 = arith.constant 1 : i32
      %scan3A_134 = scf.for %scan3A_137 = %scan3A_130 to %scan3A_132 step %scan3A_133 iter_args(%scan3A_138 = %scan3A_129) -> (i32)  : i32 {
        %broadcast_in_dim3A_139 = vector.broadcast %scan3A_137 : i32 to vector<16xi32>
        %broadcast_in_dim3A_140 = arith.constant 0xFF800000 : f32
        %broadcast_in_dim3A_141 = vector.broadcast %broadcast_in_dim3A_140 : f32 to vector<16xf32>
        %gather3A_142 = tpu.vector_load_idx %arg5[%broadcast_in_dim3A_139, %gather3A] : memref<16x1024xf32, #tpu.memory_space<vmem>>[vector<16xi32>, vector<16xi32>], vector<16xf32>,
        %max3A = arith.maximumf %broadcast_in_dim3A_141, %gather3A_142 : vector<16xf32>
        %gather3A_143 = tpu.vector_load_idx %arg5[%broadcast_in_dim3A_139, %gather3A_86] : memref<16x1024xf32, #tpu.memory_space<vmem>>[vector<16xi32>, vector<16xi32>], vector<16xf32>,
        %max3A_144 = arith.maximumf %max3A, %gather3A_143 : vector<16xf32>
        %gather3A_145 = tpu.vector_load_idx %arg5[%broadcast_in_dim3A_139, %gather3A_89] : memref<16x1024xf32, #tpu.memory_space<vmem>>[vector<16xi32>, vector<16xi32>], vector<16xf32>,
        %max3A_146 = arith.maximumf %max3A_144, %gather3A_145 : vector<16xf32>
        %gather3A_147 = tpu.vector_load_idx %arg5[%broadcast_in_dim3A_139, %gather3A_92] : memref<16x1024xf32, #tpu.memory_space<vmem>>[vector<16xi32>, vector<16xi32>], vector<16xf32>,
        %max3A_148 = arith.maximumf %max3A_146, %gather3A_147 : vector<16xf32>
        %gather3A_149 = tpu.vector_load_idx %arg5[%broadcast_in_dim3A_139, %gather3A_95] : memref<16x1024xf32, #tpu.memory_space<vmem>>[vector<16xi32>, vector<16xi32>], vector<16xf32>,
        %max3A_150 = arith.maximumf %max3A_148, %gather3A_149 : vector<16xf32>
        %gather3A_151 = tpu.vector_load_idx %arg5[%broadcast_in_dim3A_139, %gather3A_98] : memref<16x1024xf32, #tpu.memory_space<vmem>>[vector<16xi32>, vector<16xi32>], vector<16xf32>,
        %max3A_152 = arith.maximumf %max3A_150, %gather3A_151 : vector<16xf32>
        %gather3A_153 = tpu.vector_load_idx %arg5[%broadcast_in_dim3A_139, %gather3A_101] : memref<16x1024xf32, #tpu.memory_space<vmem>>[vector<16xi32>, vector<16xi32>], vector<16xf32>,
        %max3A_154 = arith.maximumf %max3A_152, %gather3A_153 : vector<16xf32>
        %gather3A_155 = tpu.vector_load_idx %arg5[%broadcast_in_dim3A_139, %gather3A_104] : memref<16x1024xf32, #tpu.memory_space<vmem>>[vector<16xi32>, vector<16xi32>], vector<16xf32>,
        %max3A_156 = arith.maximumf %max3A_154, %gather3A_155 : vector<16xf32>
        %gather3A_157 = tpu.vector_load_idx %arg5[%broadcast_in_dim3A_139, %gather3A_107] : memref<16x1024xf32, #tpu.memory_space<vmem>>[vector<16xi32>, vector<16xi32>], vector<16xf32>,
        %max3A_158 = arith.maximumf %max3A_156, %gather3A_157 : vector<16xf32>
        %gather3A_159 = tpu.vector_load_idx %arg5[%broadcast_in_dim3A_139, %gather3A_110] : memref<16x1024xf32, #tpu.memory_space<vmem>>[vector<16xi32>, vector<16xi32>], vector<16xf32>,
        %max3A_160 = arith.maximumf %max3A_158, %gather3A_159 : vector<16xf32>
        %gather3A_161 = tpu.vector_load_idx %arg5[%broadcast_in_dim3A_139, %gather3A_113] : memref<16x1024xf32, #tpu.memory_space<vmem>>[vector<16xi32>, vector<16xi32>], vector<16xf32>,
        %max3A_162 = arith.maximumf %max3A_160, %gather3A_161 : vector<16xf32>
        %gather3A_163 = tpu.vector_load_idx %arg5[%broadcast_in_dim3A_139, %gather3A_116] : memref<16x1024xf32, #tpu.memory_space<vmem>>[vector<16xi32>, vector<16xi32>], vector<16xf32>,
        %max3A_164 = arith.maximumf %max3A_162, %gather3A_163 : vector<16xf32>
        %gather3A_165 = tpu.vector_load_idx %arg5[%broadcast_in_dim3A_139, %gather3A_119] : memref<16x1024xf32, #tpu.memory_space<vmem>>[vector<16xi32>, vector<16xi32>], vector<16xf32>,
        %max3A_166 = arith.maximumf %max3A_164, %gather3A_165 : vector<16xf32>
        %gather3A_167 = tpu.vector_load_idx %arg5[%broadcast_in_dim3A_139, %gather3A_122] : memref<16x1024xf32, #tpu.memory_space<vmem>>[vector<16xi32>, vector<16xi32>], vector<16xf32>,
        %max3A_168 = arith.maximumf %max3A_166, %gather3A_167 : vector<16xf32>
        %gather3A_169 = tpu.vector_load_idx %arg5[%broadcast_in_dim3A_139, %gather3A_125] : memref<16x1024xf32, #tpu.memory_space<vmem>>[vector<16xi32>, vector<16xi32>], vector<16xf32>,
        %max3A_170 = arith.maximumf %max3A_168, %gather3A_169 : vector<16xf32>
        %gather3A_171 = tpu.vector_load_idx %arg5[%broadcast_in_dim3A_139, %gather3A_128] : memref<16x1024xf32, #tpu.memory_space<vmem>>[vector<16xi32>, vector<16xi32>], vector<16xf32>,
        %max3A_172 = arith.maximumf %max3A_170, %gather3A_171 : vector<16xf32>
        tpu.vector_store_idx %arg8[%broadcast_in_dim3A_139, %add3A_82], %max3A_172 : memref<16x1024xf32, #tpu.memory_space<vmem>>[vector<16xi32>, vector<16xi32>], vector<16xf32>,
        %scan3A_173 = arith.constant 0 : i32
        scf.yield %scan3A_173 : i32
      }
      %scan3A_135 = arith.constant 16 : i32
      %scan3A_136 = arith.constant 0 : i32
      scf.yield %scan3A_136 : i32
    }
    %scan3A_76 = arith.constant 64 : i32
    "tpu.region"() ({
      %run_scoped3A = tpu.sem_alloc : memref<!tpu.dma_semaphore, #tpu.memory_space<semaphore_mem>>
      %dma_start3A_77 = arith.constant 0 : i32
      %dma_start3A_78 = tpu.memref_slice %arg4[%select_n3A, %mul3A_65, %dma_start3A_77] : memref<8x64x1024xf32, #tpu.memory_space<hbm>> -> memref<1x16x1024xf32, #tpu.memory_space<hbm>>
      %dma_start3A_79 = tpu.memref_squeeze %dma_start3A_78 : memref<1x16x1024xf32, #tpu.memory_space<hbm>> -> memref<16x1024xf32, #tpu.memory_space<hbm>>
      %dma_start3A_80 = arith.constant 0 : i32
      %dma_start3A_81 = tpu.memref_slice %arg4[%select_n3A, %mul3A_65, %dma_start3A_80] : memref<8x64x1024xf32, #tpu.memory_space<hbm>> -> memref<1x16x1024xf32, #tpu.memory_space<hbm>>
      %dma_start3A_82 = tpu.memref_squeeze %dma_start3A_81 : memref<1x16x1024xf32, #tpu.memory_space<hbm>> -> memref<16x1024xf32, #tpu.memory_space<hbm>>
      tpu.enqueue_dma source(%arg8 : memref<16x1024xf32, #tpu.memory_space<vmem>>) target(%dma_start3A_82 : memref<16x1024xf32, #tpu.memory_space<hbm>>) target_semaphore(%run_scoped3A : memref<!tpu.dma_semaphore, #tpu.memory_space<semaphore_mem>>)
      %dma_wait3A_83 = arith.constant 0 : i32
      %dma_wait3A_84 = tpu.memref_slice %arg4[%select_n3A, %mul3A_65, %dma_wait3A_83] : memref<8x64x1024xf32, #tpu.memory_space<hbm>> -> memref<1x16x1024xf32, #tpu.memory_space<hbm>>
      %dma_wait3A_85 = tpu.memref_squeeze %dma_wait3A_84 : memref<1x16x1024xf32, #tpu.memory_space<hbm>> -> memref<16x1024xf32, #tpu.memory_space<hbm>>
      %dma_wait3A_86 = arith.constant 0 : i32
      %dma_wait3A_87 = tpu.memref_slice %arg4[%select_n3A, %mul3A_65, %dma_wait3A_86] : memref<8x64x1024xf32, #tpu.memory_space<hbm>> -> memref<1x16x1024xf32, #tpu.memory_space<hbm>>
      %dma_wait3A_88 = tpu.memref_squeeze %dma_wait3A_87 : memref<1x16x1024xf32, #tpu.memory_space<hbm>> -> memref<16x1024xf32, #tpu.memory_space<hbm>>
      tpu.wait_dma2 semaphore(%run_scoped3A : memref<!tpu.dma_semaphore, #tpu.memory_space<semaphore_mem>>) src(%arg8 : memref<16x1024xf32, #tpu.memory_space<vmem>>) dst(%dma_wait3A_88 : memref<16x1024xf32, #tpu.memory_space<hbm>>)
      tpu.yield
    }) : () -> ()
    return
  }
}

#map = affine_map<(d0, d1) -> (0, 0, 0)>
module attributes {stable_mosaic.version = 14 : i64} {
  func.func @k(%arg0: i32, %arg1: i32, %arg2: memref<8x256x1024xf32, #tpu.memory_space<hbm>>, %arg3: memref<8x16x1024xi32, #tpu.memory_space<hbm>>, %arg4: memref<8x256x1024xf32, #tpu.memory_space<hbm>>, %arg5: memref<32x1024xf32, #tpu.memory_space<vmem>>, %arg6: memref<32x1024xf32, #tpu.memory_space<vmem>>, %arg7: memref<16x1024xi32, #tpu.memory_space<vmem>>, %arg8: memref<32x1024xf32, #tpu.memory_space<vmem>>, %arg9: memref<!tpu.dma_semaphore, #tpu.memory_space<semaphore_mem>>, %arg10: memref<!tpu.dma_semaphore, #tpu.memory_space<semaphore_mem>>) attributes {dimension_semantics = [#tpu.dimension_semantics<core_parallel>, #tpu.dimension_semantics<subcore_parallel>], iteration_bounds = array<i64: 2, 16>, scalar_prefetch = 0 : i64, scratch_operands = 6 : i64, tpu.core_type = #tpu.core_type<sc_vector_subcore>, window_params = [{transform_indices = #map}, {transform_indices = #map}, {transform_indices = #map}]} {
    %mul3A = arith.constant 2 : i32
    %mul3A_0 = arith.muli %arg1, %mul3A : i32
    %add3A = arith.addi %mul3A_0, %arg0 : i32
    %iota3A = tpu.iota {dimensions = array<i32: 0>} : vector<16xi32>
    %mul3A_1 = arith.constant 2 : i32
    %mul3A_2 = arith.muli %add3A, %mul3A_1 : i32
    %jit3A = arith.constant 8 : i32
    %div3A = arith.divsi %mul3A_2, %jit3A : i32
    %sign3A = arith.constant 0 : i32
    %sign3A_3 = arith.cmpi sgt, %mul3A_2, %sign3A : i32
    %sign3A_4 = arith.extui %sign3A_3 : i1 to i32
    %sign3A_5 = arith.constant 0 : i32
    %sign3A_6 = arith.cmpi slt, %mul3A_2, %sign3A_5 : i32
    %sign3A_7 = arith.extui %sign3A_6 : i1 to i32
    %sign3A_8 = arith.subi %sign3A_4, %sign3A_7 : i32
    %sign3A_9 = arith.constant 0 : i32
    %sign3A_10 = arith.cmpi sgt, %jit3A, %sign3A_9 : i32
    %sign3A_11 = arith.extui %sign3A_10 : i1 to i32
    %sign3A_12 = arith.constant 0 : i32
    %sign3A_13 = arith.cmpi slt, %jit3A, %sign3A_12 : i32
    %sign3A_14 = arith.extui %sign3A_13 : i1 to i32
    %sign3A_15 = arith.subi %sign3A_11, %sign3A_14 : i32
    %ne3A = arith.cmpi ne, %sign3A_8, %sign3A_15 : i32
    %rem3A = arith.remsi %mul3A_2, %jit3A : i32
    %ne3A_16 = arith.constant 0 : i32
    %ne3A_17 = arith.cmpi ne, %rem3A, %ne3A_16 : i32
    %and3A = arith.andi %ne3A, %ne3A_17 : i1
    %sub3A = arith.constant 1 : i32
    %sub3A_18 = arith.subi %div3A, %sub3A : i32
    %select_n3A = arith.select %and3A, %sub3A_18, %div3A : i32
    %mul3A_19 = arith.constant 2 : i32
    %mul3A_20 = arith.muli %add3A, %mul3A_19 : i32
    %add3A_21 = arith.constant 0 : i32
    %add3A_22 = arith.addi %mul3A_20, %add3A_21 : i32
    %jit3A_23 = arith.constant 8 : i32
    %eq3A = arith.constant 0 : i32
    %eq3A_24 = arith.cmpi eq, %jit3A_23, %eq3A : i32
    %jit3A_25 = arith.constant 1 : i32
    %select_n3A_26 = arith.select %eq3A_24, %jit3A_25, %jit3A_23 : i32
    %rem3A_27 = arith.remsi %add3A_22, %select_n3A_26 : i32
    %ne3A_28 = arith.constant 0 : i32
    %ne3A_29 = arith.cmpi ne, %rem3A_27, %ne3A_28 : i32
    %lt3A = arith.constant 0 : i32
    %lt3A_30 = arith.cmpi slt, %rem3A_27, %lt3A : i32
    %lt3A_31 = arith.constant 0 : i32
    %lt3A_32 = arith.cmpi slt, %select_n3A_26, %lt3A_31 : i32
    %ne3A_33 = arith.xori %lt3A_30, %lt3A_32 : i1
    %and3A_34 = arith.andi %ne3A_33, %ne3A_29 : i1
    %add3A_35 = arith.addi %rem3A_27, %select_n3A_26 : i32
    %select_n3A_36 = arith.select %and3A_34, %add3A_35, %rem3A_27 : i32
    %mul3A_37 = arith.constant 32 : i32
    %mul3A_38 = arith.muli %select_n3A_36, %mul3A_37 : i32
    %dma_start3A = arith.constant 0 : i32
    %dma_start3A_39 = tpu.memref_slice %arg2[%select_n3A, %mul3A_38, %dma_start3A] : memref<8x256x1024xf32, #tpu.memory_space<hbm>> -> memref<1x32x1024xf32, #tpu.memory_space<hbm>>
    %dma_start3A_40 = tpu.memref_squeeze %dma_start3A_39 : memref<1x32x1024xf32, #tpu.memory_space<hbm>> -> memref<32x1024xf32, #tpu.memory_space<hbm>>
    %dma_start3A_41 = arith.constant 0 : i32
    %dma_start3A_42 = tpu.memref_slice %arg2[%select_n3A, %mul3A_38, %dma_start3A_41] : memref<8x256x1024xf32, #tpu.memory_space<hbm>> -> memref<1x32x1024xf32, #tpu.memory_space<hbm>>
    %dma_start3A_43 = tpu.memref_squeeze %dma_start3A_42 : memref<1x32x1024xf32, #tpu.memory_space<hbm>> -> memref<32x1024xf32, #tpu.memory_space<hbm>>
    tpu.enqueue_dma source(%dma_start3A_43 : memref<32x1024xf32, #tpu.memory_space<hbm>>) target(%arg5 : memref<32x1024xf32, #tpu.memory_space<vmem>>) target_semaphore(%arg9 : memref<!tpu.dma_semaphore, #tpu.memory_space<semaphore_mem>>)
    "tpu.region"() ({
      %run_scoped3A = tpu.sem_alloc : memref<!tpu.dma_semaphore, #tpu.memory_space<semaphore_mem>>
      %dma_start3A_140 = arith.constant 0 : i32
      %dma_start3A_141 = arith.constant 0 : i32
      %dma_start3A_142 = tpu.memref_slice %arg3[%select_n3A, %dma_start3A_140, %dma_start3A_141] : memref<8x16x1024xi32, #tpu.memory_space<hbm>> -> memref<1x16x1024xi32, #tpu.memory_space<hbm>>
      %dma_start3A_143 = tpu.memref_squeeze %dma_start3A_142 : memref<1x16x1024xi32, #tpu.memory_space<hbm>> -> memref<16x1024xi32, #tpu.memory_space<hbm>>
      %dma_start3A_144 = arith.constant 0 : i32
      %dma_start3A_145 = arith.constant 0 : i32
      %dma_start3A_146 = tpu.memref_slice %arg3[%select_n3A, %dma_start3A_144, %dma_start3A_145] : memref<8x16x1024xi32, #tpu.memory_space<hbm>> -> memref<1x16x1024xi32, #tpu.memory_space<hbm>>
      %dma_start3A_147 = tpu.memref_squeeze %dma_start3A_146 : memref<1x16x1024xi32, #tpu.memory_space<hbm>> -> memref<16x1024xi32, #tpu.memory_space<hbm>>
      tpu.enqueue_dma source(%dma_start3A_147 : memref<16x1024xi32, #tpu.memory_space<hbm>>) target(%arg7 : memref<16x1024xi32, #tpu.memory_space<vmem>>) target_semaphore(%run_scoped3A : memref<!tpu.dma_semaphore, #tpu.memory_space<semaphore_mem>>)
      %dma_wait3A_148 = arith.constant 0 : i32
      %dma_wait3A_149 = arith.constant 0 : i32
      %dma_wait3A_150 = tpu.memref_slice %arg3[%select_n3A, %dma_wait3A_148, %dma_wait3A_149] : memref<8x16x1024xi32, #tpu.memory_space<hbm>> -> memref<1x16x1024xi32, #tpu.memory_space<hbm>>
      %dma_wait3A_151 = tpu.memref_squeeze %dma_wait3A_150 : memref<1x16x1024xi32, #tpu.memory_space<hbm>> -> memref<16x1024xi32, #tpu.memory_space<hbm>>
      %dma_wait3A_152 = arith.constant 0 : i32
      %dma_wait3A_153 = arith.constant 0 : i32
      %dma_wait3A_154 = tpu.memref_slice %arg3[%select_n3A, %dma_wait3A_152, %dma_wait3A_153] : memref<8x16x1024xi32, #tpu.memory_space<hbm>> -> memref<1x16x1024xi32, #tpu.memory_space<hbm>>
      %dma_wait3A_155 = tpu.memref_squeeze %dma_wait3A_154 : memref<1x16x1024xi32, #tpu.memory_space<hbm>> -> memref<16x1024xi32, #tpu.memory_space<hbm>>
      tpu.wait_dma2 semaphore(%run_scoped3A : memref<!tpu.dma_semaphore, #tpu.memory_space<semaphore_mem>>) src(%dma_wait3A_155 : memref<16x1024xi32, #tpu.memory_space<hbm>>) dst(%arg7 : memref<16x1024xi32, #tpu.memory_space<vmem>>)
      tpu.yield
    }) : () -> ()
    %mul3A_44 = arith.constant 2 : i32
    %mul3A_45 = arith.muli %add3A, %mul3A_44 : i32
    %add3A_46 = arith.constant 0 : i32
    %add3A_47 = arith.addi %mul3A_45, %add3A_46 : i32
    %jit3A_48 = arith.constant 8 : i32
    %eq3A_49 = arith.constant 0 : i32
    %eq3A_50 = arith.cmpi eq, %jit3A_48, %eq3A_49 : i32
    %jit3A_51 = arith.constant 1 : i32
    %select_n3A_52 = arith.select %eq3A_50, %jit3A_51, %jit3A_48 : i32
    %rem3A_53 = arith.remsi %add3A_47, %select_n3A_52 : i32
    %ne3A_54 = arith.constant 0 : i32
    %ne3A_55 = arith.cmpi ne, %rem3A_53, %ne3A_54 : i32
    %lt3A_56 = arith.constant 0 : i32
    %lt3A_57 = arith.cmpi slt, %rem3A_53, %lt3A_56 : i32
    %lt3A_58 = arith.constant 0 : i32
    %lt3A_59 = arith.cmpi slt, %select_n3A_52, %lt3A_58 : i32
    %ne3A_60 = arith.xori %lt3A_57, %lt3A_59 : i1
    %and3A_61 = arith.andi %ne3A_60, %ne3A_55 : i1
    %add3A_62 = arith.addi %rem3A_53, %select_n3A_52 : i32
    %select_n3A_63 = arith.select %and3A_61, %add3A_62, %rem3A_53 : i32
    %mul3A_64 = arith.constant 32 : i32
    %mul3A_65 = arith.muli %select_n3A_63, %mul3A_64 : i32
    %dma_wait3A = arith.constant 0 : i32
    %dma_wait3A_66 = tpu.memref_slice %arg2[%select_n3A, %mul3A_38, %dma_wait3A] : memref<8x256x1024xf32, #tpu.memory_space<hbm>> -> memref<1x32x1024xf32, #tpu.memory_space<hbm>>
    %dma_wait3A_67 = tpu.memref_squeeze %dma_wait3A_66 : memref<1x32x1024xf32, #tpu.memory_space<hbm>> -> memref<32x1024xf32, #tpu.memory_space<hbm>>
    %dma_wait3A_68 = arith.constant 0 : i32
    %dma_wait3A_69 = tpu.memref_slice %arg2[%select_n3A, %mul3A_38, %dma_wait3A_68] : memref<8x256x1024xf32, #tpu.memory_space<hbm>> -> memref<1x32x1024xf32, #tpu.memory_space<hbm>>
    %dma_wait3A_70 = tpu.memref_squeeze %dma_wait3A_69 : memref<1x32x1024xf32, #tpu.memory_space<hbm>> -> memref<32x1024xf32, #tpu.memory_space<hbm>>
    tpu.wait_dma2 semaphore(%arg9 : memref<!tpu.dma_semaphore, #tpu.memory_space<semaphore_mem>>) src(%dma_wait3A_70 : memref<32x1024xf32, #tpu.memory_space<hbm>>) dst(%arg5 : memref<32x1024xf32, #tpu.memory_space<vmem>>)
    %mul3A_71 = arith.constant 2 : i32
    %mul3A_72 = arith.muli %add3A, %mul3A_71 : i32
    %add3A_73 = arith.constant 1 : i32
    %add3A_74 = arith.addi %mul3A_72, %add3A_73 : i32
    %jit3A_75 = arith.constant 8 : i32
    %eq3A_76 = arith.constant 0 : i32
    %eq3A_77 = arith.cmpi eq, %jit3A_75, %eq3A_76 : i32
    %jit3A_78 = arith.constant 1 : i32
    %select_n3A_79 = arith.select %eq3A_77, %jit3A_78, %jit3A_75 : i32
    %rem3A_80 = arith.remsi %add3A_74, %select_n3A_79 : i32
    %ne3A_81 = arith.constant 0 : i32
    %ne3A_82 = arith.cmpi ne, %rem3A_80, %ne3A_81 : i32
    %lt3A_83 = arith.constant 0 : i32
    %lt3A_84 = arith.cmpi slt, %rem3A_80, %lt3A_83 : i32
    %lt3A_85 = arith.constant 0 : i32
    %lt3A_86 = arith.cmpi slt, %select_n3A_79, %lt3A_85 : i32
    %ne3A_87 = arith.xori %lt3A_84, %lt3A_86 : i1
    %and3A_88 = arith.andi %ne3A_87, %ne3A_82 : i1
    %add3A_89 = arith.addi %rem3A_80, %select_n3A_79 : i32
    %select_n3A_90 = arith.select %and3A_88, %add3A_89, %rem3A_80 : i32
    %mul3A_91 = arith.constant 32 : i32
    %mul3A_92 = arith.muli %select_n3A_90, %mul3A_91 : i32
    %dma_start3A_93 = arith.constant 0 : i32
    %dma_start3A_94 = tpu.memref_slice %arg2[%select_n3A, %mul3A_92, %dma_start3A_93] : memref<8x256x1024xf32, #tpu.memory_space<hbm>> -> memref<1x32x1024xf32, #tpu.memory_space<hbm>>
    %dma_start3A_95 = tpu.memref_squeeze %dma_start3A_94 : memref<1x32x1024xf32, #tpu.memory_space<hbm>> -> memref<32x1024xf32, #tpu.memory_space<hbm>>
    %dma_start3A_96 = arith.constant 0 : i32
    %dma_start3A_97 = tpu.memref_slice %arg2[%select_n3A, %mul3A_92, %dma_start3A_96] : memref<8x256x1024xf32, #tpu.memory_space<hbm>> -> memref<1x32x1024xf32, #tpu.memory_space<hbm>>
    %dma_start3A_98 = tpu.memref_squeeze %dma_start3A_97 : memref<1x32x1024xf32, #tpu.memory_space<hbm>> -> memref<32x1024xf32, #tpu.memory_space<hbm>>
    tpu.enqueue_dma source(%dma_start3A_98 : memref<32x1024xf32, #tpu.memory_space<hbm>>) target(%arg6 : memref<32x1024xf32, #tpu.memory_space<vmem>>) target_semaphore(%arg10 : memref<!tpu.dma_semaphore, #tpu.memory_space<semaphore_mem>>)
    %scan3A = arith.constant 0 : i32
    %scan3A_99 = arith.constant 0 : i32
    %scan3A_100 = arith.constant 64 : i32
    %scan3A_101 = arith.addi %scan3A_99, %scan3A_100 : i32
    %scan3A_102 = arith.constant 1 : i32
    %scan3A_103 = scf.for %scan3A_140 = %scan3A_99 to %scan3A_101 step %scan3A_102 iter_args(%scan3A_141 = %scan3A) -> (i32)  : i32 {
      %mul3A_142 = arith.constant 16 : i32
      %mul3A_143 = arith.muli %scan3A_140, %mul3A_142 : i32
      %add3A_144 = vector.broadcast %mul3A_143 : i32 to vector<16xi32>
      %add3A_145 = arith.addi %add3A_144, %iota3A : vector<16xi32>
      %broadcast_in_dim3A = arith.constant 0 : i32
      %broadcast_in_dim3A_146 = vector.broadcast %broadcast_in_dim3A : i32 to vector<16xi32>
      %gather3A = tpu.vector_load_idx %arg7[%broadcast_in_dim3A_146, %add3A_145] : memref<16x1024xi32, #tpu.memory_space<vmem>>[vector<16xi32>, vector<16xi32>], vector<16xi32>,
      %broadcast_in_dim3A_147 = arith.constant 1 : i32
      %broadcast_in_dim3A_148 = vector.broadcast %broadcast_in_dim3A_147 : i32 to vector<16xi32>
      %gather3A_149 = tpu.vector_load_idx %arg7[%broadcast_in_dim3A_148, %add3A_145] : memref<16x1024xi32, #tpu.memory_space<vmem>>[vector<16xi32>, vector<16xi32>], vector<16xi32>,
      %broadcast_in_dim3A_150 = arith.constant 2 : i32
      %broadcast_in_dim3A_151 = vector.broadcast %broadcast_in_dim3A_150 : i32 to vector<16xi32>
      %gather3A_152 = tpu.vector_load_idx %arg7[%broadcast_in_dim3A_151, %add3A_145] : memref<16x1024xi32, #tpu.memory_space<vmem>>[vector<16xi32>, vector<16xi32>], vector<16xi32>,
      %broadcast_in_dim3A_153 = arith.constant 3 : i32
      %broadcast_in_dim3A_154 = vector.broadcast %broadcast_in_dim3A_153 : i32 to vector<16xi32>
      %gather3A_155 = tpu.vector_load_idx %arg7[%broadcast_in_dim3A_154, %add3A_145] : memref<16x1024xi32, #tpu.memory_space<vmem>>[vector<16xi32>, vector<16xi32>], vector<16xi32>,
      %broadcast_in_dim3A_156 = arith.constant 4 : i32
      %broadcast_in_dim3A_157 = vector.broadcast %broadcast_in_dim3A_156 : i32 to vector<16xi32>
      %gather3A_158 = tpu.vector_load_idx %arg7[%broadcast_in_dim3A_157, %add3A_145] : memref<16x1024xi32, #tpu.memory_space<vmem>>[vector<16xi32>, vector<16xi32>], vector<16xi32>,
      %broadcast_in_dim3A_159 = arith.constant 5 : i32
      %broadcast_in_dim3A_160 = vector.broadcast %broadcast_in_dim3A_159 : i32 to vector<16xi32>
      %gather3A_161 = tpu.vector_load_idx %arg7[%broadcast_in_dim3A_160, %add3A_145] : memref<16x1024xi32, #tpu.memory_space<vmem>>[vector<16xi32>, vector<16xi32>], vector<16xi32>,
      %broadcast_in_dim3A_162 = arith.constant 6 : i32
      %broadcast_in_dim3A_163 = vector.broadcast %broadcast_in_dim3A_162 : i32 to vector<16xi32>
      %gather3A_164 = tpu.vector_load_idx %arg7[%broadcast_in_dim3A_163, %add3A_145] : memref<16x1024xi32, #tpu.memory_space<vmem>>[vector<16xi32>, vector<16xi32>], vector<16xi32>,
      %broadcast_in_dim3A_165 = arith.constant 7 : i32
      %broadcast_in_dim3A_166 = vector.broadcast %broadcast_in_dim3A_165 : i32 to vector<16xi32>
      %gather3A_167 = tpu.vector_load_idx %arg7[%broadcast_in_dim3A_166, %add3A_145] : memref<16x1024xi32, #tpu.memory_space<vmem>>[vector<16xi32>, vector<16xi32>], vector<16xi32>,
      %broadcast_in_dim3A_168 = arith.constant 8 : i32
      %broadcast_in_dim3A_169 = vector.broadcast %broadcast_in_dim3A_168 : i32 to vector<16xi32>
      %gather3A_170 = tpu.vector_load_idx %arg7[%broadcast_in_dim3A_169, %add3A_145] : memref<16x1024xi32, #tpu.memory_space<vmem>>[vector<16xi32>, vector<16xi32>], vector<16xi32>,
      %broadcast_in_dim3A_171 = arith.constant 9 : i32
      %broadcast_in_dim3A_172 = vector.broadcast %broadcast_in_dim3A_171 : i32 to vector<16xi32>
      %gather3A_173 = tpu.vector_load_idx %arg7[%broadcast_in_dim3A_172, %add3A_145] : memref<16x1024xi32, #tpu.memory_space<vmem>>[vector<16xi32>, vector<16xi32>], vector<16xi32>,
      %broadcast_in_dim3A_174 = arith.constant 10 : i32
      %broadcast_in_dim3A_175 = vector.broadcast %broadcast_in_dim3A_174 : i32 to vector<16xi32>
      %gather3A_176 = tpu.vector_load_idx %arg7[%broadcast_in_dim3A_175, %add3A_145] : memref<16x1024xi32, #tpu.memory_space<vmem>>[vector<16xi32>, vector<16xi32>], vector<16xi32>,
      %broadcast_in_dim3A_177 = arith.constant 11 : i32
      %broadcast_in_dim3A_178 = vector.broadcast %broadcast_in_dim3A_177 : i32 to vector<16xi32>
      %gather3A_179 = tpu.vector_load_idx %arg7[%broadcast_in_dim3A_178, %add3A_145] : memref<16x1024xi32, #tpu.memory_space<vmem>>[vector<16xi32>, vector<16xi32>], vector<16xi32>,
      %broadcast_in_dim3A_180 = arith.constant 12 : i32
      %broadcast_in_dim3A_181 = vector.broadcast %broadcast_in_dim3A_180 : i32 to vector<16xi32>
      %gather3A_182 = tpu.vector_load_idx %arg7[%broadcast_in_dim3A_181, %add3A_145] : memref<16x1024xi32, #tpu.memory_space<vmem>>[vector<16xi32>, vector<16xi32>], vector<16xi32>,
      %broadcast_in_dim3A_183 = arith.constant 13 : i32
      %broadcast_in_dim3A_184 = vector.broadcast %broadcast_in_dim3A_183 : i32 to vector<16xi32>
      %gather3A_185 = tpu.vector_load_idx %arg7[%broadcast_in_dim3A_184, %add3A_145] : memref<16x1024xi32, #tpu.memory_space<vmem>>[vector<16xi32>, vector<16xi32>], vector<16xi32>,
      %broadcast_in_dim3A_186 = arith.constant 14 : i32
      %broadcast_in_dim3A_187 = vector.broadcast %broadcast_in_dim3A_186 : i32 to vector<16xi32>
      %gather3A_188 = tpu.vector_load_idx %arg7[%broadcast_in_dim3A_187, %add3A_145] : memref<16x1024xi32, #tpu.memory_space<vmem>>[vector<16xi32>, vector<16xi32>], vector<16xi32>,
      %broadcast_in_dim3A_189 = arith.constant 15 : i32
      %broadcast_in_dim3A_190 = vector.broadcast %broadcast_in_dim3A_189 : i32 to vector<16xi32>
      %gather3A_191 = tpu.vector_load_idx %arg7[%broadcast_in_dim3A_190, %add3A_145] : memref<16x1024xi32, #tpu.memory_space<vmem>>[vector<16xi32>, vector<16xi32>], vector<16xi32>,
      %scan3A_192 = arith.constant 0 : i32
      %scan3A_193 = arith.constant 0 : i32
      %scan3A_194 = arith.constant 32 : i32
      %scan3A_195 = arith.addi %scan3A_193, %scan3A_194 : i32
      %scan3A_196 = arith.constant 1 : i32
      %scan3A_197 = scf.for %scan3A_200 = %scan3A_193 to %scan3A_195 step %scan3A_196 iter_args(%scan3A_201 = %scan3A_192) -> (i32)  : i32 {
        %broadcast_in_dim3A_202 = vector.broadcast %scan3A_200 : i32 to vector<16xi32>
        %broadcast_in_dim3A_203 = arith.constant 0xFF800000 : f32
        %broadcast_in_dim3A_204 = vector.broadcast %broadcast_in_dim3A_203 : f32 to vector<16xf32>
        %gather3A_205 = tpu.vector_load_idx %arg5[%broadcast_in_dim3A_202, %gather3A] : memref<32x1024xf32, #tpu.memory_space<vmem>>[vector<16xi32>, vector<16xi32>], vector<16xf32>,
        %max3A = arith.maximumf %broadcast_in_dim3A_204, %gather3A_205 : vector<16xf32>
        %gather3A_206 = tpu.vector_load_idx %arg5[%broadcast_in_dim3A_202, %gather3A_149] : memref<32x1024xf32, #tpu.memory_space<vmem>>[vector<16xi32>, vector<16xi32>], vector<16xf32>,
        %max3A_207 = arith.maximumf %max3A, %gather3A_206 : vector<16xf32>
        %gather3A_208 = tpu.vector_load_idx %arg5[%broadcast_in_dim3A_202, %gather3A_152] : memref<32x1024xf32, #tpu.memory_space<vmem>>[vector<16xi32>, vector<16xi32>], vector<16xf32>,
        %max3A_209 = arith.maximumf %max3A_207, %gather3A_208 : vector<16xf32>
        %gather3A_210 = tpu.vector_load_idx %arg5[%broadcast_in_dim3A_202, %gather3A_155] : memref<32x1024xf32, #tpu.memory_space<vmem>>[vector<16xi32>, vector<16xi32>], vector<16xf32>,
        %max3A_211 = arith.maximumf %max3A_209, %gather3A_210 : vector<16xf32>
        %gather3A_212 = tpu.vector_load_idx %arg5[%broadcast_in_dim3A_202, %gather3A_158] : memref<32x1024xf32, #tpu.memory_space<vmem>>[vector<16xi32>, vector<16xi32>], vector<16xf32>,
        %max3A_213 = arith.maximumf %max3A_211, %gather3A_212 : vector<16xf32>
        %gather3A_214 = tpu.vector_load_idx %arg5[%broadcast_in_dim3A_202, %gather3A_161] : memref<32x1024xf32, #tpu.memory_space<vmem>>[vector<16xi32>, vector<16xi32>], vector<16xf32>,
        %max3A_215 = arith.maximumf %max3A_213, %gather3A_214 : vector<16xf32>
        %gather3A_216 = tpu.vector_load_idx %arg5[%broadcast_in_dim3A_202, %gather3A_164] : memref<32x1024xf32, #tpu.memory_space<vmem>>[vector<16xi32>, vector<16xi32>], vector<16xf32>,
        %max3A_217 = arith.maximumf %max3A_215, %gather3A_216 : vector<16xf32>
        %gather3A_218 = tpu.vector_load_idx %arg5[%broadcast_in_dim3A_202, %gather3A_167] : memref<32x1024xf32, #tpu.memory_space<vmem>>[vector<16xi32>, vector<16xi32>], vector<16xf32>,
        %max3A_219 = arith.maximumf %max3A_217, %gather3A_218 : vector<16xf32>
        %gather3A_220 = tpu.vector_load_idx %arg5[%broadcast_in_dim3A_202, %gather3A_170] : memref<32x1024xf32, #tpu.memory_space<vmem>>[vector<16xi32>, vector<16xi32>], vector<16xf32>,
        %max3A_221 = arith.maximumf %max3A_219, %gather3A_220 : vector<16xf32>
        %gather3A_222 = tpu.vector_load_idx %arg5[%broadcast_in_dim3A_202, %gather3A_173] : memref<32x1024xf32, #tpu.memory_space<vmem>>[vector<16xi32>, vector<16xi32>], vector<16xf32>,
        %max3A_223 = arith.maximumf %max3A_221, %gather3A_222 : vector<16xf32>
        %gather3A_224 = tpu.vector_load_idx %arg5[%broadcast_in_dim3A_202, %gather3A_176] : memref<32x1024xf32, #tpu.memory_space<vmem>>[vector<16xi32>, vector<16xi32>], vector<16xf32>,
        %max3A_225 = arith.maximumf %max3A_223, %gather3A_224 : vector<16xf32>
        %gather3A_226 = tpu.vector_load_idx %arg5[%broadcast_in_dim3A_202, %gather3A_179] : memref<32x1024xf32, #tpu.memory_space<vmem>>[vector<16xi32>, vector<16xi32>], vector<16xf32>,
        %max3A_227 = arith.maximumf %max3A_225, %gather3A_226 : vector<16xf32>
        %gather3A_228 = tpu.vector_load_idx %arg5[%broadcast_in_dim3A_202, %gather3A_182] : memref<32x1024xf32, #tpu.memory_space<vmem>>[vector<16xi32>, vector<16xi32>], vector<16xf32>,
        %max3A_229 = arith.maximumf %max3A_227, %gather3A_228 : vector<16xf32>
        %gather3A_230 = tpu.vector_load_idx %arg5[%broadcast_in_dim3A_202, %gather3A_185] : memref<32x1024xf32, #tpu.memory_space<vmem>>[vector<16xi32>, vector<16xi32>], vector<16xf32>,
        %max3A_231 = arith.maximumf %max3A_229, %gather3A_230 : vector<16xf32>
        %gather3A_232 = tpu.vector_load_idx %arg5[%broadcast_in_dim3A_202, %gather3A_188] : memref<32x1024xf32, #tpu.memory_space<vmem>>[vector<16xi32>, vector<16xi32>], vector<16xf32>,
        %max3A_233 = arith.maximumf %max3A_231, %gather3A_232 : vector<16xf32>
        %gather3A_234 = tpu.vector_load_idx %arg5[%broadcast_in_dim3A_202, %gather3A_191] : memref<32x1024xf32, #tpu.memory_space<vmem>>[vector<16xi32>, vector<16xi32>], vector<16xf32>,
        %max3A_235 = arith.maximumf %max3A_233, %gather3A_234 : vector<16xf32>
        tpu.vector_store_idx %arg8[%broadcast_in_dim3A_202, %add3A_145], %max3A_235 : memref<32x1024xf32, #tpu.memory_space<vmem>>[vector<16xi32>, vector<16xi32>], vector<16xf32>,
        %scan3A_236 = arith.constant 0 : i32
        scf.yield %scan3A_236 : i32
      }
      %scan3A_198 = arith.constant 32 : i32
      %scan3A_199 = arith.constant 0 : i32
      scf.yield %scan3A_199 : i32
    }
    %scan3A_104 = arith.constant 64 : i32
    "tpu.region"() ({
      %run_scoped3A = tpu.sem_alloc : memref<!tpu.dma_semaphore, #tpu.memory_space<semaphore_mem>>
      %dma_start3A_140 = arith.constant 0 : i32
      %dma_start3A_141 = tpu.memref_slice %arg4[%select_n3A, %mul3A_65, %dma_start3A_140] : memref<8x256x1024xf32, #tpu.memory_space<hbm>> -> memref<1x32x1024xf32, #tpu.memory_space<hbm>>
      %dma_start3A_142 = tpu.memref_squeeze %dma_start3A_141 : memref<1x32x1024xf32, #tpu.memory_space<hbm>> -> memref<32x1024xf32, #tpu.memory_space<hbm>>
      %dma_start3A_143 = arith.constant 0 : i32
      %dma_start3A_144 = tpu.memref_slice %arg4[%select_n3A, %mul3A_65, %dma_start3A_143] : memref<8x256x1024xf32, #tpu.memory_space<hbm>> -> memref<1x32x1024xf32, #tpu.memory_space<hbm>>
      %dma_start3A_145 = tpu.memref_squeeze %dma_start3A_144 : memref<1x32x1024xf32, #tpu.memory_space<hbm>> -> memref<32x1024xf32, #tpu.memory_space<hbm>>
      tpu.enqueue_dma source(%arg8 : memref<32x1024xf32, #tpu.memory_space<vmem>>) target(%dma_start3A_145 : memref<32x1024xf32, #tpu.memory_space<hbm>>) target_semaphore(%run_scoped3A : memref<!tpu.dma_semaphore, #tpu.memory_space<semaphore_mem>>)
      %dma_wait3A_146 = arith.constant 0 : i32
      %dma_wait3A_147 = tpu.memref_slice %arg4[%select_n3A, %mul3A_65, %dma_wait3A_146] : memref<8x256x1024xf32, #tpu.memory_space<hbm>> -> memref<1x32x1024xf32, #tpu.memory_space<hbm>>
      %dma_wait3A_148 = tpu.memref_squeeze %dma_wait3A_147 : memref<1x32x1024xf32, #tpu.memory_space<hbm>> -> memref<32x1024xf32, #tpu.memory_space<hbm>>
      %dma_wait3A_149 = arith.constant 0 : i32
      %dma_wait3A_150 = tpu.memref_slice %arg4[%select_n3A, %mul3A_65, %dma_wait3A_149] : memref<8x256x1024xf32, #tpu.memory_space<hbm>> -> memref<1x32x1024xf32, #tpu.memory_space<hbm>>
      %dma_wait3A_151 = tpu.memref_squeeze %dma_wait3A_150 : memref<1x32x1024xf32, #tpu.memory_space<hbm>> -> memref<32x1024xf32, #tpu.memory_space<hbm>>
      tpu.wait_dma2 semaphore(%run_scoped3A : memref<!tpu.dma_semaphore, #tpu.memory_space<semaphore_mem>>) src(%arg8 : memref<32x1024xf32, #tpu.memory_space<vmem>>) dst(%dma_wait3A_151 : memref<32x1024xf32, #tpu.memory_space<hbm>>)
      tpu.yield
    }) : () -> ()
    %mul3A_105 = arith.constant 2 : i32
    %mul3A_106 = arith.muli %add3A, %mul3A_105 : i32
    %add3A_107 = arith.constant 1 : i32
    %add3A_108 = arith.addi %mul3A_106, %add3A_107 : i32
    %jit3A_109 = arith.constant 8 : i32
    %eq3A_110 = arith.constant 0 : i32
    %eq3A_111 = arith.cmpi eq, %jit3A_109, %eq3A_110 : i32
    %jit3A_112 = arith.constant 1 : i32
    %select_n3A_113 = arith.select %eq3A_111, %jit3A_112, %jit3A_109 : i32
    %rem3A_114 = arith.remsi %add3A_108, %select_n3A_113 : i32
    %ne3A_115 = arith.constant 0 : i32
    %ne3A_116 = arith.cmpi ne, %rem3A_114, %ne3A_115 : i32
    %lt3A_117 = arith.constant 0 : i32
    %lt3A_118 = arith.cmpi slt, %rem3A_114, %lt3A_117 : i32
    %lt3A_119 = arith.constant 0 : i32
    %lt3A_120 = arith.cmpi slt, %select_n3A_113, %lt3A_119 : i32
    %ne3A_121 = arith.xori %lt3A_118, %lt3A_120 : i1
    %and3A_122 = arith.andi %ne3A_121, %ne3A_116 : i1
    %add3A_123 = arith.addi %rem3A_114, %select_n3A_113 : i32
    %select_n3A_124 = arith.select %and3A_122, %add3A_123, %rem3A_114 : i32
    %mul3A_125 = arith.constant 32 : i32
    %mul3A_126 = arith.muli %select_n3A_124, %mul3A_125 : i32
    %dma_wait3A_127 = arith.constant 0 : i32
    %dma_wait3A_128 = tpu.memref_slice %arg2[%select_n3A, %mul3A_92, %dma_wait3A_127] : memref<8x256x1024xf32, #tpu.memory_space<hbm>> -> memref<1x32x1024xf32, #tpu.memory_space<hbm>>
    %dma_wait3A_129 = tpu.memref_squeeze %dma_wait3A_128 : memref<1x32x1024xf32, #tpu.memory_space<hbm>> -> memref<32x1024xf32, #tpu.memory_space<hbm>>
    %dma_wait3A_130 = arith.constant 0 : i32
    %dma_wait3A_131 = tpu.memref_slice %arg2[%select_n3A, %mul3A_92, %dma_wait3A_130] : memref<8x256x1024xf32, #tpu.memory_space<hbm>> -> memref<1x32x1024xf32, #tpu.memory_space<hbm>>
    %dma_wait3A_132 = tpu.memref_squeeze %dma_wait3A_131 : memref<1x32x1024xf32, #tpu.memory_space<hbm>> -> memref<32x1024xf32, #tpu.memory_space<hbm>>
    tpu.wait_dma2 semaphore(%arg10 : memref<!tpu.dma_semaphore, #tpu.memory_space<semaphore_mem>>) src(%dma_wait3A_132 : memref<32x1024xf32, #tpu.memory_space<hbm>>) dst(%arg6 : memref<32x1024xf32, #tpu.memory_space<vmem>>)
    %scan3A_133 = arith.constant 0 : i32
    %scan3A_134 = arith.constant 0 : i32
    %scan3A_135 = arith.constant 64 : i32
    %scan3A_136 = arith.addi %scan3A_134, %scan3A_135 : i32
    %scan3A_137 = arith.constant 1 : i32
    %scan3A_138 = scf.for %scan3A_140 = %scan3A_134 to %scan3A_136 step %scan3A_137 iter_args(%scan3A_141 = %scan3A_133) -> (i32)  : i32 {
      %mul3A_142 = arith.constant 16 : i32
      %mul3A_143 = arith.muli %scan3A_140, %mul3A_142 : i32
      %add3A_144 = vector.broadcast %mul3A_143 : i32 to vector<16xi32>
      %add3A_145 = arith.addi %add3A_144, %iota3A : vector<16xi32>
      %broadcast_in_dim3A = arith.constant 0 : i32
      %broadcast_in_dim3A_146 = vector.broadcast %broadcast_in_dim3A : i32 to vector<16xi32>
      %gather3A = tpu.vector_load_idx %arg7[%broadcast_in_dim3A_146, %add3A_145] : memref<16x1024xi32, #tpu.memory_space<vmem>>[vector<16xi32>, vector<16xi32>], vector<16xi32>,
      %broadcast_in_dim3A_147 = arith.constant 1 : i32
      %broadcast_in_dim3A_148 = vector.broadcast %broadcast_in_dim3A_147 : i32 to vector<16xi32>
      %gather3A_149 = tpu.vector_load_idx %arg7[%broadcast_in_dim3A_148, %add3A_145] : memref<16x1024xi32, #tpu.memory_space<vmem>>[vector<16xi32>, vector<16xi32>], vector<16xi32>,
      %broadcast_in_dim3A_150 = arith.constant 2 : i32
      %broadcast_in_dim3A_151 = vector.broadcast %broadcast_in_dim3A_150 : i32 to vector<16xi32>
      %gather3A_152 = tpu.vector_load_idx %arg7[%broadcast_in_dim3A_151, %add3A_145] : memref<16x1024xi32, #tpu.memory_space<vmem>>[vector<16xi32>, vector<16xi32>], vector<16xi32>,
      %broadcast_in_dim3A_153 = arith.constant 3 : i32
      %broadcast_in_dim3A_154 = vector.broadcast %broadcast_in_dim3A_153 : i32 to vector<16xi32>
      %gather3A_155 = tpu.vector_load_idx %arg7[%broadcast_in_dim3A_154, %add3A_145] : memref<16x1024xi32, #tpu.memory_space<vmem>>[vector<16xi32>, vector<16xi32>], vector<16xi32>,
      %broadcast_in_dim3A_156 = arith.constant 4 : i32
      %broadcast_in_dim3A_157 = vector.broadcast %broadcast_in_dim3A_156 : i32 to vector<16xi32>
      %gather3A_158 = tpu.vector_load_idx %arg7[%broadcast_in_dim3A_157, %add3A_145] : memref<16x1024xi32, #tpu.memory_space<vmem>>[vector<16xi32>, vector<16xi32>], vector<16xi32>,
      %broadcast_in_dim3A_159 = arith.constant 5 : i32
      %broadcast_in_dim3A_160 = vector.broadcast %broadcast_in_dim3A_159 : i32 to vector<16xi32>
      %gather3A_161 = tpu.vector_load_idx %arg7[%broadcast_in_dim3A_160, %add3A_145] : memref<16x1024xi32, #tpu.memory_space<vmem>>[vector<16xi32>, vector<16xi32>], vector<16xi32>,
      %broadcast_in_dim3A_162 = arith.constant 6 : i32
      %broadcast_in_dim3A_163 = vector.broadcast %broadcast_in_dim3A_162 : i32 to vector<16xi32>
      %gather3A_164 = tpu.vector_load_idx %arg7[%broadcast_in_dim3A_163, %add3A_145] : memref<16x1024xi32, #tpu.memory_space<vmem>>[vector<16xi32>, vector<16xi32>], vector<16xi32>,
      %broadcast_in_dim3A_165 = arith.constant 7 : i32
      %broadcast_in_dim3A_166 = vector.broadcast %broadcast_in_dim3A_165 : i32 to vector<16xi32>
      %gather3A_167 = tpu.vector_load_idx %arg7[%broadcast_in_dim3A_166, %add3A_145] : memref<16x1024xi32, #tpu.memory_space<vmem>>[vector<16xi32>, vector<16xi32>], vector<16xi32>,
      %broadcast_in_dim3A_168 = arith.constant 8 : i32
      %broadcast_in_dim3A_169 = vector.broadcast %broadcast_in_dim3A_168 : i32 to vector<16xi32>
      %gather3A_170 = tpu.vector_load_idx %arg7[%broadcast_in_dim3A_169, %add3A_145] : memref<16x1024xi32, #tpu.memory_space<vmem>>[vector<16xi32>, vector<16xi32>], vector<16xi32>,
      %broadcast_in_dim3A_171 = arith.constant 9 : i32
      %broadcast_in_dim3A_172 = vector.broadcast %broadcast_in_dim3A_171 : i32 to vector<16xi32>
      %gather3A_173 = tpu.vector_load_idx %arg7[%broadcast_in_dim3A_172, %add3A_145] : memref<16x1024xi32, #tpu.memory_space<vmem>>[vector<16xi32>, vector<16xi32>], vector<16xi32>,
      %broadcast_in_dim3A_174 = arith.constant 10 : i32
      %broadcast_in_dim3A_175 = vector.broadcast %broadcast_in_dim3A_174 : i32 to vector<16xi32>
      %gather3A_176 = tpu.vector_load_idx %arg7[%broadcast_in_dim3A_175, %add3A_145] : memref<16x1024xi32, #tpu.memory_space<vmem>>[vector<16xi32>, vector<16xi32>], vector<16xi32>,
      %broadcast_in_dim3A_177 = arith.constant 11 : i32
      %broadcast_in_dim3A_178 = vector.broadcast %broadcast_in_dim3A_177 : i32 to vector<16xi32>
      %gather3A_179 = tpu.vector_load_idx %arg7[%broadcast_in_dim3A_178, %add3A_145] : memref<16x1024xi32, #tpu.memory_space<vmem>>[vector<16xi32>, vector<16xi32>], vector<16xi32>,
      %broadcast_in_dim3A_180 = arith.constant 12 : i32
      %broadcast_in_dim3A_181 = vector.broadcast %broadcast_in_dim3A_180 : i32 to vector<16xi32>
      %gather3A_182 = tpu.vector_load_idx %arg7[%broadcast_in_dim3A_181, %add3A_145] : memref<16x1024xi32, #tpu.memory_space<vmem>>[vector<16xi32>, vector<16xi32>], vector<16xi32>,
      %broadcast_in_dim3A_183 = arith.constant 13 : i32
      %broadcast_in_dim3A_184 = vector.broadcast %broadcast_in_dim3A_183 : i32 to vector<16xi32>
      %gather3A_185 = tpu.vector_load_idx %arg7[%broadcast_in_dim3A_184, %add3A_145] : memref<16x1024xi32, #tpu.memory_space<vmem>>[vector<16xi32>, vector<16xi32>], vector<16xi32>,
      %broadcast_in_dim3A_186 = arith.constant 14 : i32
      %broadcast_in_dim3A_187 = vector.broadcast %broadcast_in_dim3A_186 : i32 to vector<16xi32>
      %gather3A_188 = tpu.vector_load_idx %arg7[%broadcast_in_dim3A_187, %add3A_145] : memref<16x1024xi32, #tpu.memory_space<vmem>>[vector<16xi32>, vector<16xi32>], vector<16xi32>,
      %broadcast_in_dim3A_189 = arith.constant 15 : i32
      %broadcast_in_dim3A_190 = vector.broadcast %broadcast_in_dim3A_189 : i32 to vector<16xi32>
      %gather3A_191 = tpu.vector_load_idx %arg7[%broadcast_in_dim3A_190, %add3A_145] : memref<16x1024xi32, #tpu.memory_space<vmem>>[vector<16xi32>, vector<16xi32>], vector<16xi32>,
      %scan3A_192 = arith.constant 0 : i32
      %scan3A_193 = arith.constant 0 : i32
      %scan3A_194 = arith.constant 32 : i32
      %scan3A_195 = arith.addi %scan3A_193, %scan3A_194 : i32
      %scan3A_196 = arith.constant 1 : i32
      %scan3A_197 = scf.for %scan3A_200 = %scan3A_193 to %scan3A_195 step %scan3A_196 iter_args(%scan3A_201 = %scan3A_192) -> (i32)  : i32 {
        %broadcast_in_dim3A_202 = vector.broadcast %scan3A_200 : i32 to vector<16xi32>
        %broadcast_in_dim3A_203 = arith.constant 0xFF800000 : f32
        %broadcast_in_dim3A_204 = vector.broadcast %broadcast_in_dim3A_203 : f32 to vector<16xf32>
        %gather3A_205 = tpu.vector_load_idx %arg6[%broadcast_in_dim3A_202, %gather3A] : memref<32x1024xf32, #tpu.memory_space<vmem>>[vector<16xi32>, vector<16xi32>], vector<16xf32>,
        %max3A = arith.maximumf %broadcast_in_dim3A_204, %gather3A_205 : vector<16xf32>
        %gather3A_206 = tpu.vector_load_idx %arg6[%broadcast_in_dim3A_202, %gather3A_149] : memref<32x1024xf32, #tpu.memory_space<vmem>>[vector<16xi32>, vector<16xi32>], vector<16xf32>,
        %max3A_207 = arith.maximumf %max3A, %gather3A_206 : vector<16xf32>
        %gather3A_208 = tpu.vector_load_idx %arg6[%broadcast_in_dim3A_202, %gather3A_152] : memref<32x1024xf32, #tpu.memory_space<vmem>>[vector<16xi32>, vector<16xi32>], vector<16xf32>,
        %max3A_209 = arith.maximumf %max3A_207, %gather3A_208 : vector<16xf32>
        %gather3A_210 = tpu.vector_load_idx %arg6[%broadcast_in_dim3A_202, %gather3A_155] : memref<32x1024xf32, #tpu.memory_space<vmem>>[vector<16xi32>, vector<16xi32>], vector<16xf32>,
        %max3A_211 = arith.maximumf %max3A_209, %gather3A_210 : vector<16xf32>
        %gather3A_212 = tpu.vector_load_idx %arg6[%broadcast_in_dim3A_202, %gather3A_158] : memref<32x1024xf32, #tpu.memory_space<vmem>>[vector<16xi32>, vector<16xi32>], vector<16xf32>,
        %max3A_213 = arith.maximumf %max3A_211, %gather3A_212 : vector<16xf32>
        %gather3A_214 = tpu.vector_load_idx %arg6[%broadcast_in_dim3A_202, %gather3A_161] : memref<32x1024xf32, #tpu.memory_space<vmem>>[vector<16xi32>, vector<16xi32>], vector<16xf32>,
        %max3A_215 = arith.maximumf %max3A_213, %gather3A_214 : vector<16xf32>
        %gather3A_216 = tpu.vector_load_idx %arg6[%broadcast_in_dim3A_202, %gather3A_164] : memref<32x1024xf32, #tpu.memory_space<vmem>>[vector<16xi32>, vector<16xi32>], vector<16xf32>,
        %max3A_217 = arith.maximumf %max3A_215, %gather3A_216 : vector<16xf32>
        %gather3A_218 = tpu.vector_load_idx %arg6[%broadcast_in_dim3A_202, %gather3A_167] : memref<32x1024xf32, #tpu.memory_space<vmem>>[vector<16xi32>, vector<16xi32>], vector<16xf32>,
        %max3A_219 = arith.maximumf %max3A_217, %gather3A_218 : vector<16xf32>
        %gather3A_220 = tpu.vector_load_idx %arg6[%broadcast_in_dim3A_202, %gather3A_170] : memref<32x1024xf32, #tpu.memory_space<vmem>>[vector<16xi32>, vector<16xi32>], vector<16xf32>,
        %max3A_221 = arith.maximumf %max3A_219, %gather3A_220 : vector<16xf32>
        %gather3A_222 = tpu.vector_load_idx %arg6[%broadcast_in_dim3A_202, %gather3A_173] : memref<32x1024xf32, #tpu.memory_space<vmem>>[vector<16xi32>, vector<16xi32>], vector<16xf32>,
        %max3A_223 = arith.maximumf %max3A_221, %gather3A_222 : vector<16xf32>
        %gather3A_224 = tpu.vector_load_idx %arg6[%broadcast_in_dim3A_202, %gather3A_176] : memref<32x1024xf32, #tpu.memory_space<vmem>>[vector<16xi32>, vector<16xi32>], vector<16xf32>,
        %max3A_225 = arith.maximumf %max3A_223, %gather3A_224 : vector<16xf32>
        %gather3A_226 = tpu.vector_load_idx %arg6[%broadcast_in_dim3A_202, %gather3A_179] : memref<32x1024xf32, #tpu.memory_space<vmem>>[vector<16xi32>, vector<16xi32>], vector<16xf32>,
        %max3A_227 = arith.maximumf %max3A_225, %gather3A_226 : vector<16xf32>
        %gather3A_228 = tpu.vector_load_idx %arg6[%broadcast_in_dim3A_202, %gather3A_182] : memref<32x1024xf32, #tpu.memory_space<vmem>>[vector<16xi32>, vector<16xi32>], vector<16xf32>,
        %max3A_229 = arith.maximumf %max3A_227, %gather3A_228 : vector<16xf32>
        %gather3A_230 = tpu.vector_load_idx %arg6[%broadcast_in_dim3A_202, %gather3A_185] : memref<32x1024xf32, #tpu.memory_space<vmem>>[vector<16xi32>, vector<16xi32>], vector<16xf32>,
        %max3A_231 = arith.maximumf %max3A_229, %gather3A_230 : vector<16xf32>
        %gather3A_232 = tpu.vector_load_idx %arg6[%broadcast_in_dim3A_202, %gather3A_188] : memref<32x1024xf32, #tpu.memory_space<vmem>>[vector<16xi32>, vector<16xi32>], vector<16xf32>,
        %max3A_233 = arith.maximumf %max3A_231, %gather3A_232 : vector<16xf32>
        %gather3A_234 = tpu.vector_load_idx %arg6[%broadcast_in_dim3A_202, %gather3A_191] : memref<32x1024xf32, #tpu.memory_space<vmem>>[vector<16xi32>, vector<16xi32>], vector<16xf32>,
        %max3A_235 = arith.maximumf %max3A_233, %gather3A_234 : vector<16xf32>
        tpu.vector_store_idx %arg8[%broadcast_in_dim3A_202, %add3A_145], %max3A_235 : memref<32x1024xf32, #tpu.memory_space<vmem>>[vector<16xi32>, vector<16xi32>], vector<16xf32>,
        %scan3A_236 = arith.constant 0 : i32
        scf.yield %scan3A_236 : i32
      }
      %scan3A_198 = arith.constant 32 : i32
      %scan3A_199 = arith.constant 0 : i32
      scf.yield %scan3A_199 : i32
    }
    %scan3A_139 = arith.constant 64 : i32
    "tpu.region"() ({
      %run_scoped3A = tpu.sem_alloc : memref<!tpu.dma_semaphore, #tpu.memory_space<semaphore_mem>>
      %dma_start3A_140 = arith.constant 0 : i32
      %dma_start3A_141 = tpu.memref_slice %arg4[%select_n3A, %mul3A_126, %dma_start3A_140] : memref<8x256x1024xf32, #tpu.memory_space<hbm>> -> memref<1x32x1024xf32, #tpu.memory_space<hbm>>
      %dma_start3A_142 = tpu.memref_squeeze %dma_start3A_141 : memref<1x32x1024xf32, #tpu.memory_space<hbm>> -> memref<32x1024xf32, #tpu.memory_space<hbm>>
      %dma_start3A_143 = arith.constant 0 : i32
      %dma_start3A_144 = tpu.memref_slice %arg4[%select_n3A, %mul3A_126, %dma_start3A_143] : memref<8x256x1024xf32, #tpu.memory_space<hbm>> -> memref<1x32x1024xf32, #tpu.memory_space<hbm>>
      %dma_start3A_145 = tpu.memref_squeeze %dma_start3A_144 : memref<1x32x1024xf32, #tpu.memory_space<hbm>> -> memref<32x1024xf32, #tpu.memory_space<hbm>>
      tpu.enqueue_dma source(%arg8 : memref<32x1024xf32, #tpu.memory_space<vmem>>) target(%dma_start3A_145 : memref<32x1024xf32, #tpu.memory_space<hbm>>) target_semaphore(%run_scoped3A : memref<!tpu.dma_semaphore, #tpu.memory_space<semaphore_mem>>)
      %dma_wait3A_146 = arith.constant 0 : i32
      %dma_wait3A_147 = tpu.memref_slice %arg4[%select_n3A, %mul3A_126, %dma_wait3A_146] : memref<8x256x1024xf32, #tpu.memory_space<hbm>> -> memref<1x32x1024xf32, #tpu.memory_space<hbm>>
      %dma_wait3A_148 = tpu.memref_squeeze %dma_wait3A_147 : memref<1x32x1024xf32, #tpu.memory_space<hbm>> -> memref<32x1024xf32, #tpu.memory_space<hbm>>
      %dma_wait3A_149 = arith.constant 0 : i32
      %dma_wait3A_150 = tpu.memref_slice %arg4[%select_n3A, %mul3A_126, %dma_wait3A_149] : memref<8x256x1024xf32, #tpu.memory_space<hbm>> -> memref<1x32x1024xf32, #tpu.memory_space<hbm>>
      %dma_wait3A_151 = tpu.memref_squeeze %dma_wait3A_150 : memref<1x32x1024xf32, #tpu.memory_space<hbm>> -> memref<32x1024xf32, #tpu.memory_space<hbm>>
      tpu.wait_dma2 semaphore(%run_scoped3A : memref<!tpu.dma_semaphore, #tpu.memory_space<semaphore_mem>>) src(%arg8 : memref<32x1024xf32, #tpu.memory_space<vmem>>) dst(%dma_wait3A_151 : memref<32x1024xf32, #tpu.memory_space<hbm>>)
      tpu.yield
    }) : () -> ()
    return
  }
}

#map = affine_map<(d0, d1) -> (0, 0, 0)>
module attributes {stable_mosaic.version = 14 : i64} {
  func.func @k(%arg0: i32, %arg1: i32, %arg2: memref<8x64x1024xf32, #tpu.memory_space<hbm>>, %arg3: memref<8x16x1024xi32, #tpu.memory_space<hbm>>, %arg4: memref<8x64x1024xf32, #tpu.memory_space<hbm>>, %arg5: memref<16x1024xf32, #tpu.memory_space<vmem>>, %arg6: memref<16x1024xf32, #tpu.memory_space<vmem>>, %arg7: memref<16x1024xi32, #tpu.memory_space<vmem>>, %arg8: memref<16x1024xf32, #tpu.memory_space<vmem>>, %arg9: memref<!tpu.dma_semaphore, #tpu.memory_space<semaphore_mem>>, %arg10: memref<!tpu.dma_semaphore, #tpu.memory_space<semaphore_mem>>) attributes {dimension_semantics = [#tpu.dimension_semantics<core_parallel>, #tpu.dimension_semantics<subcore_parallel>], iteration_bounds = array<i64: 2, 16>, scalar_prefetch = 0 : i64, scratch_operands = 6 : i64, tpu.core_type = #tpu.core_type<sc_vector_subcore>, window_params = [{transform_indices = #map}, {transform_indices = #map}, {transform_indices = #map}]} {
    %mul3A = arith.constant 2 : i32
    %mul3A_0 = arith.muli %arg1, %mul3A : i32
    %add3A = arith.addi %mul3A_0, %arg0 : i32
    %iota3A = tpu.iota {dimensions = array<i32: 0>} : vector<16xi32>
    %mul3A_1 = arith.constant 1 : i32
    %mul3A_2 = arith.muli %add3A, %mul3A_1 : i32
    %jit3A = arith.constant 4 : i32
    %div3A = arith.divsi %mul3A_2, %jit3A : i32
    %sign3A = arith.constant 0 : i32
    %sign3A_3 = arith.cmpi sgt, %mul3A_2, %sign3A : i32
    %sign3A_4 = arith.extui %sign3A_3 : i1 to i32
    %sign3A_5 = arith.constant 0 : i32
    %sign3A_6 = arith.cmpi slt, %mul3A_2, %sign3A_5 : i32
    %sign3A_7 = arith.extui %sign3A_6 : i1 to i32
    %sign3A_8 = arith.subi %sign3A_4, %sign3A_7 : i32
    %sign3A_9 = arith.constant 0 : i32
    %sign3A_10 = arith.cmpi sgt, %jit3A, %sign3A_9 : i32
    %sign3A_11 = arith.extui %sign3A_10 : i1 to i32
    %sign3A_12 = arith.constant 0 : i32
    %sign3A_13 = arith.cmpi slt, %jit3A, %sign3A_12 : i32
    %sign3A_14 = arith.extui %sign3A_13 : i1 to i32
    %sign3A_15 = arith.subi %sign3A_11, %sign3A_14 : i32
    %ne3A = arith.cmpi ne, %sign3A_8, %sign3A_15 : i32
    %rem3A = arith.remsi %mul3A_2, %jit3A : i32
    %ne3A_16 = arith.constant 0 : i32
    %ne3A_17 = arith.cmpi ne, %rem3A, %ne3A_16 : i32
    %and3A = arith.andi %ne3A, %ne3A_17 : i1
    %sub3A = arith.constant 1 : i32
    %sub3A_18 = arith.subi %div3A, %sub3A : i32
    %select_n3A = arith.select %and3A, %sub3A_18, %div3A : i32
    %mul3A_19 = arith.constant 1 : i32
    %mul3A_20 = arith.muli %add3A, %mul3A_19 : i32
    %add3A_21 = arith.constant 0 : i32
    %add3A_22 = arith.addi %mul3A_20, %add3A_21 : i32
    %jit3A_23 = arith.constant 4 : i32
    %eq3A = arith.constant 0 : i32
    %eq3A_24 = arith.cmpi eq, %jit3A_23, %eq3A : i32
    %jit3A_25 = arith.constant 1 : i32
    %select_n3A_26 = arith.select %eq3A_24, %jit3A_25, %jit3A_23 : i32
    %rem3A_27 = arith.remsi %add3A_22, %select_n3A_26 : i32
    %ne3A_28 = arith.constant 0 : i32
    %ne3A_29 = arith.cmpi ne, %rem3A_27, %ne3A_28 : i32
    %lt3A = arith.constant 0 : i32
    %lt3A_30 = arith.cmpi slt, %rem3A_27, %lt3A : i32
    %lt3A_31 = arith.constant 0 : i32
    %lt3A_32 = arith.cmpi slt, %select_n3A_26, %lt3A_31 : i32
    %ne3A_33 = arith.xori %lt3A_30, %lt3A_32 : i1
    %and3A_34 = arith.andi %ne3A_33, %ne3A_29 : i1
    %add3A_35 = arith.addi %rem3A_27, %select_n3A_26 : i32
    %select_n3A_36 = arith.select %and3A_34, %add3A_35, %rem3A_27 : i32
    %mul3A_37 = arith.constant 16 : i32
    %mul3A_38 = arith.muli %select_n3A_36, %mul3A_37 : i32
    %dma_start3A = arith.constant 0 : i32
    %dma_start3A_39 = tpu.memref_slice %arg2[%select_n3A, %mul3A_38, %dma_start3A] : memref<8x64x1024xf32, #tpu.memory_space<hbm>> -> memref<1x16x1024xf32, #tpu.memory_space<hbm>>
    %dma_start3A_40 = tpu.memref_squeeze %dma_start3A_39 : memref<1x16x1024xf32, #tpu.memory_space<hbm>> -> memref<16x1024xf32, #tpu.memory_space<hbm>>
    %dma_start3A_41 = arith.constant 0 : i32
    %dma_start3A_42 = tpu.memref_slice %arg2[%select_n3A, %mul3A_38, %dma_start3A_41] : memref<8x64x1024xf32, #tpu.memory_space<hbm>> -> memref<1x16x1024xf32, #tpu.memory_space<hbm>>
    %dma_start3A_43 = tpu.memref_squeeze %dma_start3A_42 : memref<1x16x1024xf32, #tpu.memory_space<hbm>> -> memref<16x1024xf32, #tpu.memory_space<hbm>>
    tpu.enqueue_dma source(%dma_start3A_43 : memref<16x1024xf32, #tpu.memory_space<hbm>>) target(%arg5 : memref<16x1024xf32, #tpu.memory_space<vmem>>) target_semaphore(%arg9 : memref<!tpu.dma_semaphore, #tpu.memory_space<semaphore_mem>>)
    "tpu.region"() ({
      %run_scoped3A = tpu.sem_alloc : memref<!tpu.dma_semaphore, #tpu.memory_space<semaphore_mem>>
      %dma_start3A_77 = arith.constant 0 : i32
      %dma_start3A_78 = arith.constant 0 : i32
      %dma_start3A_79 = tpu.memref_slice %arg3[%select_n3A, %dma_start3A_77, %dma_start3A_78] : memref<8x16x1024xi32, #tpu.memory_space<hbm>> -> memref<1x16x1024xi32, #tpu.memory_space<hbm>>
      %dma_start3A_80 = tpu.memref_squeeze %dma_start3A_79 : memref<1x16x1024xi32, #tpu.memory_space<hbm>> -> memref<16x1024xi32, #tpu.memory_space<hbm>>
      %dma_start3A_81 = arith.constant 0 : i32
      %dma_start3A_82 = arith.constant 0 : i32
      %dma_start3A_83 = tpu.memref_slice %arg3[%select_n3A, %dma_start3A_81, %dma_start3A_82] : memref<8x16x1024xi32, #tpu.memory_space<hbm>> -> memref<1x16x1024xi32, #tpu.memory_space<hbm>>
      %dma_start3A_84 = tpu.memref_squeeze %dma_start3A_83 : memref<1x16x1024xi32, #tpu.memory_space<hbm>> -> memref<16x1024xi32, #tpu.memory_space<hbm>>
      tpu.enqueue_dma source(%dma_start3A_84 : memref<16x1024xi32, #tpu.memory_space<hbm>>) target(%arg7 : memref<16x1024xi32, #tpu.memory_space<vmem>>) target_semaphore(%run_scoped3A : memref<!tpu.dma_semaphore, #tpu.memory_space<semaphore_mem>>)
      %dma_wait3A_85 = arith.constant 0 : i32
      %dma_wait3A_86 = arith.constant 0 : i32
      %dma_wait3A_87 = tpu.memref_slice %arg3[%select_n3A, %dma_wait3A_85, %dma_wait3A_86] : memref<8x16x1024xi32, #tpu.memory_space<hbm>> -> memref<1x16x1024xi32, #tpu.memory_space<hbm>>
      %dma_wait3A_88 = tpu.memref_squeeze %dma_wait3A_87 : memref<1x16x1024xi32, #tpu.memory_space<hbm>> -> memref<16x1024xi32, #tpu.memory_space<hbm>>
      %dma_wait3A_89 = arith.constant 0 : i32
      %dma_wait3A_90 = arith.constant 0 : i32
      %dma_wait3A_91 = tpu.memref_slice %arg3[%select_n3A, %dma_wait3A_89, %dma_wait3A_90] : memref<8x16x1024xi32, #tpu.memory_space<hbm>> -> memref<1x16x1024xi32, #tpu.memory_space<hbm>>
      %dma_wait3A_92 = tpu.memref_squeeze %dma_wait3A_91 : memref<1x16x1024xi32, #tpu.memory_space<hbm>> -> memref<16x1024xi32, #tpu.memory_space<hbm>>
      tpu.wait_dma2 semaphore(%run_scoped3A : memref<!tpu.dma_semaphore, #tpu.memory_space<semaphore_mem>>) src(%dma_wait3A_92 : memref<16x1024xi32, #tpu.memory_space<hbm>>) dst(%arg7 : memref<16x1024xi32, #tpu.memory_space<vmem>>)
      tpu.yield
    }) : () -> ()
    %mul3A_44 = arith.constant 1 : i32
    %mul3A_45 = arith.muli %add3A, %mul3A_44 : i32
    %add3A_46 = arith.constant 0 : i32
    %add3A_47 = arith.addi %mul3A_45, %add3A_46 : i32
    %jit3A_48 = arith.constant 4 : i32
    %eq3A_49 = arith.constant 0 : i32
    %eq3A_50 = arith.cmpi eq, %jit3A_48, %eq3A_49 : i32
    %jit3A_51 = arith.constant 1 : i32
    %select_n3A_52 = arith.select %eq3A_50, %jit3A_51, %jit3A_48 : i32
    %rem3A_53 = arith.remsi %add3A_47, %select_n3A_52 : i32
    %ne3A_54 = arith.constant 0 : i32
    %ne3A_55 = arith.cmpi ne, %rem3A_53, %ne3A_54 : i32
    %lt3A_56 = arith.constant 0 : i32
    %lt3A_57 = arith.cmpi slt, %rem3A_53, %lt3A_56 : i32
    %lt3A_58 = arith.constant 0 : i32
    %lt3A_59 = arith.cmpi slt, %select_n3A_52, %lt3A_58 : i32
    %ne3A_60 = arith.xori %lt3A_57, %lt3A_59 : i1
    %and3A_61 = arith.andi %ne3A_60, %ne3A_55 : i1
    %add3A_62 = arith.addi %rem3A_53, %select_n3A_52 : i32
    %select_n3A_63 = arith.select %and3A_61, %add3A_62, %rem3A_53 : i32
    %mul3A_64 = arith.constant 16 : i32
    %mul3A_65 = arith.muli %select_n3A_63, %mul3A_64 : i32
    %dma_wait3A = arith.constant 0 : i32
    %dma_wait3A_66 = tpu.memref_slice %arg2[%select_n3A, %mul3A_38, %dma_wait3A] : memref<8x64x1024xf32, #tpu.memory_space<hbm>> -> memref<1x16x1024xf32, #tpu.memory_space<hbm>>
    %dma_wait3A_67 = tpu.memref_squeeze %dma_wait3A_66 : memref<1x16x1024xf32, #tpu.memory_space<hbm>> -> memref<16x1024xf32, #tpu.memory_space<hbm>>
    %dma_wait3A_68 = arith.constant 0 : i32
    %dma_wait3A_69 = tpu.memref_slice %arg2[%select_n3A, %mul3A_38, %dma_wait3A_68] : memref<8x64x1024xf32, #tpu.memory_space<hbm>> -> memref<1x16x1024xf32, #tpu.memory_space<hbm>>
    %dma_wait3A_70 = tpu.memref_squeeze %dma_wait3A_69 : memref<1x16x1024xf32, #tpu.memory_space<hbm>> -> memref<16x1024xf32, #tpu.memory_space<hbm>>
    tpu.wait_dma2 semaphore(%arg9 : memref<!tpu.dma_semaphore, #tpu.memory_space<semaphore_mem>>) src(%dma_wait3A_70 : memref<16x1024xf32, #tpu.memory_space<hbm>>) dst(%arg5 : memref<16x1024xf32, #tpu.memory_space<vmem>>)
    %scan3A = arith.constant 0 : i32
    %scan3A_71 = arith.constant 0 : i32
    %scan3A_72 = arith.constant 64 : i32
    %scan3A_73 = arith.addi %scan3A_71, %scan3A_72 : i32
    %scan3A_74 = arith.constant 1 : i32
    %scan3A_75 = scf.for %scan3A_77 = %scan3A_71 to %scan3A_73 step %scan3A_74 iter_args(%scan3A_78 = %scan3A) -> (i32)  : i32 {
      %mul3A_79 = arith.constant 16 : i32
      %mul3A_80 = arith.muli %scan3A_77, %mul3A_79 : i32
      %add3A_81 = vector.broadcast %mul3A_80 : i32 to vector<16xi32>
      %add3A_82 = arith.addi %add3A_81, %iota3A : vector<16xi32>
      %broadcast_in_dim3A = arith.constant 0 : i32
      %broadcast_in_dim3A_83 = vector.broadcast %broadcast_in_dim3A : i32 to vector<16xi32>
      %gather3A = tpu.vector_load_idx %arg7[%broadcast_in_dim3A_83, %add3A_82] : memref<16x1024xi32, #tpu.memory_space<vmem>>[vector<16xi32>, vector<16xi32>], vector<16xi32>,
      %broadcast_in_dim3A_84 = arith.constant 1 : i32
      %broadcast_in_dim3A_85 = vector.broadcast %broadcast_in_dim3A_84 : i32 to vector<16xi32>
      %gather3A_86 = tpu.vector_load_idx %arg7[%broadcast_in_dim3A_85, %add3A_82] : memref<16x1024xi32, #tpu.memory_space<vmem>>[vector<16xi32>, vector<16xi32>], vector<16xi32>,
      %broadcast_in_dim3A_87 = arith.constant 2 : i32
      %broadcast_in_dim3A_88 = vector.broadcast %broadcast_in_dim3A_87 : i32 to vector<16xi32>
      %gather3A_89 = tpu.vector_load_idx %arg7[%broadcast_in_dim3A_88, %add3A_82] : memref<16x1024xi32, #tpu.memory_space<vmem>>[vector<16xi32>, vector<16xi32>], vector<16xi32>,
      %broadcast_in_dim3A_90 = arith.constant 3 : i32
      %broadcast_in_dim3A_91 = vector.broadcast %broadcast_in_dim3A_90 : i32 to vector<16xi32>
      %gather3A_92 = tpu.vector_load_idx %arg7[%broadcast_in_dim3A_91, %add3A_82] : memref<16x1024xi32, #tpu.memory_space<vmem>>[vector<16xi32>, vector<16xi32>], vector<16xi32>,
      %broadcast_in_dim3A_93 = arith.constant 4 : i32
      %broadcast_in_dim3A_94 = vector.broadcast %broadcast_in_dim3A_93 : i32 to vector<16xi32>
      %gather3A_95 = tpu.vector_load_idx %arg7[%broadcast_in_dim3A_94, %add3A_82] : memref<16x1024xi32, #tpu.memory_space<vmem>>[vector<16xi32>, vector<16xi32>], vector<16xi32>,
      %broadcast_in_dim3A_96 = arith.constant 5 : i32
      %broadcast_in_dim3A_97 = vector.broadcast %broadcast_in_dim3A_96 : i32 to vector<16xi32>
      %gather3A_98 = tpu.vector_load_idx %arg7[%broadcast_in_dim3A_97, %add3A_82] : memref<16x1024xi32, #tpu.memory_space<vmem>>[vector<16xi32>, vector<16xi32>], vector<16xi32>,
      %broadcast_in_dim3A_99 = arith.constant 6 : i32
      %broadcast_in_dim3A_100 = vector.broadcast %broadcast_in_dim3A_99 : i32 to vector<16xi32>
      %gather3A_101 = tpu.vector_load_idx %arg7[%broadcast_in_dim3A_100, %add3A_82] : memref<16x1024xi32, #tpu.memory_space<vmem>>[vector<16xi32>, vector<16xi32>], vector<16xi32>,
      %broadcast_in_dim3A_102 = arith.constant 7 : i32
      %broadcast_in_dim3A_103 = vector.broadcast %broadcast_in_dim3A_102 : i32 to vector<16xi32>
      %gather3A_104 = tpu.vector_load_idx %arg7[%broadcast_in_dim3A_103, %add3A_82] : memref<16x1024xi32, #tpu.memory_space<vmem>>[vector<16xi32>, vector<16xi32>], vector<16xi32>,
      %broadcast_in_dim3A_105 = arith.constant 8 : i32
      %broadcast_in_dim3A_106 = vector.broadcast %broadcast_in_dim3A_105 : i32 to vector<16xi32>
      %gather3A_107 = tpu.vector_load_idx %arg7[%broadcast_in_dim3A_106, %add3A_82] : memref<16x1024xi32, #tpu.memory_space<vmem>>[vector<16xi32>, vector<16xi32>], vector<16xi32>,
      %broadcast_in_dim3A_108 = arith.constant 9 : i32
      %broadcast_in_dim3A_109 = vector.broadcast %broadcast_in_dim3A_108 : i32 to vector<16xi32>
      %gather3A_110 = tpu.vector_load_idx %arg7[%broadcast_in_dim3A_109, %add3A_82] : memref<16x1024xi32, #tpu.memory_space<vmem>>[vector<16xi32>, vector<16xi32>], vector<16xi32>,
      %broadcast_in_dim3A_111 = arith.constant 10 : i32
      %broadcast_in_dim3A_112 = vector.broadcast %broadcast_in_dim3A_111 : i32 to vector<16xi32>
      %gather3A_113 = tpu.vector_load_idx %arg7[%broadcast_in_dim3A_112, %add3A_82] : memref<16x1024xi32, #tpu.memory_space<vmem>>[vector<16xi32>, vector<16xi32>], vector<16xi32>,
      %broadcast_in_dim3A_114 = arith.constant 11 : i32
      %broadcast_in_dim3A_115 = vector.broadcast %broadcast_in_dim3A_114 : i32 to vector<16xi32>
      %gather3A_116 = tpu.vector_load_idx %arg7[%broadcast_in_dim3A_115, %add3A_82] : memref<16x1024xi32, #tpu.memory_space<vmem>>[vector<16xi32>, vector<16xi32>], vector<16xi32>,
      %broadcast_in_dim3A_117 = arith.constant 12 : i32
      %broadcast_in_dim3A_118 = vector.broadcast %broadcast_in_dim3A_117 : i32 to vector<16xi32>
      %gather3A_119 = tpu.vector_load_idx %arg7[%broadcast_in_dim3A_118, %add3A_82] : memref<16x1024xi32, #tpu.memory_space<vmem>>[vector<16xi32>, vector<16xi32>], vector<16xi32>,
      %broadcast_in_dim3A_120 = arith.constant 13 : i32
      %broadcast_in_dim3A_121 = vector.broadcast %broadcast_in_dim3A_120 : i32 to vector<16xi32>
      %gather3A_122 = tpu.vector_load_idx %arg7[%broadcast_in_dim3A_121, %add3A_82] : memref<16x1024xi32, #tpu.memory_space<vmem>>[vector<16xi32>, vector<16xi32>], vector<16xi32>,
      %broadcast_in_dim3A_123 = arith.constant 14 : i32
      %broadcast_in_dim3A_124 = vector.broadcast %broadcast_in_dim3A_123 : i32 to vector<16xi32>
      %gather3A_125 = tpu.vector_load_idx %arg7[%broadcast_in_dim3A_124, %add3A_82] : memref<16x1024xi32, #tpu.memory_space<vmem>>[vector<16xi32>, vector<16xi32>], vector<16xi32>,
      %broadcast_in_dim3A_126 = arith.constant 15 : i32
      %broadcast_in_dim3A_127 = vector.broadcast %broadcast_in_dim3A_126 : i32 to vector<16xi32>
      %gather3A_128 = tpu.vector_load_idx %arg7[%broadcast_in_dim3A_127, %add3A_82] : memref<16x1024xi32, #tpu.memory_space<vmem>>[vector<16xi32>, vector<16xi32>], vector<16xi32>,
      %scan3A_129 = arith.constant 0 : i32
      %scan3A_130 = arith.constant 0 : i32
      %scan3A_131 = arith.constant 16 : i32
      %scan3A_132 = arith.addi %scan3A_130, %scan3A_131 : i32
      %scan3A_133 = arith.constant 1 : i32
      %scan3A_134 = scf.for %scan3A_137 = %scan3A_130 to %scan3A_132 step %scan3A_133 iter_args(%scan3A_138 = %scan3A_129) -> (i32)  : i32 {
        %broadcast_in_dim3A_139 = vector.broadcast %scan3A_137 : i32 to vector<16xi32>
        %broadcast_in_dim3A_140 = arith.constant 0xFF800000 : f32
        %broadcast_in_dim3A_141 = vector.broadcast %broadcast_in_dim3A_140 : f32 to vector<16xf32>
        %gather3A_142 = tpu.vector_load_idx %arg5[%broadcast_in_dim3A_139, %gather3A] : memref<16x1024xf32, #tpu.memory_space<vmem>>[vector<16xi32>, vector<16xi32>], vector<16xf32>,
        %max3A = arith.maximumf %broadcast_in_dim3A_141, %gather3A_142 : vector<16xf32>
        %gather3A_143 = tpu.vector_load_idx %arg5[%broadcast_in_dim3A_139, %gather3A_86] : memref<16x1024xf32, #tpu.memory_space<vmem>>[vector<16xi32>, vector<16xi32>], vector<16xf32>,
        %max3A_144 = arith.maximumf %max3A, %gather3A_143 : vector<16xf32>
        %gather3A_145 = tpu.vector_load_idx %arg5[%broadcast_in_dim3A_139, %gather3A_89] : memref<16x1024xf32, #tpu.memory_space<vmem>>[vector<16xi32>, vector<16xi32>], vector<16xf32>,
        %max3A_146 = arith.maximumf %max3A_144, %gather3A_145 : vector<16xf32>
        %gather3A_147 = tpu.vector_load_idx %arg5[%broadcast_in_dim3A_139, %gather3A_92] : memref<16x1024xf32, #tpu.memory_space<vmem>>[vector<16xi32>, vector<16xi32>], vector<16xf32>,
        %max3A_148 = arith.maximumf %max3A_146, %gather3A_147 : vector<16xf32>
        %gather3A_149 = tpu.vector_load_idx %arg5[%broadcast_in_dim3A_139, %gather3A_95] : memref<16x1024xf32, #tpu.memory_space<vmem>>[vector<16xi32>, vector<16xi32>], vector<16xf32>,
        %max3A_150 = arith.maximumf %max3A_148, %gather3A_149 : vector<16xf32>
        %gather3A_151 = tpu.vector_load_idx %arg5[%broadcast_in_dim3A_139, %gather3A_98] : memref<16x1024xf32, #tpu.memory_space<vmem>>[vector<16xi32>, vector<16xi32>], vector<16xf32>,
        %max3A_152 = arith.maximumf %max3A_150, %gather3A_151 : vector<16xf32>
        %gather3A_153 = tpu.vector_load_idx %arg5[%broadcast_in_dim3A_139, %gather3A_101] : memref<16x1024xf32, #tpu.memory_space<vmem>>[vector<16xi32>, vector<16xi32>], vector<16xf32>,
        %max3A_154 = arith.maximumf %max3A_152, %gather3A_153 : vector<16xf32>
        %gather3A_155 = tpu.vector_load_idx %arg5[%broadcast_in_dim3A_139, %gather3A_104] : memref<16x1024xf32, #tpu.memory_space<vmem>>[vector<16xi32>, vector<16xi32>], vector<16xf32>,
        %max3A_156 = arith.maximumf %max3A_154, %gather3A_155 : vector<16xf32>
        %gather3A_157 = tpu.vector_load_idx %arg5[%broadcast_in_dim3A_139, %gather3A_107] : memref<16x1024xf32, #tpu.memory_space<vmem>>[vector<16xi32>, vector<16xi32>], vector<16xf32>,
        %max3A_158 = arith.maximumf %max3A_156, %gather3A_157 : vector<16xf32>
        %gather3A_159 = tpu.vector_load_idx %arg5[%broadcast_in_dim3A_139, %gather3A_110] : memref<16x1024xf32, #tpu.memory_space<vmem>>[vector<16xi32>, vector<16xi32>], vector<16xf32>,
        %max3A_160 = arith.maximumf %max3A_158, %gather3A_159 : vector<16xf32>
        %gather3A_161 = tpu.vector_load_idx %arg5[%broadcast_in_dim3A_139, %gather3A_113] : memref<16x1024xf32, #tpu.memory_space<vmem>>[vector<16xi32>, vector<16xi32>], vector<16xf32>,
        %max3A_162 = arith.maximumf %max3A_160, %gather3A_161 : vector<16xf32>
        %gather3A_163 = tpu.vector_load_idx %arg5[%broadcast_in_dim3A_139, %gather3A_116] : memref<16x1024xf32, #tpu.memory_space<vmem>>[vector<16xi32>, vector<16xi32>], vector<16xf32>,
        %max3A_164 = arith.maximumf %max3A_162, %gather3A_163 : vector<16xf32>
        %gather3A_165 = tpu.vector_load_idx %arg5[%broadcast_in_dim3A_139, %gather3A_119] : memref<16x1024xf32, #tpu.memory_space<vmem>>[vector<16xi32>, vector<16xi32>], vector<16xf32>,
        %max3A_166 = arith.maximumf %max3A_164, %gather3A_165 : vector<16xf32>
        %gather3A_167 = tpu.vector_load_idx %arg5[%broadcast_in_dim3A_139, %gather3A_122] : memref<16x1024xf32, #tpu.memory_space<vmem>>[vector<16xi32>, vector<16xi32>], vector<16xf32>,
        %max3A_168 = arith.maximumf %max3A_166, %gather3A_167 : vector<16xf32>
        %gather3A_169 = tpu.vector_load_idx %arg5[%broadcast_in_dim3A_139, %gather3A_125] : memref<16x1024xf32, #tpu.memory_space<vmem>>[vector<16xi32>, vector<16xi32>], vector<16xf32>,
        %max3A_170 = arith.maximumf %max3A_168, %gather3A_169 : vector<16xf32>
        %gather3A_171 = tpu.vector_load_idx %arg5[%broadcast_in_dim3A_139, %gather3A_128] : memref<16x1024xf32, #tpu.memory_space<vmem>>[vector<16xi32>, vector<16xi32>], vector<16xf32>,
        %max3A_172 = arith.maximumf %max3A_170, %gather3A_171 : vector<16xf32>
        tpu.vector_store_idx %arg8[%broadcast_in_dim3A_139, %add3A_82], %max3A_172 : memref<16x1024xf32, #tpu.memory_space<vmem>>[vector<16xi32>, vector<16xi32>], vector<16xf32>,
        %scan3A_173 = arith.constant 0 : i32
        scf.yield %scan3A_173 : i32
      }
      %scan3A_135 = arith.constant 16 : i32
      %scan3A_136 = arith.constant 0 : i32
      scf.yield %scan3A_136 : i32
    }
    %scan3A_76 = arith.constant 64 : i32
    "tpu.region"() ({
      %run_scoped3A = tpu.sem_alloc : memref<!tpu.dma_semaphore, #tpu.memory_space<semaphore_mem>>
      %dma_start3A_77 = arith.constant 0 : i32
      %dma_start3A_78 = tpu.memref_slice %arg4[%select_n3A, %mul3A_65, %dma_start3A_77] : memref<8x64x1024xf32, #tpu.memory_space<hbm>> -> memref<1x16x1024xf32, #tpu.memory_space<hbm>>
      %dma_start3A_79 = tpu.memref_squeeze %dma_start3A_78 : memref<1x16x1024xf32, #tpu.memory_space<hbm>> -> memref<16x1024xf32, #tpu.memory_space<hbm>>
      %dma_start3A_80 = arith.constant 0 : i32
      %dma_start3A_81 = tpu.memref_slice %arg4[%select_n3A, %mul3A_65, %dma_start3A_80] : memref<8x64x1024xf32, #tpu.memory_space<hbm>> -> memref<1x16x1024xf32, #tpu.memory_space<hbm>>
      %dma_start3A_82 = tpu.memref_squeeze %dma_start3A_81 : memref<1x16x1024xf32, #tpu.memory_space<hbm>> -> memref<16x1024xf32, #tpu.memory_space<hbm>>
      tpu.enqueue_dma source(%arg8 : memref<16x1024xf32, #tpu.memory_space<vmem>>) target(%dma_start3A_82 : memref<16x1024xf32, #tpu.memory_space<hbm>>) target_semaphore(%run_scoped3A : memref<!tpu.dma_semaphore, #tpu.memory_space<semaphore_mem>>)
      %dma_wait3A_83 = arith.constant 0 : i32
      %dma_wait3A_84 = tpu.memref_slice %arg4[%select_n3A, %mul3A_65, %dma_wait3A_83] : memref<8x64x1024xf32, #tpu.memory_space<hbm>> -> memref<1x16x1024xf32, #tpu.memory_space<hbm>>
      %dma_wait3A_85 = tpu.memref_squeeze %dma_wait3A_84 : memref<1x16x1024xf32, #tpu.memory_space<hbm>> -> memref<16x1024xf32, #tpu.memory_space<hbm>>
      %dma_wait3A_86 = arith.constant 0 : i32
      %dma_wait3A_87 = tpu.memref_slice %arg4[%select_n3A, %mul3A_65, %dma_wait3A_86] : memref<8x64x1024xf32, #tpu.memory_space<hbm>> -> memref<1x16x1024xf32, #tpu.memory_space<hbm>>
      %dma_wait3A_88 = tpu.memref_squeeze %dma_wait3A_87 : memref<1x16x1024xf32, #tpu.memory_space<hbm>> -> memref<16x1024xf32, #tpu.memory_space<hbm>>
      tpu.wait_dma2 semaphore(%run_scoped3A : memref<!tpu.dma_semaphore, #tpu.memory_space<semaphore_mem>>) src(%arg8 : memref<16x1024xf32, #tpu.memory_space<vmem>>) dst(%dma_wait3A_88 : memref<16x1024xf32, #tpu.memory_space<hbm>>)
      tpu.yield
    }) : () -> ()
    return
  }
}

module attributes {stable_mosaic.version = 14 : i64} {
  func.func @_knn_body(%arg0: i32, %arg1: i32, %arg2: memref<1x1024x3xf32, #tpu.memory_space<vmem>>, %arg3: memref<1x3x1024xf32, #tpu.memory_space<vmem>>, %arg4: memref<1x16x1024xi32, #tpu.memory_space<vmem>>) attributes {dimension_semantics = [#tpu.dimension_semantics<arbitrary>, #tpu.dimension_semantics<arbitrary>], iteration_bounds = array<i64: 8, 1>, scalar_prefetch = 0 : i64, scratch_operands = 0 : i64, tpu.core_type = #tpu.core_type<tc>, window_params = [{transform_indices = @transform_0, window_bounds = array<i64: 1, 1024, 3>}, {transform_indices = @transform_1, window_bounds = array<i64: 1, 3, 1024>}, {transform_indices = @transform_2, window_bounds = array<i64: 1, 16, 1024>}]} {
    %get3A = arith.constant 0 : index
    %get3A_0 = arith.constant 0 : index
    %get3A_1 = arith.constant 0 : index
    %get3A_2 = vector.load %arg2[%get3A, %get3A_0, %get3A_1] : memref<1x1024x3xf32, #tpu.memory_space<vmem>>, vector<1x1024x3xf32>
    %get3A_3 = vector.shape_cast %get3A_2 : vector<1x1024x3xf32> to vector<1024x3xf32>
    %get3A_4 = arith.constant 0 : index
    %get3A_5 = arith.constant 0 : index
    %get3A_6 = arith.constant 0 : index
    %get3A_7 = vector.load %arg3[%get3A_4, %get3A_5, %get3A_6] : memref<1x3x1024xf32, #tpu.memory_space<vmem>>, vector<1x3x1024xf32>
    %get3A_8 = vector.shape_cast %get3A_7 : vector<1x3x1024xf32> to vector<3x1024xf32>
    %slice3A = vector.extract_strided_slice %get3A_3 {offsets = [0, 0], sizes = [1024, 1], strides = [1, 1]} : vector<1024x3xf32> to vector<1024x1xf32>
    %slice3A_9 = vector.extract_strided_slice %get3A_8 {offsets = [0, 0], sizes = [1, 1024], strides = [1, 1]} : vector<3x1024xf32> to vector<1x1024xf32>
    %sub3A = vector.broadcast %slice3A : vector<1024x1xf32> to vector<1024x1024xf32>
    %sub3A_10 = vector.broadcast %slice3A_9 : vector<1x1024xf32> to vector<1024x1024xf32>
    %sub3A_11 = arith.subf %sub3A, %sub3A_10 : vector<1024x1024xf32>
    %integer_pow3A = arith.mulf %sub3A_11, %sub3A_11 : vector<1024x1024xf32>
    %slice3A_12 = vector.extract_strided_slice %get3A_3 {offsets = [0, 1], sizes = [1024, 1], strides = [1, 1]} : vector<1024x3xf32> to vector<1024x1xf32>
    %slice3A_13 = vector.extract_strided_slice %get3A_8 {offsets = [1, 0], sizes = [1, 1024], strides = [1, 1]} : vector<3x1024xf32> to vector<1x1024xf32>
    %sub3A_14 = vector.broadcast %slice3A_12 : vector<1024x1xf32> to vector<1024x1024xf32>
    %sub3A_15 = vector.broadcast %slice3A_13 : vector<1x1024xf32> to vector<1024x1024xf32>
    %sub3A_16 = arith.subf %sub3A_14, %sub3A_15 : vector<1024x1024xf32>
    %integer_pow3A_17 = arith.mulf %sub3A_16, %sub3A_16 : vector<1024x1024xf32>
    %add3A = arith.addf %integer_pow3A, %integer_pow3A_17 : vector<1024x1024xf32>
    %slice3A_18 = vector.extract_strided_slice %get3A_3 {offsets = [0, 2], sizes = [1024, 1], strides = [1, 1]} : vector<1024x3xf32> to vector<1024x1xf32>
    %slice3A_19 = vector.extract_strided_slice %get3A_8 {offsets = [2, 0], sizes = [1, 1024], strides = [1, 1]} : vector<3x1024xf32> to vector<1x1024xf32>
    %sub3A_20 = vector.broadcast %slice3A_18 : vector<1024x1xf32> to vector<1024x1024xf32>
    %sub3A_21 = vector.broadcast %slice3A_19 : vector<1x1024xf32> to vector<1024x1024xf32>
    %sub3A_22 = arith.subf %sub3A_20, %sub3A_21 : vector<1024x1024xf32>
    %integer_pow3A_23 = arith.mulf %sub3A_22, %sub3A_22 : vector<1024x1024xf32>
    %add3A_24 = arith.addf %add3A, %integer_pow3A_23 : vector<1024x1024xf32>
    %max3A = arith.constant 1.17549435E-38 : f32
    %max3A_25 = vector.broadcast %max3A : f32 to vector<1024x1024xf32>
    %max3A_26 = arith.maximumf %add3A_24, %max3A_25 : vector<1024x1024xf32>
    %iota3A = tpu.iota {dimensions = array<i32: 1>} : vector<1024x1024xi32>
    %bitcast_convert_type3A = tpu.bitcast %max3A_26 : vector<1024x1024xf32> -> vector<1024x1024xi32>
    %and3A = arith.constant -1024 : i32
    %and3A_27 = vector.broadcast %and3A : i32 to vector<1024x1024xi32>
    %and3A_28 = arith.andi %bitcast_convert_type3A, %and3A_27 : vector<1024x1024xi32>
    %or3A = arith.ori %and3A_28, %iota3A : vector<1024x1024xi32>
    %bitcast_convert_type3A_29 = tpu.bitcast %or3A : vector<1024x1024xi32> -> vector<1024x1024xf32>
    %reduce_min3A = arith.constant dense<0x7F800000> : vector<1024xf32>
    %reduce_min3A_30 = vector.multi_reduction <minimumf>, %bitcast_convert_type3A_29, %reduce_min3A [1] : vector<1024x1024xf32> to vector<1024xf32>
    %bitcast_convert_type3A_31 = tpu.bitcast %reduce_min3A_30 : vector<1024xf32> -> vector<1024xi32>
    %and3A_32 = arith.constant 1023 : i32
    %and3A_33 = vector.broadcast %and3A_32 : i32 to vector<1024xi32>
    %and3A_34 = arith.andi %bitcast_convert_type3A_31, %and3A_33 : vector<1024xi32>
    %swap3A = arith.constant 0 : index
    %swap3A_35 = arith.constant 0 : index
    %swap3A_36 = arith.constant 0 : index
    %swap3A_37 = vector.load %arg4[%swap3A, %swap3A_35, %swap3A_36] : memref<1x16x1024xi32, #tpu.memory_space<vmem>>, vector<1x1x1024xi32>
    %swap3A_38 = vector.shape_cast %swap3A_37 : vector<1x1x1024xi32> to vector<1024xi32>
    %swap3A_39 = vector.shape_cast %and3A_34 : vector<1024xi32> to vector<1x1x1024xi32>
    tpu.vector_store %arg4[%swap3A, %swap3A_35, %swap3A_36], %swap3A_39 {strides = array<i32>} : memref<1x16x1024xi32, #tpu.memory_space<vmem>>, vector<1x1x1024xi32>,
    %broadcast_in_dim3A = vector.shape_cast %reduce_min3A_30 : vector<1024xf32> to vector<1024x1xf32>
    %eq3A = vector.broadcast %broadcast_in_dim3A : vector<1024x1xf32> to vector<1024x1024xf32>
    %eq3A_40 = arith.cmpf oeq, %bitcast_convert_type3A_29, %eq3A : vector<1024x1024xf32>
    %jit3A = arith.constant 0x7F800000 : f32
    %broadcast_in_dim3A_41 = vector.broadcast %jit3A : f32 to vector<1024x1024xf32>
    %select_n3A = arith.select %eq3A_40, %broadcast_in_dim3A_41, %bitcast_convert_type3A_29 : vector<1024x1024xi1>, vector<1024x1024xf32>
    %reduce_min3A_42 = arith.constant dense<0x7F800000> : vector<1024xf32>
    %reduce_min3A_43 = vector.multi_reduction <minimumf>, %select_n3A, %reduce_min3A_42 [1] : vector<1024x1024xf32> to vector<1024xf32>
    %bitcast_convert_type3A_44 = tpu.bitcast %reduce_min3A_43 : vector<1024xf32> -> vector<1024xi32>
    %and3A_45 = arith.constant 1023 : i32
    %and3A_46 = vector.broadcast %and3A_45 : i32 to vector<1024xi32>
    %and3A_47 = arith.andi %bitcast_convert_type3A_44, %and3A_46 : vector<1024xi32>
    %swap3A_48 = arith.constant 0 : index
    %swap3A_49 = arith.constant 1 : index
    %swap3A_50 = arith.constant 0 : index
    %swap3A_51 = vector.load %arg4[%swap3A_48, %swap3A_49, %swap3A_50] : memref<1x16x1024xi32, #tpu.memory_space<vmem>>, vector<1x1x1024xi32>
    %swap3A_52 = vector.shape_cast %swap3A_51 : vector<1x1x1024xi32> to vector<1024xi32>
    %swap3A_53 = vector.shape_cast %and3A_47 : vector<1024xi32> to vector<1x1x1024xi32>
    tpu.vector_store %arg4[%swap3A_48, %swap3A_49, %swap3A_50], %swap3A_53 {strides = array<i32>} : memref<1x16x1024xi32, #tpu.memory_space<vmem>>, vector<1x1x1024xi32>,
    %broadcast_in_dim3A_54 = vector.shape_cast %reduce_min3A_43 : vector<1024xf32> to vector<1024x1xf32>
    %eq3A_55 = vector.broadcast %broadcast_in_dim3A_54 : vector<1024x1xf32> to vector<1024x1024xf32>
    %eq3A_56 = arith.cmpf oeq, %select_n3A, %eq3A_55 : vector<1024x1024xf32>
    %jit3A_57 = arith.constant 0x7F800000 : f32
    %broadcast_in_dim3A_58 = vector.broadcast %jit3A_57 : f32 to vector<1024x1024xf32>
    %select_n3A_59 = arith.select %eq3A_56, %broadcast_in_dim3A_58, %select_n3A : vector<1024x1024xi1>, vector<1024x1024xf32>
    %reduce_min3A_60 = arith.constant dense<0x7F800000> : vector<1024xf32>
    %reduce_min3A_61 = vector.multi_reduction <minimumf>, %select_n3A_59, %reduce_min3A_60 [1] : vector<1024x1024xf32> to vector<1024xf32>
    %bitcast_convert_type3A_62 = tpu.bitcast %reduce_min3A_61 : vector<1024xf32> -> vector<1024xi32>
    %and3A_63 = arith.constant 1023 : i32
    %and3A_64 = vector.broadcast %and3A_63 : i32 to vector<1024xi32>
    %and3A_65 = arith.andi %bitcast_convert_type3A_62, %and3A_64 : vector<1024xi32>
    %swap3A_66 = arith.constant 0 : index
    %swap3A_67 = arith.constant 2 : index
    %swap3A_68 = arith.constant 0 : index
    %swap3A_69 = vector.load %arg4[%swap3A_66, %swap3A_67, %swap3A_68] : memref<1x16x1024xi32, #tpu.memory_space<vmem>>, vector<1x1x1024xi32>
    %swap3A_70 = vector.shape_cast %swap3A_69 : vector<1x1x1024xi32> to vector<1024xi32>
    %swap3A_71 = vector.shape_cast %and3A_65 : vector<1024xi32> to vector<1x1x1024xi32>
    tpu.vector_store %arg4[%swap3A_66, %swap3A_67, %swap3A_68], %swap3A_71 {strides = array<i32>} : memref<1x16x1024xi32, #tpu.memory_space<vmem>>, vector<1x1x1024xi32>,
    %broadcast_in_dim3A_72 = vector.shape_cast %reduce_min3A_61 : vector<1024xf32> to vector<1024x1xf32>
    %eq3A_73 = vector.broadcast %broadcast_in_dim3A_72 : vector<1024x1xf32> to vector<1024x1024xf32>
    %eq3A_74 = arith.cmpf oeq, %select_n3A_59, %eq3A_73 : vector<1024x1024xf32>
    %jit3A_75 = arith.constant 0x7F800000 : f32
    %broadcast_in_dim3A_76 = vector.broadcast %jit3A_75 : f32 to vector<1024x1024xf32>
    %select_n3A_77 = arith.select %eq3A_74, %broadcast_in_dim3A_76, %select_n3A_59 : vector<1024x1024xi1>, vector<1024x1024xf32>
    %reduce_min3A_78 = arith.constant dense<0x7F800000> : vector<1024xf32>
    %reduce_min3A_79 = vector.multi_reduction <minimumf>, %select_n3A_77, %reduce_min3A_78 [1] : vector<1024x1024xf32> to vector<1024xf32>
    %bitcast_convert_type3A_80 = tpu.bitcast %reduce_min3A_79 : vector<1024xf32> -> vector<1024xi32>
    %and3A_81 = arith.constant 1023 : i32
    %and3A_82 = vector.broadcast %and3A_81 : i32 to vector<1024xi32>
    %and3A_83 = arith.andi %bitcast_convert_type3A_80, %and3A_82 : vector<1024xi32>
    %swap3A_84 = arith.constant 0 : index
    %swap3A_85 = arith.constant 3 : index
    %swap3A_86 = arith.constant 0 : index
    %swap3A_87 = vector.load %arg4[%swap3A_84, %swap3A_85, %swap3A_86] : memref<1x16x1024xi32, #tpu.memory_space<vmem>>, vector<1x1x1024xi32>
    %swap3A_88 = vector.shape_cast %swap3A_87 : vector<1x1x1024xi32> to vector<1024xi32>
    %swap3A_89 = vector.shape_cast %and3A_83 : vector<1024xi32> to vector<1x1x1024xi32>
    tpu.vector_store %arg4[%swap3A_84, %swap3A_85, %swap3A_86], %swap3A_89 {strides = array<i32>} : memref<1x16x1024xi32, #tpu.memory_space<vmem>>, vector<1x1x1024xi32>,
    %broadcast_in_dim3A_90 = vector.shape_cast %reduce_min3A_79 : vector<1024xf32> to vector<1024x1xf32>
    %eq3A_91 = vector.broadcast %broadcast_in_dim3A_90 : vector<1024x1xf32> to vector<1024x1024xf32>
    %eq3A_92 = arith.cmpf oeq, %select_n3A_77, %eq3A_91 : vector<1024x1024xf32>
    %jit3A_93 = arith.constant 0x7F800000 : f32
    %broadcast_in_dim3A_94 = vector.broadcast %jit3A_93 : f32 to vector<1024x1024xf32>
    %select_n3A_95 = arith.select %eq3A_92, %broadcast_in_dim3A_94, %select_n3A_77 : vector<1024x1024xi1>, vector<1024x1024xf32>
    %reduce_min3A_96 = arith.constant dense<0x7F800000> : vector<1024xf32>
    %reduce_min3A_97 = vector.multi_reduction <minimumf>, %select_n3A_95, %reduce_min3A_96 [1] : vector<1024x1024xf32> to vector<1024xf32>
    %bitcast_convert_type3A_98 = tpu.bitcast %reduce_min3A_97 : vector<1024xf32> -> vector<1024xi32>
    %and3A_99 = arith.constant 1023 : i32
    %and3A_100 = vector.broadcast %and3A_99 : i32 to vector<1024xi32>
    %and3A_101 = arith.andi %bitcast_convert_type3A_98, %and3A_100 : vector<1024xi32>
    %swap3A_102 = arith.constant 0 : index
    %swap3A_103 = arith.constant 4 : index
    %swap3A_104 = arith.constant 0 : index
    %swap3A_105 = vector.load %arg4[%swap3A_102, %swap3A_103, %swap3A_104] : memref<1x16x1024xi32, #tpu.memory_space<vmem>>, vector<1x1x1024xi32>
    %swap3A_106 = vector.shape_cast %swap3A_105 : vector<1x1x1024xi32> to vector<1024xi32>
    %swap3A_107 = vector.shape_cast %and3A_101 : vector<1024xi32> to vector<1x1x1024xi32>
    tpu.vector_store %arg4[%swap3A_102, %swap3A_103, %swap3A_104], %swap3A_107 {strides = array<i32>} : memref<1x16x1024xi32, #tpu.memory_space<vmem>>, vector<1x1x1024xi32>,
    %broadcast_in_dim3A_108 = vector.shape_cast %reduce_min3A_97 : vector<1024xf32> to vector<1024x1xf32>
    %eq3A_109 = vector.broadcast %broadcast_in_dim3A_108 : vector<1024x1xf32> to vector<1024x1024xf32>
    %eq3A_110 = arith.cmpf oeq, %select_n3A_95, %eq3A_109 : vector<1024x1024xf32>
    %jit3A_111 = arith.constant 0x7F800000 : f32
    %broadcast_in_dim3A_112 = vector.broadcast %jit3A_111 : f32 to vector<1024x1024xf32>
    %select_n3A_113 = arith.select %eq3A_110, %broadcast_in_dim3A_112, %select_n3A_95 : vector<1024x1024xi1>, vector<1024x1024xf32>
    %reduce_min3A_114 = arith.constant dense<0x7F800000> : vector<1024xf32>
    %reduce_min3A_115 = vector.multi_reduction <minimumf>, %select_n3A_113, %reduce_min3A_114 [1] : vector<1024x1024xf32> to vector<1024xf32>
    %bitcast_convert_type3A_116 = tpu.bitcast %reduce_min3A_115 : vector<1024xf32> -> vector<1024xi32>
    %and3A_117 = arith.constant 1023 : i32
    %and3A_118 = vector.broadcast %and3A_117 : i32 to vector<1024xi32>
    %and3A_119 = arith.andi %bitcast_convert_type3A_116, %and3A_118 : vector<1024xi32>
    %swap3A_120 = arith.constant 0 : index
    %swap3A_121 = arith.constant 5 : index
    %swap3A_122 = arith.constant 0 : index
    %swap3A_123 = vector.load %arg4[%swap3A_120, %swap3A_121, %swap3A_122] : memref<1x16x1024xi32, #tpu.memory_space<vmem>>, vector<1x1x1024xi32>
    %swap3A_124 = vector.shape_cast %swap3A_123 : vector<1x1x1024xi32> to vector<1024xi32>
    %swap3A_125 = vector.shape_cast %and3A_119 : vector<1024xi32> to vector<1x1x1024xi32>
    tpu.vector_store %arg4[%swap3A_120, %swap3A_121, %swap3A_122], %swap3A_125 {strides = array<i32>} : memref<1x16x1024xi32, #tpu.memory_space<vmem>>, vector<1x1x1024xi32>,
    %broadcast_in_dim3A_126 = vector.shape_cast %reduce_min3A_115 : vector<1024xf32> to vector<1024x1xf32>
    %eq3A_127 = vector.broadcast %broadcast_in_dim3A_126 : vector<1024x1xf32> to vector<1024x1024xf32>
    %eq3A_128 = arith.cmpf oeq, %select_n3A_113, %eq3A_127 : vector<1024x1024xf32>
    %jit3A_129 = arith.constant 0x7F800000 : f32
    %broadcast_in_dim3A_130 = vector.broadcast %jit3A_129 : f32 to vector<1024x1024xf32>
    %select_n3A_131 = arith.select %eq3A_128, %broadcast_in_dim3A_130, %select_n3A_113 : vector<1024x1024xi1>, vector<1024x1024xf32>
    %reduce_min3A_132 = arith.constant dense<0x7F800000> : vector<1024xf32>
    %reduce_min3A_133 = vector.multi_reduction <minimumf>, %select_n3A_131, %reduce_min3A_132 [1] : vector<1024x1024xf32> to vector<1024xf32>
    %bitcast_convert_type3A_134 = tpu.bitcast %reduce_min3A_133 : vector<1024xf32> -> vector<1024xi32>
    %and3A_135 = arith.constant 1023 : i32
    %and3A_136 = vector.broadcast %and3A_135 : i32 to vector<1024xi32>
    %and3A_137 = arith.andi %bitcast_convert_type3A_134, %and3A_136 : vector<1024xi32>
    %swap3A_138 = arith.constant 0 : index
    %swap3A_139 = arith.constant 6 : index
    %swap3A_140 = arith.constant 0 : index
    %swap3A_141 = vector.load %arg4[%swap3A_138, %swap3A_139, %swap3A_140] : memref<1x16x1024xi32, #tpu.memory_space<vmem>>, vector<1x1x1024xi32>
    %swap3A_142 = vector.shape_cast %swap3A_141 : vector<1x1x1024xi32> to vector<1024xi32>
    %swap3A_143 = vector.shape_cast %and3A_137 : vector<1024xi32> to vector<1x1x1024xi32>
    tpu.vector_store %arg4[%swap3A_138, %swap3A_139, %swap3A_140], %swap3A_143 {strides = array<i32>} : memref<1x16x1024xi32, #tpu.memory_space<vmem>>, vector<1x1x1024xi32>,
    %broadcast_in_dim3A_144 = vector.shape_cast %reduce_min3A_133 : vector<1024xf32> to vector<1024x1xf32>
    %eq3A_145 = vector.broadcast %broadcast_in_dim3A_144 : vector<1024x1xf32> to vector<1024x1024xf32>
    %eq3A_146 = arith.cmpf oeq, %select_n3A_131, %eq3A_145 : vector<1024x1024xf32>
    %jit3A_147 = arith.constant 0x7F800000 : f32
    %broadcast_in_dim3A_148 = vector.broadcast %jit3A_147 : f32 to vector<1024x1024xf32>
    %select_n3A_149 = arith.select %eq3A_146, %broadcast_in_dim3A_148, %select_n3A_131 : vector<1024x1024xi1>, vector<1024x1024xf32>
    %reduce_min3A_150 = arith.constant dense<0x7F800000> : vector<1024xf32>
    %reduce_min3A_151 = vector.multi_reduction <minimumf>, %select_n3A_149, %reduce_min3A_150 [1] : vector<1024x1024xf32> to vector<1024xf32>
    %bitcast_convert_type3A_152 = tpu.bitcast %reduce_min3A_151 : vector<1024xf32> -> vector<1024xi32>
    %and3A_153 = arith.constant 1023 : i32
    %and3A_154 = vector.broadcast %and3A_153 : i32 to vector<1024xi32>
    %and3A_155 = arith.andi %bitcast_convert_type3A_152, %and3A_154 : vector<1024xi32>
    %swap3A_156 = arith.constant 0 : index
    %swap3A_157 = arith.constant 7 : index
    %swap3A_158 = arith.constant 0 : index
    %swap3A_159 = vector.load %arg4[%swap3A_156, %swap3A_157, %swap3A_158] : memref<1x16x1024xi32, #tpu.memory_space<vmem>>, vector<1x1x1024xi32>
    %swap3A_160 = vector.shape_cast %swap3A_159 : vector<1x1x1024xi32> to vector<1024xi32>
    %swap3A_161 = vector.shape_cast %and3A_155 : vector<1024xi32> to vector<1x1x1024xi32>
    tpu.vector_store %arg4[%swap3A_156, %swap3A_157, %swap3A_158], %swap3A_161 {strides = array<i32>} : memref<1x16x1024xi32, #tpu.memory_space<vmem>>, vector<1x1x1024xi32>,
    %broadcast_in_dim3A_162 = vector.shape_cast %reduce_min3A_151 : vector<1024xf32> to vector<1024x1xf32>
    %eq3A_163 = vector.broadcast %broadcast_in_dim3A_162 : vector<1024x1xf32> to vector<1024x1024xf32>
    %eq3A_164 = arith.cmpf oeq, %select_n3A_149, %eq3A_163 : vector<1024x1024xf32>
    %jit3A_165 = arith.constant 0x7F800000 : f32
    %broadcast_in_dim3A_166 = vector.broadcast %jit3A_165 : f32 to vector<1024x1024xf32>
    %select_n3A_167 = arith.select %eq3A_164, %broadcast_in_dim3A_166, %select_n3A_149 : vector<1024x1024xi1>, vector<1024x1024xf32>
    %reduce_min3A_168 = arith.constant dense<0x7F800000> : vector<1024xf32>
    %reduce_min3A_169 = vector.multi_reduction <minimumf>, %select_n3A_167, %reduce_min3A_168 [1] : vector<1024x1024xf32> to vector<1024xf32>
    %bitcast_convert_type3A_170 = tpu.bitcast %reduce_min3A_169 : vector<1024xf32> -> vector<1024xi32>
    %and3A_171 = arith.constant 1023 : i32
    %and3A_172 = vector.broadcast %and3A_171 : i32 to vector<1024xi32>
    %and3A_173 = arith.andi %bitcast_convert_type3A_170, %and3A_172 : vector<1024xi32>
    %swap3A_174 = arith.constant 0 : index
    %swap3A_175 = arith.constant 8 : index
    %swap3A_176 = arith.constant 0 : index
    %swap3A_177 = vector.load %arg4[%swap3A_174, %swap3A_175, %swap3A_176] : memref<1x16x1024xi32, #tpu.memory_space<vmem>>, vector<1x1x1024xi32>
    %swap3A_178 = vector.shape_cast %swap3A_177 : vector<1x1x1024xi32> to vector<1024xi32>
    %swap3A_179 = vector.shape_cast %and3A_173 : vector<1024xi32> to vector<1x1x1024xi32>
    tpu.vector_store %arg4[%swap3A_174, %swap3A_175, %swap3A_176], %swap3A_179 {strides = array<i32>} : memref<1x16x1024xi32, #tpu.memory_space<vmem>>, vector<1x1x1024xi32>,
    %broadcast_in_dim3A_180 = vector.shape_cast %reduce_min3A_169 : vector<1024xf32> to vector<1024x1xf32>
    %eq3A_181 = vector.broadcast %broadcast_in_dim3A_180 : vector<1024x1xf32> to vector<1024x1024xf32>
    %eq3A_182 = arith.cmpf oeq, %select_n3A_167, %eq3A_181 : vector<1024x1024xf32>
    %jit3A_183 = arith.constant 0x7F800000 : f32
    %broadcast_in_dim3A_184 = vector.broadcast %jit3A_183 : f32 to vector<1024x1024xf32>
    %select_n3A_185 = arith.select %eq3A_182, %broadcast_in_dim3A_184, %select_n3A_167 : vector<1024x1024xi1>, vector<1024x1024xf32>
    %reduce_min3A_186 = arith.constant dense<0x7F800000> : vector<1024xf32>
    %reduce_min3A_187 = vector.multi_reduction <minimumf>, %select_n3A_185, %reduce_min3A_186 [1] : vector<1024x1024xf32> to vector<1024xf32>
    %bitcast_convert_type3A_188 = tpu.bitcast %reduce_min3A_187 : vector<1024xf32> -> vector<1024xi32>
    %and3A_189 = arith.constant 1023 : i32
    %and3A_190 = vector.broadcast %and3A_189 : i32 to vector<1024xi32>
    %and3A_191 = arith.andi %bitcast_convert_type3A_188, %and3A_190 : vector<1024xi32>
    %swap3A_192 = arith.constant 0 : index
    %swap3A_193 = arith.constant 9 : index
    %swap3A_194 = arith.constant 0 : index
    %swap3A_195 = vector.load %arg4[%swap3A_192, %swap3A_193, %swap3A_194] : memref<1x16x1024xi32, #tpu.memory_space<vmem>>, vector<1x1x1024xi32>
    %swap3A_196 = vector.shape_cast %swap3A_195 : vector<1x1x1024xi32> to vector<1024xi32>
    %swap3A_197 = vector.shape_cast %and3A_191 : vector<1024xi32> to vector<1x1x1024xi32>
    tpu.vector_store %arg4[%swap3A_192, %swap3A_193, %swap3A_194], %swap3A_197 {strides = array<i32>} : memref<1x16x1024xi32, #tpu.memory_space<vmem>>, vector<1x1x1024xi32>,
    %broadcast_in_dim3A_198 = vector.shape_cast %reduce_min3A_187 : vector<1024xf32> to vector<1024x1xf32>
    %eq3A_199 = vector.broadcast %broadcast_in_dim3A_198 : vector<1024x1xf32> to vector<1024x1024xf32>
    %eq3A_200 = arith.cmpf oeq, %select_n3A_185, %eq3A_199 : vector<1024x1024xf32>
    %jit3A_201 = arith.constant 0x7F800000 : f32
    %broadcast_in_dim3A_202 = vector.broadcast %jit3A_201 : f32 to vector<1024x1024xf32>
    %select_n3A_203 = arith.select %eq3A_200, %broadcast_in_dim3A_202, %select_n3A_185 : vector<1024x1024xi1>, vector<1024x1024xf32>
    %reduce_min3A_204 = arith.constant dense<0x7F800000> : vector<1024xf32>
    %reduce_min3A_205 = vector.multi_reduction <minimumf>, %select_n3A_203, %reduce_min3A_204 [1] : vector<1024x1024xf32> to vector<1024xf32>
    %bitcast_convert_type3A_206 = tpu.bitcast %reduce_min3A_205 : vector<1024xf32> -> vector<1024xi32>
    %and3A_207 = arith.constant 1023 : i32
    %and3A_208 = vector.broadcast %and3A_207 : i32 to vector<1024xi32>
    %and3A_209 = arith.andi %bitcast_convert_type3A_206, %and3A_208 : vector<1024xi32>
    %swap3A_210 = arith.constant 0 : index
    %swap3A_211 = arith.constant 10 : index
    %swap3A_212 = arith.constant 0 : index
    %swap3A_213 = vector.load %arg4[%swap3A_210, %swap3A_211, %swap3A_212] : memref<1x16x1024xi32, #tpu.memory_space<vmem>>, vector<1x1x1024xi32>
    %swap3A_214 = vector.shape_cast %swap3A_213 : vector<1x1x1024xi32> to vector<1024xi32>
    %swap3A_215 = vector.shape_cast %and3A_209 : vector<1024xi32> to vector<1x1x1024xi32>
    tpu.vector_store %arg4[%swap3A_210, %swap3A_211, %swap3A_212], %swap3A_215 {strides = array<i32>} : memref<1x16x1024xi32, #tpu.memory_space<vmem>>, vector<1x1x1024xi32>,
    %broadcast_in_dim3A_216 = vector.shape_cast %reduce_min3A_205 : vector<1024xf32> to vector<1024x1xf32>
    %eq3A_217 = vector.broadcast %broadcast_in_dim3A_216 : vector<1024x1xf32> to vector<1024x1024xf32>
    %eq3A_218 = arith.cmpf oeq, %select_n3A_203, %eq3A_217 : vector<1024x1024xf32>
    %jit3A_219 = arith.constant 0x7F800000 : f32
    %broadcast_in_dim3A_220 = vector.broadcast %jit3A_219 : f32 to vector<1024x1024xf32>
    %select_n3A_221 = arith.select %eq3A_218, %broadcast_in_dim3A_220, %select_n3A_203 : vector<1024x1024xi1>, vector<1024x1024xf32>
    %reduce_min3A_222 = arith.constant dense<0x7F800000> : vector<1024xf32>
    %reduce_min3A_223 = vector.multi_reduction <minimumf>, %select_n3A_221, %reduce_min3A_222 [1] : vector<1024x1024xf32> to vector<1024xf32>
    %bitcast_convert_type3A_224 = tpu.bitcast %reduce_min3A_223 : vector<1024xf32> -> vector<1024xi32>
    %and3A_225 = arith.constant 1023 : i32
    %and3A_226 = vector.broadcast %and3A_225 : i32 to vector<1024xi32>
    %and3A_227 = arith.andi %bitcast_convert_type3A_224, %and3A_226 : vector<1024xi32>
    %swap3A_228 = arith.constant 0 : index
    %swap3A_229 = arith.constant 11 : index
    %swap3A_230 = arith.constant 0 : index
    %swap3A_231 = vector.load %arg4[%swap3A_228, %swap3A_229, %swap3A_230] : memref<1x16x1024xi32, #tpu.memory_space<vmem>>, vector<1x1x1024xi32>
    %swap3A_232 = vector.shape_cast %swap3A_231 : vector<1x1x1024xi32> to vector<1024xi32>
    %swap3A_233 = vector.shape_cast %and3A_227 : vector<1024xi32> to vector<1x1x1024xi32>
    tpu.vector_store %arg4[%swap3A_228, %swap3A_229, %swap3A_230], %swap3A_233 {strides = array<i32>} : memref<1x16x1024xi32, #tpu.memory_space<vmem>>, vector<1x1x1024xi32>,
    %broadcast_in_dim3A_234 = vector.shape_cast %reduce_min3A_223 : vector<1024xf32> to vector<1024x1xf32>
    %eq3A_235 = vector.broadcast %broadcast_in_dim3A_234 : vector<1024x1xf32> to vector<1024x1024xf32>
    %eq3A_236 = arith.cmpf oeq, %select_n3A_221, %eq3A_235 : vector<1024x1024xf32>
    %jit3A_237 = arith.constant 0x7F800000 : f32
    %broadcast_in_dim3A_238 = vector.broadcast %jit3A_237 : f32 to vector<1024x1024xf32>
    %select_n3A_239 = arith.select %eq3A_236, %broadcast_in_dim3A_238, %select_n3A_221 : vector<1024x1024xi1>, vector<1024x1024xf32>
    %reduce_min3A_240 = arith.constant dense<0x7F800000> : vector<1024xf32>
    %reduce_min3A_241 = vector.multi_reduction <minimumf>, %select_n3A_239, %reduce_min3A_240 [1] : vector<1024x1024xf32> to vector<1024xf32>
    %bitcast_convert_type3A_242 = tpu.bitcast %reduce_min3A_241 : vector<1024xf32> -> vector<1024xi32>
    %and3A_243 = arith.constant 1023 : i32
    %and3A_244 = vector.broadcast %and3A_243 : i32 to vector<1024xi32>
    %and3A_245 = arith.andi %bitcast_convert_type3A_242, %and3A_244 : vector<1024xi32>
    %swap3A_246 = arith.constant 0 : index
    %swap3A_247 = arith.constant 12 : index
    %swap3A_248 = arith.constant 0 : index
    %swap3A_249 = vector.load %arg4[%swap3A_246, %swap3A_247, %swap3A_248] : memref<1x16x1024xi32, #tpu.memory_space<vmem>>, vector<1x1x1024xi32>
    %swap3A_250 = vector.shape_cast %swap3A_249 : vector<1x1x1024xi32> to vector<1024xi32>
    %swap3A_251 = vector.shape_cast %and3A_245 : vector<1024xi32> to vector<1x1x1024xi32>
    tpu.vector_store %arg4[%swap3A_246, %swap3A_247, %swap3A_248], %swap3A_251 {strides = array<i32>} : memref<1x16x1024xi32, #tpu.memory_space<vmem>>, vector<1x1x1024xi32>,
    %broadcast_in_dim3A_252 = vector.shape_cast %reduce_min3A_241 : vector<1024xf32> to vector<1024x1xf32>
    %eq3A_253 = vector.broadcast %broadcast_in_dim3A_252 : vector<1024x1xf32> to vector<1024x1024xf32>
    %eq3A_254 = arith.cmpf oeq, %select_n3A_239, %eq3A_253 : vector<1024x1024xf32>
    %jit3A_255 = arith.constant 0x7F800000 : f32
    %broadcast_in_dim3A_256 = vector.broadcast %jit3A_255 : f32 to vector<1024x1024xf32>
    %select_n3A_257 = arith.select %eq3A_254, %broadcast_in_dim3A_256, %select_n3A_239 : vector<1024x1024xi1>, vector<1024x1024xf32>
    %reduce_min3A_258 = arith.constant dense<0x7F800000> : vector<1024xf32>
    %reduce_min3A_259 = vector.multi_reduction <minimumf>, %select_n3A_257, %reduce_min3A_258 [1] : vector<1024x1024xf32> to vector<1024xf32>
    %bitcast_convert_type3A_260 = tpu.bitcast %reduce_min3A_259 : vector<1024xf32> -> vector<1024xi32>
    %and3A_261 = arith.constant 1023 : i32
    %and3A_262 = vector.broadcast %and3A_261 : i32 to vector<1024xi32>
    %and3A_263 = arith.andi %bitcast_convert_type3A_260, %and3A_262 : vector<1024xi32>
    %swap3A_264 = arith.constant 0 : index
    %swap3A_265 = arith.constant 13 : index
    %swap3A_266 = arith.constant 0 : index
    %swap3A_267 = vector.load %arg4[%swap3A_264, %swap3A_265, %swap3A_266] : memref<1x16x1024xi32, #tpu.memory_space<vmem>>, vector<1x1x1024xi32>
    %swap3A_268 = vector.shape_cast %swap3A_267 : vector<1x1x1024xi32> to vector<1024xi32>
    %swap3A_269 = vector.shape_cast %and3A_263 : vector<1024xi32> to vector<1x1x1024xi32>
    tpu.vector_store %arg4[%swap3A_264, %swap3A_265, %swap3A_266], %swap3A_269 {strides = array<i32>} : memref<1x16x1024xi32, #tpu.memory_space<vmem>>, vector<1x1x1024xi32>,
    %broadcast_in_dim3A_270 = vector.shape_cast %reduce_min3A_259 : vector<1024xf32> to vector<1024x1xf32>
    %eq3A_271 = vector.broadcast %broadcast_in_dim3A_270 : vector<1024x1xf32> to vector<1024x1024xf32>
    %eq3A_272 = arith.cmpf oeq, %select_n3A_257, %eq3A_271 : vector<1024x1024xf32>
    %jit3A_273 = arith.constant 0x7F800000 : f32
    %broadcast_in_dim3A_274 = vector.broadcast %jit3A_273 : f32 to vector<1024x1024xf32>
    %select_n3A_275 = arith.select %eq3A_272, %broadcast_in_dim3A_274, %select_n3A_257 : vector<1024x1024xi1>, vector<1024x1024xf32>
    %reduce_min3A_276 = arith.constant dense<0x7F800000> : vector<1024xf32>
    %reduce_min3A_277 = vector.multi_reduction <minimumf>, %select_n3A_275, %reduce_min3A_276 [1] : vector<1024x1024xf32> to vector<1024xf32>
    %bitcast_convert_type3A_278 = tpu.bitcast %reduce_min3A_277 : vector<1024xf32> -> vector<1024xi32>
    %and3A_279 = arith.constant 1023 : i32
    %and3A_280 = vector.broadcast %and3A_279 : i32 to vector<1024xi32>
    %and3A_281 = arith.andi %bitcast_convert_type3A_278, %and3A_280 : vector<1024xi32>
    %swap3A_282 = arith.constant 0 : index
    %swap3A_283 = arith.constant 14 : index
    %swap3A_284 = arith.constant 0 : index
    %swap3A_285 = vector.load %arg4[%swap3A_282, %swap3A_283, %swap3A_284] : memref<1x16x1024xi32, #tpu.memory_space<vmem>>, vector<1x1x1024xi32>
    %swap3A_286 = vector.shape_cast %swap3A_285 : vector<1x1x1024xi32> to vector<1024xi32>
    %swap3A_287 = vector.shape_cast %and3A_281 : vector<1024xi32> to vector<1x1x1024xi32>
    tpu.vector_store %arg4[%swap3A_282, %swap3A_283, %swap3A_284], %swap3A_287 {strides = array<i32>} : memref<1x16x1024xi32, #tpu.memory_space<vmem>>, vector<1x1x1024xi32>,
    %broadcast_in_dim3A_288 = vector.shape_cast %reduce_min3A_277 : vector<1024xf32> to vector<1024x1xf32>
    %eq3A_289 = vector.broadcast %broadcast_in_dim3A_288 : vector<1024x1xf32> to vector<1024x1024xf32>
    %eq3A_290 = arith.cmpf oeq, %select_n3A_275, %eq3A_289 : vector<1024x1024xf32>
    %jit3A_291 = arith.constant 0x7F800000 : f32
    %broadcast_in_dim3A_292 = vector.broadcast %jit3A_291 : f32 to vector<1024x1024xf32>
    %select_n3A_293 = arith.select %eq3A_290, %broadcast_in_dim3A_292, %select_n3A_275 : vector<1024x1024xi1>, vector<1024x1024xf32>
    %reduce_min3A_294 = arith.constant dense<0x7F800000> : vector<1024xf32>
    %reduce_min3A_295 = vector.multi_reduction <minimumf>, %select_n3A_293, %reduce_min3A_294 [1] : vector<1024x1024xf32> to vector<1024xf32>
    %bitcast_convert_type3A_296 = tpu.bitcast %reduce_min3A_295 : vector<1024xf32> -> vector<1024xi32>
    %and3A_297 = arith.constant 1023 : i32
    %and3A_298 = vector.broadcast %and3A_297 : i32 to vector<1024xi32>
    %and3A_299 = arith.andi %bitcast_convert_type3A_296, %and3A_298 : vector<1024xi32>
    %swap3A_300 = arith.constant 0 : index
    %swap3A_301 = arith.constant 15 : index
    %swap3A_302 = arith.constant 0 : index
    %swap3A_303 = vector.load %arg4[%swap3A_300, %swap3A_301, %swap3A_302] : memref<1x16x1024xi32, #tpu.memory_space<vmem>>, vector<1x1x1024xi32>
    %swap3A_304 = vector.shape_cast %swap3A_303 : vector<1x1x1024xi32> to vector<1024xi32>
    %swap3A_305 = vector.shape_cast %and3A_299 : vector<1024xi32> to vector<1x1x1024xi32>
    tpu.vector_store %arg4[%swap3A_300, %swap3A_301, %swap3A_302], %swap3A_305 {strides = array<i32>} : memref<1x16x1024xi32, #tpu.memory_space<vmem>>, vector<1x1x1024xi32>,
    return
  }
  func.func @transform_0(%arg0: i32, %arg1: i32) -> (i32, i32, i32) {
    %c0_i32 = arith.constant 0 : i32
    %c0_i32_0 = arith.constant 0 : i32
    return %arg0, %arg1, %c0_i32 : i32, i32, i32
  }
  func.func @transform_1(%arg0: i32, %arg1: i32) -> (i32, i32, i32) {
    %c0_i32 = arith.constant 0 : i32
    %c0_i32_0 = arith.constant 0 : i32
    %c0_i32_1 = arith.constant 0 : i32
    return %arg0, %c0_i32, %c0_i32_0 : i32, i32, i32
  }
  func.func @transform_2(%arg0: i32, %arg1: i32) -> (i32, i32, i32) {
    %c0_i32 = arith.constant 0 : i32
    %c0_i32_0 = arith.constant 0 : i32
    return %arg0, %c0_i32, %arg1 : i32, i32, i32
  }
}

module attributes {stable_mosaic.version = 14 : i64} {
  func.func @body(%arg0: i32, %arg1: memref<1x3x1024xf32, #tpu.memory_space<vmem>>, %arg2: memref<1x3x1024xf32, #tpu.memory_space<vmem>>, %arg3: memref<64x3xf32, #tpu.memory_space<vmem>>, %arg4: memref<64x3xf32, #tpu.memory_space<vmem>>, %arg5: memref<64x1xf32, #tpu.memory_space<vmem>>, %arg6: memref<1x64x1024xf32, #tpu.memory_space<vmem>>, %arg7: memref<1x64x1024xf32, #tpu.memory_space<vmem>>) attributes {dimension_semantics = [#tpu.dimension_semantics<arbitrary>], iteration_bounds = array<i64: 8>, scalar_prefetch = 0 : i64, scratch_operands = 0 : i64, tpu.core_type = #tpu.core_type<tc>, window_params = [{transform_indices = @transform_0, window_bounds = array<i64: 1, 3, 1024>}, {transform_indices = @transform_1, window_bounds = array<i64: 1, 3, 1024>}, {pipeline_mode = #tpu.pipeline_mode<synchronous>, transform_indices = @transform_2, window_bounds = array<i64: 64, 3>}, {pipeline_mode = #tpu.pipeline_mode<synchronous>, transform_indices = @transform_3, window_bounds = array<i64: 64, 3>}, {pipeline_mode = #tpu.pipeline_mode<synchronous>, transform_indices = @transform_4, window_bounds = array<i64: 64, 1>}, {transform_indices = @transform_5, window_bounds = array<i64: 1, 64, 1024>}, {transform_indices = @transform_6, window_bounds = array<i64: 1, 64, 1024>}]} {
    %get3A = arith.constant 0 : index
    %get3A_0 = arith.constant 0 : index
    %get3A_1 = arith.constant 0 : index
    %get3A_2 = vector.load %arg1[%get3A, %get3A_0, %get3A_1] : memref<1x3x1024xf32, #tpu.memory_space<vmem>>, vector<1x3x1024xf32>
    %get3A_3 = vector.shape_cast %get3A_2 : vector<1x3x1024xf32> to vector<3x1024xf32>
    %broadcast_in_dim3A = arith.constant 0.000000e+00 : f32
    %broadcast_in_dim3A_4 = vector.broadcast %broadcast_in_dim3A : f32 to vector<64x1024xf32>
    %broadcast_in_dim3A_5 = arith.constant 0.000000e+00 : f32
    %broadcast_in_dim3A_6 = vector.broadcast %broadcast_in_dim3A_5 : f32 to vector<64x1024xf32>
    %get3A_7 = arith.constant 0 : index
    %get3A_8 = arith.constant 0 : index
    %get3A_9 = vector.load %arg3[%get3A_7, %get3A_8] : memref<64x3xf32, #tpu.memory_space<vmem>>, vector<64x1xf32>
    %slice3A = vector.extract_strided_slice %get3A_3 {offsets = [0, 0], sizes = [1, 1024], strides = [1, 1]} : vector<3x1024xf32> to vector<1x1024xf32>
    %mul3A = vector.broadcast %get3A_9 : vector<64x1xf32> to vector<64x1024xf32>
    %mul3A_10 = vector.broadcast %slice3A : vector<1x1024xf32> to vector<64x1024xf32>
    %mul3A_11 = arith.mulf %mul3A, %mul3A_10 : vector<64x1024xf32>
    %add3A = arith.addf %broadcast_in_dim3A_4, %mul3A_11 : vector<64x1024xf32>
    %get3A_12 = arith.constant 0 : index
    %get3A_13 = arith.constant 0 : index
    %get3A_14 = vector.load %arg4[%get3A_12, %get3A_13] : memref<64x3xf32, #tpu.memory_space<vmem>>, vector<64x1xf32>
    %slice3A_15 = vector.extract_strided_slice %get3A_3 {offsets = [0, 0], sizes = [1, 1024], strides = [1, 1]} : vector<3x1024xf32> to vector<1x1024xf32>
    %mul3A_16 = vector.broadcast %get3A_14 : vector<64x1xf32> to vector<64x1024xf32>
    %mul3A_17 = vector.broadcast %slice3A_15 : vector<1x1024xf32> to vector<64x1024xf32>
    %mul3A_18 = arith.mulf %mul3A_16, %mul3A_17 : vector<64x1024xf32>
    %add3A_19 = arith.addf %broadcast_in_dim3A_6, %mul3A_18 : vector<64x1024xf32>
    %get3A_20 = arith.constant 0 : index
    %get3A_21 = arith.constant 1 : index
    %get3A_22 = vector.load %arg3[%get3A_20, %get3A_21] : memref<64x3xf32, #tpu.memory_space<vmem>>, vector<64x1xf32>
    %slice3A_23 = vector.extract_strided_slice %get3A_3 {offsets = [1, 0], sizes = [1, 1024], strides = [1, 1]} : vector<3x1024xf32> to vector<1x1024xf32>
    %mul3A_24 = vector.broadcast %get3A_22 : vector<64x1xf32> to vector<64x1024xf32>
    %mul3A_25 = vector.broadcast %slice3A_23 : vector<1x1024xf32> to vector<64x1024xf32>
    %mul3A_26 = arith.mulf %mul3A_24, %mul3A_25 : vector<64x1024xf32>
    %add3A_27 = arith.addf %add3A, %mul3A_26 : vector<64x1024xf32>
    %get3A_28 = arith.constant 0 : index
    %get3A_29 = arith.constant 1 : index
    %get3A_30 = vector.load %arg4[%get3A_28, %get3A_29] : memref<64x3xf32, #tpu.memory_space<vmem>>, vector<64x1xf32>
    %slice3A_31 = vector.extract_strided_slice %get3A_3 {offsets = [1, 0], sizes = [1, 1024], strides = [1, 1]} : vector<3x1024xf32> to vector<1x1024xf32>
    %mul3A_32 = vector.broadcast %get3A_30 : vector<64x1xf32> to vector<64x1024xf32>
    %mul3A_33 = vector.broadcast %slice3A_31 : vector<1x1024xf32> to vector<64x1024xf32>
    %mul3A_34 = arith.mulf %mul3A_32, %mul3A_33 : vector<64x1024xf32>
    %add3A_35 = arith.addf %add3A_19, %mul3A_34 : vector<64x1024xf32>
    %get3A_36 = arith.constant 0 : index
    %get3A_37 = arith.constant 2 : index
    %get3A_38 = vector.load %arg3[%get3A_36, %get3A_37] : memref<64x3xf32, #tpu.memory_space<vmem>>, vector<64x1xf32>
    %slice3A_39 = vector.extract_strided_slice %get3A_3 {offsets = [2, 0], sizes = [1, 1024], strides = [1, 1]} : vector<3x1024xf32> to vector<1x1024xf32>
    %mul3A_40 = vector.broadcast %get3A_38 : vector<64x1xf32> to vector<64x1024xf32>
    %mul3A_41 = vector.broadcast %slice3A_39 : vector<1x1024xf32> to vector<64x1024xf32>
    %mul3A_42 = arith.mulf %mul3A_40, %mul3A_41 : vector<64x1024xf32>
    %add3A_43 = arith.addf %add3A_27, %mul3A_42 : vector<64x1024xf32>
    %get3A_44 = arith.constant 0 : index
    %get3A_45 = arith.constant 2 : index
    %get3A_46 = vector.load %arg4[%get3A_44, %get3A_45] : memref<64x3xf32, #tpu.memory_space<vmem>>, vector<64x1xf32>
    %slice3A_47 = vector.extract_strided_slice %get3A_3 {offsets = [2, 0], sizes = [1, 1024], strides = [1, 1]} : vector<3x1024xf32> to vector<1x1024xf32>
    %mul3A_48 = vector.broadcast %get3A_46 : vector<64x1xf32> to vector<64x1024xf32>
    %mul3A_49 = vector.broadcast %slice3A_47 : vector<1x1024xf32> to vector<64x1024xf32>
    %mul3A_50 = arith.mulf %mul3A_48, %mul3A_49 : vector<64x1024xf32>
    %add3A_51 = arith.addf %add3A_35, %mul3A_50 : vector<64x1024xf32>
    %get3A_52 = arith.constant 0 : index
    %get3A_53 = arith.constant 0 : index
    %get3A_54 = vector.load %arg5[%get3A_52, %get3A_53] : memref<64x1xf32, #tpu.memory_space<vmem>>, vector<64x1xf32>
    %add3A_55 = vector.broadcast %get3A_54 : vector<64x1xf32> to vector<64x1024xf32>
    %add3A_56 = arith.addf %add3A_43, %add3A_55 : vector<64x1024xf32>
    %swap3A = arith.constant 0 : index
    %swap3A_57 = arith.constant 0 : index
    %swap3A_58 = arith.constant 0 : index
    %swap3A_59 = vector.load %arg6[%swap3A, %swap3A_57, %swap3A_58] : memref<1x64x1024xf32, #tpu.memory_space<vmem>>, vector<1x64x1024xf32>
    %swap3A_60 = vector.shape_cast %swap3A_59 : vector<1x64x1024xf32> to vector<64x1024xf32>
    %swap3A_61 = vector.shape_cast %add3A_56 : vector<64x1024xf32> to vector<1x64x1024xf32>
    tpu.vector_store %arg6[%swap3A, %swap3A_57, %swap3A_58], %swap3A_61 {strides = array<i32>} : memref<1x64x1024xf32, #tpu.memory_space<vmem>>, vector<1x64x1024xf32>,
    %swap3A_62 = arith.constant 0 : index
    %swap3A_63 = arith.constant 0 : index
    %swap3A_64 = arith.constant 0 : index
    %swap3A_65 = vector.load %arg7[%swap3A_62, %swap3A_63, %swap3A_64] : memref<1x64x1024xf32, #tpu.memory_space<vmem>>, vector<1x64x1024xf32>
    %swap3A_66 = vector.shape_cast %swap3A_65 : vector<1x64x1024xf32> to vector<64x1024xf32>
    %swap3A_67 = vector.shape_cast %add3A_51 : vector<64x1024xf32> to vector<1x64x1024xf32>
    tpu.vector_store %arg7[%swap3A_62, %swap3A_63, %swap3A_64], %swap3A_67 {strides = array<i32>} : memref<1x64x1024xf32, #tpu.memory_space<vmem>>, vector<1x64x1024xf32>,
    return
  }
  func.func @transform_0(%arg0: i32) -> (i32, i32, i32) {
    %c0_i32 = arith.constant 0 : i32
    %c0_i32_0 = arith.constant 0 : i32
    %c0_i32_1 = arith.constant 0 : i32
    return %arg0, %c0_i32, %c0_i32_0 : i32, i32, i32
  }
  func.func @transform_1(%arg0: i32) -> (i32, i32, i32) {
    %c0_i32 = arith.constant 0 : i32
    %c0_i32_0 = arith.constant 0 : i32
    %c0_i32_1 = arith.constant 0 : i32
    return %arg0, %c0_i32, %c0_i32_0 : i32, i32, i32
  }
  func.func @transform_2(%arg0: i32) -> (i32, i32) {
    %c0_i32 = arith.constant 0 : i32
    %c0_i32_0 = arith.constant 0 : i32
    %c0_i32_1 = arith.constant 0 : i32
    return %c0_i32, %c0_i32_0 : i32, i32
  }
  func.func @transform_3(%arg0: i32) -> (i32, i32) {
    %c0_i32 = arith.constant 0 : i32
    %c0_i32_0 = arith.constant 0 : i32
    %c0_i32_1 = arith.constant 0 : i32
    return %c0_i32, %c0_i32_0 : i32, i32
  }
  func.func @transform_4(%arg0: i32) -> (i32, i32) {
    %c0_i32 = arith.constant 0 : i32
    %c0_i32_0 = arith.constant 0 : i32
    %c0_i32_1 = arith.constant 0 : i32
    return %c0_i32, %c0_i32_0 : i32, i32
  }
  func.func @transform_5(%arg0: i32) -> (i32, i32, i32) {
    %c0_i32 = arith.constant 0 : i32
    %c0_i32_0 = arith.constant 0 : i32
    %c0_i32_1 = arith.constant 0 : i32
    return %arg0, %c0_i32, %c0_i32_0 : i32, i32, i32
  }
  func.func @transform_6(%arg0: i32) -> (i32, i32, i32) {
    %c0_i32 = arith.constant 0 : i32
    %c0_i32_0 = arith.constant 0 : i32
    %c0_i32_1 = arith.constant 0 : i32
    return %arg0, %c0_i32, %c0_i32_0 : i32, i32, i32
  }
}

module attributes {stable_mosaic.version = 14 : i64} {
  func.func @body(%arg0: i32, %arg1: memref<1x64x1024xf32, #tpu.memory_space<vmem>>, %arg2: memref<1x64x1024xf32, #tpu.memory_space<vmem>>, %arg3: memref<64x64xf32, #tpu.memory_space<vmem>>, %arg4: memref<64x64xf32, #tpu.memory_space<vmem>>, %arg5: memref<64x1xf32, #tpu.memory_space<vmem>>, %arg6: memref<1x64x1024xf32, #tpu.memory_space<vmem>>, %arg7: memref<1x64x1024xf32, #tpu.memory_space<vmem>>) attributes {dimension_semantics = [#tpu.dimension_semantics<arbitrary>], iteration_bounds = array<i64: 8>, scalar_prefetch = 0 : i64, scratch_operands = 0 : i64, tpu.core_type = #tpu.core_type<tc>, window_params = [{transform_indices = @transform_0, window_bounds = array<i64: 1, 64, 1024>}, {transform_indices = @transform_1, window_bounds = array<i64: 1, 64, 1024>}, {pipeline_mode = #tpu.pipeline_mode<synchronous>, transform_indices = @transform_2, window_bounds = array<i64: 64, 64>}, {pipeline_mode = #tpu.pipeline_mode<synchronous>, transform_indices = @transform_3, window_bounds = array<i64: 64, 64>}, {pipeline_mode = #tpu.pipeline_mode<synchronous>, transform_indices = @transform_4, window_bounds = array<i64: 64, 1>}, {transform_indices = @transform_5, window_bounds = array<i64: 1, 64, 1024>}, {transform_indices = @transform_6, window_bounds = array<i64: 1, 64, 1024>}]} {
    %get3A = arith.constant 0 : index
    %get3A_0 = arith.constant 0 : index
    %get3A_1 = arith.constant 0 : index
    %get3A_2 = vector.load %arg1[%get3A, %get3A_0, %get3A_1] : memref<1x64x1024xf32, #tpu.memory_space<vmem>>, vector<1x64x1024xf32>
    %get3A_3 = vector.shape_cast %get3A_2 : vector<1x64x1024xf32> to vector<64x1024xf32>
    %get3A_4 = arith.constant 0 : index
    %get3A_5 = arith.constant 0 : index
    %get3A_6 = arith.constant 0 : index
    %get3A_7 = vector.load %arg2[%get3A_4, %get3A_5, %get3A_6] : memref<1x64x1024xf32, #tpu.memory_space<vmem>>, vector<1x64x1024xf32>
    %get3A_8 = vector.shape_cast %get3A_7 : vector<1x64x1024xf32> to vector<64x1024xf32>
    %add3A = arith.addf %get3A_3, %get3A_8 : vector<64x1024xf32>
    %ge3A = arith.constant 0.000000e+00 : f32
    %ge3A_9 = vector.broadcast %ge3A : f32 to vector<64x1024xf32>
    %ge3A_10 = arith.cmpf oge, %add3A, %ge3A_9 : vector<64x1024xf32>
    %mul3A = arith.constant 2.000000e-01 : f32
    %mul3A_11 = vector.broadcast %mul3A : f32 to vector<64x1024xf32>
    %mul3A_12 = arith.mulf %mul3A_11, %add3A : vector<64x1024xf32>
    %select_n3A = arith.select %ge3A_10, %add3A, %mul3A_12 : vector<64x1024xi1>, vector<64x1024xf32>
    %get3A_13 = arith.constant 0 : index
    %get3A_14 = arith.constant 0 : index
    %get3A_15 = vector.load %arg3[%get3A_13, %get3A_14] : memref<64x64xf32, #tpu.memory_space<vmem>>, vector<64x64xf32>
    %dot_general3A = arith.constant dense<0.000000e+00> : vector<64x1024xf32>
    %dot_general3A_16 = tpu.matmul %get3A_15, %select_n3A, %dot_general3A {dimension_numbers = #tpu.dot_dimension_numbers<[1], [0], [0], [1], [0, 0, 1, 1], [], []>, transpose_lhs_hint = false} : vector<64x64xf32>, vector<64x1024xf32>, vector<64x1024xf32> -> vector<64x1024xf32>
    %get3A_17 = arith.constant 0 : index
    %get3A_18 = arith.constant 0 : index
    %get3A_19 = vector.load %arg4[%get3A_17, %get3A_18] : memref<64x64xf32, #tpu.memory_space<vmem>>, vector<64x64xf32>
    %dot_general3A_20 = arith.constant dense<0.000000e+00> : vector<64x1024xf32>
    %dot_general3A_21 = tpu.matmul %get3A_19, %select_n3A, %dot_general3A_20 {dimension_numbers = #tpu.dot_dimension_numbers<[1], [0], [0], [1], [0, 0, 1, 1], [], []>, transpose_lhs_hint = false} : vector<64x64xf32>, vector<64x1024xf32>, vector<64x1024xf32> -> vector<64x1024xf32>
    %get3A_22 = arith.constant 0 : index
    %get3A_23 = arith.constant 0 : index
    %get3A_24 = vector.load %arg5[%get3A_22, %get3A_23] : memref<64x1xf32, #tpu.memory_space<vmem>>, vector<64x1xf32>
    %add3A_25 = vector.broadcast %get3A_24 : vector<64x1xf32> to vector<64x1024xf32>
    %add3A_26 = arith.addf %dot_general3A_16, %add3A_25 : vector<64x1024xf32>
    %swap3A = arith.constant 0 : index
    %swap3A_27 = arith.constant 0 : index
    %swap3A_28 = arith.constant 0 : index
    %swap3A_29 = vector.load %arg6[%swap3A, %swap3A_27, %swap3A_28] : memref<1x64x1024xf32, #tpu.memory_space<vmem>>, vector<1x64x1024xf32>
    %swap3A_30 = vector.shape_cast %swap3A_29 : vector<1x64x1024xf32> to vector<64x1024xf32>
    %swap3A_31 = vector.shape_cast %add3A_26 : vector<64x1024xf32> to vector<1x64x1024xf32>
    tpu.vector_store %arg6[%swap3A, %swap3A_27, %swap3A_28], %swap3A_31 {strides = array<i32>} : memref<1x64x1024xf32, #tpu.memory_space<vmem>>, vector<1x64x1024xf32>,
    %swap3A_32 = arith.constant 0 : index
    %swap3A_33 = arith.constant 0 : index
    %swap3A_34 = arith.constant 0 : index
    %swap3A_35 = vector.load %arg7[%swap3A_32, %swap3A_33, %swap3A_34] : memref<1x64x1024xf32, #tpu.memory_space<vmem>>, vector<1x64x1024xf32>
    %swap3A_36 = vector.shape_cast %swap3A_35 : vector<1x64x1024xf32> to vector<64x1024xf32>
    %swap3A_37 = vector.shape_cast %dot_general3A_21 : vector<64x1024xf32> to vector<1x64x1024xf32>
    tpu.vector_store %arg7[%swap3A_32, %swap3A_33, %swap3A_34], %swap3A_37 {strides = array<i32>} : memref<1x64x1024xf32, #tpu.memory_space<vmem>>, vector<1x64x1024xf32>,
    return
  }
  func.func @transform_0(%arg0: i32) -> (i32, i32, i32) {
    %c0_i32 = arith.constant 0 : i32
    %c0_i32_0 = arith.constant 0 : i32
    %c0_i32_1 = arith.constant 0 : i32
    return %arg0, %c0_i32, %c0_i32_0 : i32, i32, i32
  }
  func.func @transform_1(%arg0: i32) -> (i32, i32, i32) {
    %c0_i32 = arith.constant 0 : i32
    %c0_i32_0 = arith.constant 0 : i32
    %c0_i32_1 = arith.constant 0 : i32
    return %arg0, %c0_i32, %c0_i32_0 : i32, i32, i32
  }
  func.func @transform_2(%arg0: i32) -> (i32, i32) {
    %c0_i32 = arith.constant 0 : i32
    %c0_i32_0 = arith.constant 0 : i32
    %c0_i32_1 = arith.constant 0 : i32
    return %c0_i32, %c0_i32_0 : i32, i32
  }
  func.func @transform_3(%arg0: i32) -> (i32, i32) {
    %c0_i32 = arith.constant 0 : i32
    %c0_i32_0 = arith.constant 0 : i32
    %c0_i32_1 = arith.constant 0 : i32
    return %c0_i32, %c0_i32_0 : i32, i32
  }
  func.func @transform_4(%arg0: i32) -> (i32, i32) {
    %c0_i32 = arith.constant 0 : i32
    %c0_i32_0 = arith.constant 0 : i32
    %c0_i32_1 = arith.constant 0 : i32
    return %c0_i32, %c0_i32_0 : i32, i32
  }
  func.func @transform_5(%arg0: i32) -> (i32, i32, i32) {
    %c0_i32 = arith.constant 0 : i32
    %c0_i32_0 = arith.constant 0 : i32
    %c0_i32_1 = arith.constant 0 : i32
    return %arg0, %c0_i32, %c0_i32_0 : i32, i32, i32
  }
  func.func @transform_6(%arg0: i32) -> (i32, i32, i32) {
    %c0_i32 = arith.constant 0 : i32
    %c0_i32_0 = arith.constant 0 : i32
    %c0_i32_1 = arith.constant 0 : i32
    return %arg0, %c0_i32, %c0_i32_0 : i32, i32, i32
  }
}

module attributes {stable_mosaic.version = 14 : i64} {
  func.func @body(%arg0: i32, %arg1: memref<1x64x1024xf32, #tpu.memory_space<vmem>>, %arg2: memref<1x64x1024xf32, #tpu.memory_space<vmem>>, %arg3: memref<128x64xf32, #tpu.memory_space<vmem>>, %arg4: memref<128x64xf32, #tpu.memory_space<vmem>>, %arg5: memref<128x1xf32, #tpu.memory_space<vmem>>, %arg6: memref<1x128x1024xf32, #tpu.memory_space<vmem>>, %arg7: memref<1x128x1024xf32, #tpu.memory_space<vmem>>) attributes {dimension_semantics = [#tpu.dimension_semantics<arbitrary>], iteration_bounds = array<i64: 8>, scalar_prefetch = 0 : i64, scratch_operands = 0 : i64, tpu.core_type = #tpu.core_type<tc>, window_params = [{transform_indices = @transform_0, window_bounds = array<i64: 1, 64, 1024>}, {transform_indices = @transform_1, window_bounds = array<i64: 1, 64, 1024>}, {pipeline_mode = #tpu.pipeline_mode<synchronous>, transform_indices = @transform_2, window_bounds = array<i64: 128, 64>}, {pipeline_mode = #tpu.pipeline_mode<synchronous>, transform_indices = @transform_3, window_bounds = array<i64: 128, 64>}, {pipeline_mode = #tpu.pipeline_mode<synchronous>, transform_indices = @transform_4, window_bounds = array<i64: 128, 1>}, {transform_indices = @transform_5, window_bounds = array<i64: 1, 128, 1024>}, {transform_indices = @transform_6, window_bounds = array<i64: 1, 128, 1024>}]} {
    %get3A = arith.constant 0 : index
    %get3A_0 = arith.constant 0 : index
    %get3A_1 = arith.constant 0 : index
    %get3A_2 = vector.load %arg1[%get3A, %get3A_0, %get3A_1] : memref<1x64x1024xf32, #tpu.memory_space<vmem>>, vector<1x64x1024xf32>
    %get3A_3 = vector.shape_cast %get3A_2 : vector<1x64x1024xf32> to vector<64x1024xf32>
    %get3A_4 = arith.constant 0 : index
    %get3A_5 = arith.constant 0 : index
    %get3A_6 = arith.constant 0 : index
    %get3A_7 = vector.load %arg2[%get3A_4, %get3A_5, %get3A_6] : memref<1x64x1024xf32, #tpu.memory_space<vmem>>, vector<1x64x1024xf32>
    %get3A_8 = vector.shape_cast %get3A_7 : vector<1x64x1024xf32> to vector<64x1024xf32>
    %add3A = arith.addf %get3A_3, %get3A_8 : vector<64x1024xf32>
    %ge3A = arith.constant 0.000000e+00 : f32
    %ge3A_9 = vector.broadcast %ge3A : f32 to vector<64x1024xf32>
    %ge3A_10 = arith.cmpf oge, %add3A, %ge3A_9 : vector<64x1024xf32>
    %mul3A = arith.constant 2.000000e-01 : f32
    %mul3A_11 = vector.broadcast %mul3A : f32 to vector<64x1024xf32>
    %mul3A_12 = arith.mulf %mul3A_11, %add3A : vector<64x1024xf32>
    %select_n3A = arith.select %ge3A_10, %add3A, %mul3A_12 : vector<64x1024xi1>, vector<64x1024xf32>
    %get3A_13 = arith.constant 0 : index
    %get3A_14 = arith.constant 0 : index
    %get3A_15 = vector.load %arg3[%get3A_13, %get3A_14] : memref<128x64xf32, #tpu.memory_space<vmem>>, vector<128x64xf32>
    %dot_general3A = arith.constant dense<0.000000e+00> : vector<128x1024xf32>
    %dot_general3A_16 = tpu.matmul %get3A_15, %select_n3A, %dot_general3A {dimension_numbers = #tpu.dot_dimension_numbers<[1], [0], [0], [1], [0, 0, 1, 1], [], []>, transpose_lhs_hint = false} : vector<128x64xf32>, vector<64x1024xf32>, vector<128x1024xf32> -> vector<128x1024xf32>
    %get3A_17 = arith.constant 0 : index
    %get3A_18 = arith.constant 0 : index
    %get3A_19 = vector.load %arg4[%get3A_17, %get3A_18] : memref<128x64xf32, #tpu.memory_space<vmem>>, vector<128x64xf32>
    %dot_general3A_20 = arith.constant dense<0.000000e+00> : vector<128x1024xf32>
    %dot_general3A_21 = tpu.matmul %get3A_19, %select_n3A, %dot_general3A_20 {dimension_numbers = #tpu.dot_dimension_numbers<[1], [0], [0], [1], [0, 0, 1, 1], [], []>, transpose_lhs_hint = false} : vector<128x64xf32>, vector<64x1024xf32>, vector<128x1024xf32> -> vector<128x1024xf32>
    %get3A_22 = arith.constant 0 : index
    %get3A_23 = arith.constant 0 : index
    %get3A_24 = vector.load %arg5[%get3A_22, %get3A_23] : memref<128x1xf32, #tpu.memory_space<vmem>>, vector<128x1xf32>
    %add3A_25 = vector.broadcast %get3A_24 : vector<128x1xf32> to vector<128x1024xf32>
    %add3A_26 = arith.addf %dot_general3A_16, %add3A_25 : vector<128x1024xf32>
    %swap3A = arith.constant 0 : index
    %swap3A_27 = arith.constant 0 : index
    %swap3A_28 = arith.constant 0 : index
    %swap3A_29 = vector.load %arg6[%swap3A, %swap3A_27, %swap3A_28] : memref<1x128x1024xf32, #tpu.memory_space<vmem>>, vector<1x128x1024xf32>
    %swap3A_30 = vector.shape_cast %swap3A_29 : vector<1x128x1024xf32> to vector<128x1024xf32>
    %swap3A_31 = vector.shape_cast %add3A_26 : vector<128x1024xf32> to vector<1x128x1024xf32>
    tpu.vector_store %arg6[%swap3A, %swap3A_27, %swap3A_28], %swap3A_31 {strides = array<i32>} : memref<1x128x1024xf32, #tpu.memory_space<vmem>>, vector<1x128x1024xf32>,
    %swap3A_32 = arith.constant 0 : index
    %swap3A_33 = arith.constant 0 : index
    %swap3A_34 = arith.constant 0 : index
    %swap3A_35 = vector.load %arg7[%swap3A_32, %swap3A_33, %swap3A_34] : memref<1x128x1024xf32, #tpu.memory_space<vmem>>, vector<1x128x1024xf32>
    %swap3A_36 = vector.shape_cast %swap3A_35 : vector<1x128x1024xf32> to vector<128x1024xf32>
    %swap3A_37 = vector.shape_cast %dot_general3A_21 : vector<128x1024xf32> to vector<1x128x1024xf32>
    tpu.vector_store %arg7[%swap3A_32, %swap3A_33, %swap3A_34], %swap3A_37 {strides = array<i32>} : memref<1x128x1024xf32, #tpu.memory_space<vmem>>, vector<1x128x1024xf32>,
    return
  }
  func.func @transform_0(%arg0: i32) -> (i32, i32, i32) {
    %c0_i32 = arith.constant 0 : i32
    %c0_i32_0 = arith.constant 0 : i32
    %c0_i32_1 = arith.constant 0 : i32
    return %arg0, %c0_i32, %c0_i32_0 : i32, i32, i32
  }
  func.func @transform_1(%arg0: i32) -> (i32, i32, i32) {
    %c0_i32 = arith.constant 0 : i32
    %c0_i32_0 = arith.constant 0 : i32
    %c0_i32_1 = arith.constant 0 : i32
    return %arg0, %c0_i32, %c0_i32_0 : i32, i32, i32
  }
  func.func @transform_2(%arg0: i32) -> (i32, i32) {
    %c0_i32 = arith.constant 0 : i32
    %c0_i32_0 = arith.constant 0 : i32
    %c0_i32_1 = arith.constant 0 : i32
    return %c0_i32, %c0_i32_0 : i32, i32
  }
  func.func @transform_3(%arg0: i32) -> (i32, i32) {
    %c0_i32 = arith.constant 0 : i32
    %c0_i32_0 = arith.constant 0 : i32
    %c0_i32_1 = arith.constant 0 : i32
    return %c0_i32, %c0_i32_0 : i32, i32
  }
  func.func @transform_4(%arg0: i32) -> (i32, i32) {
    %c0_i32 = arith.constant 0 : i32
    %c0_i32_0 = arith.constant 0 : i32
    %c0_i32_1 = arith.constant 0 : i32
    return %c0_i32, %c0_i32_0 : i32, i32
  }
  func.func @transform_5(%arg0: i32) -> (i32, i32, i32) {
    %c0_i32 = arith.constant 0 : i32
    %c0_i32_0 = arith.constant 0 : i32
    %c0_i32_1 = arith.constant 0 : i32
    return %arg0, %c0_i32, %c0_i32_0 : i32, i32, i32
  }
  func.func @transform_6(%arg0: i32) -> (i32, i32, i32) {
    %c0_i32 = arith.constant 0 : i32
    %c0_i32_0 = arith.constant 0 : i32
    %c0_i32_1 = arith.constant 0 : i32
    return %arg0, %c0_i32, %c0_i32_0 : i32, i32, i32
  }
}

module attributes {stable_mosaic.version = 14 : i64} {
  func.func @body(%arg0: i32, %arg1: memref<1x128x1024xf32, #tpu.memory_space<vmem>>, %arg2: memref<1x128x1024xf32, #tpu.memory_space<vmem>>, %arg3: memref<256x128xf32, #tpu.memory_space<vmem>>, %arg4: memref<256x128xf32, #tpu.memory_space<vmem>>, %arg5: memref<256x1xf32, #tpu.memory_space<vmem>>, %arg6: memref<1x256x1024xf32, #tpu.memory_space<vmem>>, %arg7: memref<1x256x1024xf32, #tpu.memory_space<vmem>>) attributes {dimension_semantics = [#tpu.dimension_semantics<arbitrary>], iteration_bounds = array<i64: 8>, scalar_prefetch = 0 : i64, scratch_operands = 0 : i64, tpu.core_type = #tpu.core_type<tc>, window_params = [{transform_indices = @transform_0, window_bounds = array<i64: 1, 128, 1024>}, {transform_indices = @transform_1, window_bounds = array<i64: 1, 128, 1024>}, {pipeline_mode = #tpu.pipeline_mode<synchronous>, transform_indices = @transform_2, window_bounds = array<i64: 256, 128>}, {pipeline_mode = #tpu.pipeline_mode<synchronous>, transform_indices = @transform_3, window_bounds = array<i64: 256, 128>}, {pipeline_mode = #tpu.pipeline_mode<synchronous>, transform_indices = @transform_4, window_bounds = array<i64: 256, 1>}, {transform_indices = @transform_5, window_bounds = array<i64: 1, 256, 1024>}, {transform_indices = @transform_6, window_bounds = array<i64: 1, 256, 1024>}]} {
    %get3A = arith.constant 0 : index
    %get3A_0 = arith.constant 0 : index
    %get3A_1 = arith.constant 0 : index
    %get3A_2 = vector.load %arg1[%get3A, %get3A_0, %get3A_1] : memref<1x128x1024xf32, #tpu.memory_space<vmem>>, vector<1x128x1024xf32>
    %get3A_3 = vector.shape_cast %get3A_2 : vector<1x128x1024xf32> to vector<128x1024xf32>
    %get3A_4 = arith.constant 0 : index
    %get3A_5 = arith.constant 0 : index
    %get3A_6 = arith.constant 0 : index
    %get3A_7 = vector.load %arg2[%get3A_4, %get3A_5, %get3A_6] : memref<1x128x1024xf32, #tpu.memory_space<vmem>>, vector<1x128x1024xf32>
    %get3A_8 = vector.shape_cast %get3A_7 : vector<1x128x1024xf32> to vector<128x1024xf32>
    %add3A = arith.addf %get3A_3, %get3A_8 : vector<128x1024xf32>
    %ge3A = arith.constant 0.000000e+00 : f32
    %ge3A_9 = vector.broadcast %ge3A : f32 to vector<128x1024xf32>
    %ge3A_10 = arith.cmpf oge, %add3A, %ge3A_9 : vector<128x1024xf32>
    %mul3A = arith.constant 2.000000e-01 : f32
    %mul3A_11 = vector.broadcast %mul3A : f32 to vector<128x1024xf32>
    %mul3A_12 = arith.mulf %mul3A_11, %add3A : vector<128x1024xf32>
    %select_n3A = arith.select %ge3A_10, %add3A, %mul3A_12 : vector<128x1024xi1>, vector<128x1024xf32>
    %get3A_13 = arith.constant 0 : index
    %get3A_14 = arith.constant 0 : index
    %get3A_15 = vector.load %arg3[%get3A_13, %get3A_14] : memref<256x128xf32, #tpu.memory_space<vmem>>, vector<256x128xf32>
    %dot_general3A = arith.constant dense<0.000000e+00> : vector<256x1024xf32>
    %dot_general3A_16 = tpu.matmul %get3A_15, %select_n3A, %dot_general3A {dimension_numbers = #tpu.dot_dimension_numbers<[1], [0], [0], [1], [0, 0, 1, 1], [], []>, transpose_lhs_hint = false} : vector<256x128xf32>, vector<128x1024xf32>, vector<256x1024xf32> -> vector<256x1024xf32>
    %get3A_17 = arith.constant 0 : index
    %get3A_18 = arith.constant 0 : index
    %get3A_19 = vector.load %arg4[%get3A_17, %get3A_18] : memref<256x128xf32, #tpu.memory_space<vmem>>, vector<256x128xf32>
    %dot_general3A_20 = arith.constant dense<0.000000e+00> : vector<256x1024xf32>
    %dot_general3A_21 = tpu.matmul %get3A_19, %select_n3A, %dot_general3A_20 {dimension_numbers = #tpu.dot_dimension_numbers<[1], [0], [0], [1], [0, 0, 1, 1], [], []>, transpose_lhs_hint = false} : vector<256x128xf32>, vector<128x1024xf32>, vector<256x1024xf32> -> vector<256x1024xf32>
    %get3A_22 = arith.constant 0 : index
    %get3A_23 = arith.constant 0 : index
    %get3A_24 = vector.load %arg5[%get3A_22, %get3A_23] : memref<256x1xf32, #tpu.memory_space<vmem>>, vector<256x1xf32>
    %add3A_25 = vector.broadcast %get3A_24 : vector<256x1xf32> to vector<256x1024xf32>
    %add3A_26 = arith.addf %dot_general3A_16, %add3A_25 : vector<256x1024xf32>
    %swap3A = arith.constant 0 : index
    %swap3A_27 = arith.constant 0 : index
    %swap3A_28 = arith.constant 0 : index
    %swap3A_29 = vector.load %arg6[%swap3A, %swap3A_27, %swap3A_28] : memref<1x256x1024xf32, #tpu.memory_space<vmem>>, vector<1x256x1024xf32>
    %swap3A_30 = vector.shape_cast %swap3A_29 : vector<1x256x1024xf32> to vector<256x1024xf32>
    %swap3A_31 = vector.shape_cast %add3A_26 : vector<256x1024xf32> to vector<1x256x1024xf32>
    tpu.vector_store %arg6[%swap3A, %swap3A_27, %swap3A_28], %swap3A_31 {strides = array<i32>} : memref<1x256x1024xf32, #tpu.memory_space<vmem>>, vector<1x256x1024xf32>,
    %swap3A_32 = arith.constant 0 : index
    %swap3A_33 = arith.constant 0 : index
    %swap3A_34 = arith.constant 0 : index
    %swap3A_35 = vector.load %arg7[%swap3A_32, %swap3A_33, %swap3A_34] : memref<1x256x1024xf32, #tpu.memory_space<vmem>>, vector<1x256x1024xf32>
    %swap3A_36 = vector.shape_cast %swap3A_35 : vector<1x256x1024xf32> to vector<256x1024xf32>
    %swap3A_37 = vector.shape_cast %dot_general3A_21 : vector<256x1024xf32> to vector<1x256x1024xf32>
    tpu.vector_store %arg7[%swap3A_32, %swap3A_33, %swap3A_34], %swap3A_37 {strides = array<i32>} : memref<1x256x1024xf32, #tpu.memory_space<vmem>>, vector<1x256x1024xf32>,
    return
  }
  func.func @transform_0(%arg0: i32) -> (i32, i32, i32) {
    %c0_i32 = arith.constant 0 : i32
    %c0_i32_0 = arith.constant 0 : i32
    %c0_i32_1 = arith.constant 0 : i32
    return %arg0, %c0_i32, %c0_i32_0 : i32, i32, i32
  }
  func.func @transform_1(%arg0: i32) -> (i32, i32, i32) {
    %c0_i32 = arith.constant 0 : i32
    %c0_i32_0 = arith.constant 0 : i32
    %c0_i32_1 = arith.constant 0 : i32
    return %arg0, %c0_i32, %c0_i32_0 : i32, i32, i32
  }
  func.func @transform_2(%arg0: i32) -> (i32, i32) {
    %c0_i32 = arith.constant 0 : i32
    %c0_i32_0 = arith.constant 0 : i32
    %c0_i32_1 = arith.constant 0 : i32
    return %c0_i32, %c0_i32_0 : i32, i32
  }
  func.func @transform_3(%arg0: i32) -> (i32, i32) {
    %c0_i32 = arith.constant 0 : i32
    %c0_i32_0 = arith.constant 0 : i32
    %c0_i32_1 = arith.constant 0 : i32
    return %c0_i32, %c0_i32_0 : i32, i32
  }
  func.func @transform_4(%arg0: i32) -> (i32, i32) {
    %c0_i32 = arith.constant 0 : i32
    %c0_i32_0 = arith.constant 0 : i32
    %c0_i32_1 = arith.constant 0 : i32
    return %c0_i32, %c0_i32_0 : i32, i32
  }
  func.func @transform_5(%arg0: i32) -> (i32, i32, i32) {
    %c0_i32 = arith.constant 0 : i32
    %c0_i32_0 = arith.constant 0 : i32
    %c0_i32_1 = arith.constant 0 : i32
    return %arg0, %c0_i32, %c0_i32_0 : i32, i32, i32
  }
  func.func @transform_6(%arg0: i32) -> (i32, i32, i32) {
    %c0_i32 = arith.constant 0 : i32
    %c0_i32_0 = arith.constant 0 : i32
    %c0_i32_1 = arith.constant 0 : i32
    return %arg0, %c0_i32, %c0_i32_0 : i32, i32, i32
  }
}

module attributes {stable_mosaic.version = 14 : i64} {
  func.func @body(%arg0: i32, %arg1: memref<1x64x1024xf32, #tpu.memory_space<vmem>>, %arg2: memref<1x64x1024xf32, #tpu.memory_space<vmem>>, %arg3: memref<1x64x1024xf32, #tpu.memory_space<vmem>>, %arg4: memref<1x64x1024xf32, #tpu.memory_space<vmem>>, %arg5: memref<1x128x1024xf32, #tpu.memory_space<vmem>>, %arg6: memref<1x128x1024xf32, #tpu.memory_space<vmem>>, %arg7: memref<1024x256xf32, #tpu.memory_space<vmem>>, %arg8: memref<1x1024x1024xbf16, #tpu.memory_space<vmem>>) attributes {dimension_semantics = [#tpu.dimension_semantics<arbitrary>], iteration_bounds = array<i64: 8>, scalar_prefetch = 0 : i64, scratch_operands = 0 : i64, tpu.core_type = #tpu.core_type<tc>, window_params = [{transform_indices = @transform_0, window_bounds = array<i64: 1, 64, 1024>}, {transform_indices = @transform_1, window_bounds = array<i64: 1, 64, 1024>}, {transform_indices = @transform_2, window_bounds = array<i64: 1, 64, 1024>}, {transform_indices = @transform_3, window_bounds = array<i64: 1, 64, 1024>}, {transform_indices = @transform_4, window_bounds = array<i64: 1, 128, 1024>}, {transform_indices = @transform_5, window_bounds = array<i64: 1, 128, 1024>}, {pipeline_mode = #tpu.pipeline_mode<synchronous>, transform_indices = @transform_6, window_bounds = array<i64: 1024, 256>}, {transform_indices = @transform_7, window_bounds = array<i64: 1, 1024, 1024>}]} {
    %get3A = arith.constant 0 : index
    %get3A_0 = arith.constant 0 : index
    %get3A_1 = arith.constant 0 : index
    %get3A_2 = vector.load %arg1[%get3A, %get3A_0, %get3A_1] : memref<1x64x1024xf32, #tpu.memory_space<vmem>>, vector<1x64x1024xf32>
    %get3A_3 = vector.shape_cast %get3A_2 : vector<1x64x1024xf32> to vector<64x1024xf32>
    %get3A_4 = arith.constant 0 : index
    %get3A_5 = arith.constant 0 : index
    %get3A_6 = arith.constant 0 : index
    %get3A_7 = vector.load %arg2[%get3A_4, %get3A_5, %get3A_6] : memref<1x64x1024xf32, #tpu.memory_space<vmem>>, vector<1x64x1024xf32>
    %get3A_8 = vector.shape_cast %get3A_7 : vector<1x64x1024xf32> to vector<64x1024xf32>
    %add3A = arith.addf %get3A_3, %get3A_8 : vector<64x1024xf32>
    %ge3A = arith.constant 0.000000e+00 : f32
    %ge3A_9 = vector.broadcast %ge3A : f32 to vector<64x1024xf32>
    %ge3A_10 = arith.cmpf oge, %add3A, %ge3A_9 : vector<64x1024xf32>
    %mul3A = arith.constant 2.000000e-01 : f32
    %mul3A_11 = vector.broadcast %mul3A : f32 to vector<64x1024xf32>
    %mul3A_12 = arith.mulf %mul3A_11, %add3A : vector<64x1024xf32>
    %select_n3A = arith.select %ge3A_10, %add3A, %mul3A_12 : vector<64x1024xi1>, vector<64x1024xf32>
    %get3A_13 = arith.constant 0 : index
    %get3A_14 = arith.constant 0 : index
    %get3A_15 = arith.constant 0 : index
    %get3A_16 = vector.load %arg3[%get3A_13, %get3A_14, %get3A_15] : memref<1x64x1024xf32, #tpu.memory_space<vmem>>, vector<1x64x1024xf32>
    %get3A_17 = vector.shape_cast %get3A_16 : vector<1x64x1024xf32> to vector<64x1024xf32>
    %get3A_18 = arith.constant 0 : index
    %get3A_19 = arith.constant 0 : index
    %get3A_20 = arith.constant 0 : index
    %get3A_21 = vector.load %arg4[%get3A_18, %get3A_19, %get3A_20] : memref<1x64x1024xf32, #tpu.memory_space<vmem>>, vector<1x64x1024xf32>
    %get3A_22 = vector.shape_cast %get3A_21 : vector<1x64x1024xf32> to vector<64x1024xf32>
    %add3A_23 = arith.addf %get3A_17, %get3A_22 : vector<64x1024xf32>
    %ge3A_24 = arith.constant 0.000000e+00 : f32
    %ge3A_25 = vector.broadcast %ge3A_24 : f32 to vector<64x1024xf32>
    %ge3A_26 = arith.cmpf oge, %add3A_23, %ge3A_25 : vector<64x1024xf32>
    %mul3A_27 = arith.constant 2.000000e-01 : f32
    %mul3A_28 = vector.broadcast %mul3A_27 : f32 to vector<64x1024xf32>
    %mul3A_29 = arith.mulf %mul3A_28, %add3A_23 : vector<64x1024xf32>
    %select_n3A_30 = arith.select %ge3A_26, %add3A_23, %mul3A_29 : vector<64x1024xi1>, vector<64x1024xf32>
    %get3A_31 = arith.constant 0 : index
    %get3A_32 = arith.constant 0 : index
    %get3A_33 = arith.constant 0 : index
    %get3A_34 = vector.load %arg5[%get3A_31, %get3A_32, %get3A_33] : memref<1x128x1024xf32, #tpu.memory_space<vmem>>, vector<1x128x1024xf32>
    %get3A_35 = vector.shape_cast %get3A_34 : vector<1x128x1024xf32> to vector<128x1024xf32>
    %get3A_36 = arith.constant 0 : index
    %get3A_37 = arith.constant 0 : index
    %get3A_38 = arith.constant 0 : index
    %get3A_39 = vector.load %arg6[%get3A_36, %get3A_37, %get3A_38] : memref<1x128x1024xf32, #tpu.memory_space<vmem>>, vector<1x128x1024xf32>
    %get3A_40 = vector.shape_cast %get3A_39 : vector<1x128x1024xf32> to vector<128x1024xf32>
    %add3A_41 = arith.addf %get3A_35, %get3A_40 : vector<128x1024xf32>
    %ge3A_42 = arith.constant 0.000000e+00 : f32
    %ge3A_43 = vector.broadcast %ge3A_42 : f32 to vector<128x1024xf32>
    %ge3A_44 = arith.cmpf oge, %add3A_41, %ge3A_43 : vector<128x1024xf32>
    %mul3A_45 = arith.constant 2.000000e-01 : f32
    %mul3A_46 = vector.broadcast %mul3A_45 : f32 to vector<128x1024xf32>
    %mul3A_47 = arith.mulf %mul3A_46, %add3A_41 : vector<128x1024xf32>
    %select_n3A_48 = arith.select %ge3A_44, %add3A_41, %mul3A_47 : vector<128x1024xi1>, vector<128x1024xf32>
    %concatenate3A = tpu.concatenate %select_n3A, %select_n3A_30, %select_n3A_48 in 0 : vector<64x1024xf32>, vector<64x1024xf32>, vector<128x1024xf32> -> vector<256x1024xf32>
    %get3A_49 = arith.constant 0 : index
    %get3A_50 = arith.constant 0 : index
    %get3A_51 = vector.load %arg7[%get3A_49, %get3A_50] : memref<1024x256xf32, #tpu.memory_space<vmem>>, vector<1024x256xf32>
    %convert_element_type3A = arith.truncf %get3A_51 : vector<1024x256xf32> to vector<1024x256xbf16>
    %convert_element_type3A_52 = arith.truncf %concatenate3A : vector<256x1024xf32> to vector<256x1024xbf16>
    %dot_general3A = arith.constant dense<0.000000e+00> : vector<1024x1024xf32>
    %dot_general3A_53 = tpu.matmul %convert_element_type3A, %convert_element_type3A_52, %dot_general3A {dimension_numbers = #tpu.dot_dimension_numbers<[1], [0], [0], [1], [0, 0, 1, 1], [], []>, transpose_lhs_hint = false} : vector<1024x256xbf16>, vector<256x1024xbf16>, vector<1024x1024xf32> -> vector<1024x1024xf32>
    %convert_element_type3A_54 = arith.truncf %dot_general3A_53 : vector<1024x1024xf32> to vector<1024x1024xbf16>
    %swap3A = arith.constant 0 : index
    %swap3A_55 = arith.constant 0 : index
    %swap3A_56 = arith.constant 0 : index
    %swap3A_57 = vector.load %arg8[%swap3A, %swap3A_55, %swap3A_56] : memref<1x1024x1024xbf16, #tpu.memory_space<vmem>>, vector<1x1024x1024xbf16>
    %swap3A_58 = vector.shape_cast %swap3A_57 : vector<1x1024x1024xbf16> to vector<1024x1024xbf16>
    %swap3A_59 = vector.shape_cast %convert_element_type3A_54 : vector<1024x1024xbf16> to vector<1x1024x1024xbf16>
    tpu.vector_store %arg8[%swap3A, %swap3A_55, %swap3A_56], %swap3A_59 {strides = array<i32>} : memref<1x1024x1024xbf16, #tpu.memory_space<vmem>>, vector<1x1024x1024xbf16>,
    return
  }
  func.func @transform_0(%arg0: i32) -> (i32, i32, i32) {
    %c0_i32 = arith.constant 0 : i32
    %c0_i32_0 = arith.constant 0 : i32
    %c0_i32_1 = arith.constant 0 : i32
    return %arg0, %c0_i32, %c0_i32_0 : i32, i32, i32
  }
  func.func @transform_1(%arg0: i32) -> (i32, i32, i32) {
    %c0_i32 = arith.constant 0 : i32
    %c0_i32_0 = arith.constant 0 : i32
    %c0_i32_1 = arith.constant 0 : i32
    return %arg0, %c0_i32, %c0_i32_0 : i32, i32, i32
  }
  func.func @transform_2(%arg0: i32) -> (i32, i32, i32) {
    %c0_i32 = arith.constant 0 : i32
    %c0_i32_0 = arith.constant 0 : i32
    %c0_i32_1 = arith.constant 0 : i32
    return %arg0, %c0_i32, %c0_i32_0 : i32, i32, i32
  }
  func.func @transform_3(%arg0: i32) -> (i32, i32, i32) {
    %c0_i32 = arith.constant 0 : i32
    %c0_i32_0 = arith.constant 0 : i32
    %c0_i32_1 = arith.constant 0 : i32
    return %arg0, %c0_i32, %c0_i32_0 : i32, i32, i32
  }
  func.func @transform_4(%arg0: i32) -> (i32, i32, i32) {
    %c0_i32 = arith.constant 0 : i32
    %c0_i32_0 = arith.constant 0 : i32
    %c0_i32_1 = arith.constant 0 : i32
    return %arg0, %c0_i32, %c0_i32_0 : i32, i32, i32
  }
  func.func @transform_5(%arg0: i32) -> (i32, i32, i32) {
    %c0_i32 = arith.constant 0 : i32
    %c0_i32_0 = arith.constant 0 : i32
    %c0_i32_1 = arith.constant 0 : i32
    return %arg0, %c0_i32, %c0_i32_0 : i32, i32, i32
  }
  func.func @transform_6(%arg0: i32) -> (i32, i32) {
    %c0_i32 = arith.constant 0 : i32
    %c0_i32_0 = arith.constant 0 : i32
    %c0_i32_1 = arith.constant 0 : i32
    return %c0_i32, %c0_i32_0 : i32, i32
  }
  func.func @transform_7(%arg0: i32) -> (i32, i32, i32) {
    %c0_i32 = arith.constant 0 : i32
    %c0_i32_0 = arith.constant 0 : i32
    %c0_i32_1 = arith.constant 0 : i32
    return %arg0, %c0_i32, %c0_i32_0 : i32, i32, i32
  }
}

module attributes {stable_mosaic.version = 14 : i64} {
  func.func @body(%arg0: i32, %arg1: memref<1x1024x1024xbf16, #tpu.memory_space<vmem>>, %arg2: memref<1x256x1024xf32, #tpu.memory_space<vmem>>, %arg3: memref<1x256x1024xf32, #tpu.memory_space<vmem>>, %arg4: memref<1024x256xf32, #tpu.memory_space<vmem>>, %arg5: memref<1024x1xf32, #tpu.memory_space<vmem>>, %arg6: memref<512x2048xf32, #tpu.memory_space<vmem>>, %arg7: memref<1x512xf32, #tpu.memory_space<vmem>>, %arg8: memref<256x512xf32, #tpu.memory_space<vmem>>, %arg9: memref<1x256xf32, #tpu.memory_space<vmem>>, %arg10: memref<40x256xf32, #tpu.memory_space<vmem>>, %arg11: memref<1x40xf32, #tpu.memory_space<vmem>>, %arg12: memref<8x40xf32, #tpu.memory_space<vmem>>, %arg13: memref<8x2048xf32, #tpu.memory_space<vmem>>) attributes {dimension_semantics = [#tpu.dimension_semantics<arbitrary>], iteration_bounds = array<i64: 8>, scalar_prefetch = 0 : i64, scratch_operands = 1 : i64, tpu.core_type = #tpu.core_type<tc>, window_params = [{transform_indices = @transform_0, window_bounds = array<i64: 1, 1024, 1024>}, {transform_indices = @transform_1, window_bounds = array<i64: 1, 256, 1024>}, {transform_indices = @transform_2, window_bounds = array<i64: 1, 256, 1024>}, {pipeline_mode = #tpu.pipeline_mode<synchronous>, transform_indices = @transform_3, window_bounds = array<i64: 1024, 256>}, {pipeline_mode = #tpu.pipeline_mode<synchronous>, transform_indices = @transform_4, window_bounds = array<i64: 1024, 1>}, {pipeline_mode = #tpu.pipeline_mode<synchronous>, transform_indices = @transform_5, window_bounds = array<i64: 512, 2048>}, {pipeline_mode = #tpu.pipeline_mode<synchronous>, transform_indices = @transform_6, window_bounds = array<i64: 1, 512>}, {pipeline_mode = #tpu.pipeline_mode<synchronous>, transform_indices = @transform_7, window_bounds = array<i64: 256, 512>}, {pipeline_mode = #tpu.pipeline_mode<synchronous>, transform_indices = @transform_8, window_bounds = array<i64: 1, 256>}, {pipeline_mode = #tpu.pipeline_mode<synchronous>, transform_indices = @transform_9, window_bounds = array<i64: 40, 256>}, {pipeline_mode = #tpu.pipeline_mode<synchronous>, transform_indices = @transform_10, window_bounds = array<i64: 1, 40>}, {pipeline_mode = #tpu.pipeline_mode<synchronous>, transform_indices = @transform_11, window_bounds = array<i64: 8, 40>}]} {
    %get3A = arith.constant 0 : index
    %get3A_0 = arith.constant 0 : index
    %get3A_1 = arith.constant 0 : index
    %get3A_2 = vector.load %arg2[%get3A, %get3A_0, %get3A_1] : memref<1x256x1024xf32, #tpu.memory_space<vmem>>, vector<1x256x1024xf32>
    %get3A_3 = vector.shape_cast %get3A_2 : vector<1x256x1024xf32> to vector<256x1024xf32>
    %get3A_4 = arith.constant 0 : index
    %get3A_5 = arith.constant 0 : index
    %get3A_6 = arith.constant 0 : index
    %get3A_7 = vector.load %arg3[%get3A_4, %get3A_5, %get3A_6] : memref<1x256x1024xf32, #tpu.memory_space<vmem>>, vector<1x256x1024xf32>
    %get3A_8 = vector.shape_cast %get3A_7 : vector<1x256x1024xf32> to vector<256x1024xf32>
    %add3A = arith.addf %get3A_3, %get3A_8 : vector<256x1024xf32>
    %ge3A = arith.constant 0.000000e+00 : f32
    %ge3A_9 = vector.broadcast %ge3A : f32 to vector<256x1024xf32>
    %ge3A_10 = arith.cmpf oge, %add3A, %ge3A_9 : vector<256x1024xf32>
    %mul3A = arith.constant 2.000000e-01 : f32
    %mul3A_11 = vector.broadcast %mul3A : f32 to vector<256x1024xf32>
    %mul3A_12 = arith.mulf %mul3A_11, %add3A : vector<256x1024xf32>
    %select_n3A = arith.select %ge3A_10, %add3A, %mul3A_12 : vector<256x1024xi1>, vector<256x1024xf32>
    %get3A_13 = arith.constant 0 : index
    %get3A_14 = arith.constant 0 : index
    %get3A_15 = vector.load %arg4[%get3A_13, %get3A_14] : memref<1024x256xf32, #tpu.memory_space<vmem>>, vector<1024x256xf32>
    %convert_element_type3A = arith.truncf %get3A_15 : vector<1024x256xf32> to vector<1024x256xbf16>
    %convert_element_type3A_16 = arith.truncf %select_n3A : vector<256x1024xf32> to vector<256x1024xbf16>
    %dot_general3A = arith.constant dense<0.000000e+00> : vector<1024x1024xf32>
    %dot_general3A_17 = tpu.matmul %convert_element_type3A, %convert_element_type3A_16, %dot_general3A {dimension_numbers = #tpu.dot_dimension_numbers<[1], [0], [0], [1], [0, 0, 1, 1], [], []>, transpose_lhs_hint = false} : vector<1024x256xbf16>, vector<256x1024xbf16>, vector<1024x1024xf32> -> vector<1024x1024xf32>
    %get3A_18 = arith.constant 0 : index
    %get3A_19 = arith.constant 0 : index
    %get3A_20 = arith.constant 0 : index
    %get3A_21 = vector.load %arg1[%get3A_18, %get3A_19, %get3A_20] : memref<1x1024x1024xbf16, #tpu.memory_space<vmem>>, vector<1x1024x1024xbf16>
    %get3A_22 = vector.shape_cast %get3A_21 : vector<1x1024x1024xbf16> to vector<1024x1024xbf16>
    %convert_element_type3A_23 = arith.extf %get3A_22 : vector<1024x1024xbf16> to vector<1024x1024xf32>
    %add3A_24 = arith.addf %dot_general3A_17, %convert_element_type3A_23 : vector<1024x1024xf32>
    %get3A_25 = arith.constant 0 : index
    %get3A_26 = arith.constant 0 : index
    %get3A_27 = vector.load %arg5[%get3A_25, %get3A_26] : memref<1024x1xf32, #tpu.memory_space<vmem>>, vector<1024x1xf32>
    %add3A_28 = vector.broadcast %get3A_27 : vector<1024x1xf32> to vector<1024x1024xf32>
    %add3A_29 = arith.addf %add3A_24, %add3A_28 : vector<1024x1024xf32>
    %ge3A_30 = arith.constant 0.000000e+00 : f32
    %ge3A_31 = vector.broadcast %ge3A_30 : f32 to vector<1024x1024xf32>
    %ge3A_32 = arith.cmpf oge, %add3A_29, %ge3A_31 : vector<1024x1024xf32>
    %mul3A_33 = arith.constant 2.000000e-01 : f32
    %mul3A_34 = vector.broadcast %mul3A_33 : f32 to vector<1024x1024xf32>
    %mul3A_35 = arith.mulf %mul3A_34, %add3A_29 : vector<1024x1024xf32>
    %select_n3A_36 = arith.select %ge3A_32, %add3A_29, %mul3A_35 : vector<1024x1024xi1>, vector<1024x1024xf32>
    %reduce_max3A = arith.constant dense<0xFF800000> : vector<1024xf32>
    %reduce_max3A_37 = vector.multi_reduction <maximumf>, %select_n3A_36, %reduce_max3A [1] : vector<1024x1024xf32> to vector<1024xf32>
    %reduce_sum3A = arith.constant dense<0.000000e+00> : vector<1024xf32>
    %reduce_sum3A_38 = vector.multi_reduction <add>, %select_n3A_36, %reduce_sum3A [1] : vector<1024x1024xf32> to vector<1024xf32>
    %mul3A_39 = arith.constant 9.765625E-4 : f32
    %mul3A_40 = vector.broadcast %mul3A_39 : f32 to vector<1024xf32>
    %mul3A_41 = arith.mulf %reduce_sum3A_38, %mul3A_40 : vector<1024xf32>
    %concatenate3A = tpu.concatenate %reduce_max3A_37, %mul3A_41 in 0 : vector<1024xf32>, vector<1024xf32> -> vector<2048xf32>
    %broadcast_in_dim3A = vector.shape_cast %concatenate3A : vector<2048xf32> to vector<1x2048xf32>
    %swap3A = arith.index_cast %arg0 : i32 to index
    %swap3A_42 = arith.constant 0 : index
    %swap3A_43 = vector.load %arg13[%swap3A, %swap3A_42] : memref<8x2048xf32, #tpu.memory_space<vmem>>, vector<1x2048xf32>
    tpu.vector_store %arg13[%swap3A, %swap3A_42], %broadcast_in_dim3A {strides = array<i32>} : memref<8x2048xf32, #tpu.memory_space<vmem>>, vector<1x2048xf32>,
    %eq3A = arith.constant 7 : i32
    %eq3A_44 = arith.cmpi eq, %arg0, %eq3A : i32
    %convert_element_type3A_45 = arith.extui %eq3A_44 : i1 to i32
    %cond3A = arith.constant 0 : i32
    %cond3A_46 = arith.cmpi ne, %convert_element_type3A_45, %cond3A : i32
    scf.if %cond3A_46 {
      %get3A_47 = arith.constant 0 : index
      %get3A_48 = arith.constant 0 : index
      %get3A_49 = vector.load %arg13[%get3A_47, %get3A_48] : memref<8x2048xf32, #tpu.memory_space<vmem>>, vector<8x2048xf32>
      %get3A_50 = arith.constant 0 : index
      %get3A_51 = arith.constant 0 : index
      %get3A_52 = vector.load %arg6[%get3A_50, %get3A_51] : memref<512x2048xf32, #tpu.memory_space<vmem>>, vector<512x2048xf32>
      %dot_general3A_53 = arith.constant dense<0.000000e+00> : vector<8x512xf32>
      %dot_general3A_54 = tpu.matmul %get3A_49, %get3A_52, %dot_general3A_53 {dimension_numbers = #tpu.dot_dimension_numbers<[1], [1], [0], [0], [0, 0, 1, 0], [], []>, transpose_lhs_hint = false} : vector<8x2048xf32>, vector<512x2048xf32>, vector<8x512xf32> -> vector<8x512xf32>
      %get3A_55 = arith.constant 0 : index
      %get3A_56 = arith.constant 0 : index
      %get3A_57 = vector.load %arg7[%get3A_55, %get3A_56] : memref<1x512xf32, #tpu.memory_space<vmem>>, vector<1x512xf32>
      %add3A_58 = vector.broadcast %get3A_57 : vector<1x512xf32> to vector<8x512xf32>
      %add3A_59 = arith.addf %dot_general3A_54, %add3A_58 : vector<8x512xf32>
      %ge3A_60 = arith.constant 0.000000e+00 : f32
      %ge3A_61 = vector.broadcast %ge3A_60 : f32 to vector<8x512xf32>
      %ge3A_62 = arith.cmpf oge, %add3A_59, %ge3A_61 : vector<8x512xf32>
      %mul3A_63 = arith.constant 2.000000e-01 : f32
      %mul3A_64 = vector.broadcast %mul3A_63 : f32 to vector<8x512xf32>
      %mul3A_65 = arith.mulf %mul3A_64, %add3A_59 : vector<8x512xf32>
      %select_n3A_66 = arith.select %ge3A_62, %add3A_59, %mul3A_65 : vector<8x512xi1>, vector<8x512xf32>
      %get3A_67 = arith.constant 0 : index
      %get3A_68 = arith.constant 0 : index
      %get3A_69 = vector.load %arg8[%get3A_67, %get3A_68] : memref<256x512xf32, #tpu.memory_space<vmem>>, vector<256x512xf32>
      %dot_general3A_70 = arith.constant dense<0.000000e+00> : vector<8x256xf32>
      %dot_general3A_71 = tpu.matmul %select_n3A_66, %get3A_69, %dot_general3A_70 {dimension_numbers = #tpu.dot_dimension_numbers<[1], [1], [0], [0], [0, 0, 1, 0], [], []>, transpose_lhs_hint = false} : vector<8x512xf32>, vector<256x512xf32>, vector<8x256xf32> -> vector<8x256xf32>
      %get3A_72 = arith.constant 0 : index
      %get3A_73 = arith.constant 0 : index
      %get3A_74 = vector.load %arg9[%get3A_72, %get3A_73] : memref<1x256xf32, #tpu.memory_space<vmem>>, vector<1x256xf32>
      %add3A_75 = vector.broadcast %get3A_74 : vector<1x256xf32> to vector<8x256xf32>
      %add3A_76 = arith.addf %dot_general3A_71, %add3A_75 : vector<8x256xf32>
      %ge3A_77 = arith.constant 0.000000e+00 : f32
      %ge3A_78 = vector.broadcast %ge3A_77 : f32 to vector<8x256xf32>
      %ge3A_79 = arith.cmpf oge, %add3A_76, %ge3A_78 : vector<8x256xf32>
      %mul3A_80 = arith.constant 2.000000e-01 : f32
      %mul3A_81 = vector.broadcast %mul3A_80 : f32 to vector<8x256xf32>
      %mul3A_82 = arith.mulf %mul3A_81, %add3A_76 : vector<8x256xf32>
      %select_n3A_83 = arith.select %ge3A_79, %add3A_76, %mul3A_82 : vector<8x256xi1>, vector<8x256xf32>
      %get3A_84 = arith.constant 0 : index
      %get3A_85 = arith.constant 0 : index
      %get3A_86 = vector.load %arg10[%get3A_84, %get3A_85] : memref<40x256xf32, #tpu.memory_space<vmem>>, vector<40x256xf32>
      %dot_general3A_87 = arith.constant dense<0.000000e+00> : vector<8x40xf32>
      %dot_general3A_88 = tpu.matmul %select_n3A_83, %get3A_86, %dot_general3A_87 {dimension_numbers = #tpu.dot_dimension_numbers<[1], [1], [0], [0], [0, 0, 1, 0], [], []>, transpose_lhs_hint = false} : vector<8x256xf32>, vector<40x256xf32>, vector<8x40xf32> -> vector<8x40xf32>
      %get3A_89 = arith.constant 0 : index
      %get3A_90 = arith.constant 0 : index
      %get3A_91 = vector.load %arg11[%get3A_89, %get3A_90] : memref<1x40xf32, #tpu.memory_space<vmem>>, vector<1x40xf32>
      %add3A_92 = vector.broadcast %get3A_91 : vector<1x40xf32> to vector<8x40xf32>
      %add3A_93 = arith.addf %dot_general3A_88, %add3A_92 : vector<8x40xf32>
      %swap3A_94 = arith.constant 0 : index
      %swap3A_95 = arith.constant 0 : index
      %swap3A_96 = vector.load %arg12[%swap3A_94, %swap3A_95] : memref<8x40xf32, #tpu.memory_space<vmem>>, vector<8x40xf32>
      tpu.vector_store %arg12[%swap3A_94, %swap3A_95], %add3A_93 {strides = array<i32>} : memref<8x40xf32, #tpu.memory_space<vmem>>, vector<8x40xf32>,
    } else {
    }
    return
  }
  func.func @transform_0(%arg0: i32) -> (i32, i32, i32) {
    %c0_i32 = arith.constant 0 : i32
    %c0_i32_0 = arith.constant 0 : i32
    %c0_i32_1 = arith.constant 0 : i32
    return %arg0, %c0_i32, %c0_i32_0 : i32, i32, i32
  }
  func.func @transform_1(%arg0: i32) -> (i32, i32, i32) {
    %c0_i32 = arith.constant 0 : i32
    %c0_i32_0 = arith.constant 0 : i32
    %c0_i32_1 = arith.constant 0 : i32
    return %arg0, %c0_i32, %c0_i32_0 : i32, i32, i32
  }
  func.func @transform_2(%arg0: i32) -> (i32, i32, i32) {
    %c0_i32 = arith.constant 0 : i32
    %c0_i32_0 = arith.constant 0 : i32
    %c0_i32_1 = arith.constant 0 : i32
    return %arg0, %c0_i32, %c0_i32_0 : i32, i32, i32
  }
  func.func @transform_3(%arg0: i32) -> (i32, i32) {
    %c0_i32 = arith.constant 0 : i32
    %c0_i32_0 = arith.constant 0 : i32
    %c0_i32_1 = arith.constant 0 : i32
    return %c0_i32, %c0_i32_0 : i32, i32
  }
  func.func @transform_4(%arg0: i32) -> (i32, i32) {
    %c0_i32 = arith.constant 0 : i32
    %c0_i32_0 = arith.constant 0 : i32
    %c0_i32_1 = arith.constant 0 : i32
    return %c0_i32, %c0_i32_0 : i32, i32
  }
  func.func @transform_5(%arg0: i32) -> (i32, i32) {
    %c0_i32 = arith.constant 0 : i32
    %c0_i32_0 = arith.constant 0 : i32
    %c0_i32_1 = arith.constant 0 : i32
    return %c0_i32, %c0_i32_0 : i32, i32
  }
  func.func @transform_6(%arg0: i32) -> (i32, i32) {
    %c0_i32 = arith.constant 0 : i32
    %c0_i32_0 = arith.constant 0 : i32
    %c0_i32_1 = arith.constant 0 : i32
    return %c0_i32, %c0_i32_0 : i32, i32
  }
  func.func @transform_7(%arg0: i32) -> (i32, i32) {
    %c0_i32 = arith.constant 0 : i32
    %c0_i32_0 = arith.constant 0 : i32
    %c0_i32_1 = arith.constant 0 : i32
    return %c0_i32, %c0_i32_0 : i32, i32
  }
  func.func @transform_8(%arg0: i32) -> (i32, i32) {
    %c0_i32 = arith.constant 0 : i32
    %c0_i32_0 = arith.constant 0 : i32
    %c0_i32_1 = arith.constant 0 : i32
    return %c0_i32, %c0_i32_0 : i32, i32
  }
  func.func @transform_9(%arg0: i32) -> (i32, i32) {
    %c0_i32 = arith.constant 0 : i32
    %c0_i32_0 = arith.constant 0 : i32
    %c0_i32_1 = arith.constant 0 : i32
    return %c0_i32, %c0_i32_0 : i32, i32
  }
  func.func @transform_10(%arg0: i32) -> (i32, i32) {
    %c0_i32 = arith.constant 0 : i32
    %c0_i32_0 = arith.constant 0 : i32
    %c0_i32_1 = arith.constant 0 : i32
    return %c0_i32, %c0_i32_0 : i32, i32
  }
  func.func @transform_11(%arg0: i32) -> (i32, i32) {
    %c0_i32 = arith.constant 0 : i32
    %c0_i32_0 = arith.constant 0 : i32
    %c0_i32_1 = arith.constant 0 : i32
    return %c0_i32, %c0_i32_0 : i32, i32
  }
}

</mosaic_0001>

<sc_bundles>
// kernel: kernel.13.cloned.1.call-start
scs
__scs_entry_jumppad:
0x0: {  	(pc) =	sbr.rel $0x88, $3  }
0x1: {  	(tag) =	ssettag $0x0;
	lr =	simm.s32 $0x1  }
0x2: {  	[smem:$0x3F88] =	sst lr;
	_ =	strace $0xD0000000  }
0x3: {  	_ = 	snop  }
0x4: {  	_ = 	snop  }
0x5: {  	_ = 	snop  }
0x6: {  	_ = 	snop  }
0x7: {  	_ = 	snop  }
__scs_overlays_trampoline_lowered:
0x8: {  	[smem:$0x3F97] =	sst s0  }
0x9: {  	[smem:$0x3F98] =	sst s1  }
0xa: {  	[smem:$0x3F99] =	sst s2  }
0xb: {  	[smem:$0x3F9A] =	sst s3  }
0xc: {  	[smem:$0x3F9B] =	sst s4  }
0xd: {  	[smem:$0x3F9C] =	sst s5  }
0xe: {  	[smem:$0x3F9D] =	sst s6  }
0xf: {  	[smem:$0x3F9E] =	sst s7  }
0x10: {  	[smem:$0x3F9F] =	sst s8  }
0x11: {  	[smem:$0x3FA0] =	sst s9;
	s0 =	simm.s32 @!p0 $0x0  }
0x12: {  	s1 =	sld [smem:$0x3F86];
	s0 =	simm.s32 @p0 $0x1  }
0x13: {  	[smem:$0x3FA1] =	sst s0;
	s0 =	simm.s32 @!p1 $0x0  }
0x14: {  	s2 =	sld [smem:$0x3F85];
	s0 =	simm.s32 @p1 $0x1  }
0x15: {  	[smem:$0x3FA2] =	sst s0;
	s0 =	simm.s32 @!p2 $0x0  }
0x16: {  	s3 =	sld [smem:$0x3FDB];
	s0 =	simm.s32 @p2 $0x1  }
0x17: {  	s4 =	simm.s32 $0x1BF5;
	[smem:$0x3FA4] =	sst s0  }
0x18: {  	s0 =	sld [smem:$0x3F87];
	_ =	swait.ge [sflag:s4], $0x0  }
0x19: {  	s7 =	sld [smem:$0x3F88]  }
0x1a: {  	s8 =	sadd.s32 $0xFFFFE003, lr  }
0x1b: {  	s9 =	sadd.s32 $0xFFFFFEF7, lr;
	s5 =	simm.s32 $0xFFFFFFFF;
	p2 =	slt.u32 s8, $0xFFFFF086  }
0x1c: {  	p1 =	slt.u32 s9, $0xF7A;
	s5 =	simm.s32 @!p2 $0x0  }
0x1d: {  	s5 =	simm.s32 @p1 $0x1;
	p0 =	seq.s32 s7, s2  }
0x1e: {  	s7 =	smul.u32 @!p0 $0xF7A, s2;
	p2 =	seq.s32 @!p0 s5, $0x0  }
0x1f: {  	s9 =	smul.u32 $0xF7A, s1;
	s8 =	simm.s32 @!p0 $0x1BF5;
	p2 =	por !p2, p0  }
0x20: {  	[sflag:s8] =	ssyncset.s32 @!p0 $0xFFFFF086;
	s6 =	sadd.s32 @!p0 s3, s7;
	s7 =	simm.s32 @!p0 $0x108  }
0x21: {  	s3 =	sadd.s32 s3, s9;
	s6 =	sadd.s32 @!p0 $0x88, s6;
	s7 =	simm.s32 @p2 $0x1082  }
0x22: {  	[simem:s7], [sflag:s8] =	dma.local @!p0 [hbm:s6], $0xF7A  }
0x23: {  	s9 =	sor.u32 $0xD0000000, s2;
	s6 =	simm.s32 $0x108;
	_ =	swait.ge @!p0 [sflag:s8], $0x0  }
0x24: {  	s3 =	sadd.s32 $0x88, s3;
	s6 =	simm.s32 @!p1 $0x1082;
	[sflag:s4] =	ssyncset.s32 $0xFFFFF086  }
0x25: {  	[simem:s6], [sflag:s4] =	dma.local [hbm:s3], $0xF7A  }
0x26: {  	[smem:$0x3F88] =	sst s1;
	(tag) =	ssettag s2;
	_ =	strace s9  }
0x27: {  	s1 =	sld [smem:$0x3F98]  }
0x28: {  	s2 =	sld [smem:$0x3F99]  }
0x29: {  	s4 =	sld [smem:$0x3F9B]  }
0x2a: {  	p0 =	seq.s32 s5, $0x0;
	s5 =	sld [smem:$0x3F9C]  }
0x2b: {  	s6 =	sld [smem:$0x3F9D]  }
0x2c: {  	s7 =	sld [smem:$0x3F9E]  }
0x2d: {  	s3 =	simm.s32 $0x108;
	s8 =	sld [smem:$0x3F9F]  }
0x2e: {  	s3 =	simm.s32 @!p0 $0x1082;
	s9 =	sld [smem:$0x3FA0]  }
0x2f: {  	lr =	sadd.s32 s0, s3;
	s0 =	sld [smem:$0x3F97]  }
0x30: {  	s3 =	sld [smem:$0x3F9A]  }
0x31: {  	[smem:$0x3FA3] =	sst s10  }
0x32: {  	s10 =	sld [smem:$0x3FA1];
	_ =	sdelay $0x3  }
0x33: {  	p0 =	seq.s32 s10, $0x1;
	s10 =	sld [smem:$0x3FA3];
	_ =	sdelay $0x3  }
0x34: {  	[smem:$0x3FA3] =	sst s10  }
0x35: {  	s10 =	sld [smem:$0x3FA2];
	_ =	sdelay $0x3  }
0x36: {  	p1 =	seq.s32 s10, $0x1;
	s10 =	sld [smem:$0x3FA3];
	_ =	sdelay $0x3  }
0x37: {  	[smem:$0x3FA3] =	sst s10  }
0x38: {  	s10 =	sld [smem:$0x3FA4]  }
0x39: {  	_ = 	snop;
	(pc) =	sbr.ind lr, $3  }
0x3a: {  	_ = 	snop  }
0x3b: {  	_ = 	snop  }
0x3c: {  	p2 =	seq.s32 s10, $0x1;
	s10 =	sld [smem:$0x3FA3]  }
0x3d: {  	_ =	shalt  }
0x3e: {  	_ =	shalt  }
0x3f: {  	_ =	shalt  }
0x40: {  	_ =	shalt  }
0x41: {  	_ =	shalt  }
0x42: {  	_ =	shalt  }
0x43: {  	_ =	shalt  }
0x44: {  	_ =	shalt  }
0x45: {  	_ =	shalt  }
0x46: {  	_ =	shalt  }
0x47: {  	_ =	shalt  }
0x48: {  	_ =	shalt  }
0x49: {  	_ =	shalt  }
0x4a: {  	_ =	shalt  }
0x4b: {  	_ =	shalt  }
0x4c: {  	_ =	shalt  }
0x4d: {  	_ =	shalt  }
0x4e: {  	_ =	shalt  }
0x4f: {  	_ =	shalt  }
0x50: {  	_ =	shalt  }
0x51: {  	_ =	shalt  }
0x52: {  	_ =	shalt  }
0x53: {  	_ =	shalt  }
0x54: {  	_ =	shalt  }
0x55: {  	_ =	shalt  }
0x56: {  	_ =	shalt  }
0x57: {  	_ =	shalt  }
0x58: {  	_ =	shalt  }
0x59: {  	_ =	shalt  }
0x5a: {  	_ =	shalt  }
0x5b: {  	_ =	shalt  }
0x5c: {  	_ =	shalt  }
0x5d: {  	_ =	shalt  }
0x5e: {  	_ =	shalt  }
0x5f: {  	_ =	shalt  }
0x60: {  	_ =	shalt  }
0x61: {  	_ =	shalt  }
0x62: {  	_ =	shalt  }
0x63: {  	_ =	shalt  }
0x64: {  	_ =	shalt  }
0x65: {  	_ =	shalt  }
0x66: {  	_ =	shalt  }
0x67: {  	_ =	shalt  }
0x68: {  	_ =	shalt  }
0x69: {  	_ =	shalt  }
0x6a: {  	_ =	shalt  }
0x6b: {  	_ =	shalt  }
0x6c: {  	_ =	shalt  }
0x6d: {  	_ =	shalt  }
0x6e: {  	_ =	shalt  }
0x6f: {  	_ =	shalt  }
0x70: {  	_ =	shalt  }
0x71: {  	_ =	shalt  }
0x72: {  	_ =	shalt  }
0x73: {  	_ =	shalt  }
0x74: {  	_ =	shalt  }
0x75: {  	_ =	shalt  }
0x76: {  	_ =	shalt  }
0x77: {  	_ =	shalt  }
0x78: {  	_ =	shalt  }
0x79: {  	_ =	shalt  }
0x7a: {  	_ =	shalt  }
0x7b: {  	_ =	shalt  }
0x7c: {  	_ =	shalt  }
0x7d: {  	_ =	shalt  }
0x7e: {  	_ =	shalt  }
0x7f: {  	_ =	shalt  }
0x80: {  	_ =	shalt  }
0x81: {  	_ =	shalt  }
0x82: {  	_ =	shalt  }
0x83: {  	_ =	shalt  }
0x84: {  	_ =	shalt  }
0x85: {  	_ =	shalt  }
0x86: {  	_ =	shalt  }
0x87: {  	_ =	shalt  }
.Lfunc_end0:
.L_simem_size_0:
called_computation_lowered:
.L_overlay_start_0:
0x88: {  	s2 =	sld [smem:$0x3FD9]  }
0x89: {  	s3 =	sld [smem:$0x3FFE];
	_ =	sdelay $0x1  }
0x8a: {  	s1 =	srdreg.scid  }
0x8b: {  	s0 =	sand.u32 $0x1, s1  }
0x8c: {  	s16 =	sshll.u32 s0, $0xA;
	s2 =	sadd.s32 s3, s2  }
0x8d: {  	s2 =	sadd.s32 s2, s16  }
0x8e: {  	[smem:$0x3FAF] =	sst s2  }
0x8f: {  	_ = 	snop  }
0x90: {  	(tm) =	ssettm $0x1  }
0x91: {  	s17 =	sld [smem:$0x3FFB];
	_ =	sdelay $0x3  }
0x92: {  	_ =	strace s17  }
0x93: {  	s2 =	sld [smem:$0x3FFC];
	_ =	sdelay $0x3  }
0x94: {  	_ =	strace s2  }
0x95: {  	s2 =	sld [smem:$0x3FFD];
	_ =	sdelay $0x3  }
0x96: {  	_ =	strace s2  }
0x97: {  	_ =	strace $0x8FFFFFFF  }
0x98: {  	s18 =	sld [smem:$0x3FDB];
	_ =	sdelay $0x1  }
0x99: {  	s19 =	simm.s32 $_scs_section_size  }
0x9a: {  	s4 =	simm.s32 $_size__tile_overlayer_lowered;
	s5 =	simm.s32 $_tile_overlayer_lowered  }
0x9b: {  	s22 =	simm.s32 $0x1BFF;
	s21 =	sshll.u32 s5, $0x1;
	s2 =	sadd.s32 s19, s18  }
0x9c: {  	s6 =	simm.s32 $0x0;
	s20 =	sshll.u32 s4, $0x1;
	s4 =	sadd.s32 s21, s2  }
0x9d: {  	[timem:s6], [sflag:s22] =	dma.local [hbm:s4], s20  }
0x9e: {  	_ =	swait.ge [sflag:s22], s20  }
0x9f: {  	s3 =	ssub.s32 $0x0, s20;
	[sflag:s22] =	ssyncset.done $0x0  }
0xa0: {  	[sflag:s22] =	ssyncadd.s32 s3;
	_ =	sdelay $0x1  }
0xa1: {  	s23 =	simm.s32 $0x1B8B  }
0xa2: {  	_ =	swait.ge [sflag:s23], $0x1  }
0xa3: {  	[sflag:s23] =	ssyncset.done $0x0  }
0xa4: {  	s25 =	simm.s32 $0x1B8E;
	s24 =	sld [smem:$0x3FFE];
	[sflag:s23] =	ssyncadd.s32 $0xFFFFFFFF  }
0xa5: {  	s26 =	simm.s32 $execute0_lowered;
	[smem:$0x3FD2] =	sst s25  }
0xa6: {  	s4 =	sshll.u32 s26, $0x1;
	_ =	strace $0x80000046;
	[dreg:$0x1] =	wrdreg $0xFFFFFFFF  }
0xa7: {  	s28 =	simm.s32 $_size_execute0_lowered;
	s2 =	sadd.s32 s2, s4;
	[dreg:$0x0] =	wrdreg $0x0  }
0xa8: {  	s4 =	sshll.u32 s28, $0x1;
	[dreg:$0x2] =	wrdreg s2  }
0xa9: {  	[dreg:$0x3] =	wrdreg s4  }
0xaa: {  	[dreg:$0x4] =	wrdreg $0xC0  }
0xab: {  	_ =	task [dreg:s6], $0x5FFFF  }
0xac: {  	[dreg:$0x1] =	wrdreg $0xFFFFFFFF  }
0xad: {  	[dreg:$0x0] =	wrdreg $0x60  }
0xae: {  	[dreg:$0x2] =	wrdreg s24  }
0xaf: {  	[dreg:$0x3] =	wrdreg $0x9  }
0xb0: {  	_ =	task.clear_ibuf [dreg:s6], $0x4FFFF;
	_ =	strace $0x90000046  }
0xb1: {  	s29 =	simm.s32 $0x9;
	_ =	strace $0x80000048  }
0xb2: {  	_ =	swait.ge [sflag:s29], $0x1  }
0xb3: {  	[sflag:s29] =	ssyncadd.s32 $0xFFFFFFFF  }
0xb4: {  	_ =	strace $0x90000048  }
0xb5: {  	_ =	sfence  }
0xb6: {  	s30 =	sld [smem:$0x0];
	_ =	sdelay $0x2  }
0xb7: {  	s31 =	sshll.u32 s1, $0xD;
	s1 =	sshrl.u32 s1, $0x2  }
0xb8: {  	s3 =	sand.u32 $0x4000, s31;
	s1 =	sadd.s32 s1, s30  }
0xb9: {  	s0 =	sor.u32 s3, s0;
	s1 =	sshll.u32 s1, $0x11  }
0xba: {  	s0 =	sor.u32 s1, s0  }
0xbb: {  	s0 =	sadd.s32 $0x8F2B, s0  }
0xbc: {  	[sflag:s0] =	ssyncadd.remote.s32 $0x1  }
0xbd: {  	_ =	sfence.sel $0xFFFF  }
0xbe: {  	[dreg:$0x0] =	wrdreg $0xFFFFFFFF;
	(pc) =	sbr.abs _section_cstart, $3  }
0xbf: {  	[dreg:$0x1] =	wrdreg $0xFFFFFFFF  }
0xc0: {  	_ =	task.clear_ibuf [dreg:s6], $0x2FFFF;
	_ =	strace $0x9FFFFFFF  }
0xc1: {  	(tm) =	ssettm $0x7FFFFFFF  }
tec
execute0_lowered:
.L_overlay_start_1:
0x0: {  	(tag) =	ssettag $0x1  }
0x1: {  	s3 =	rddreg [dreg:$0x0]  }
0x2: {  	s0 =	rddreg [dreg:$0x1];
	s1 =	stileid.u32  }
0x3: {  	s2 =	simm.s32 $0x0;
	s4 =	srdreg.scid;
	s8 =	simm.s32 $0x2  }
0x4: {  	s9 =	simm.s32 $0x1;
	s10 =	simm.s32 $0x8000;
	s11 =	simm.s32 $0x0  }
0x5: {  	s5 =	sshll.u32 s1, $0x1;
	[smem:$0x7FF] =	sst s2;
	s4 =	sand.u32 $0x1, s4  }
0x6: {  	s6 =	sshrl.u32 s1, $0x1;
	s5 =	sand.u32 $0x2, s5;
	_ =	strace $0x80000047  }
0x7: {  	s7 =	sshll.u32 s6, $0xD;
	s5 =	sor.u32 s4, s5;
	s4 =	ssub.s32 $0x2, s4  }
0x8: {  	s6 =	sshll.u32 s6, $0xB;
	s5 =	sshll.u32 s5, $0xB;
	s31 =	sshrl.u32 s4, $0x1  }
0x9: {  	s6 =	sadd.s32 s6, s3;
	s5 =	sor.u32 s7, s5;
	s7 =	ssub.s32 s4, s31  }
0xa: {  	s4 =	sadd.s32 $0x6800, s6;
	s5 =	sadd.s32 s5, s3;
	s6 =	smax.u32 s7, $0x1  }
0xb: {  	v0 =	vlaneseq.u32;
	s7 =	simm.s32 $0x4000;
	s3 =	sadd.s32 $0xA800, s5;
	s5 =	sadd.s32 $0x1A800, s5  }
.LBB2_1:
0xc: {  	[tilespmem:s2], [sflag:$0x1] =	stream.linear.gather [hbm4b:s3+s2], $0x4000, $0x38;
	[tilespmem:$0xC000] =	vst v63  }
0xd: {  	_ = 	snop  }
0xe: {  	[tilespmem:s7], [sflag:$0x2] =	stream.linear.gather [hbm4b:s4+s2], $0x4000, $0x38;
	[tilespmem:$0xC000] =	vst v63  }
0xf: {  	_ =	swait.ge [sflag:s8], $0x4000  }
0x10: {  	[sflag:s8] =	ssyncset.done $0x0  }
0x11: {  	[sflag:s8] =	ssyncadd.s32 $0xFFFFC000  }
0x12: {  	_ =	swait.ge [sflag:s9], $0x4000  }
0x13: {  	[sflag:s9] =	ssyncset.done $0x0  }
0x14: {  	s12 =	simm.s32 $0x0;
	[sflag:s9] =	ssyncadd.s32 $0xFFFFC000  }
.LBB2_2:
0x15: {  	s13 =	sshll.u32 s12, $0x4  }
0x16: {  	v1 =	vmov s13  }
0x17: {  	v2 =	vor.u32 s13, v0;
	v3 =	vshll.u32 v1, $0x3  }
0x18: {  	v2 =	vand.u32 $0x7F, v2;
	v1 =	vand.u32 $0x1C00, v3  }
0x19: {  	v1 =	vor.u32 v2, v1  }
0x1a: {  	v4 =	vor.u32 $0x80, v1  }
0x1b: {  	v5 =	vor.u32 $0x100, v1  }
0x1c: {  	v6 =	vor.u32 $0x180, v1;
	_ =	sdelay $0x1  }
0x1d: {  	v8 =	vor.u32 $0x200, v1;
	v7 =	vld.idx.msk [tilespmem:v1+s7+$0x0], $0xffff  }
0x1e: {  	v2 =	vor.u32 v3, v2;
	v9 =	vor.u32 $0x280, v1;
	v4 =	vld.idx.msk [tilespmem:v4+s7+$0x0], $0xffff  }
0x1f: {  	v10 =	vor.u32 $0x380, v2;
	v3 =	vld.idx.msk [tilespmem:v5+s7+$0x0], $0xffff;
	v5 =	vor.u32 $0x300, v1  }
0x20: {  	v11 =	vor.u32 $0x2000, v1;
	v12 =	vor.u32 $0x2080, v1;
	v13 =	vor.u32 $0x2100, v1;
	v6 =	vld.idx.msk [tilespmem:v6+s7+$0x0], $0xffff  }
0x21: {  	v14 =	vor.u32 $0x2180, v1;
	v15 =	vor.u32 $0x2200, v1;
	v16 =	vor.u32 $0x2280, v1  }
0x22: {  	v18 =	vor.u32 $0x2300, v1;
	v20 =	vor.u32 $0x2380, v2;
	v17 =	vld.idx.msk [tilespmem:v8+s7+$0x0], $0xffff;
	v2 =	vshll.u32 v7, $0x3  }
0x23: {  	v9 =	vld.idx.msk [tilespmem:v9+s7+$0x0], $0xffff;
	v7 =	vand.u32 $0x7F, v7;
	v2 =	vand.u32 $0xFFFFFC00, v2;
	v8 =	vshll.u32 v4, $0x3  }
0x24: {  	v4 =	vand.u32 $0x7F, v4;
	v19 =	vld.idx.msk [tilespmem:v5+s7+$0x0], $0xffff;
	v5 =	vand.u32 $0x7F, v3;
	v3 =	vshll.u32 v3, $0x3  }
0x25: {  	v2 =	vor.u32 v7, v2;
	v7 =	vand.u32 $0xFFFFFC00, v8;
	v8 =	vshll.u32 v6, $0x3  }
0x26: {  	v10 =	vld.idx.msk [tilespmem:v10+s7+$0x0], $0xffff;
	v3 =	vand.u32 $0xFFFFFC00, v3;
	v6 =	vand.u32 $0x7F, v6;
	v21 =	vand.u32 $0xFFFFFC00, v8  }
0x27: {  	v12 =	vld.idx.msk [tilespmem:v12+s7+$0x0], $0xffff;
	v8 =	vor.u32 v4, v7;
	v4 =	vor.u32 v5, v3;
	v5 =	vand.u32 $0x7F, v17  }
0x28: {  	v11 =	vld.idx.msk [tilespmem:v11+s7+$0x0], $0xffff;
	v7 =	vshll.u32 v9, $0x3;
	v3 =	vor.u32 v6, v21;
	v6 =	vshll.u32 v17, $0x3  }
0x29: {  	v9 =	vand.u32 $0x7F, v9;
	v7 =	vand.u32 $0xFFFFFC00, v7;
	v6 =	vand.u32 $0xFFFFFC00, v6  }
0x2a: {  	v13 =	vld.idx.msk [tilespmem:v13+s7+$0x0], $0xffff;
	v6 =	vor.u32 v5, v6;
	v5 =	vor.u32 v9, v7;
	v7 =	vshll.u32 v19, $0x3  }
0x2b: {  	v14 =	vld.idx.msk [tilespmem:v14+s7+$0x0], $0xffff;
	v17 =	vshll.u32 v10, $0x3;
	v9 =	vand.u32 $0x7F, v19;
	v7 =	vand.u32 $0xFFFFFC00, v7  }
0x2c: {  	v19 =	vshll.u32 v12, $0x3;
	v7 =	vor.u32 v9, v7;
	v9 =	vand.u32 $0x7F, v10  }
0x2d: {  	v10 =	vand.u32 $0xFFFFFC00, v17;
	v17 =	vand.u32 $0x7F, v11;
	v11 =	vshll.u32 v11, $0x3  }
0x2e: {  	v15 =	vld.idx.msk [tilespmem:v15+s7+$0x0], $0xffff;
	v12 =	vand.u32 $0x7F, v12;
	v19 =	vand.u32 $0xFFFFFC00, v19;
	v21 =	vand.u32 $0xFFFFFC00, v11  }
0x2f: {  	v11 =	vor.u32 v9, v10;
	v9 =	vor.u32 v12, v19;
	v12 =	vand.u32 $0x7F, v13  }
0x30: {  	v13 =	vshll.u32 v13, $0x3;
	v10 =	vor.u32 v17, v21;
	v17 =	vshll.u32 v14, $0x3  }
0x31: {  	s30 =	simm.s32 $0x0;
	v16 =	vld.idx.msk [tilespmem:v16+s7+$0x0], $0xffff;
	v13 =	vand.u32 $0xFFFFFC00, v13;
	v14 =	vand.u32 $0x7F, v14;
	v17 =	vand.u32 $0xFFFFFC00, v17  }
0x32: {  	v13 =	vor.u32 v12, v13;
	v12 =	vor.u32 v14, v17;
	v14 =	vmov s30  }
0x33: {  	v17 =	vand.u32 $0x7F, v15;
	v15 =	vshll.u32 v15, $0x3;
	v19 =	vshll.u32 v14, $0xA  }
0x34: {  	v15 =	vand.u32 $0xFFFFFC00, v15;
	v21 =	vshll.u32 v14, $0x7;
	v19 =	vand.u32 $0x2000, v19  }
0x35: {  	v22 =	vld.idx.msk [tilespmem:v18+s7+$0x0], $0xffff;
	v14 =	vor.u32 v17, v15;
	v18 =	vand.u32 $0x380, v21;
	v15 =	vadd.s32 v8, v19  }
0x36: {  	v17 =	vand.u32 $0x7F, v16;
	v21 =	vadd.s32 v2, v19;
	v23 =	vor.u32 v18, v15  }
0x37: {  	v15 =	vshll.u32 v16, $0x3;
	v16 =	vor.u32 v18, v21;
	v21 =	vadd.s32 v4, v19  }
0x38: {  	v24 =	vadd.s32 v3, v19;
	v15 =	vand.u32 $0xFFFFFC00, v15;
	v21 =	vor.u32 v18, v21  }
0x39: {  	v20 =	vld.idx.msk [tilespmem:v20+s7+$0x0], $0xffff;
	v26 =	vadd.s32 v5, v19;
	v15 =	vor.u32 v17, v15;
	v17 =	vor.u32 v18, v24  }
0x3a: {  	v25 =	vand.u32 $0x7F, v22;
	v26 =	vor.u32 v18, v26;
	v24 =	vadd.s32 v6, v19  }
0x3b: {  	v22 =	vshll.u32 v22, $0x3;
	v27 =	vadd.s32 v7, v19;
	v24 =	vor.u32 v18, v24;
	v23 =	vld.idx.msk [tilespmem:v23+s2+$0x0], $0xffff  }
0x3c: {  	v22 =	vand.u32 $0xFFFFFC00, v22;
	v29 =	vadd.s32 v11, v19;
	v27 =	vor.u32 v18, v27;
	v28 =	vld.idx.msk [tilespmem:v16+s2+$0x0], $0xffff  }
0x3d: {  	v16 =	vor.u32 v25, v22;
	v22 =	vor.u32 v18, v29;
	v25 =	vadd.s32 v10, v19;
	v21 =	vld.idx.msk [tilespmem:v21+s2+$0x0], $0xffff  }
0x3e: {  	v29 =	vand.u32 $0x7F, v20;
	v25 =	vor.u32 v18, v25;
	v30 =	vld.idx.msk [tilespmem:v17+s2+$0x0], $0xffff;
	v17 =	vadd.s32 v9, v19  }
0x3f: {  	v20 =	vshll.u32 v20, $0x3;
	v32 =	vld.idx.msk [tilespmem:v26+s2+$0x0], $0xffff;
	v31 =	vor.u32 v18, v17;
	v17 =	vadd.s32 v13, v19  }
0x40: {  	v33 =	vadd.s32 v12, v19;
	v20 =	vand.u32 $0xFFFFFC00, v20;
	v24 =	vld.idx.msk [tilespmem:v24+s2+$0x0], $0xffff;
	v26 =	vor.u32 v18, v17  }
0x41: {  	v17 =	vor.u32 v29, v20;
	v20 =	vld.idx.msk [tilespmem:v27+s2+$0x0], $0xffff;
	v27 =	vor.u32 v18, v33;
	v29 =	vadd.s32 v14, v19  }
0x42: {  	v23 =	vmax.f32 v28, v23;
	v22 =	vld.idx.msk [tilespmem:v22+s2+$0x0], $0xffff;
	v28 =	vor.u32 v18, v29;
	v29 =	vadd.s32 v15, v19  }
0x43: {  	v21 =	vmax.f32 v23, v21;
	v23 =	vld.idx.msk [tilespmem:v25+s2+$0x0], $0xffff;
	v25 =	vor.u32 v18, v29;
	v29 =	vadd.s32 v16, v19  }
0x44: {  	v21 =	vmax.f32 v21, v30;
	v29 =	vor.u32 v18, v29;
	v30 =	vld.idx.msk [tilespmem:v31+s2+$0x0], $0xffff;
	v31 =	vadd.s32 v17, v19  }
0x45: {  	v21 =	vmax.f32 v21, v24;
	v26 =	vld.idx.msk [tilespmem:v26+s2+$0x0], $0xffff;
	v31 =	vor.u32 v18, v31  }
0x46: {  	v21 =	vmax.f32 v21, v32;
	v24 =	vld.idx.msk [tilespmem:v27+s2+$0x0], $0xffff  }
0x47: {  	s31 =	simm.s32 $0x1;
	v20 =	vmax.f32 v21, v20;
	v21 =	vld.idx.msk [tilespmem:v28+s2+$0x0], $0xffff  }
0x48: {  	v27 =	vmov s31;
	v20 =	vmax.f32 v20, v22;
	v22 =	vld.idx.msk [tilespmem:v25+s2+$0x0], $0xffff  }
0x49: {  	v25 =	vshll.u32 v27, $0x7;
	v28 =	vmax.f32 v20, v23;
	v23 =	vld.idx.msk [tilespmem:v29+s2+$0x0], $0xffff  }
0x4a: {  	s13 =	simm.s32 $0x2;
	v27 =	vshll.u32 v27, $0xA;
	v20 =	vand.u32 $0x380, v25;
	v28 =	vmax.f32 v28, v30;
	v25 =	vld.idx.msk [tilespmem:v31+s2+$0x0], $0xffff  }
.LBB2_3:
0x4b: {  	p0 =	sne.s32 s13, $0xF;
	v26 =	vmax.f32 v28, v26;
	v28 =	vor.u32 v19, v1;
	v19 =	vand.u32 $0x2000, v27  }
0x4c: {  	v27 =	vadd.s32 v8, v19;
	v24 =	vmax.f32 v26, v24;
	v26 =	vor.u32 v18, v28;
	v18 =	vmovc v20  }
0x4d: {  	v20 =	vadd.s32 v2, v19;
	v27 =	vor.u32 v18, v27;
	v21 =	vmax.f32 v24, v21  }
0x4e: {  	v20 =	vor.u32 v18, v20;
	v24 =	vadd.s32 v4, v19;
	v21 =	vmax.f32 v21, v22  }
0x4f: {  	v22 =	vor.u32 v18, v24;
	v24 =	vadd.s32 v3, v19;
	v21 =	vmax.f32 v21, v23  }
0x50: {  	v23 =	vor.u32 v18, v24;
	v24 =	vadd.s32 v6, v19;
	v21 =	vmax.f32 v21, v25  }
0x51: {  	v24 =	vor.u32 v18, v24;
	v25 =	vadd.s32 v5, v19;
	[tilespmem:v26+s10+$0x0] =	vst.idx.msk $0xffff, v21  }
0x52: {  	v25 =	vor.u32 v18, v25;
	v26 =	vadd.s32 v7, v19;
	v21 =	vld.idx.msk [tilespmem:v27+s2+$0x0], $0xffff  }
0x53: {  	v26 =	vor.u32 v18, v26;
	v27 =	vadd.s32 v11, v19;
	v20 =	vld.idx.msk [tilespmem:v20+s2+$0x0], $0xffff  }
0x54: {  	v28 =	vadd.s32 v10, v19;
	v27 =	vor.u32 v18, v27;
	v22 =	vld.idx.msk [tilespmem:v22+s2+$0x0], $0xffff  }
0x55: {  	v29 =	vadd.s32 v9, v19;
	v28 =	vor.u32 v18, v28;
	v23 =	vld.idx.msk [tilespmem:v23+s2+$0x0], $0xffff  }
0x56: {  	v30 =	vadd.s32 v13, v19;
	v29 =	vor.u32 v18, v29;
	v24 =	vld.idx.msk [tilespmem:v24+s2+$0x0], $0xffff  }
0x57: {  	v31 =	vadd.s32 v12, v19;
	v30 =	vor.u32 v18, v30;
	v25 =	vld.idx.msk [tilespmem:v25+s2+$0x0], $0xffff  }
0x58: {  	v31 =	vor.u32 v18, v31;
	v32 =	vld.idx.msk [tilespmem:v26+s2+$0x0], $0xffff;
	v26 =	vadd.s32 v14, v19  }
0x59: {  	v20 =	vmax.f32 v20, v21;
	v27 =	vld.idx.msk [tilespmem:v27+s2+$0x0], $0xffff;
	v21 =	vor.u32 v18, v26;
	v26 =	vadd.s32 v15, v19  }
0x5a: {  	v20 =	vmax.f32 v20, v22;
	v28 =	vld.idx.msk [tilespmem:v28+s2+$0x0], $0xffff;
	v22 =	vor.u32 v18, v26;
	v26 =	vadd.s32 v16, v19  }
0x5b: {  	v33 =	vadd.s32 v17, v19;
	v20 =	vmax.f32 v20, v23;
	v29 =	vld.idx.msk [tilespmem:v29+s2+$0x0], $0xffff;
	v23 =	vor.u32 v18, v26  }
0x5c: {  	v20 =	vmax.f32 v20, v24;
	v26 =	vld.idx.msk [tilespmem:v30+s2+$0x0], $0xffff;
	v30 =	vor.u32 v18, v33  }
.Ltmp0:
0x5d: {  	v20 =	vmax.f32 v20, v25;
	v24 =	vld.idx.msk [tilespmem:v31+s2+$0x0], $0xffff;
	(pc) =	sbr.rel @p0 .LBB2_3-.Ltmp0, $4  }
0x5e: {  	v20 =	vmax.f32 v20, v32;
	v21 =	vld.idx.msk [tilespmem:v21+s2+$0x0], $0xffff  }
0x5f: {  	v25 =	vmov s13;
	v20 =	vmax.f32 v20, v27;
	v22 =	vld.idx.msk [tilespmem:v22+s2+$0x0], $0xffff  }
0x60: {  	v31 =	vshll.u32 v25, $0x7;
	v28 =	vmax.f32 v20, v28;
	v23 =	vld.idx.msk [tilespmem:v23+s2+$0x0], $0xffff  }
0x61: {  	s13 =	sadd.s32 $0x1, s13;
	v27 =	vshll.u32 v25, $0xA;
	v20 =	vand.u32 $0x380, v31;
	v28 =	vmax.f32 v28, v29;
	v25 =	vld.idx.msk [tilespmem:v30+s2+$0x0], $0xffff  }
0x62: {  	v27 =	vand.u32 $0x2000, v27;
	v26 =	vmax.f32 v28, v26;
	v19 =	vor.u32 v19, v1  }
0x63: {  	v8 =	vadd.s32 v8, v27;
	v24 =	vmax.f32 v26, v24;
	v18 =	vor.u32 v18, v19  }
0x64: {  	v2 =	vadd.s32 v2, v27;
	v8 =	vor.u32 v20, v8;
	v49 =	vmax.f32 v24, v21  }
0x65: {  	v4 =	vadd.s32 v4, v27;
	v2 =	vor.u32 v20, v2;
	v19 =	vmax.f32 v49, v22  }
0x66: {  	v3 =	vadd.s32 v3, v27;
	v4 =	vor.u32 v20, v4;
	v19 =	vmax.f32 v19, v23  }
0x67: {  	v6 =	vadd.s32 v6, v27;
	v3 =	vor.u32 v20, v3;
	v19 =	vmax.f32 v19, v25  }
0x68: {  	v5 =	vadd.s32 v5, v27;
	v6 =	vor.u32 v20, v6;
	[tilespmem:v18+s10+$0x0] =	vst.idx.msk $0xffff, v19  }
0x69: {  	v7 =	vadd.s32 v7, v27;
	v5 =	vor.u32 v20, v5;
	v8 =	vld.idx.msk [tilespmem:v8+s2+$0x0], $0xffff  }
0x6a: {  	v11 =	vadd.s32 v11, v27;
	v7 =	vor.u32 v20, v7;
	v2 =	vld.idx.msk [tilespmem:v2+s2+$0x0], $0xffff  }
0x6b: {  	v10 =	vadd.s32 v10, v27;
	v11 =	vor.u32 v20, v11;
	v4 =	vld.idx.msk [tilespmem:v4+s2+$0x0], $0xffff  }
0x6c: {  	v9 =	vadd.s32 v9, v27;
	v10 =	vor.u32 v20, v10;
	v3 =	vld.idx.msk [tilespmem:v3+s2+$0x0], $0xffff  }
0x6d: {  	v13 =	vadd.s32 v13, v27;
	v9 =	vor.u32 v20, v9;
	v6 =	vld.idx.msk [tilespmem:v6+s2+$0x0], $0xffff  }
0x6e: {  	v12 =	vadd.s32 v12, v27;
	v13 =	vor.u32 v20, v13;
	v5 =	vld.idx.msk [tilespmem:v5+s2+$0x0], $0xffff  }
0x6f: {  	v14 =	vadd.s32 v14, v27;
	v12 =	vor.u32 v20, v12;
	v7 =	vld.idx.msk [tilespmem:v7+s2+$0x0], $0xffff;
	v2 =	vmax.f32 v2, v8  }
0x70: {  	v52 =	vadd.s32 v15, v27;
	v51 =	vor.u32 v20, v14;
	v50 =	vld.idx.msk [tilespmem:v11+s2+$0x0], $0xffff;
	v2 =	vmax.f32 v2, v4  }
0x71: {  	v55 =	vadd.s32 v16, v27;
	v54 =	vor.u32 v20, v52;
	v53 =	vld.idx.msk [tilespmem:v10+s2+$0x0], $0xffff;
	v2 =	vmax.f32 v2, v3  }
0x72: {  	v57 =	vadd.s32 v17, v27;
	v56 =	vor.u32 v20, v55;
	v3 =	vld.idx.msk [tilespmem:v9+s2+$0x0], $0xffff;
	v2 =	vmax.f32 v2, v6  }
0x73: {  	v59 =	vor.u32 v20, v57;
	v58 =	vld.idx.msk [tilespmem:v13+s2+$0x0], $0xffff;
	v2 =	vmax.f32 v2, v5  }
0x74: {  	v60 =	vld.idx.msk [tilespmem:v12+s2+$0x0], $0xffff;
	v2 =	vmax.f32 v2, v7  }
0x75: {  	v61 =	vld.idx.msk [tilespmem:v51+s2+$0x0], $0xffff;
	v2 =	vmax.f32 v2, v50  }
0x76: {  	v62 =	vld.idx.msk [tilespmem:v54+s2+$0x0], $0xffff;
	v2 =	vmax.f32 v2, v53  }
0x77: {  	v63 =	vld.idx.msk [tilespmem:v56+s2+$0x0], $0xffff;
	v2 =	vmax.f32 v2, v3  }
0x78: {  	s12 =	sadd.s32 $0x1, s12;
	v1 =	vor.u32 v27, v1;
	v3 =	vld.idx.msk [tilespmem:v59+s2+$0x0], $0xffff;
	v2 =	vmax.f32 v2, v58  }
0x79: {  	p0 =	sne.s32 s12, $0x40;
	v1 =	vor.u32 v20, v1;
	v2 =	vmax.f32 v2, v60  }
.Ltmp1:
0x7a: {  	v2 =	vmax.f32 v2, v61;
	(pc) =	sbr.rel @p0 .LBB2_2-.Ltmp1, $4  }
0x7b: {  	v2 =	vmax.f32 v2, v62  }
0x7c: {  	v2 =	vmax.f32 v2, v63  }
0x7d: {  	v2 =	vmax.f32 v2, v3  }
0x7e: {  	[tilespmem:v1+s10+$0x0] =	vst.idx.msk $0xffff, v2  }
0x7f: {  	s11 =	sadd.s32 $0x1, s11  }
0x80: {  	p0 =	sne.s32 s11, s6  }
.Ltmp2:
0x81: {  	_ = 	snop;
	(pc) =	sbr.rel @p0 .LBB2_1-.Ltmp2, $4  }
0x82: {  	[hbm4b:s5+s2] =	stream.linear.scatter [tilespmem:s10], [sflag:$0x2], $0x4000, $0x38;
	[tilespmem:$0xC000] =	vst v63  }
0x83: {  	_ =	swait.ge [sflag:s8], $0x4000  }
0x84: {  	[sflag:s8] =	ssyncset.done $0x0  }
0x85: {  	[sflag:s8] =	ssyncadd.s32 $0xFFFFC000  }
0x86: {  	_ =	sfence.sel $0x180000  }
0x87: {  	[bflag:$0x0] =	sbarrier.arrive $0xFFFF  }
0x88: {  	p0 =	sne.s32 s1, $0x0;
	_ =	strace $0x90000047  }
0x89: {  	s0 =	sadd.s32 @!p0 $0x100000, s0;
	[bflag:$0x2] =	sbarrier.arrive $0xFFFF  }
0x8a: {  	[sflag:s0] =	ssyncadd.tile.s32 @!p0 $0x1;
	_ =	shalt  }
.Lfunc_end2:
_tile_overlayer_lowered:
.L_overlay_start_2:
0x8b: {  	(tag) =	ssettag $0x2  }
0x8c: {  	s0 =	rddreg [dreg:$0x0];
	s2 =	stileid.u32  }
0x8d: {  	s1 =	rddreg [dreg:$0x1];
	p0 =	sne.s32 s2, $0x0  }
0x8e: {  	s3 =	rddreg [dreg:$0x2];
	[bflag:$0x3] =	sbarrier.arrive $0xFFFF;
	s2 =	simm.s32 @!p0 $0x1C02  }
0x8f: {  	[timem:s3], [sflag:s2] =	dma.local @!p0 [hbm:s0], s1  }
0x90: {  	s0 =	simm.s32 @!p0 $0x2  }
0x91: {  	_ =	swait.ge @!p0 [sflag:s0], s1  }
0x92: {  	s1 =	ssub.s32 @!p0 $0x0, s1;
	[sflag:s0] =	ssyncset.done @!p0 $0x0  }
0x93: {  	[sflag:s0] =	ssyncadd.s32 @!p0 s1  }
0x94: {  	[bflag:$0x3] =	sbarrier.arrive $0xFFFF  }
0x95: {  	_ =	shalt  }

// kernel: kernel.16.cloned.1.call-start
scs
__scs_entry_jumppad:
0x0: {  	(pc) =	sbr.rel $0x88, $3  }
0x1: {  	(tag) =	ssettag $0x0;
	lr =	simm.s32 $0x1  }
0x2: {  	[smem:$0x3F88] =	sst lr;
	_ =	strace $0xD0000000  }
0x3: {  	_ = 	snop  }
0x4: {  	_ = 	snop  }
0x5: {  	_ = 	snop  }
0x6: {  	_ = 	snop  }
0x7: {  	_ = 	snop  }
__scs_overlays_trampoline_lowered:
0x8: {  	[smem:$0x3F97] =	sst s0  }
0x9: {  	[smem:$0x3F98] =	sst s1  }
0xa: {  	[smem:$0x3F99] =	sst s2  }
0xb: {  	[smem:$0x3F9A] =	sst s3  }
0xc: {  	[smem:$0x3F9B] =	sst s4  }
0xd: {  	[smem:$0x3F9C] =	sst s5  }
0xe: {  	[smem:$0x3F9D] =	sst s6  }
0xf: {  	[smem:$0x3F9E] =	sst s7  }
0x10: {  	[smem:$0x3F9F] =	sst s8  }
0x11: {  	[smem:$0x3FA0] =	sst s9;
	s0 =	simm.s32 @!p0 $0x0  }
0x12: {  	s1 =	sld [smem:$0x3F86];
	s0 =	simm.s32 @p0 $0x1  }
0x13: {  	[smem:$0x3FA1] =	sst s0;
	s0 =	simm.s32 @!p1 $0x0  }
0x14: {  	s2 =	sld [smem:$0x3F85];
	s0 =	simm.s32 @p1 $0x1  }
0x15: {  	[smem:$0x3FA2] =	sst s0;
	s0 =	simm.s32 @!p2 $0x0  }
0x16: {  	s3 =	sld [smem:$0x3FDB];
	s0 =	simm.s32 @p2 $0x1  }
0x17: {  	s4 =	simm.s32 $0x1BF5;
	[smem:$0x3FA4] =	sst s0  }
0x18: {  	s0 =	sld [smem:$0x3F87];
	_ =	swait.ge [sflag:s4], $0x0  }
0x19: {  	s7 =	sld [smem:$0x3F88]  }
0x1a: {  	s8 =	sadd.s32 $0xFFFFE003, lr  }
0x1b: {  	s9 =	sadd.s32 $0xFFFFFEF7, lr;
	s5 =	simm.s32 $0xFFFFFFFF;
	p2 =	slt.u32 s8, $0xFFFFF086  }
0x1c: {  	p1 =	slt.u32 s9, $0xF7A;
	s5 =	simm.s32 @!p2 $0x0  }
0x1d: {  	s5 =	simm.s32 @p1 $0x1;
	p0 =	seq.s32 s7, s2  }
0x1e: {  	s7 =	smul.u32 @!p0 $0xF7A, s2;
	p2 =	seq.s32 @!p0 s5, $0x0  }
0x1f: {  	s9 =	smul.u32 $0xF7A, s1;
	s8 =	simm.s32 @!p0 $0x1BF5;
	p2 =	por !p2, p0  }
0x20: {  	[sflag:s8] =	ssyncset.s32 @!p0 $0xFFFFF086;
	s6 =	sadd.s32 @!p0 s3, s7;
	s7 =	simm.s32 @!p0 $0x108  }
0x21: {  	s3 =	sadd.s32 s3, s9;
	s6 =	sadd.s32 @!p0 $0x88, s6;
	s7 =	simm.s32 @p2 $0x1082  }
0x22: {  	[simem:s7], [sflag:s8] =	dma.local @!p0 [hbm:s6], $0xF7A  }
0x23: {  	s9 =	sor.u32 $0xD0000000, s2;
	s6 =	simm.s32 $0x108;
	_ =	swait.ge @!p0 [sflag:s8], $0x0  }
0x24: {  	s3 =	sadd.s32 $0x88, s3;
	s6 =	simm.s32 @!p1 $0x1082;
	[sflag:s4] =	ssyncset.s32 $0xFFFFF086  }
0x25: {  	[simem:s6], [sflag:s4] =	dma.local [hbm:s3], $0xF7A  }
0x26: {  	[smem:$0x3F88] =	sst s1;
	(tag) =	ssettag s2;
	_ =	strace s9  }
0x27: {  	s1 =	sld [smem:$0x3F98]  }
0x28: {  	s2 =	sld [smem:$0x3F99]  }
0x29: {  	s4 =	sld [smem:$0x3F9B]  }
0x2a: {  	p0 =	seq.s32 s5, $0x0;
	s5 =	sld [smem:$0x3F9C]  }
0x2b: {  	s6 =	sld [smem:$0x3F9D]  }
0x2c: {  	s7 =	sld [smem:$0x3F9E]  }
0x2d: {  	s3 =	simm.s32 $0x108;
	s8 =	sld [smem:$0x3F9F]  }
0x2e: {  	s3 =	simm.s32 @!p0 $0x1082;
	s9 =	sld [smem:$0x3FA0]  }
0x2f: {  	lr =	sadd.s32 s0, s3;
	s0 =	sld [smem:$0x3F97]  }
0x30: {  	s3 =	sld [smem:$0x3F9A]  }
0x31: {  	[smem:$0x3FA3] =	sst s10  }
0x32: {  	s10 =	sld [smem:$0x3FA1];
	_ =	sdelay $0x3  }
0x33: {  	p0 =	seq.s32 s10, $0x1;
	s10 =	sld [smem:$0x3FA3];
	_ =	sdelay $0x3  }
0x34: {  	[smem:$0x3FA3] =	sst s10  }
0x35: {  	s10 =	sld [smem:$0x3FA2];
	_ =	sdelay $0x3  }
0x36: {  	p1 =	seq.s32 s10, $0x1;
	s10 =	sld [smem:$0x3FA3];
	_ =	sdelay $0x3  }
0x37: {  	[smem:$0x3FA3] =	sst s10  }
0x38: {  	s10 =	sld [smem:$0x3FA4]  }
0x39: {  	_ = 	snop;
	(pc) =	sbr.ind lr, $3  }
0x3a: {  	_ = 	snop  }
0x3b: {  	_ = 	snop  }
0x3c: {  	p2 =	seq.s32 s10, $0x1;
	s10 =	sld [smem:$0x3FA3]  }
0x3d: {  	_ =	shalt  }
0x3e: {  	_ =	shalt  }
0x3f: {  	_ =	shalt  }
0x40: {  	_ =	shalt  }
0x41: {  	_ =	shalt  }
0x42: {  	_ =	shalt  }
0x43: {  	_ =	shalt  }
0x44: {  	_ =	shalt  }
0x45: {  	_ =	shalt  }
0x46: {  	_ =	shalt  }
0x47: {  	_ =	shalt  }
0x48: {  	_ =	shalt  }
0x49: {  	_ =	shalt  }
0x4a: {  	_ =	shalt  }
0x4b: {  	_ =	shalt  }
0x4c: {  	_ =	shalt  }
0x4d: {  	_ =	shalt  }
0x4e: {  	_ =	shalt  }
0x4f: {  	_ =	shalt  }
0x50: {  	_ =	shalt  }
0x51: {  	_ =	shalt  }
0x52: {  	_ =	shalt  }
0x53: {  	_ =	shalt  }
0x54: {  	_ =	shalt  }
0x55: {  	_ =	shalt  }
0x56: {  	_ =	shalt  }
0x57: {  	_ =	shalt  }
0x58: {  	_ =	shalt  }
0x59: {  	_ =	shalt  }
0x5a: {  	_ =	shalt  }
0x5b: {  	_ =	shalt  }
0x5c: {  	_ =	shalt  }
0x5d: {  	_ =	shalt  }
0x5e: {  	_ =	shalt  }
0x5f: {  	_ =	shalt  }
0x60: {  	_ =	shalt  }
0x61: {  	_ =	shalt  }
0x62: {  	_ =	shalt  }
0x63: {  	_ =	shalt  }
0x64: {  	_ =	shalt  }
0x65: {  	_ =	shalt  }
0x66: {  	_ =	shalt  }
0x67: {  	_ =	shalt  }
0x68: {  	_ =	shalt  }
0x69: {  	_ =	shalt  }
0x6a: {  	_ =	shalt  }
0x6b: {  	_ =	shalt  }
0x6c: {  	_ =	shalt  }
0x6d: {  	_ =	shalt  }
0x6e: {  	_ =	shalt  }
0x6f: {  	_ =	shalt  }
0x70: {  	_ =	shalt  }
0x71: {  	_ =	shalt  }
0x72: {  	_ =	shalt  }
0x73: {  	_ =	shalt  }
0x74: {  	_ =	shalt  }
0x75: {  	_ =	shalt  }
0x76: {  	_ =	shalt  }
0x77: {  	_ =	shalt  }
0x78: {  	_ =	shalt  }
0x79: {  	_ =	shalt  }
0x7a: {  	_ =	shalt  }
0x7b: {  	_ =	shalt  }
0x7c: {  	_ =	shalt  }
0x7d: {  	_ =	shalt  }
0x7e: {  	_ =	shalt  }
0x7f: {  	_ =	shalt  }
0x80: {  	_ =	shalt  }
0x81: {  	_ =	shalt  }
0x82: {  	_ =	shalt  }
0x83: {  	_ =	shalt  }
0x84: {  	_ =	shalt  }
0x85: {  	_ =	shalt  }
0x86: {  	_ =	shalt  }
0x87: {  	_ =	shalt  }
.Lfunc_end0:
.L_simem_size_0:
called_computation.1_lowered:
.L_overlay_start_0:
0x88: {  	s2 =	sld [smem:$0x3FD9]  }
0x89: {  	s3 =	sld [smem:$0x3FFE];
	_ =	sdelay $0x1  }
0x8a: {  	s1 =	srdreg.scid  }
0x8b: {  	s0 =	sand.u32 $0x1, s1  }
0x8c: {  	s16 =	sshll.u32 s0, $0xA;
	s2 =	sadd.s32 s3, s2  }
0x8d: {  	s2 =	sadd.s32 s2, s16  }
0x8e: {  	[smem:$0x3FAF] =	sst s2  }
0x8f: {  	_ = 	snop  }
0x90: {  	(tm) =	ssettm $0x1  }
0x91: {  	s17 =	sld [smem:$0x3FFB];
	_ =	sdelay $0x3  }
0x92: {  	_ =	strace s17  }
0x93: {  	s2 =	sld [smem:$0x3FFC];
	_ =	sdelay $0x3  }
0x94: {  	_ =	strace s2  }
0x95: {  	s2 =	sld [smem:$0x3FFD];
	_ =	sdelay $0x3  }
0x96: {  	_ =	strace s2  }
0x97: {  	_ =	strace $0x8FFFFFFF  }
0x98: {  	s18 =	sld [smem:$0x3FDB];
	_ =	sdelay $0x1  }
0x99: {  	s19 =	simm.s32 $_scs_section_size  }
0x9a: {  	s4 =	simm.s32 $_size__tile_overlayer_lowered;
	s5 =	simm.s32 $_tile_overlayer_lowered  }
0x9b: {  	s22 =	simm.s32 $0x1BFF;
	s21 =	sshll.u32 s5, $0x1;
	s2 =	sadd.s32 s19, s18  }
0x9c: {  	s6 =	simm.s32 $0x0;
	s20 =	sshll.u32 s4, $0x1;
	s4 =	sadd.s32 s21, s2  }
0x9d: {  	[timem:s6], [sflag:s22] =	dma.local [hbm:s4], s20  }
0x9e: {  	_ =	swait.ge [sflag:s22], s20  }
0x9f: {  	s3 =	ssub.s32 $0x0, s20;
	[sflag:s22] =	ssyncset.done $0x0  }
0xa0: {  	[sflag:s22] =	ssyncadd.s32 s3;
	_ =	sdelay $0x1  }
0xa1: {  	s23 =	simm.s32 $0x1B8B  }
0xa2: {  	_ =	swait.ge [sflag:s23], $0x1  }
0xa3: {  	[sflag:s23] =	ssyncset.done $0x0  }
0xa4: {  	s25 =	simm.s32 $0x1B8E;
	s24 =	sld [smem:$0x3FFE];
	[sflag:s23] =	ssyncadd.s32 $0xFFFFFFFF  }
0xa5: {  	s26 =	simm.s32 $execute0_lowered;
	[smem:$0x3FD2] =	sst s25  }
0xa6: {  	s4 =	sshll.u32 s26, $0x1;
	_ =	strace $0x80000049;
	[dreg:$0x1] =	wrdreg $0xFFFFFFFF  }
0xa7: {  	s28 =	simm.s32 $_size_execute0_lowered;
	s2 =	sadd.s32 s2, s4;
	[dreg:$0x0] =	wrdreg $0x0  }
0xa8: {  	s4 =	sshll.u32 s28, $0x1;
	[dreg:$0x2] =	wrdreg s2  }
0xa9: {  	[dreg:$0x3] =	wrdreg s4  }
0xaa: {  	[dreg:$0x4] =	wrdreg $0xC0  }
0xab: {  	_ =	task [dreg:s6], $0x5FFFF  }
0xac: {  	[dreg:$0x1] =	wrdreg $0xFFFFFFFF  }
0xad: {  	[dreg:$0x0] =	wrdreg $0x60  }
0xae: {  	[dreg:$0x2] =	wrdreg s24  }
0xaf: {  	[dreg:$0x3] =	wrdreg $0x9  }
0xb0: {  	_ =	task.clear_ibuf [dreg:s6], $0x4FFFF;
	_ =	strace $0x90000049  }
0xb1: {  	s29 =	simm.s32 $0x9;
	_ =	strace $0x8000004B  }
0xb2: {  	_ =	swait.ge [sflag:s29], $0x1  }
0xb3: {  	[sflag:s29] =	ssyncadd.s32 $0xFFFFFFFF  }
0xb4: {  	_ =	strace $0x9000004B  }
0xb5: {  	_ =	sfence  }
0xb6: {  	s30 =	sld [smem:$0x0];
	_ =	sdelay $0x2  }
0xb7: {  	s31 =	sshll.u32 s1, $0xD;
	s1 =	sshrl.u32 s1, $0x2  }
0xb8: {  	s3 =	sand.u32 $0x4000, s31;
	s1 =	sadd.s32 s1, s30  }
0xb9: {  	s0 =	sor.u32 s3, s0;
	s1 =	sshll.u32 s1, $0x11  }
0xba: {  	s0 =	sor.u32 s1, s0  }
0xbb: {  	s0 =	sadd.s32 $0x8F2B, s0  }
0xbc: {  	[sflag:s0] =	ssyncadd.remote.s32 $0x1  }
0xbd: {  	_ =	sfence.sel $0xFFFF  }
0xbe: {  	[dreg:$0x0] =	wrdreg $0xFFFFFFFF;
	(pc) =	sbr.abs _section_cstart, $3  }
0xbf: {  	[dreg:$0x1] =	wrdreg $0xFFFFFFFF  }
0xc0: {  	_ =	task.clear_ibuf [dreg:s6], $0x2FFFF;
	_ =	strace $0x9FFFFFFF  }
0xc1: {  	(tm) =	ssettm $0x7FFFFFFF  }
tec
execute0_lowered:
.L_overlay_start_1:
0x0: {  	(tag) =	ssettag $0x1  }
0x1: {  	s3 =	rddreg [dreg:$0x0]  }
0x2: {  	s0 =	rddreg [dreg:$0x1];
	s1 =	stileid.u32  }
0x3: {  	s2 =	simm.s32 $0x0;
	s4 =	srdreg.scid;
	s8 =	simm.s32 $0x2  }
0x4: {  	s9 =	simm.s32 $0x1;
	s10 =	simm.s32 $0x8000;
	s11 =	simm.s32 $0x0  }
0x5: {  	s5 =	sshll.u32 s1, $0x1;
	[smem:$0x7FF] =	sst s2;
	s4 =	sand.u32 $0x1, s4  }
0x6: {  	s6 =	sshrl.u32 s1, $0x1;
	s5 =	sand.u32 $0x2, s5;
	_ =	strace $0x8000004A  }
0x7: {  	s7 =	sshll.u32 s6, $0xD;
	s5 =	sor.u32 s4, s5;
	s4 =	ssub.s32 $0x2, s4  }
0x8: {  	s6 =	sshll.u32 s6, $0xB;
	s5 =	sshll.u32 s5, $0xB;
	s31 =	sshrl.u32 s4, $0x1  }
0x9: {  	s6 =	sadd.s32 s6, s3;
	s5 =	sor.u32 s7, s5;
	s7 =	ssub.s32 s4, s31  }
0xa: {  	s4 =	sadd.s32 $0x6800, s6;
	s5 =	sadd.s32 s5, s3;
	s6 =	smax.u32 s7, $0x1  }
0xb: {  	v0 =	vlaneseq.u32;
	s7 =	simm.s32 $0x4000;
	s3 =	sadd.s32 $0xA800, s5;
	s5 =	sadd.s32 $0x2A800, s5  }
.LBB2_1:
0xc: {  	[tilespmem:s2], [sflag:$0x1] =	stream.linear.gather [hbm4b:s3+s2], $0x4000, $0x38;
	[tilespmem:$0xC000] =	vst v63  }
0xd: {  	_ = 	snop  }
0xe: {  	[tilespmem:s7], [sflag:$0x2] =	stream.linear.gather [hbm4b:s4+s2], $0x4000, $0x38;
	[tilespmem:$0xC000] =	vst v63  }
0xf: {  	_ =	swait.ge [sflag:s8], $0x4000  }
0x10: {  	[sflag:s8] =	ssyncset.done $0x0  }
0x11: {  	[sflag:s8] =	ssyncadd.s32 $0xFFFFC000  }
0x12: {  	_ =	swait.ge [sflag:s9], $0x4000  }
0x13: {  	[sflag:s9] =	ssyncset.done $0x0  }
0x14: {  	s12 =	simm.s32 $0x0;
	[sflag:s9] =	ssyncadd.s32 $0xFFFFC000  }
.LBB2_2:
0x15: {  	s13 =	sshll.u32 s12, $0x4  }
0x16: {  	v1 =	vmov s13  }
0x17: {  	v2 =	vor.u32 s13, v0;
	v3 =	vshll.u32 v1, $0x3  }
0x18: {  	v2 =	vand.u32 $0x7F, v2;
	v1 =	vand.u32 $0x1C00, v3  }
0x19: {  	v1 =	vor.u32 v2, v1  }
0x1a: {  	v4 =	vor.u32 $0x80, v1  }
0x1b: {  	v5 =	vor.u32 $0x100, v1  }
0x1c: {  	v6 =	vor.u32 $0x180, v1;
	_ =	sdelay $0x1  }
0x1d: {  	v8 =	vor.u32 $0x200, v1;
	v7 =	vld.idx.msk [tilespmem:v1+s7+$0x0], $0xffff  }
0x1e: {  	v2 =	vor.u32 v3, v2;
	v9 =	vor.u32 $0x280, v1;
	v4 =	vld.idx.msk [tilespmem:v4+s7+$0x0], $0xffff  }
0x1f: {  	v10 =	vor.u32 $0x380, v2;
	v3 =	vld.idx.msk [tilespmem:v5+s7+$0x0], $0xffff;
	v5 =	vor.u32 $0x300, v1  }
0x20: {  	v11 =	vor.u32 $0x2000, v1;
	v12 =	vor.u32 $0x2080, v1;
	v13 =	vor.u32 $0x2100, v1;
	v6 =	vld.idx.msk [tilespmem:v6+s7+$0x0], $0xffff  }
0x21: {  	v14 =	vor.u32 $0x2180, v1;
	v15 =	vor.u32 $0x2200, v1;
	v16 =	vor.u32 $0x2280, v1  }
0x22: {  	v18 =	vor.u32 $0x2300, v1;
	v20 =	vor.u32 $0x2380, v2;
	v17 =	vld.idx.msk [tilespmem:v8+s7+$0x0], $0xffff;
	v2 =	vshll.u32 v7, $0x3  }
0x23: {  	v9 =	vld.idx.msk [tilespmem:v9+s7+$0x0], $0xffff;
	v7 =	vand.u32 $0x7F, v7;
	v2 =	vand.u32 $0xFFFFFC00, v2;
	v8 =	vshll.u32 v4, $0x3  }
0x24: {  	v4 =	vand.u32 $0x7F, v4;
	v19 =	vld.idx.msk [tilespmem:v5+s7+$0x0], $0xffff;
	v5 =	vand.u32 $0x7F, v3;
	v3 =	vshll.u32 v3, $0x3  }
0x25: {  	v2 =	vor.u32 v7, v2;
	v7 =	vand.u32 $0xFFFFFC00, v8;
	v8 =	vshll.u32 v6, $0x3  }
0x26: {  	v10 =	vld.idx.msk [tilespmem:v10+s7+$0x0], $0xffff;
	v3 =	vand.u32 $0xFFFFFC00, v3;
	v6 =	vand.u32 $0x7F, v6;
	v21 =	vand.u32 $0xFFFFFC00, v8  }
0x27: {  	v12 =	vld.idx.msk [tilespmem:v12+s7+$0x0], $0xffff;
	v8 =	vor.u32 v4, v7;
	v4 =	vor.u32 v5, v3;
	v5 =	vand.u32 $0x7F, v17  }
0x28: {  	v11 =	vld.idx.msk [tilespmem:v11+s7+$0x0], $0xffff;
	v7 =	vshll.u32 v9, $0x3;
	v3 =	vor.u32 v6, v21;
	v6 =	vshll.u32 v17, $0x3  }
0x29: {  	v9 =	vand.u32 $0x7F, v9;
	v7 =	vand.u32 $0xFFFFFC00, v7;
	v6 =	vand.u32 $0xFFFFFC00, v6  }
0x2a: {  	v13 =	vld.idx.msk [tilespmem:v13+s7+$0x0], $0xffff;
	v6 =	vor.u32 v5, v6;
	v5 =	vor.u32 v9, v7;
	v7 =	vshll.u32 v19, $0x3  }
0x2b: {  	v14 =	vld.idx.msk [tilespmem:v14+s7+$0x0], $0xffff;
	v17 =	vshll.u32 v10, $0x3;
	v9 =	vand.u32 $0x7F, v19;
	v7 =	vand.u32 $0xFFFFFC00, v7  }
0x2c: {  	v19 =	vshll.u32 v12, $0x3;
	v7 =	vor.u32 v9, v7;
	v9 =	vand.u32 $0x7F, v10  }
0x2d: {  	v10 =	vand.u32 $0xFFFFFC00, v17;
	v17 =	vand.u32 $0x7F, v11;
	v11 =	vshll.u32 v11, $0x3  }
0x2e: {  	v15 =	vld.idx.msk [tilespmem:v15+s7+$0x0], $0xffff;
	v12 =	vand.u32 $0x7F, v12;
	v19 =	vand.u32 $0xFFFFFC00, v19;
	v21 =	vand.u32 $0xFFFFFC00, v11  }
0x2f: {  	v11 =	vor.u32 v9, v10;
	v9 =	vor.u32 v12, v19;
	v12 =	vand.u32 $0x7F, v13  }
0x30: {  	v13 =	vshll.u32 v13, $0x3;
	v10 =	vor.u32 v17, v21;
	v17 =	vshll.u32 v14, $0x3  }
0x31: {  	s30 =	simm.s32 $0x0;
	v16 =	vld.idx.msk [tilespmem:v16+s7+$0x0], $0xffff;
	v13 =	vand.u32 $0xFFFFFC00, v13;
	v14 =	vand.u32 $0x7F, v14;
	v17 =	vand.u32 $0xFFFFFC00, v17  }
0x32: {  	v13 =	vor.u32 v12, v13;
	v12 =	vor.u32 v14, v17;
	v14 =	vmov s30  }
0x33: {  	v17 =	vand.u32 $0x7F, v15;
	v15 =	vshll.u32 v15, $0x3;
	v19 =	vshll.u32 v14, $0xA  }
0x34: {  	v15 =	vand.u32 $0xFFFFFC00, v15;
	v21 =	vshll.u32 v14, $0x7;
	v19 =	vand.u32 $0x2000, v19  }
0x35: {  	v22 =	vld.idx.msk [tilespmem:v18+s7+$0x0], $0xffff;
	v14 =	vor.u32 v17, v15;
	v18 =	vand.u32 $0x380, v21;
	v15 =	vadd.s32 v8, v19  }
0x36: {  	v17 =	vand.u32 $0x7F, v16;
	v21 =	vadd.s32 v2, v19;
	v23 =	vor.u32 v18, v15  }
0x37: {  	v15 =	vshll.u32 v16, $0x3;
	v16 =	vor.u32 v18, v21;
	v21 =	vadd.s32 v4, v19  }
0x38: {  	v24 =	vadd.s32 v3, v19;
	v15 =	vand.u32 $0xFFFFFC00, v15;
	v21 =	vor.u32 v18, v21  }
0x39: {  	v20 =	vld.idx.msk [tilespmem:v20+s7+$0x0], $0xffff;
	v26 =	vadd.s32 v5, v19;
	v15 =	vor.u32 v17, v15;
	v17 =	vor.u32 v18, v24  }
0x3a: {  	v25 =	vand.u32 $0x7F, v22;
	v26 =	vor.u32 v18, v26;
	v24 =	vadd.s32 v6, v19  }
0x3b: {  	v22 =	vshll.u32 v22, $0x3;
	v27 =	vadd.s32 v7, v19;
	v24 =	vor.u32 v18, v24;
	v23 =	vld.idx.msk [tilespmem:v23+s2+$0x0], $0xffff  }
0x3c: {  	v22 =	vand.u32 $0xFFFFFC00, v22;
	v29 =	vadd.s32 v11, v19;
	v27 =	vor.u32 v18, v27;
	v28 =	vld.idx.msk [tilespmem:v16+s2+$0x0], $0xffff  }
0x3d: {  	v16 =	vor.u32 v25, v22;
	v22 =	vor.u32 v18, v29;
	v25 =	vadd.s32 v10, v19;
	v21 =	vld.idx.msk [tilespmem:v21+s2+$0x0], $0xffff  }
0x3e: {  	v29 =	vand.u32 $0x7F, v20;
	v25 =	vor.u32 v18, v25;
	v30 =	vld.idx.msk [tilespmem:v17+s2+$0x0], $0xffff;
	v17 =	vadd.s32 v9, v19  }
0x3f: {  	v20 =	vshll.u32 v20, $0x3;
	v32 =	vld.idx.msk [tilespmem:v26+s2+$0x0], $0xffff;
	v31 =	vor.u32 v18, v17;
	v17 =	vadd.s32 v13, v19  }
0x40: {  	v33 =	vadd.s32 v12, v19;
	v20 =	vand.u32 $0xFFFFFC00, v20;
	v24 =	vld.idx.msk [tilespmem:v24+s2+$0x0], $0xffff;
	v26 =	vor.u32 v18, v17  }
0x41: {  	v17 =	vor.u32 v29, v20;
	v20 =	vld.idx.msk [tilespmem:v27+s2+$0x0], $0xffff;
	v27 =	vor.u32 v18, v33;
	v29 =	vadd.s32 v14, v19  }
0x42: {  	v23 =	vmax.f32 v28, v23;
	v22 =	vld.idx.msk [tilespmem:v22+s2+$0x0], $0xffff;
	v28 =	vor.u32 v18, v29;
	v29 =	vadd.s32 v15, v19  }
0x43: {  	v21 =	vmax.f32 v23, v21;
	v23 =	vld.idx.msk [tilespmem:v25+s2+$0x0], $0xffff;
	v25 =	vor.u32 v18, v29;
	v29 =	vadd.s32 v16, v19  }
0x44: {  	v21 =	vmax.f32 v21, v30;
	v29 =	vor.u32 v18, v29;
	v30 =	vld.idx.msk [tilespmem:v31+s2+$0x0], $0xffff;
	v31 =	vadd.s32 v17, v19  }
0x45: {  	v21 =	vmax.f32 v21, v24;
	v26 =	vld.idx.msk [tilespmem:v26+s2+$0x0], $0xffff;
	v31 =	vor.u32 v18, v31  }
0x46: {  	v21 =	vmax.f32 v21, v32;
	v24 =	vld.idx.msk [tilespmem:v27+s2+$0x0], $0xffff  }
0x47: {  	s31 =	simm.s32 $0x1;
	v20 =	vmax.f32 v21, v20;
	v21 =	vld.idx.msk [tilespmem:v28+s2+$0x0], $0xffff  }
0x48: {  	v27 =	vmov s31;
	v20 =	vmax.f32 v20, v22;
	v22 =	vld.idx.msk [tilespmem:v25+s2+$0x0], $0xffff  }
0x49: {  	v25 =	vshll.u32 v27, $0x7;
	v28 =	vmax.f32 v20, v23;
	v23 =	vld.idx.msk [tilespmem:v29+s2+$0x0], $0xffff  }
0x4a: {  	s13 =	simm.s32 $0x2;
	v27 =	vshll.u32 v27, $0xA;
	v20 =	vand.u32 $0x380, v25;
	v28 =	vmax.f32 v28, v30;
	v25 =	vld.idx.msk [tilespmem:v31+s2+$0x0], $0xffff  }
.LBB2_3:
0x4b: {  	p0 =	sne.s32 s13, $0xF;
	v26 =	vmax.f32 v28, v26;
	v28 =	vor.u32 v19, v1;
	v19 =	vand.u32 $0x2000, v27  }
0x4c: {  	v27 =	vadd.s32 v8, v19;
	v24 =	vmax.f32 v26, v24;
	v26 =	vor.u32 v18, v28;
	v18 =	vmovc v20  }
0x4d: {  	v20 =	vadd.s32 v2, v19;
	v27 =	vor.u32 v18, v27;
	v21 =	vmax.f32 v24, v21  }
0x4e: {  	v20 =	vor.u32 v18, v20;
	v24 =	vadd.s32 v4, v19;
	v21 =	vmax.f32 v21, v22  }
0x4f: {  	v22 =	vor.u32 v18, v24;
	v24 =	vadd.s32 v3, v19;
	v21 =	vmax.f32 v21, v23  }
0x50: {  	v23 =	vor.u32 v18, v24;
	v24 =	vadd.s32 v6, v19;
	v21 =	vmax.f32 v21, v25  }
0x51: {  	v24 =	vor.u32 v18, v24;
	v25 =	vadd.s32 v5, v19;
	[tilespmem:v26+s10+$0x0] =	vst.idx.msk $0xffff, v21  }
0x52: {  	v25 =	vor.u32 v18, v25;
	v26 =	vadd.s32 v7, v19;
	v21 =	vld.idx.msk [tilespmem:v27+s2+$0x0], $0xffff  }
0x53: {  	v26 =	vor.u32 v18, v26;
	v27 =	vadd.s32 v11, v19;
	v20 =	vld.idx.msk [tilespmem:v20+s2+$0x0], $0xffff  }
0x54: {  	v28 =	vadd.s32 v10, v19;
	v27 =	vor.u32 v18, v27;
	v22 =	vld.idx.msk [tilespmem:v22+s2+$0x0], $0xffff  }
0x55: {  	v29 =	vadd.s32 v9, v19;
	v28 =	vor.u32 v18, v28;
	v23 =	vld.idx.msk [tilespmem:v23+s2+$0x0], $0xffff  }
0x56: {  	v30 =	vadd.s32 v13, v19;
	v29 =	vor.u32 v18, v29;
	v24 =	vld.idx.msk [tilespmem:v24+s2+$0x0], $0xffff  }
0x57: {  	v31 =	vadd.s32 v12, v19;
	v30 =	vor.u32 v18, v30;
	v25 =	vld.idx.msk [tilespmem:v25+s2+$0x0], $0xffff  }
0x58: {  	v31 =	vor.u32 v18, v31;
	v32 =	vld.idx.msk [tilespmem:v26+s2+$0x0], $0xffff;
	v26 =	vadd.s32 v14, v19  }
0x59: {  	v20 =	vmax.f32 v20, v21;
	v27 =	vld.idx.msk [tilespmem:v27+s2+$0x0], $0xffff;
	v21 =	vor.u32 v18, v26;
	v26 =	vadd.s32 v15, v19  }
0x5a: {  	v20 =	vmax.f32 v20, v22;
	v28 =	vld.idx.msk [tilespmem:v28+s2+$0x0], $0xffff;
	v22 =	vor.u32 v18, v26;
	v26 =	vadd.s32 v16, v19  }
0x5b: {  	v33 =	vadd.s32 v17, v19;
	v20 =	vmax.f32 v20, v23;
	v29 =	vld.idx.msk [tilespmem:v29+s2+$0x0], $0xffff;
	v23 =	vor.u32 v18, v26  }
0x5c: {  	v20 =	vmax.f32 v20, v24;
	v26 =	vld.idx.msk [tilespmem:v30+s2+$0x0], $0xffff;
	v30 =	vor.u32 v18, v33  }
.Ltmp0:
0x5d: {  	v20 =	vmax.f32 v20, v25;
	v24 =	vld.idx.msk [tilespmem:v31+s2+$0x0], $0xffff;
	(pc) =	sbr.rel @p0 .LBB2_3-.Ltmp0, $4  }
0x5e: {  	v20 =	vmax.f32 v20, v32;
	v21 =	vld.idx.msk [tilespmem:v21+s2+$0x0], $0xffff  }
0x5f: {  	v25 =	vmov s13;
	v20 =	vmax.f32 v20, v27;
	v22 =	vld.idx.msk [tilespmem:v22+s2+$0x0], $0xffff  }
0x60: {  	v31 =	vshll.u32 v25, $0x7;
	v28 =	vmax.f32 v20, v28;
	v23 =	vld.idx.msk [tilespmem:v23+s2+$0x0], $0xffff  }
0x61: {  	s13 =	sadd.s32 $0x1, s13;
	v27 =	vshll.u32 v25, $0xA;
	v20 =	vand.u32 $0x380, v31;
	v28 =	vmax.f32 v28, v29;
	v25 =	vld.idx.msk [tilespmem:v30+s2+$0x0], $0xffff  }
0x62: {  	v27 =	vand.u32 $0x2000, v27;
	v26 =	vmax.f32 v28, v26;
	v19 =	vor.u32 v19, v1  }
0x63: {  	v8 =	vadd.s32 v8, v27;
	v24 =	vmax.f32 v26, v24;
	v18 =	vor.u32 v18, v19  }
0x64: {  	v2 =	vadd.s32 v2, v27;
	v8 =	vor.u32 v20, v8;
	v49 =	vmax.f32 v24, v21  }
0x65: {  	v4 =	vadd.s32 v4, v27;
	v2 =	vor.u32 v20, v2;
	v19 =	vmax.f32 v49, v22  }
0x66: {  	v3 =	vadd.s32 v3, v27;
	v4 =	vor.u32 v20, v4;
	v19 =	vmax.f32 v19, v23  }
0x67: {  	v6 =	vadd.s32 v6, v27;
	v3 =	vor.u32 v20, v3;
	v19 =	vmax.f32 v19, v25  }
0x68: {  	v5 =	vadd.s32 v5, v27;
	v6 =	vor.u32 v20, v6;
	[tilespmem:v18+s10+$0x0] =	vst.idx.msk $0xffff, v19  }
0x69: {  	v7 =	vadd.s32 v7, v27;
	v5 =	vor.u32 v20, v5;
	v8 =	vld.idx.msk [tilespmem:v8+s2+$0x0], $0xffff  }
0x6a: {  	v11 =	vadd.s32 v11, v27;
	v7 =	vor.u32 v20, v7;
	v2 =	vld.idx.msk [tilespmem:v2+s2+$0x0], $0xffff  }
0x6b: {  	v10 =	vadd.s32 v10, v27;
	v11 =	vor.u32 v20, v11;
	v4 =	vld.idx.msk [tilespmem:v4+s2+$0x0], $0xffff  }
0x6c: {  	v9 =	vadd.s32 v9, v27;
	v10 =	vor.u32 v20, v10;
	v3 =	vld.idx.msk [tilespmem:v3+s2+$0x0], $0xffff  }
0x6d: {  	v13 =	vadd.s32 v13, v27;
	v9 =	vor.u32 v20, v9;
	v6 =	vld.idx.msk [tilespmem:v6+s2+$0x0], $0xffff  }
0x6e: {  	v12 =	vadd.s32 v12, v27;
	v13 =	vor.u32 v20, v13;
	v5 =	vld.idx.msk [tilespmem:v5+s2+$0x0], $0xffff  }
0x6f: {  	v14 =	vadd.s32 v14, v27;
	v12 =	vor.u32 v20, v12;
	v7 =	vld.idx.msk [tilespmem:v7+s2+$0x0], $0xffff;
	v2 =	vmax.f32 v2, v8  }
0x70: {  	v52 =	vadd.s32 v15, v27;
	v51 =	vor.u32 v20, v14;
	v50 =	vld.idx.msk [tilespmem:v11+s2+$0x0], $0xffff;
	v2 =	vmax.f32 v2, v4  }
0x71: {  	v55 =	vadd.s32 v16, v27;
	v54 =	vor.u32 v20, v52;
	v53 =	vld.idx.msk [tilespmem:v10+s2+$0x0], $0xffff;
	v2 =	vmax.f32 v2, v3  }
0x72: {  	v57 =	vadd.s32 v17, v27;
	v56 =	vor.u32 v20, v55;
	v3 =	vld.idx.msk [tilespmem:v9+s2+$0x0], $0xffff;
	v2 =	vmax.f32 v2, v6  }
0x73: {  	v59 =	vor.u32 v20, v57;
	v58 =	vld.idx.msk [tilespmem:v13+s2+$0x0], $0xffff;
	v2 =	vmax.f32 v2, v5  }
0x74: {  	v60 =	vld.idx.msk [tilespmem:v12+s2+$0x0], $0xffff;
	v2 =	vmax.f32 v2, v7  }
0x75: {  	v61 =	vld.idx.msk [tilespmem:v51+s2+$0x0], $0xffff;
	v2 =	vmax.f32 v2, v50  }
0x76: {  	v62 =	vld.idx.msk [tilespmem:v54+s2+$0x0], $0xffff;
	v2 =	vmax.f32 v2, v53  }
0x77: {  	v63 =	vld.idx.msk [tilespmem:v56+s2+$0x0], $0xffff;
	v2 =	vmax.f32 v2, v3  }
0x78: {  	s12 =	sadd.s32 $0x1, s12;
	v1 =	vor.u32 v27, v1;
	v3 =	vld.idx.msk [tilespmem:v59+s2+$0x0], $0xffff;
	v2 =	vmax.f32 v2, v58  }
0x79: {  	p0 =	sne.s32 s12, $0x40;
	v1 =	vor.u32 v20, v1;
	v2 =	vmax.f32 v2, v60  }
.Ltmp1:
0x7a: {  	v2 =	vmax.f32 v2, v61;
	(pc) =	sbr.rel @p0 .LBB2_2-.Ltmp1, $4  }
0x7b: {  	v2 =	vmax.f32 v2, v62  }
0x7c: {  	v2 =	vmax.f32 v2, v63  }
0x7d: {  	v2 =	vmax.f32 v2, v3  }
0x7e: {  	[tilespmem:v1+s10+$0x0] =	vst.idx.msk $0xffff, v2  }
0x7f: {  	s11 =	sadd.s32 $0x1, s11  }
0x80: {  	p0 =	sne.s32 s11, s6  }
.Ltmp2:
0x81: {  	_ = 	snop;
	(pc) =	sbr.rel @p0 .LBB2_1-.Ltmp2, $4  }
0x82: {  	[hbm4b:s5+s2] =	stream.linear.scatter [tilespmem:s10], [sflag:$0x2], $0x4000, $0x38;
	[tilespmem:$0xC000] =	vst v63  }
0x83: {  	_ =	swait.ge [sflag:s8], $0x4000  }
0x84: {  	[sflag:s8] =	ssyncset.done $0x0  }
0x85: {  	[sflag:s8] =	ssyncadd.s32 $0xFFFFC000  }
0x86: {  	_ =	sfence.sel $0x180000  }
0x87: {  	[bflag:$0x0] =	sbarrier.arrive $0xFFFF  }
0x88: {  	p0 =	sne.s32 s1, $0x0;
	_ =	strace $0x9000004A  }
0x89: {  	s0 =	sadd.s32 @!p0 $0x100000, s0;
	[bflag:$0x2] =	sbarrier.arrive $0xFFFF  }
0x8a: {  	[sflag:s0] =	ssyncadd.tile.s32 @!p0 $0x1;
	_ =	shalt  }
.Lfunc_end2:
_tile_overlayer_lowered:
.L_overlay_start_2:
0x8b: {  	(tag) =	ssettag $0x2  }
0x8c: {  	s0 =	rddreg [dreg:$0x0];
	s2 =	stileid.u32  }
0x8d: {  	s1 =	rddreg [dreg:$0x1];
	p0 =	sne.s32 s2, $0x0  }
0x8e: {  	s3 =	rddreg [dreg:$0x2];
	[bflag:$0x3] =	sbarrier.arrive $0xFFFF;
	s2 =	simm.s32 @!p0 $0x1C02  }
0x8f: {  	[timem:s3], [sflag:s2] =	dma.local @!p0 [hbm:s0], s1  }
0x90: {  	s0 =	simm.s32 @!p0 $0x2  }
0x91: {  	_ =	swait.ge @!p0 [sflag:s0], s1  }
0x92: {  	s1 =	ssub.s32 @!p0 $0x0, s1;
	[sflag:s0] =	ssyncset.done @!p0 $0x0  }
0x93: {  	[sflag:s0] =	ssyncadd.s32 @!p0 s1  }
0x94: {  	[bflag:$0x3] =	sbarrier.arrive $0xFFFF  }
0x95: {  	_ =	shalt  }

// kernel: kernel.19.cloned.1.call-start
scs
__scs_entry_jumppad:
0x0: {  	(pc) =	sbr.rel $0x88, $3  }
0x1: {  	(tag) =	ssettag $0x0;
	lr =	simm.s32 $0x1  }
0x2: {  	[smem:$0x3F88] =	sst lr;
	_ =	strace $0xD0000000  }
0x3: {  	_ = 	snop  }
0x4: {  	_ = 	snop  }
0x5: {  	_ = 	snop  }
0x6: {  	_ = 	snop  }
0x7: {  	_ = 	snop  }
__scs_overlays_trampoline_lowered:
0x8: {  	[smem:$0x3F97] =	sst s0  }
0x9: {  	[smem:$0x3F98] =	sst s1  }
0xa: {  	[smem:$0x3F99] =	sst s2  }
0xb: {  	[smem:$0x3F9A] =	sst s3  }
0xc: {  	[smem:$0x3F9B] =	sst s4  }
0xd: {  	[smem:$0x3F9C] =	sst s5  }
0xe: {  	[smem:$0x3F9D] =	sst s6  }
0xf: {  	[smem:$0x3F9E] =	sst s7  }
0x10: {  	[smem:$0x3F9F] =	sst s8  }
0x11: {  	[smem:$0x3FA0] =	sst s9;
	s0 =	simm.s32 @!p0 $0x0  }
0x12: {  	s1 =	sld [smem:$0x3F86];
	s0 =	simm.s32 @p0 $0x1  }
0x13: {  	[smem:$0x3FA1] =	sst s0;
	s0 =	simm.s32 @!p1 $0x0  }
0x14: {  	s2 =	sld [smem:$0x3F85];
	s0 =	simm.s32 @p1 $0x1  }
0x15: {  	[smem:$0x3FA2] =	sst s0;
	s0 =	simm.s32 @!p2 $0x0  }
0x16: {  	s3 =	sld [smem:$0x3FDB];
	s0 =	simm.s32 @p2 $0x1  }
0x17: {  	s4 =	simm.s32 $0x1BF5;
	[smem:$0x3FA4] =	sst s0  }
0x18: {  	s0 =	sld [smem:$0x3F87];
	_ =	swait.ge [sflag:s4], $0x0  }
0x19: {  	s7 =	sld [smem:$0x3F88]  }
0x1a: {  	s8 =	sadd.s32 $0xFFFFE003, lr  }
0x1b: {  	s9 =	sadd.s32 $0xFFFFFEF7, lr;
	s5 =	simm.s32 $0xFFFFFFFF;
	p2 =	slt.u32 s8, $0xFFFFF086  }
0x1c: {  	p1 =	slt.u32 s9, $0xF7A;
	s5 =	simm.s32 @!p2 $0x0  }
0x1d: {  	s5 =	simm.s32 @p1 $0x1;
	p0 =	seq.s32 s7, s2  }
0x1e: {  	s7 =	smul.u32 @!p0 $0xF7A, s2;
	p2 =	seq.s32 @!p0 s5, $0x0  }
0x1f: {  	s9 =	smul.u32 $0xF7A, s1;
	s8 =	simm.s32 @!p0 $0x1BF5;
	p2 =	por !p2, p0  }
0x20: {  	[sflag:s8] =	ssyncset.s32 @!p0 $0xFFFFF086;
	s6 =	sadd.s32 @!p0 s3, s7;
	s7 =	simm.s32 @!p0 $0x108  }
0x21: {  	s3 =	sadd.s32 s3, s9;
	s6 =	sadd.s32 @!p0 $0x88, s6;
	s7 =	simm.s32 @p2 $0x1082  }
0x22: {  	[simem:s7], [sflag:s8] =	dma.local @!p0 [hbm:s6], $0xF7A  }
0x23: {  	s9 =	sor.u32 $0xD0000000, s2;
	s6 =	simm.s32 $0x108;
	_ =	swait.ge @!p0 [sflag:s8], $0x0  }
0x24: {  	s3 =	sadd.s32 $0x88, s3;
	s6 =	simm.s32 @!p1 $0x1082;
	[sflag:s4] =	ssyncset.s32 $0xFFFFF086  }
0x25: {  	[simem:s6], [sflag:s4] =	dma.local [hbm:s3], $0xF7A  }
0x26: {  	[smem:$0x3F88] =	sst s1;
	(tag) =	ssettag s2;
	_ =	strace s9  }
0x27: {  	s1 =	sld [smem:$0x3F98]  }
0x28: {  	s2 =	sld [smem:$0x3F99]  }
0x29: {  	s4 =	sld [smem:$0x3F9B]  }
0x2a: {  	p0 =	seq.s32 s5, $0x0;
	s5 =	sld [smem:$0x3F9C]  }
0x2b: {  	s6 =	sld [smem:$0x3F9D]  }
0x2c: {  	s7 =	sld [smem:$0x3F9E]  }
0x2d: {  	s3 =	simm.s32 $0x108;
	s8 =	sld [smem:$0x3F9F]  }
0x2e: {  	s3 =	simm.s32 @!p0 $0x1082;
	s9 =	sld [smem:$0x3FA0]  }
0x2f: {  	lr =	sadd.s32 s0, s3;
	s0 =	sld [smem:$0x3F97]  }
0x30: {  	s3 =	sld [smem:$0x3F9A]  }
0x31: {  	[smem:$0x3FA3] =	sst s10  }
0x32: {  	s10 =	sld [smem:$0x3FA1];
	_ =	sdelay $0x3  }
0x33: {  	p0 =	seq.s32 s10, $0x1;
	s10 =	sld [smem:$0x3FA3];
	_ =	sdelay $0x3  }
0x34: {  	[smem:$0x3FA3] =	sst s10  }
0x35: {  	s10 =	sld [smem:$0x3FA2];
	_ =	sdelay $0x3  }
0x36: {  	p1 =	seq.s32 s10, $0x1;
	s10 =	sld [smem:$0x3FA3];
	_ =	sdelay $0x3  }
0x37: {  	[smem:$0x3FA3] =	sst s10  }
0x38: {  	s10 =	sld [smem:$0x3FA4]  }
0x39: {  	_ = 	snop;
	(pc) =	sbr.ind lr, $3  }
0x3a: {  	_ = 	snop  }
0x3b: {  	_ = 	snop  }
0x3c: {  	p2 =	seq.s32 s10, $0x1;
	s10 =	sld [smem:$0x3FA3]  }
0x3d: {  	_ =	shalt  }
0x3e: {  	_ =	shalt  }
0x3f: {  	_ =	shalt  }
0x40: {  	_ =	shalt  }
0x41: {  	_ =	shalt  }
0x42: {  	_ =	shalt  }
0x43: {  	_ =	shalt  }
0x44: {  	_ =	shalt  }
0x45: {  	_ =	shalt  }
0x46: {  	_ =	shalt  }
0x47: {  	_ =	shalt  }
0x48: {  	_ =	shalt  }
0x49: {  	_ =	shalt  }
0x4a: {  	_ =	shalt  }
0x4b: {  	_ =	shalt  }
0x4c: {  	_ =	shalt  }
0x4d: {  	_ =	shalt  }
0x4e: {  	_ =	shalt  }
0x4f: {  	_ =	shalt  }
0x50: {  	_ =	shalt  }
0x51: {  	_ =	shalt  }
0x52: {  	_ =	shalt  }
0x53: {  	_ =	shalt  }
0x54: {  	_ =	shalt  }
0x55: {  	_ =	shalt  }
0x56: {  	_ =	shalt  }
0x57: {  	_ =	shalt  }
0x58: {  	_ =	shalt  }
0x59: {  	_ =	shalt  }
0x5a: {  	_ =	shalt  }
0x5b: {  	_ =	shalt  }
0x5c: {  	_ =	shalt  }
0x5d: {  	_ =	shalt  }
0x5e: {  	_ =	shalt  }
0x5f: {  	_ =	shalt  }
0x60: {  	_ =	shalt  }
0x61: {  	_ =	shalt  }
0x62: {  	_ =	shalt  }
0x63: {  	_ =	shalt  }
0x64: {  	_ =	shalt  }
0x65: {  	_ =	shalt  }
0x66: {  	_ =	shalt  }
0x67: {  	_ =	shalt  }
0x68: {  	_ =	shalt  }
0x69: {  	_ =	shalt  }
0x6a: {  	_ =	shalt  }
0x6b: {  	_ =	shalt  }
0x6c: {  	_ =	shalt  }
0x6d: {  	_ =	shalt  }
0x6e: {  	_ =	shalt  }
0x6f: {  	_ =	shalt  }
0x70: {  	_ =	shalt  }
0x71: {  	_ =	shalt  }
0x72: {  	_ =	shalt  }
0x73: {  	_ =	shalt  }
0x74: {  	_ =	shalt  }
0x75: {  	_ =	shalt  }
0x76: {  	_ =	shalt  }
0x77: {  	_ =	shalt  }
0x78: {  	_ =	shalt  }
0x79: {  	_ =	shalt  }
0x7a: {  	_ =	shalt  }
0x7b: {  	_ =	shalt  }
0x7c: {  	_ =	shalt  }
0x7d: {  	_ =	shalt  }
0x7e: {  	_ =	shalt  }
0x7f: {  	_ =	shalt  }
0x80: {  	_ =	shalt  }
0x81: {  	_ =	shalt  }
0x82: {  	_ =	shalt  }
0x83: {  	_ =	shalt  }
0x84: {  	_ =	shalt  }
0x85: {  	_ =	shalt  }
0x86: {  	_ =	shalt  }
0x87: {  	_ =	shalt  }
.Lfunc_end0:
.L_simem_size_0:
called_computation.2_lowered:
.L_overlay_start_0:
0x88: {  	s2 =	sld [smem:$0x3FD9]  }
0x89: {  	s3 =	sld [smem:$0x3FFE];
	_ =	sdelay $0x1  }
0x8a: {  	s1 =	srdreg.scid  }
0x8b: {  	s0 =	sand.u32 $0x1, s1  }
0x8c: {  	s16 =	sshll.u32 s0, $0xA;
	s2 =	sadd.s32 s3, s2  }
0x8d: {  	s2 =	sadd.s32 s2, s16  }
0x8e: {  	[smem:$0x3FAF] =	sst s2  }
0x8f: {  	_ = 	snop  }
0x90: {  	(tm) =	ssettm $0x1  }
0x91: {  	s17 =	sld [smem:$0x3FFB];
	_ =	sdelay $0x3  }
0x92: {  	_ =	strace s17  }
0x93: {  	s2 =	sld [smem:$0x3FFC];
	_ =	sdelay $0x3  }
0x94: {  	_ =	strace s2  }
0x95: {  	s2 =	sld [smem:$0x3FFD];
	_ =	sdelay $0x3  }
0x96: {  	_ =	strace s2  }
0x97: {  	_ =	strace $0x8FFFFFFF  }
0x98: {  	s18 =	sld [smem:$0x3FDB];
	_ =	sdelay $0x1  }
0x99: {  	s19 =	simm.s32 $_scs_section_size  }
0x9a: {  	s4 =	simm.s32 $_size__tile_overlayer_lowered;
	s5 =	simm.s32 $_tile_overlayer_lowered  }
0x9b: {  	s22 =	simm.s32 $0x1BFF;
	s21 =	sshll.u32 s5, $0x1;
	s2 =	sadd.s32 s19, s18  }
0x9c: {  	s6 =	simm.s32 $0x0;
	s20 =	sshll.u32 s4, $0x1;
	s4 =	sadd.s32 s21, s2  }
0x9d: {  	[timem:s6], [sflag:s22] =	dma.local [hbm:s4], s20  }
0x9e: {  	_ =	swait.ge [sflag:s22], s20  }
0x9f: {  	s3 =	ssub.s32 $0x0, s20;
	[sflag:s22] =	ssyncset.done $0x0  }
0xa0: {  	[sflag:s22] =	ssyncadd.s32 s3;
	_ =	sdelay $0x1  }
0xa1: {  	s23 =	simm.s32 $0x1B8B  }
0xa2: {  	_ =	swait.ge [sflag:s23], $0x1  }
0xa3: {  	[sflag:s23] =	ssyncset.done $0x0  }
0xa4: {  	s25 =	simm.s32 $0x1B8E;
	s24 =	sld [smem:$0x3FFE];
	[sflag:s23] =	ssyncadd.s32 $0xFFFFFFFF  }
0xa5: {  	s26 =	simm.s32 $execute0_lowered;
	[smem:$0x3FD2] =	sst s25  }
0xa6: {  	s4 =	sshll.u32 s26, $0x1;
	_ =	strace $0x8000004C;
	[dreg:$0x1] =	wrdreg $0xFFFFFFFF  }
0xa7: {  	s28 =	simm.s32 $_size_execute0_lowered;
	s2 =	sadd.s32 s2, s4;
	[dreg:$0x0] =	wrdreg $0x0  }
0xa8: {  	s4 =	sshll.u32 s28, $0x1;
	[dreg:$0x2] =	wrdreg s2  }
0xa9: {  	[dreg:$0x3] =	wrdreg s4  }
0xaa: {  	[dreg:$0x4] =	wrdreg $0xC0  }
0xab: {  	_ =	task [dreg:s6], $0x5FFFF  }
0xac: {  	[dreg:$0x1] =	wrdreg $0xFFFFFFFF  }
0xad: {  	[dreg:$0x0] =	wrdreg $0x60  }
0xae: {  	[dreg:$0x2] =	wrdreg s24  }
0xaf: {  	[dreg:$0x3] =	wrdreg $0x9  }
0xb0: {  	_ =	task.clear_ibuf [dreg:s6], $0x4FFFF;
	_ =	strace $0x9000004C  }
0xb1: {  	s29 =	simm.s32 $0x9;
	_ =	strace $0x8000004E  }
0xb2: {  	_ =	swait.ge [sflag:s29], $0x1  }
0xb3: {  	[sflag:s29] =	ssyncadd.s32 $0xFFFFFFFF  }
0xb4: {  	_ =	strace $0x9000004E  }
0xb5: {  	_ =	sfence  }
0xb6: {  	s30 =	sld [smem:$0x0];
	_ =	sdelay $0x2  }
0xb7: {  	s31 =	sshll.u32 s1, $0xD;
	s1 =	sshrl.u32 s1, $0x2  }
0xb8: {  	s3 =	sand.u32 $0x4000, s31;
	s1 =	sadd.s32 s1, s30  }
0xb9: {  	s0 =	sor.u32 s3, s0;
	s1 =	sshll.u32 s1, $0x11  }
0xba: {  	s0 =	sor.u32 s1, s0  }
0xbb: {  	s0 =	sadd.s32 $0x8F2B, s0  }
0xbc: {  	[sflag:s0] =	ssyncadd.remote.s32 $0x1  }
0xbd: {  	_ =	sfence.sel $0xFFFF  }
0xbe: {  	[dreg:$0x0] =	wrdreg $0xFFFFFFFF;
	(pc) =	sbr.abs _section_cstart, $3  }
0xbf: {  	[dreg:$0x1] =	wrdreg $0xFFFFFFFF  }
0xc0: {  	_ =	task.clear_ibuf [dreg:s6], $0x2FFFF;
	_ =	strace $0x9FFFFFFF  }
0xc1: {  	(tm) =	ssettm $0x7FFFFFFF  }
tec
execute0_lowered:
.L_overlay_start_1:
0x0: {  	(tag) =	ssettag $0x1  }
0x1: {  	s3 =	rddreg [dreg:$0x0]  }
0x2: {  	s0 =	rddreg [dreg:$0x1];
	s1 =	stileid.u32  }
0x3: {  	s2 =	simm.s32 $0x0;
	s4 =	srdreg.scid;
	s8 =	simm.s32 $0x2  }
0x4: {  	s9 =	simm.s32 $0x1;
	s10 =	simm.s32 $0xC000;
	s11 =	simm.s32 $0x0  }
0x5: {  	s5 =	sshll.u32 s1, $0x1;
	[smem:$0x7FF] =	sst s2;
	s4 =	sand.u32 $0x1, s4  }
0x6: {  	s6 =	sshrl.u32 s1, $0x1;
	s5 =	sand.u32 $0x2, s5;
	_ =	strace $0x8000004D  }
0x7: {  	s7 =	sshll.u32 s6, $0xE;
	s5 =	sor.u32 s4, s5;
	s4 =	ssub.s32 $0x2, s4  }
0x8: {  	s6 =	sshll.u32 s6, $0xB;
	s5 =	sshll.u32 s5, $0xC;
	s31 =	sshrl.u32 s4, $0x1  }
0x9: {  	s6 =	sadd.s32 s6, s3;
	s5 =	sor.u32 s7, s5;
	s7 =	ssub.s32 s4, s31  }
0xa: {  	s4 =	sadd.s32 $0x6800, s6;
	s5 =	sadd.s32 s5, s3;
	s6 =	smax.u32 s7, $0x1  }
0xb: {  	v0 =	vlaneseq.u32;
	s7 =	simm.s32 $0x8000;
	s3 =	sadd.s32 $0x3A800, s5;
	s5 =	sadd.s32 $0x5A800, s5  }
.LBB2_1:
0xc: {  	[tilespmem:s2], [sflag:$0x1] =	stream.linear.gather [hbm4b:s3+s2], $0x8000, $0x38;
	[tilespmem:$0x14000] =	vst v63  }
0xd: {  	_ = 	snop  }
0xe: {  	[tilespmem:s7], [sflag:$0x2] =	stream.linear.gather [hbm4b:s4+s2], $0x4000, $0x38;
	[tilespmem:$0x14000] =	vst v63  }
0xf: {  	_ =	swait.ge [sflag:s8], $0x4000  }
0x10: {  	[sflag:s8] =	ssyncset.done $0x0  }
0x11: {  	[sflag:s8] =	ssyncadd.s32 $0xFFFFC000  }
0x12: {  	_ =	swait.ge [sflag:s9], $0x8000  }
0x13: {  	[sflag:s9] =	ssyncset.done $0x0  }
0x14: {  	s12 =	simm.s32 $0x0;
	[sflag:s9] =	ssyncadd.s32 $0xFFFF8000  }
.LBB2_2:
0x15: {  	s13 =	sshll.u32 s12, $0x4  }
0x16: {  	v1 =	vmov s13  }
0x17: {  	v2 =	vor.u32 s13, v0;
	v3 =	vshll.u32 v1, $0x3  }
0x18: {  	v2 =	vand.u32 $0x7F, v2;
	v1 =	vand.u32 $0x1C00, v3  }
0x19: {  	v1 =	vor.u32 v2, v1  }
0x1a: {  	v4 =	vor.u32 $0x80, v1  }
0x1b: {  	v5 =	vor.u32 $0x100, v1  }
0x1c: {  	v6 =	vor.u32 $0x180, v1;
	_ =	sdelay $0x1  }
0x1d: {  	v8 =	vor.u32 $0x200, v1;
	v7 =	vld.idx.msk [tilespmem:v1+s7+$0x0], $0xffff  }
0x1e: {  	v2 =	vor.u32 v3, v2;
	v9 =	vor.u32 $0x280, v1;
	v4 =	vld.idx.msk [tilespmem:v4+s7+$0x0], $0xffff  }
0x1f: {  	v10 =	vor.u32 $0x380, v2;
	v3 =	vld.idx.msk [tilespmem:v5+s7+$0x0], $0xffff;
	v5 =	vor.u32 $0x300, v1  }
0x20: {  	v11 =	vor.u32 $0x2000, v1;
	v12 =	vor.u32 $0x2080, v1;
	v13 =	vor.u32 $0x2100, v1;
	v6 =	vld.idx.msk [tilespmem:v6+s7+$0x0], $0xffff  }
0x21: {  	v14 =	vor.u32 $0x2180, v1;
	v15 =	vor.u32 $0x2200, v1;
	v16 =	vor.u32 $0x2280, v1  }
0x22: {  	v18 =	vor.u32 $0x2300, v1;
	v20 =	vor.u32 $0x2380, v2;
	v17 =	vld.idx.msk [tilespmem:v8+s7+$0x0], $0xffff;
	v2 =	vshll.u32 v7, $0x3  }
0x23: {  	v9 =	vld.idx.msk [tilespmem:v9+s7+$0x0], $0xffff;
	v7 =	vand.u32 $0x7F, v7;
	v2 =	vand.u32 $0xFFFFFC00, v2;
	v8 =	vshll.u32 v4, $0x3  }
0x24: {  	v4 =	vand.u32 $0x7F, v4;
	v19 =	vld.idx.msk [tilespmem:v5+s7+$0x0], $0xffff;
	v5 =	vand.u32 $0x7F, v3;
	v3 =	vshll.u32 v3, $0x3  }
0x25: {  	v2 =	vor.u32 v7, v2;
	v7 =	vand.u32 $0xFFFFFC00, v8;
	v8 =	vshll.u32 v6, $0x3  }
0x26: {  	v10 =	vld.idx.msk [tilespmem:v10+s7+$0x0], $0xffff;
	v3 =	vand.u32 $0xFFFFFC00, v3;
	v6 =	vand.u32 $0x7F, v6;
	v21 =	vand.u32 $0xFFFFFC00, v8  }
0x27: {  	v12 =	vld.idx.msk [tilespmem:v12+s7+$0x0], $0xffff;
	v8 =	vor.u32 v4, v7;
	v4 =	vor.u32 v5, v3;
	v5 =	vand.u32 $0x7F, v17  }
0x28: {  	v11 =	vld.idx.msk [tilespmem:v11+s7+$0x0], $0xffff;
	v7 =	vshll.u32 v9, $0x3;
	v3 =	vor.u32 v6, v21;
	v6 =	vshll.u32 v17, $0x3  }
0x29: {  	v9 =	vand.u32 $0x7F, v9;
	v7 =	vand.u32 $0xFFFFFC00, v7;
	v6 =	vand.u32 $0xFFFFFC00, v6  }
0x2a: {  	v13 =	vld.idx.msk [tilespmem:v13+s7+$0x0], $0xffff;
	v6 =	vor.u32 v5, v6;
	v5 =	vor.u32 v9, v7;
	v7 =	vshll.u32 v19, $0x3  }
0x2b: {  	v14 =	vld.idx.msk [tilespmem:v14+s7+$0x0], $0xffff;
	v17 =	vshll.u32 v10, $0x3;
	v9 =	vand.u32 $0x7F, v19;
	v7 =	vand.u32 $0xFFFFFC00, v7  }
0x2c: {  	v19 =	vshll.u32 v12, $0x3;
	v7 =	vor.u32 v9, v7;
	v9 =	vand.u32 $0x7F, v10  }
0x2d: {  	v10 =	vand.u32 $0xFFFFFC00, v17;
	v17 =	vand.u32 $0x7F, v11;
	v11 =	vshll.u32 v11, $0x3  }
0x2e: {  	v15 =	vld.idx.msk [tilespmem:v15+s7+$0x0], $0xffff;
	v12 =	vand.u32 $0x7F, v12;
	v19 =	vand.u32 $0xFFFFFC00, v19;
	v21 =	vand.u32 $0xFFFFFC00, v11  }
0x2f: {  	v11 =	vor.u32 v9, v10;
	v9 =	vor.u32 v12, v19;
	v12 =	vand.u32 $0x7F, v13  }
0x30: {  	v13 =	vshll.u32 v13, $0x3;
	v10 =	vor.u32 v17, v21;
	v17 =	vshll.u32 v14, $0x3  }
0x31: {  	s30 =	simm.s32 $0x0;
	v16 =	vld.idx.msk [tilespmem:v16+s7+$0x0], $0xffff;
	v13 =	vand.u32 $0xFFFFFC00, v13;
	v14 =	vand.u32 $0x7F, v14;
	v17 =	vand.u32 $0xFFFFFC00, v17  }
0x32: {  	v13 =	vor.u32 v12, v13;
	v12 =	vor.u32 v14, v17;
	v14 =	vmov s30  }
0x33: {  	v17 =	vand.u32 $0x7F, v15;
	v15 =	vshll.u32 v15, $0x3;
	v19 =	vshll.u32 v14, $0xA  }
0x34: {  	v15 =	vand.u32 $0xFFFFFC00, v15;
	v21 =	vshll.u32 v14, $0x7;
	v19 =	vand.u32 $0x6000, v19  }
0x35: {  	v22 =	vld.idx.msk [tilespmem:v18+s7+$0x0], $0xffff;
	v14 =	vor.u32 v17, v15;
	v18 =	vand.u32 $0x380, v21;
	v15 =	vadd.s32 v8, v19  }
0x36: {  	v17 =	vand.u32 $0x7F, v16;
	v21 =	vadd.s32 v2, v19;
	v23 =	vor.u32 v18, v15  }
0x37: {  	v15 =	vshll.u32 v16, $0x3;
	v16 =	vor.u32 v18, v21;
	v21 =	vadd.s32 v4, v19  }
0x38: {  	v24 =	vadd.s32 v3, v19;
	v15 =	vand.u32 $0xFFFFFC00, v15;
	v21 =	vor.u32 v18, v21  }
0x39: {  	v20 =	vld.idx.msk [tilespmem:v20+s7+$0x0], $0xffff;
	v26 =	vadd.s32 v5, v19;
	v15 =	vor.u32 v17, v15;
	v17 =	vor.u32 v18, v24  }
0x3a: {  	v25 =	vand.u32 $0x7F, v22;
	v26 =	vor.u32 v18, v26;
	v24 =	vadd.s32 v6, v19  }
0x3b: {  	v22 =	vshll.u32 v22, $0x3;
	v27 =	vadd.s32 v7, v19;
	v24 =	vor.u32 v18, v24;
	v23 =	vld.idx.msk [tilespmem:v23+s2+$0x0], $0xffff  }
0x3c: {  	v22 =	vand.u32 $0xFFFFFC00, v22;
	v29 =	vadd.s32 v11, v19;
	v27 =	vor.u32 v18, v27;
	v28 =	vld.idx.msk [tilespmem:v16+s2+$0x0], $0xffff  }
0x3d: {  	v16 =	vor.u32 v25, v22;
	v22 =	vor.u32 v18, v29;
	v25 =	vadd.s32 v10, v19;
	v21 =	vld.idx.msk [tilespmem:v21+s2+$0x0], $0xffff  }
0x3e: {  	v29 =	vand.u32 $0x7F, v20;
	v25 =	vor.u32 v18, v25;
	v30 =	vld.idx.msk [tilespmem:v17+s2+$0x0], $0xffff;
	v17 =	vadd.s32 v9, v19  }
0x3f: {  	v20 =	vshll.u32 v20, $0x3;
	v32 =	vld.idx.msk [tilespmem:v26+s2+$0x0], $0xffff;
	v31 =	vor.u32 v18, v17;
	v17 =	vadd.s32 v13, v19  }
0x40: {  	v33 =	vadd.s32 v12, v19;
	v20 =	vand.u32 $0xFFFFFC00, v20;
	v24 =	vld.idx.msk [tilespmem:v24+s2+$0x0], $0xffff;
	v26 =	vor.u32 v18, v17  }
0x41: {  	v17 =	vor.u32 v29, v20;
	v20 =	vld.idx.msk [tilespmem:v27+s2+$0x0], $0xffff;
	v27 =	vor.u32 v18, v33;
	v29 =	vadd.s32 v14, v19  }
0x42: {  	v23 =	vmax.f32 v28, v23;
	v22 =	vld.idx.msk [tilespmem:v22+s2+$0x0], $0xffff;
	v28 =	vor.u32 v18, v29;
	v29 =	vadd.s32 v15, v19  }
0x43: {  	v21 =	vmax.f32 v23, v21;
	v23 =	vld.idx.msk [tilespmem:v25+s2+$0x0], $0xffff;
	v25 =	vor.u32 v18, v29;
	v29 =	vadd.s32 v16, v19  }
0x44: {  	v21 =	vmax.f32 v21, v30;
	v29 =	vor.u32 v18, v29;
	v30 =	vld.idx.msk [tilespmem:v31+s2+$0x0], $0xffff;
	v31 =	vadd.s32 v17, v19  }
0x45: {  	v21 =	vmax.f32 v21, v24;
	v26 =	vld.idx.msk [tilespmem:v26+s2+$0x0], $0xffff;
	v31 =	vor.u32 v18, v31  }
0x46: {  	v21 =	vmax.f32 v21, v32;
	v24 =	vld.idx.msk [tilespmem:v27+s2+$0x0], $0xffff  }
0x47: {  	s31 =	simm.s32 $0x1;
	v20 =	vmax.f32 v21, v20;
	v21 =	vld.idx.msk [tilespmem:v28+s2+$0x0], $0xffff  }
0x48: {  	v27 =	vmov s31;
	v20 =	vmax.f32 v20, v22;
	v22 =	vld.idx.msk [tilespmem:v25+s2+$0x0], $0xffff  }
0x49: {  	v25 =	vshll.u32 v27, $0x7;
	v28 =	vmax.f32 v20, v23;
	v23 =	vld.idx.msk [tilespmem:v29+s2+$0x0], $0xffff  }
0x4a: {  	s13 =	simm.s32 $0x2;
	v27 =	vshll.u32 v27, $0xA;
	v20 =	vand.u32 $0x380, v25;
	v28 =	vmax.f32 v28, v30;
	v25 =	vld.idx.msk [tilespmem:v31+s2+$0x0], $0xffff  }
.LBB2_3:
0x4b: {  	p0 =	sne.s32 s13, $0x1F;
	v26 =	vmax.f32 v28, v26;
	v28 =	vor.u32 v19, v1;
	v19 =	vand.u32 $0x6000, v27  }
0x4c: {  	v27 =	vadd.s32 v8, v19;
	v24 =	vmax.f32 v26, v24;
	v26 =	vor.u32 v18, v28;
	v18 =	vmovc v20  }
0x4d: {  	v20 =	vadd.s32 v2, v19;
	v27 =	vor.u32 v18, v27;
	v21 =	vmax.f32 v24, v21  }
0x4e: {  	v20 =	vor.u32 v18, v20;
	v24 =	vadd.s32 v4, v19;
	v21 =	vmax.f32 v21, v22  }
0x4f: {  	v22 =	vor.u32 v18, v24;
	v24 =	vadd.s32 v3, v19;
	v21 =	vmax.f32 v21, v23  }
0x50: {  	v23 =	vor.u32 v18, v24;
	v24 =	vadd.s32 v6, v19;
	v21 =	vmax.f32 v21, v25  }
0x51: {  	v24 =	vor.u32 v18, v24;
	v25 =	vadd.s32 v5, v19;
	[tilespmem:v26+s10+$0x0] =	vst.idx.msk $0xffff, v21  }
0x52: {  	v25 =	vor.u32 v18, v25;
	v26 =	vadd.s32 v7, v19;
	v21 =	vld.idx.msk [tilespmem:v27+s2+$0x0], $0xffff  }
0x53: {  	v26 =	vor.u32 v18, v26;
	v27 =	vadd.s32 v11, v19;
	v20 =	vld.idx.msk [tilespmem:v20+s2+$0x0], $0xffff  }
0x54: {  	v28 =	vadd.s32 v10, v19;
	v27 =	vor.u32 v18, v27;
	v22 =	vld.idx.msk [tilespmem:v22+s2+$0x0], $0xffff  }
0x55: {  	v29 =	vadd.s32 v9, v19;
	v28 =	vor.u32 v18, v28;
	v23 =	vld.idx.msk [tilespmem:v23+s2+$0x0], $0xffff  }
0x56: {  	v30 =	vadd.s32 v13, v19;
	v29 =	vor.u32 v18, v29;
	v24 =	vld.idx.msk [tilespmem:v24+s2+$0x0], $0xffff  }
0x57: {  	v31 =	vadd.s32 v12, v19;
	v30 =	vor.u32 v18, v30;
	v25 =	vld.idx.msk [tilespmem:v25+s2+$0x0], $0xffff  }
0x58: {  	v31 =	vor.u32 v18, v31;
	v32 =	vld.idx.msk [tilespmem:v26+s2+$0x0], $0xffff;
	v26 =	vadd.s32 v14, v19  }
0x59: {  	v20 =	vmax.f32 v20, v21;
	v27 =	vld.idx.msk [tilespmem:v27+s2+$0x0], $0xffff;
	v21 =	vor.u32 v18, v26;
	v26 =	vadd.s32 v15, v19  }
0x5a: {  	v20 =	vmax.f32 v20, v22;
	v28 =	vld.idx.msk [tilespmem:v28+s2+$0x0], $0xffff;
	v22 =	vor.u32 v18, v26;
	v26 =	vadd.s32 v16, v19  }
0x5b: {  	v33 =	vadd.s32 v17, v19;
	v20 =	vmax.f32 v20, v23;
	v29 =	vld.idx.msk [tilespmem:v29+s2+$0x0], $0xffff;
	v23 =	vor.u32 v18, v26  }
0x5c: {  	v20 =	vmax.f32 v20, v24;
	v26 =	vld.idx.msk [tilespmem:v30+s2+$0x0], $0xffff;
	v30 =	vor.u32 v18, v33  }
.Ltmp0:
0x5d: {  	v20 =	vmax.f32 v20, v25;
	v24 =	vld.idx.msk [tilespmem:v31+s2+$0x0], $0xffff;
	(pc) =	sbr.rel @p0 .LBB2_3-.Ltmp0, $4  }
0x5e: {  	v20 =	vmax.f32 v20, v32;
	v21 =	vld.idx.msk [tilespmem:v21+s2+$0x0], $0xffff  }
0x5f: {  	v25 =	vmov s13;
	v20 =	vmax.f32 v20, v27;
	v22 =	vld.idx.msk [tilespmem:v22+s2+$0x0], $0xffff  }
0x60: {  	v31 =	vshll.u32 v25, $0x7;
	v28 =	vmax.f32 v20, v28;
	v23 =	vld.idx.msk [tilespmem:v23+s2+$0x0], $0xffff  }
0x61: {  	s13 =	sadd.s32 $0x1, s13;
	v27 =	vshll.u32 v25, $0xA;
	v20 =	vand.u32 $0x380, v31;
	v28 =	vmax.f32 v28, v29;
	v25 =	vld.idx.msk [tilespmem:v30+s2+$0x0], $0xffff  }
0x62: {  	v27 =	vand.u32 $0x6000, v27;
	v26 =	vmax.f32 v28, v26;
	v19 =	vor.u32 v19, v1  }
0x63: {  	v8 =	vadd.s32 v8, v27;
	v24 =	vmax.f32 v26, v24;
	v18 =	vor.u32 v18, v19  }
0x64: {  	v2 =	vadd.s32 v2, v27;
	v8 =	vor.u32 v20, v8;
	v49 =	vmax.f32 v24, v21  }
0x65: {  	v4 =	vadd.s32 v4, v27;
	v2 =	vor.u32 v20, v2;
	v19 =	vmax.f32 v49, v22  }
0x66: {  	v3 =	vadd.s32 v3, v27;
	v4 =	vor.u32 v20, v4;
	v19 =	vmax.f32 v19, v23  }
0x67: {  	v6 =	vadd.s32 v6, v27;
	v3 =	vor.u32 v20, v3;
	v19 =	vmax.f32 v19, v25  }
0x68: {  	v5 =	vadd.s32 v5, v27;
	v6 =	vor.u32 v20, v6;
	[tilespmem:v18+s10+$0x0] =	vst.idx.msk $0xffff, v19  }
0x69: {  	v7 =	vadd.s32 v7, v27;
	v5 =	vor.u32 v20, v5;
	v8 =	vld.idx.msk [tilespmem:v8+s2+$0x0], $0xffff  }
0x6a: {  	v11 =	vadd.s32 v11, v27;
	v7 =	vor.u32 v20, v7;
	v2 =	vld.idx.msk [tilespmem:v2+s2+$0x0], $0xffff  }
0x6b: {  	v10 =	vadd.s32 v10, v27;
	v11 =	vor.u32 v20, v11;
	v4 =	vld.idx.msk [tilespmem:v4+s2+$0x0], $0xffff  }
0x6c: {  	v9 =	vadd.s32 v9, v27;
	v10 =	vor.u32 v20, v10;
	v3 =	vld.idx.msk [tilespmem:v3+s2+$0x0], $0xffff  }
0x6d: {  	v13 =	vadd.s32 v13, v27;
	v9 =	vor.u32 v20, v9;
	v6 =	vld.idx.msk [tilespmem:v6+s2+$0x0], $0xffff  }
0x6e: {  	v12 =	vadd.s32 v12, v27;
	v13 =	vor.u32 v20, v13;
	v5 =	vld.idx.msk [tilespmem:v5+s2+$0x0], $0xffff  }
0x6f: {  	v14 =	vadd.s32 v14, v27;
	v12 =	vor.u32 v20, v12;
	v7 =	vld.idx.msk [tilespmem:v7+s2+$0x0], $0xffff;
	v2 =	vmax.f32 v2, v8  }
0x70: {  	v52 =	vadd.s32 v15, v27;
	v51 =	vor.u32 v20, v14;
	v50 =	vld.idx.msk [tilespmem:v11+s2+$0x0], $0xffff;
	v2 =	vmax.f32 v2, v4  }
0x71: {  	v55 =	vadd.s32 v16, v27;
	v54 =	vor.u32 v20, v52;
	v53 =	vld.idx.msk [tilespmem:v10+s2+$0x0], $0xffff;
	v2 =	vmax.f32 v2, v3  }
0x72: {  	v57 =	vadd.s32 v17, v27;
	v56 =	vor.u32 v20, v55;
	v3 =	vld.idx.msk [tilespmem:v9+s2+$0x0], $0xffff;
	v2 =	vmax.f32 v2, v6  }
0x73: {  	v59 =	vor.u32 v20, v57;
	v58 =	vld.idx.msk [tilespmem:v13+s2+$0x0], $0xffff;
	v2 =	vmax.f32 v2, v5  }
0x74: {  	v60 =	vld.idx.msk [tilespmem:v12+s2+$0x0], $0xffff;
	v2 =	vmax.f32 v2, v7  }
0x75: {  	v61 =	vld.idx.msk [tilespmem:v51+s2+$0x0], $0xffff;
	v2 =	vmax.f32 v2, v50  }
0x76: {  	v62 =	vld.idx.msk [tilespmem:v54+s2+$0x0], $0xffff;
	v2 =	vmax.f32 v2, v53  }
0x77: {  	v63 =	vld.idx.msk [tilespmem:v56+s2+$0x0], $0xffff;
	v2 =	vmax.f32 v2, v3  }
0x78: {  	s12 =	sadd.s32 $0x1, s12;
	v1 =	vor.u32 v27, v1;
	v3 =	vld.idx.msk [tilespmem:v59+s2+$0x0], $0xffff;
	v2 =	vmax.f32 v2, v58  }
0x79: {  	p0 =	sne.s32 s12, $0x40;
	v1 =	vor.u32 v20, v1;
	v2 =	vmax.f32 v2, v60  }
.Ltmp1:
0x7a: {  	v2 =	vmax.f32 v2, v61;
	(pc) =	sbr.rel @p0 .LBB2_2-.Ltmp1, $4  }
0x7b: {  	v2 =	vmax.f32 v2, v62  }
0x7c: {  	v2 =	vmax.f32 v2, v63  }
0x7d: {  	v2 =	vmax.f32 v2, v3  }
0x7e: {  	[tilespmem:v1+s10+$0x0] =	vst.idx.msk $0xffff, v2  }
0x7f: {  	s11 =	sadd.s32 $0x1, s11  }
0x80: {  	p0 =	sne.s32 s11, s6  }
.Ltmp2:
0x81: {  	_ = 	snop;
	(pc) =	sbr.rel @p0 .LBB2_1-.Ltmp2, $4  }
0x82: {  	[hbm4b:s5+s2] =	stream.linear.scatter [tilespmem:s10], [sflag:$0x2], $0x8000, $0x38;
	[tilespmem:$0x14000] =	vst v63  }
0x83: {  	_ =	swait.ge [sflag:s8], $0x8000  }
0x84: {  	[sflag:s8] =	ssyncset.done $0x0  }
0x85: {  	[sflag:s8] =	ssyncadd.s32 $0xFFFF8000  }
0x86: {  	_ =	sfence.sel $0x180000  }
0x87: {  	[bflag:$0x0] =	sbarrier.arrive $0xFFFF  }
0x88: {  	p0 =	sne.s32 s1, $0x0;
	_ =	strace $0x9000004D  }
0x89: {  	s0 =	sadd.s32 @!p0 $0x100000, s0;
	[bflag:$0x2] =	sbarrier.arrive $0xFFFF  }
0x8a: {  	[sflag:s0] =	ssyncadd.tile.s32 @!p0 $0x1;
	_ =	shalt  }
.Lfunc_end2:
_tile_overlayer_lowered:
.L_overlay_start_2:
0x8b: {  	(tag) =	ssettag $0x2  }
0x8c: {  	s0 =	rddreg [dreg:$0x0];
	s2 =	stileid.u32  }
0x8d: {  	s1 =	rddreg [dreg:$0x1];
	p0 =	sne.s32 s2, $0x0  }
0x8e: {  	s3 =	rddreg [dreg:$0x2];
	[bflag:$0x3] =	sbarrier.arrive $0xFFFF;
	s2 =	simm.s32 @!p0 $0x1C02  }
0x8f: {  	[timem:s3], [sflag:s2] =	dma.local @!p0 [hbm:s0], s1  }
0x90: {  	s0 =	simm.s32 @!p0 $0x2  }
0x91: {  	_ =	swait.ge @!p0 [sflag:s0], s1  }
0x92: {  	s1 =	ssub.s32 @!p0 $0x0, s1;
	[sflag:s0] =	ssyncset.done @!p0 $0x0  }
0x93: {  	[sflag:s0] =	ssyncadd.s32 @!p0 s1  }
0x94: {  	[bflag:$0x3] =	sbarrier.arrive $0xFFFF  }
0x95: {  	_ =	shalt  }

// kernel: kernel.22.cloned.1.call-start
scs
__scs_entry_jumppad:
0x0: {  	(pc) =	sbr.rel $0x88, $3  }
0x1: {  	(tag) =	ssettag $0x0;
	lr =	simm.s32 $0x1  }
0x2: {  	[smem:$0x3F88] =	sst lr;
	_ =	strace $0xD0000000  }
0x3: {  	_ = 	snop  }
0x4: {  	_ = 	snop  }
0x5: {  	_ = 	snop  }
0x6: {  	_ = 	snop  }
0x7: {  	_ = 	snop  }
__scs_overlays_trampoline_lowered:
0x8: {  	[smem:$0x3F97] =	sst s0  }
0x9: {  	[smem:$0x3F98] =	sst s1  }
0xa: {  	[smem:$0x3F99] =	sst s2  }
0xb: {  	[smem:$0x3F9A] =	sst s3  }
0xc: {  	[smem:$0x3F9B] =	sst s4  }
0xd: {  	[smem:$0x3F9C] =	sst s5  }
0xe: {  	[smem:$0x3F9D] =	sst s6  }
0xf: {  	[smem:$0x3F9E] =	sst s7  }
0x10: {  	[smem:$0x3F9F] =	sst s8  }
0x11: {  	[smem:$0x3FA0] =	sst s9;
	s0 =	simm.s32 @!p0 $0x0  }
0x12: {  	s1 =	sld [smem:$0x3F86];
	s0 =	simm.s32 @p0 $0x1  }
0x13: {  	[smem:$0x3FA1] =	sst s0;
	s0 =	simm.s32 @!p1 $0x0  }
0x14: {  	s2 =	sld [smem:$0x3F85];
	s0 =	simm.s32 @p1 $0x1  }
0x15: {  	[smem:$0x3FA2] =	sst s0;
	s0 =	simm.s32 @!p2 $0x0  }
0x16: {  	s3 =	sld [smem:$0x3FDB];
	s0 =	simm.s32 @p2 $0x1  }
0x17: {  	s4 =	simm.s32 $0x1BF5;
	[smem:$0x3FA4] =	sst s0  }
0x18: {  	s0 =	sld [smem:$0x3F87];
	_ =	swait.ge [sflag:s4], $0x0  }
0x19: {  	s7 =	sld [smem:$0x3F88]  }
0x1a: {  	s8 =	sadd.s32 $0xFFFFE003, lr  }
0x1b: {  	s9 =	sadd.s32 $0xFFFFFEF7, lr;
	s5 =	simm.s32 $0xFFFFFFFF;
	p2 =	slt.u32 s8, $0xFFFFF086  }
0x1c: {  	p1 =	slt.u32 s9, $0xF7A;
	s5 =	simm.s32 @!p2 $0x0  }
0x1d: {  	s5 =	simm.s32 @p1 $0x1;
	p0 =	seq.s32 s7, s2  }
0x1e: {  	s7 =	smul.u32 @!p0 $0xF7A, s2;
	p2 =	seq.s32 @!p0 s5, $0x0  }
0x1f: {  	s9 =	smul.u32 $0xF7A, s1;
	s8 =	simm.s32 @!p0 $0x1BF5;
	p2 =	por !p2, p0  }
0x20: {  	[sflag:s8] =	ssyncset.s32 @!p0 $0xFFFFF086;
	s6 =	sadd.s32 @!p0 s3, s7;
	s7 =	simm.s32 @!p0 $0x108  }
0x21: {  	s3 =	sadd.s32 s3, s9;
	s6 =	sadd.s32 @!p0 $0x88, s6;
	s7 =	simm.s32 @p2 $0x1082  }
0x22: {  	[simem:s7], [sflag:s8] =	dma.local @!p0 [hbm:s6], $0xF7A  }
0x23: {  	s9 =	sor.u32 $0xD0000000, s2;
	s6 =	simm.s32 $0x108;
	_ =	swait.ge @!p0 [sflag:s8], $0x0  }
0x24: {  	s3 =	sadd.s32 $0x88, s3;
	s6 =	simm.s32 @!p1 $0x1082;
	[sflag:s4] =	ssyncset.s32 $0xFFFFF086  }
0x25: {  	[simem:s6], [sflag:s4] =	dma.local [hbm:s3], $0xF7A  }
0x26: {  	[smem:$0x3F88] =	sst s1;
	(tag) =	ssettag s2;
	_ =	strace s9  }
0x27: {  	s1 =	sld [smem:$0x3F98]  }
0x28: {  	s2 =	sld [smem:$0x3F99]  }
0x29: {  	s4 =	sld [smem:$0x3F9B]  }
0x2a: {  	p0 =	seq.s32 s5, $0x0;
	s5 =	sld [smem:$0x3F9C]  }
0x2b: {  	s6 =	sld [smem:$0x3F9D]  }
0x2c: {  	s7 =	sld [smem:$0x3F9E]  }
0x2d: {  	s3 =	simm.s32 $0x108;
	s8 =	sld [smem:$0x3F9F]  }
0x2e: {  	s3 =	simm.s32 @!p0 $0x1082;
	s9 =	sld [smem:$0x3FA0]  }
0x2f: {  	lr =	sadd.s32 s0, s3;
	s0 =	sld [smem:$0x3F97]  }
0x30: {  	s3 =	sld [smem:$0x3F9A]  }
0x31: {  	[smem:$0x3FA3] =	sst s10  }
0x32: {  	s10 =	sld [smem:$0x3FA1];
	_ =	sdelay $0x3  }
0x33: {  	p0 =	seq.s32 s10, $0x1;
	s10 =	sld [smem:$0x3FA3];
	_ =	sdelay $0x3  }
0x34: {  	[smem:$0x3FA3] =	sst s10  }
0x35: {  	s10 =	sld [smem:$0x3FA2];
	_ =	sdelay $0x3  }
0x36: {  	p1 =	seq.s32 s10, $0x1;
	s10 =	sld [smem:$0x3FA3];
	_ =	sdelay $0x3  }
0x37: {  	[smem:$0x3FA3] =	sst s10  }
0x38: {  	s10 =	sld [smem:$0x3FA4]  }
0x39: {  	_ = 	snop;
	(pc) =	sbr.ind lr, $3  }
0x3a: {  	_ = 	snop  }
0x3b: {  	_ = 	snop  }
0x3c: {  	p2 =	seq.s32 s10, $0x1;
	s10 =	sld [smem:$0x3FA3]  }
0x3d: {  	_ =	shalt  }
0x3e: {  	_ =	shalt  }
0x3f: {  	_ =	shalt  }
0x40: {  	_ =	shalt  }
0x41: {  	_ =	shalt  }
0x42: {  	_ =	shalt  }
0x43: {  	_ =	shalt  }
0x44: {  	_ =	shalt  }
0x45: {  	_ =	shalt  }
0x46: {  	_ =	shalt  }
0x47: {  	_ =	shalt  }
0x48: {  	_ =	shalt  }
0x49: {  	_ =	shalt  }
0x4a: {  	_ =	shalt  }
0x4b: {  	_ =	shalt  }
0x4c: {  	_ =	shalt  }
0x4d: {  	_ =	shalt  }
0x4e: {  	_ =	shalt  }
0x4f: {  	_ =	shalt  }
0x50: {  	_ =	shalt  }
0x51: {  	_ =	shalt  }
0x52: {  	_ =	shalt  }
0x53: {  	_ =	shalt  }
0x54: {  	_ =	shalt  }
0x55: {  	_ =	shalt  }
0x56: {  	_ =	shalt  }
0x57: {  	_ =	shalt  }
0x58: {  	_ =	shalt  }
0x59: {  	_ =	shalt  }
0x5a: {  	_ =	shalt  }
0x5b: {  	_ =	shalt  }
0x5c: {  	_ =	shalt  }
0x5d: {  	_ =	shalt  }
0x5e: {  	_ =	shalt  }
0x5f: {  	_ =	shalt  }
0x60: {  	_ =	shalt  }
0x61: {  	_ =	shalt  }
0x62: {  	_ =	shalt  }
0x63: {  	_ =	shalt  }
0x64: {  	_ =	shalt  }
0x65: {  	_ =	shalt  }
0x66: {  	_ =	shalt  }
0x67: {  	_ =	shalt  }
0x68: {  	_ =	shalt  }
0x69: {  	_ =	shalt  }
0x6a: {  	_ =	shalt  }
0x6b: {  	_ =	shalt  }
0x6c: {  	_ =	shalt  }
0x6d: {  	_ =	shalt  }
0x6e: {  	_ =	shalt  }
0x6f: {  	_ =	shalt  }
0x70: {  	_ =	shalt  }
0x71: {  	_ =	shalt  }
0x72: {  	_ =	shalt  }
0x73: {  	_ =	shalt  }
0x74: {  	_ =	shalt  }
0x75: {  	_ =	shalt  }
0x76: {  	_ =	shalt  }
0x77: {  	_ =	shalt  }
0x78: {  	_ =	shalt  }
0x79: {  	_ =	shalt  }
0x7a: {  	_ =	shalt  }
0x7b: {  	_ =	shalt  }
0x7c: {  	_ =	shalt  }
0x7d: {  	_ =	shalt  }
0x7e: {  	_ =	shalt  }
0x7f: {  	_ =	shalt  }
0x80: {  	_ =	shalt  }
0x81: {  	_ =	shalt  }
0x82: {  	_ =	shalt  }
0x83: {  	_ =	shalt  }
0x84: {  	_ =	shalt  }
0x85: {  	_ =	shalt  }
0x86: {  	_ =	shalt  }
0x87: {  	_ =	shalt  }
.Lfunc_end0:
.L_simem_size_0:
called_computation.3_lowered:
.L_overlay_start_0:
0x88: {  	s2 =	sld [smem:$0x3FD9]  }
0x89: {  	s3 =	sld [smem:$0x3FFE];
	_ =	sdelay $0x1  }
0x8a: {  	s1 =	srdreg.scid  }
0x8b: {  	s0 =	sand.u32 $0x1, s1  }
0x8c: {  	s16 =	sshll.u32 s0, $0xA;
	s2 =	sadd.s32 s3, s2  }
0x8d: {  	s2 =	sadd.s32 s2, s16  }
0x8e: {  	[smem:$0x3FAF] =	sst s2  }
0x8f: {  	_ = 	snop  }
0x90: {  	(tm) =	ssettm $0x1  }
0x91: {  	s17 =	sld [smem:$0x3FFB];
	_ =	sdelay $0x3  }
0x92: {  	_ =	strace s17  }
0x93: {  	s2 =	sld [smem:$0x3FFC];
	_ =	sdelay $0x3  }
0x94: {  	_ =	strace s2  }
0x95: {  	s2 =	sld [smem:$0x3FFD];
	_ =	sdelay $0x3  }
0x96: {  	_ =	strace s2  }
0x97: {  	_ =	strace $0x8FFFFFFF  }
0x98: {  	s18 =	sld [smem:$0x3FDB];
	_ =	sdelay $0x1  }
0x99: {  	s19 =	simm.s32 $_scs_section_size  }
0x9a: {  	s4 =	simm.s32 $_size__tile_overlayer_lowered;
	s5 =	simm.s32 $_tile_overlayer_lowered  }
0x9b: {  	s22 =	simm.s32 $0x1BFF;
	s21 =	sshll.u32 s5, $0x1;
	s2 =	sadd.s32 s19, s18  }
0x9c: {  	s6 =	simm.s32 $0x0;
	s20 =	sshll.u32 s4, $0x1;
	s4 =	sadd.s32 s21, s2  }
0x9d: {  	[timem:s6], [sflag:s22] =	dma.local [hbm:s4], s20  }
0x9e: {  	_ =	swait.ge [sflag:s22], s20  }
0x9f: {  	s3 =	ssub.s32 $0x0, s20;
	[sflag:s22] =	ssyncset.done $0x0  }
0xa0: {  	[sflag:s22] =	ssyncadd.s32 s3;
	_ =	sdelay $0x1  }
0xa1: {  	s23 =	simm.s32 $0x1B8B  }
0xa2: {  	_ =	swait.ge [sflag:s23], $0x1  }
0xa3: {  	[sflag:s23] =	ssyncset.done $0x0  }
0xa4: {  	s25 =	simm.s32 $0x1B8E;
	s24 =	sld [smem:$0x3FFE];
	[sflag:s23] =	ssyncadd.s32 $0xFFFFFFFF  }
0xa5: {  	s26 =	simm.s32 $execute0_lowered;
	[smem:$0x3FD2] =	sst s25  }
0xa6: {  	s4 =	sshll.u32 s26, $0x1;
	_ =	strace $0x8000004F;
	[dreg:$0x1] =	wrdreg $0xFFFFFFFF  }
0xa7: {  	s28 =	simm.s32 $_size_execute0_lowered;
	s2 =	sadd.s32 s2, s4;
	[dreg:$0x0] =	wrdreg $0x0  }
0xa8: {  	s4 =	sshll.u32 s28, $0x1;
	[dreg:$0x2] =	wrdreg s2  }
0xa9: {  	[dreg:$0x3] =	wrdreg s4  }
0xaa: {  	[dreg:$0x4] =	wrdreg $0xC0  }
0xab: {  	_ =	task [dreg:s6], $0x5FFFF  }
0xac: {  	[dreg:$0x1] =	wrdreg $0xFFFFFFFF  }
0xad: {  	[dreg:$0x0] =	wrdreg $0x60  }
0xae: {  	[dreg:$0x2] =	wrdreg s24  }
0xaf: {  	[dreg:$0x3] =	wrdreg $0x9  }
0xb0: {  	_ =	task.clear_ibuf [dreg:s6], $0x4FFFF;
	_ =	strace $0x9000004F  }
0xb1: {  	s29 =	simm.s32 $0x9;
	_ =	strace $0x80000051  }
0xb2: {  	_ =	swait.ge [sflag:s29], $0x1  }
0xb3: {  	[sflag:s29] =	ssyncadd.s32 $0xFFFFFFFF  }
0xb4: {  	_ =	strace $0x90000051  }
0xb5: {  	_ =	sfence  }
0xb6: {  	s30 =	sld [smem:$0x0];
	_ =	sdelay $0x2  }
0xb7: {  	s31 =	sshll.u32 s1, $0xD;
	s1 =	sshrl.u32 s1, $0x2  }
0xb8: {  	s3 =	sand.u32 $0x4000, s31;
	s1 =	sadd.s32 s1, s30  }
0xb9: {  	s0 =	sor.u32 s3, s0;
	s1 =	sshll.u32 s1, $0x11  }
0xba: {  	s0 =	sor.u32 s1, s0  }
0xbb: {  	s0 =	sadd.s32 $0x8F2B, s0  }
0xbc: {  	[sflag:s0] =	ssyncadd.remote.s32 $0x1  }
0xbd: {  	_ =	sfence.sel $0xFFFF  }
0xbe: {  	[dreg:$0x0] =	wrdreg $0xFFFFFFFF;
	(pc) =	sbr.abs _section_cstart, $3  }
0xbf: {  	[dreg:$0x1] =	wrdreg $0xFFFFFFFF  }
0xc0: {  	_ =	task.clear_ibuf [dreg:s6], $0x2FFFF;
	_ =	strace $0x9FFFFFFF  }
0xc1: {  	(tm) =	ssettm $0x7FFFFFFF  }
tec
execute0_lowered:
.L_overlay_start_1:
0x0: {  	(tag) =	ssettag $0x1  }
0x1: {  	s3 =	rddreg [dreg:$0x0]  }
0x2: {  	s0 =	rddreg [dreg:$0x1];
	s2 =	simm.s32 $0x0  }
0x3: {  	s1 =	stileid.u32;
	s6 =	srdreg.scid;
	s12 =	simm.s32 $0x8000  }
0x4: {  	s13 =	simm.s32 $0x14000;
	s14 =	simm.s32 $0x2;
	s15 =	simm.s32 $0x0  }
0x5: {  	[smem:$0x7FF] =	sst s2;
	s5 =	sadd.s32 $0x7A800, s3;
	s4 =	sshrl.u32 s1, $0x1  }
0x6: {  	s6 =	sand.u32 $0x1, s6;
	s8 =	sshll.u32 s1, $0xE;
	s30 =	sadd.s32 $0xFA800, s3  }
0x7: {  	_ =	strace $0x80000050;
	s7 =	sshll.u32 s4, $0xB;
	s9 =	sshll.u32 s6, $0xD  }
0x8: {  	s8 =	sand.u32 $0x4000, s8;
	s6 =	ssub.s32 $0x2, s6;
	s4 =	sshll.u32 s4, $0xF  }
0x9: {  	s7 =	sadd.s32 s7, s3;
	s8 =	sor.u32 s9, s8;
	s31 =	sshrl.u32 s6, $0x1  }
0xa: {  	s9 =	simm.s32 $0x10000;
	s8 =	sor.u32 s4, s8;
	s10 =	ssub.s32 s6, s31  }
0xb: {  	s4 =	sadd.s32 $0x6800, s7;
	s3 =	sadd.s32 s5, s8;
	s11 =	sor.u32 $0x1000, s8  }
0xc: {  	s6 =	sadd.s32 s30, s8;
	s8 =	smax.u32 s10, $0x1;
	s10 =	simm.s32 $0x3  }
0xd: {  	v0 =	vlaneseq.u32;
	s5 =	sadd.s32 s5, s11;
	s7 =	sadd.s32 s30, s11;
	s11 =	simm.s32 $0x1  }
.LBB2_1:
0xe: {  	[tilespmem:s2], [sflag:$0x1] =	stream.linear.gather [hbm4b:s3+s2], $0x8000, $0x38;
	[tilespmem:$0x1C000] =	vst v63  }
0xf: {  	_ = 	snop  }
0x10: {  	[tilespmem:s9], [sflag:$0x3] =	stream.linear.gather [hbm4b:s4+s2], $0x4000, $0x38;
	[tilespmem:$0x1C000] =	vst v63  }
0x11: {  	_ =	swait.ge [sflag:s10], $0x4000  }
0x12: {  	[sflag:s10] =	ssyncset.done $0x0  }
0x13: {  	[sflag:s10] =	ssyncadd.s32 $0xFFFFC000  }
0x14: {  	_ =	swait.ge [sflag:s11], $0x8000  }
0x15: {  	[sflag:s11] =	ssyncset.done $0x0  }
0x16: {  	s16 =	simm.s32 $0x0;
	[sflag:s11] =	ssyncadd.s32 $0xFFFF8000  }
0x17: {  	[tilespmem:s12], [sflag:$0x2] =	stream.linear.gather [hbm4b:s5+s2], $0x8000, $0x38;
	[tilespmem:$0x1C000] =	vst v63  }
.LBB2_2:
0x18: {  	s17 =	sshll.u32 s16, $0x4  }
0x19: {  	v1 =	vmov s17  }
0x1a: {  	v2 =	vor.u32 s17, v0;
	v3 =	vshll.u32 v1, $0x3  }
0x1b: {  	v2 =	vand.u32 $0x7F, v2;
	v1 =	vand.u32 $0x1C00, v3  }
0x1c: {  	v1 =	vor.u32 v2, v1  }
0x1d: {  	v4 =	vor.u32 $0x80, v1  }
0x1e: {  	v5 =	vor.u32 $0x100, v1  }
0x1f: {  	v6 =	vor.u32 $0x180, v1;
	_ =	sdelay $0x1  }
0x20: {  	v8 =	vor.u32 $0x200, v1;
	v7 =	vld.idx.msk [tilespmem:v1+s9+$0x0], $0xffff  }
0x21: {  	v2 =	vor.u32 v3, v2;
	v9 =	vor.u32 $0x280, v1;
	v4 =	vld.idx.msk [tilespmem:v4+s9+$0x0], $0xffff  }
0x22: {  	v10 =	vor.u32 $0x380, v2;
	v3 =	vld.idx.msk [tilespmem:v5+s9+$0x0], $0xffff;
	v5 =	vor.u32 $0x300, v1  }
0x23: {  	v11 =	vor.u32 $0x2000, v1;
	v12 =	vor.u32 $0x2080, v1;
	v13 =	vor.u32 $0x2100, v1;
	v6 =	vld.idx.msk [tilespmem:v6+s9+$0x0], $0xffff  }
0x24: {  	v14 =	vor.u32 $0x2180, v1;
	v15 =	vor.u32 $0x2200, v1;
	v16 =	vor.u32 $0x2280, v1  }
0x25: {  	v18 =	vor.u32 $0x2300, v1;
	v20 =	vor.u32 $0x2380, v2;
	v17 =	vld.idx.msk [tilespmem:v8+s9+$0x0], $0xffff;
	v2 =	vshll.u32 v7, $0x3  }
0x26: {  	v9 =	vld.idx.msk [tilespmem:v9+s9+$0x0], $0xffff;
	v7 =	vand.u32 $0x7F, v7;
	v2 =	vand.u32 $0xFFFFFC00, v2;
	v8 =	vshll.u32 v4, $0x3  }
0x27: {  	v4 =	vand.u32 $0x7F, v4;
	v19 =	vld.idx.msk [tilespmem:v5+s9+$0x0], $0xffff;
	v5 =	vand.u32 $0x7F, v3;
	v3 =	vshll.u32 v3, $0x3  }
0x28: {  	v2 =	vor.u32 v7, v2;
	v7 =	vand.u32 $0xFFFFFC00, v8;
	v8 =	vshll.u32 v6, $0x3  }
0x29: {  	v10 =	vld.idx.msk [tilespmem:v10+s9+$0x0], $0xffff;
	v3 =	vand.u32 $0xFFFFFC00, v3;
	v6 =	vand.u32 $0x7F, v6;
	v21 =	vand.u32 $0xFFFFFC00, v8  }
0x2a: {  	v12 =	vld.idx.msk [tilespmem:v12+s9+$0x0], $0xffff;
	v8 =	vor.u32 v4, v7;
	v4 =	vor.u32 v5, v3;
	v5 =	vand.u32 $0x7F, v17  }
0x2b: {  	v11 =	vld.idx.msk [tilespmem:v11+s9+$0x0], $0xffff;
	v7 =	vshll.u32 v9, $0x3;
	v3 =	vor.u32 v6, v21;
	v6 =	vshll.u32 v17, $0x3  }
0x2c: {  	v9 =	vand.u32 $0x7F, v9;
	v7 =	vand.u32 $0xFFFFFC00, v7;
	v6 =	vand.u32 $0xFFFFFC00, v6  }
0x2d: {  	v13 =	vld.idx.msk [tilespmem:v13+s9+$0x0], $0xffff;
	v6 =	vor.u32 v5, v6;
	v5 =	vor.u32 v9, v7;
	v7 =	vshll.u32 v19, $0x3  }
0x2e: {  	v14 =	vld.idx.msk [tilespmem:v14+s9+$0x0], $0xffff;
	v17 =	vshll.u32 v10, $0x3;
	v9 =	vand.u32 $0x7F, v19;
	v7 =	vand.u32 $0xFFFFFC00, v7  }
0x2f: {  	v19 =	vshll.u32 v12, $0x3;
	v7 =	vor.u32 v9, v7;
	v9 =	vand.u32 $0x7F, v10  }
0x30: {  	v10 =	vand.u32 $0xFFFFFC00, v17;
	v17 =	vand.u32 $0x7F, v11;
	v11 =	vshll.u32 v11, $0x3  }
0x31: {  	v15 =	vld.idx.msk [tilespmem:v15+s9+$0x0], $0xffff;
	v12 =	vand.u32 $0x7F, v12;
	v19 =	vand.u32 $0xFFFFFC00, v19;
	v21 =	vand.u32 $0xFFFFFC00, v11  }
0x32: {  	v11 =	vor.u32 v9, v10;
	v9 =	vor.u32 v12, v19;
	v12 =	vand.u32 $0x7F, v13  }
0x33: {  	v13 =	vshll.u32 v13, $0x3;
	v10 =	vor.u32 v17, v21;
	v17 =	vshll.u32 v14, $0x3  }
0x34: {  	s30 =	simm.s32 $0x0;
	v16 =	vld.idx.msk [tilespmem:v16+s9+$0x0], $0xffff;
	v13 =	vand.u32 $0xFFFFFC00, v13;
	v14 =	vand.u32 $0x7F, v14;
	v17 =	vand.u32 $0xFFFFFC00, v17  }
0x35: {  	v13 =	vor.u32 v12, v13;
	v12 =	vor.u32 v14, v17;
	v14 =	vmov s30  }
0x36: {  	v17 =	vand.u32 $0x7F, v15;
	v15 =	vshll.u32 v15, $0x3;
	v19 =	vshll.u32 v14, $0xA  }
0x37: {  	v15 =	vand.u32 $0xFFFFFC00, v15;
	v21 =	vshll.u32 v14, $0x7;
	v19 =	vand.u32 $0x6000, v19  }
0x38: {  	v22 =	vld.idx.msk [tilespmem:v18+s9+$0x0], $0xffff;
	v14 =	vor.u32 v17, v15;
	v18 =	vand.u32 $0x380, v21;
	v15 =	vadd.s32 v8, v19  }
0x39: {  	v17 =	vand.u32 $0x7F, v16;
	v21 =	vadd.s32 v2, v19;
	v23 =	vor.u32 v18, v15  }
0x3a: {  	v15 =	vshll.u32 v16, $0x3;
	v16 =	vor.u32 v18, v21;
	v21 =	vadd.s32 v4, v19  }
0x3b: {  	v24 =	vadd.s32 v3, v19;
	v15 =	vand.u32 $0xFFFFFC00, v15;
	v21 =	vor.u32 v18, v21  }
0x3c: {  	v20 =	vld.idx.msk [tilespmem:v20+s9+$0x0], $0xffff;
	v26 =	vadd.s32 v5, v19;
	v15 =	vor.u32 v17, v15;
	v17 =	vor.u32 v18, v24  }
0x3d: {  	v25 =	vand.u32 $0x7F, v22;
	v26 =	vor.u32 v18, v26;
	v24 =	vadd.s32 v6, v19  }
0x3e: {  	v22 =	vshll.u32 v22, $0x3;
	v27 =	vadd.s32 v7, v19;
	v24 =	vor.u32 v18, v24;
	v23 =	vld.idx.msk [tilespmem:v23+s2+$0x0], $0xffff  }
0x3f: {  	v22 =	vand.u32 $0xFFFFFC00, v22;
	v29 =	vadd.s32 v11, v19;
	v27 =	vor.u32 v18, v27;
	v28 =	vld.idx.msk [tilespmem:v16+s2+$0x0], $0xffff  }
0x40: {  	v16 =	vor.u32 v25, v22;
	v22 =	vor.u32 v18, v29;
	v25 =	vadd.s32 v10, v19;
	v21 =	vld.idx.msk [tilespmem:v21+s2+$0x0], $0xffff  }
0x41: {  	v29 =	vand.u32 $0x7F, v20;
	v25 =	vor.u32 v18, v25;
	v30 =	vld.idx.msk [tilespmem:v17+s2+$0x0], $0xffff;
	v17 =	vadd.s32 v9, v19  }
0x42: {  	v20 =	vshll.u32 v20, $0x3;
	v32 =	vld.idx.msk [tilespmem:v26+s2+$0x0], $0xffff;
	v31 =	vor.u32 v18, v17;
	v17 =	vadd.s32 v13, v19  }
0x43: {  	v33 =	vadd.s32 v12, v19;
	v20 =	vand.u32 $0xFFFFFC00, v20;
	v24 =	vld.idx.msk [tilespmem:v24+s2+$0x0], $0xffff;
	v26 =	vor.u32 v18, v17  }
0x44: {  	v17 =	vor.u32 v29, v20;
	v20 =	vld.idx.msk [tilespmem:v27+s2+$0x0], $0xffff;
	v27 =	vor.u32 v18, v33;
	v29 =	vadd.s32 v14, v19  }
0x45: {  	v23 =	vmax.f32 v28, v23;
	v22 =	vld.idx.msk [tilespmem:v22+s2+$0x0], $0xffff;
	v28 =	vor.u32 v18, v29;
	v29 =	vadd.s32 v15, v19  }
0x46: {  	v21 =	vmax.f32 v23, v21;
	v23 =	vld.idx.msk [tilespmem:v25+s2+$0x0], $0xffff;
	v25 =	vor.u32 v18, v29;
	v29 =	vadd.s32 v16, v19  }
0x47: {  	v21 =	vmax.f32 v21, v30;
	v29 =	vor.u32 v18, v29;
	v30 =	vld.idx.msk [tilespmem:v31+s2+$0x0], $0xffff;
	v31 =	vadd.s32 v17, v19  }
0x48: {  	v21 =	vmax.f32 v21, v24;
	v26 =	vld.idx.msk [tilespmem:v26+s2+$0x0], $0xffff;
	v31 =	vor.u32 v18, v31  }
0x49: {  	v21 =	vmax.f32 v21, v32;
	v24 =	vld.idx.msk [tilespmem:v27+s2+$0x0], $0xffff  }
0x4a: {  	s31 =	simm.s32 $0x1;
	v20 =	vmax.f32 v21, v20;
	v21 =	vld.idx.msk [tilespmem:v28+s2+$0x0], $0xffff  }
0x4b: {  	v27 =	vmov s31;
	v20 =	vmax.f32 v20, v22;
	v22 =	vld.idx.msk [tilespmem:v25+s2+$0x0], $0xffff  }
0x4c: {  	v25 =	vshll.u32 v27, $0x7;
	v28 =	vmax.f32 v20, v23;
	v23 =	vld.idx.msk [tilespmem:v29+s2+$0x0], $0xffff  }
0x4d: {  	s17 =	simm.s32 $0x2;
	v27 =	vshll.u32 v27, $0xA;
	v20 =	vand.u32 $0x380, v25;
	v28 =	vmax.f32 v28, v30;
	v25 =	vld.idx.msk [tilespmem:v31+s2+$0x0], $0xffff  }
.LBB2_3:
0x4e: {  	p0 =	sne.s32 s17, $0x1F;
	v26 =	vmax.f32 v28, v26;
	v28 =	vor.u32 v19, v1;
	v19 =	vand.u32 $0x6000, v27  }
0x4f: {  	v27 =	vadd.s32 v8, v19;
	v24 =	vmax.f32 v26, v24;
	v26 =	vor.u32 v18, v28;
	v18 =	vmovc v20  }
0x50: {  	v20 =	vadd.s32 v2, v19;
	v27 =	vor.u32 v18, v27;
	v21 =	vmax.f32 v24, v21  }
0x51: {  	v20 =	vor.u32 v18, v20;
	v24 =	vadd.s32 v4, v19;
	v21 =	vmax.f32 v21, v22  }
0x52: {  	v22 =	vor.u32 v18, v24;
	v24 =	vadd.s32 v3, v19;
	v21 =	vmax.f32 v21, v23  }
0x53: {  	v23 =	vor.u32 v18, v24;
	v24 =	vadd.s32 v6, v19;
	v21 =	vmax.f32 v21, v25  }
0x54: {  	v24 =	vor.u32 v18, v24;
	v25 =	vadd.s32 v5, v19;
	[tilespmem:v26+s13+$0x0] =	vst.idx.msk $0xffff, v21  }
0x55: {  	v25 =	vor.u32 v18, v25;
	v26 =	vadd.s32 v7, v19;
	v21 =	vld.idx.msk [tilespmem:v27+s2+$0x0], $0xffff  }
0x56: {  	v26 =	vor.u32 v18, v26;
	v27 =	vadd.s32 v11, v19;
	v20 =	vld.idx.msk [tilespmem:v20+s2+$0x0], $0xffff  }
0x57: {  	v28 =	vadd.s32 v10, v19;
	v27 =	vor.u32 v18, v27;
	v22 =	vld.idx.msk [tilespmem:v22+s2+$0x0], $0xffff  }
0x58: {  	v29 =	vadd.s32 v9, v19;
	v28 =	vor.u32 v18, v28;
	v23 =	vld.idx.msk [tilespmem:v23+s2+$0x0], $0xffff  }
0x59: {  	v30 =	vadd.s32 v13, v19;
	v29 =	vor.u32 v18, v29;
	v24 =	vld.idx.msk [tilespmem:v24+s2+$0x0], $0xffff  }
0x5a: {  	v31 =	vadd.s32 v12, v19;
	v30 =	vor.u32 v18, v30;
	v25 =	vld.idx.msk [tilespmem:v25+s2+$0x0], $0xffff  }
0x5b: {  	v31 =	vor.u32 v18, v31;
	v32 =	vld.idx.msk [tilespmem:v26+s2+$0x0], $0xffff;
	v26 =	vadd.s32 v14, v19  }
0x5c: {  	v20 =	vmax.f32 v20, v21;
	v27 =	vld.idx.msk [tilespmem:v27+s2+$0x0], $0xffff;
	v21 =	vor.u32 v18, v26;
	v26 =	vadd.s32 v15, v19  }
0x5d: {  	v20 =	vmax.f32 v20, v22;
	v28 =	vld.idx.msk [tilespmem:v28+s2+$0x0], $0xffff;
	v22 =	vor.u32 v18, v26;
	v26 =	vadd.s32 v16, v19  }
0x5e: {  	v33 =	vadd.s32 v17, v19;
	v20 =	vmax.f32 v20, v23;
	v29 =	vld.idx.msk [tilespmem:v29+s2+$0x0], $0xffff;
	v23 =	vor.u32 v18, v26  }
0x5f: {  	v20 =	vmax.f32 v20, v24;
	v26 =	vld.idx.msk [tilespmem:v30+s2+$0x0], $0xffff;
	v30 =	vor.u32 v18, v33  }
.Ltmp0:
0x60: {  	v20 =	vmax.f32 v20, v25;
	v24 =	vld.idx.msk [tilespmem:v31+s2+$0x0], $0xffff;
	(pc) =	sbr.rel @p0 .LBB2_3-.Ltmp0, $4  }
0x61: {  	v20 =	vmax.f32 v20, v32;
	v21 =	vld.idx.msk [tilespmem:v21+s2+$0x0], $0xffff  }
0x62: {  	v25 =	vmov s17;
	v20 =	vmax.f32 v20, v27;
	v22 =	vld.idx.msk [tilespmem:v22+s2+$0x0], $0xffff  }
0x63: {  	v31 =	vshll.u32 v25, $0x7;
	v28 =	vmax.f32 v20, v28;
	v23 =	vld.idx.msk [tilespmem:v23+s2+$0x0], $0xffff  }
0x64: {  	s17 =	sadd.s32 $0x1, s17;
	v27 =	vshll.u32 v25, $0xA;
	v20 =	vand.u32 $0x380, v31;
	v28 =	vmax.f32 v28, v29;
	v25 =	vld.idx.msk [tilespmem:v30+s2+$0x0], $0xffff  }
0x65: {  	v27 =	vand.u32 $0x6000, v27;
	v26 =	vmax.f32 v28, v26;
	v19 =	vor.u32 v19, v1  }
0x66: {  	v8 =	vadd.s32 v8, v27;
	v24 =	vmax.f32 v26, v24;
	v18 =	vor.u32 v18, v19  }
0x67: {  	v2 =	vadd.s32 v2, v27;
	v8 =	vor.u32 v20, v8;
	v49 =	vmax.f32 v24, v21  }
0x68: {  	v4 =	vadd.s32 v4, v27;
	v2 =	vor.u32 v20, v2;
	v19 =	vmax.f32 v49, v22  }
0x69: {  	v3 =	vadd.s32 v3, v27;
	v4 =	vor.u32 v20, v4;
	v19 =	vmax.f32 v19, v23  }
0x6a: {  	v6 =	vadd.s32 v6, v27;
	v3 =	vor.u32 v20, v3;
	v19 =	vmax.f32 v19, v25  }
0x6b: {  	v5 =	vadd.s32 v5, v27;
	v6 =	vor.u32 v20, v6;
	[tilespmem:v18+s13+$0x0] =	vst.idx.msk $0xffff, v19  }
0x6c: {  	v7 =	vadd.s32 v7, v27;
	v5 =	vor.u32 v20, v5;
	v8 =	vld.idx.msk [tilespmem:v8+s2+$0x0], $0xffff  }
0x6d: {  	v11 =	vadd.s32 v11, v27;
	v7 =	vor.u32 v20, v7;
	v2 =	vld.idx.msk [tilespmem:v2+s2+$0x0], $0xffff  }
0x6e: {  	v10 =	vadd.s32 v10, v27;
	v11 =	vor.u32 v20, v11;
	v4 =	vld.idx.msk [tilespmem:v4+s2+$0x0], $0xffff  }
0x6f: {  	v9 =	vadd.s32 v9, v27;
	v10 =	vor.u32 v20, v10;
	v3 =	vld.idx.msk [tilespmem:v3+s2+$0x0], $0xffff  }
0x70: {  	v13 =	vadd.s32 v13, v27;
	v9 =	vor.u32 v20, v9;
	v6 =	vld.idx.msk [tilespmem:v6+s2+$0x0], $0xffff  }
0x71: {  	v12 =	vadd.s32 v12, v27;
	v13 =	vor.u32 v20, v13;
	v5 =	vld.idx.msk [tilespmem:v5+s2+$0x0], $0xffff  }
0x72: {  	v14 =	vadd.s32 v14, v27;
	v12 =	vor.u32 v20, v12;
	v7 =	vld.idx.msk [tilespmem:v7+s2+$0x0], $0xffff;
	v2 =	vmax.f32 v2, v8  }
0x73: {  	v52 =	vadd.s32 v15, v27;
	v51 =	vor.u32 v20, v14;
	v50 =	vld.idx.msk [tilespmem:v11+s2+$0x0], $0xffff;
	v2 =	vmax.f32 v2, v4  }
0x74: {  	v55 =	vadd.s32 v16, v27;
	v54 =	vor.u32 v20, v52;
	v53 =	vld.idx.msk [tilespmem:v10+s2+$0x0], $0xffff;
	v2 =	vmax.f32 v2, v3  }
0x75: {  	v57 =	vadd.s32 v17, v27;
	v56 =	vor.u32 v20, v55;
	v3 =	vld.idx.msk [tilespmem:v9+s2+$0x0], $0xffff;
	v2 =	vmax.f32 v2, v6  }
0x76: {  	v59 =	vor.u32 v20, v57;
	v58 =	vld.idx.msk [tilespmem:v13+s2+$0x0], $0xffff;
	v2 =	vmax.f32 v2, v5  }
0x77: {  	v60 =	vld.idx.msk [tilespmem:v12+s2+$0x0], $0xffff;
	v2 =	vmax.f32 v2, v7  }
0x78: {  	v61 =	vld.idx.msk [tilespmem:v51+s2+$0x0], $0xffff;
	v2 =	vmax.f32 v2, v50  }
0x79: {  	v62 =	vld.idx.msk [tilespmem:v54+s2+$0x0], $0xffff;
	v2 =	vmax.f32 v2, v53  }
0x7a: {  	v63 =	vld.idx.msk [tilespmem:v56+s2+$0x0], $0xffff;
	v2 =	vmax.f32 v2, v3  }
0x7b: {  	s16 =	sadd.s32 $0x1, s16;
	v1 =	vor.u32 v27, v1;
	v3 =	vld.idx.msk [tilespmem:v59+s2+$0x0], $0xffff;
	v2 =	vmax.f32 v2, v58  }
0x7c: {  	p0 =	sne.s32 s16, $0x40;
	v1 =	vor.u32 v20, v1;
	v2 =	vmax.f32 v2, v60  }
.Ltmp1:
0x7d: {  	v2 =	vmax.f32 v2, v61;
	(pc) =	sbr.rel @p0 .LBB2_2-.Ltmp1, $4  }
0x7e: {  	v2 =	vmax.f32 v2, v62  }
0x7f: {  	v2 =	vmax.f32 v2, v63  }
0x80: {  	v2 =	vmax.f32 v2, v3  }
0x81: {  	[tilespmem:v1+s13+$0x0] =	vst.idx.msk $0xffff, v2  }
0x82: {  	s16 =	simm.s32 $0x0  }
0x83: {  	[hbm4b:s6+s16] =	stream.linear.scatter [tilespmem:s13], [sflag:$0x3], $0x8000, $0x38;
	[tilespmem:$0x1C000] =	vst v63  }
0x84: {  	_ =	swait.ge [sflag:s10], $0x8000  }
0x85: {  	[sflag:s10] =	ssyncset.done $0x0  }
0x86: {  	[sflag:s10] =	ssyncadd.s32 $0xFFFF8000  }
0x87: {  	_ =	swait.ge [sflag:s14], $0x8000  }
0x88: {  	[sflag:s14] =	ssyncset.done $0x0  }
0x89: {  	s17 =	simm.s32 $0x0;
	[sflag:s14] =	ssyncadd.s32 $0xFFFF8000  }
.LBB2_6:
0x8a: {  	s18 =	sshll.u32 s17, $0x4  }
0x8b: {  	v1 =	vmov s18  }
0x8c: {  	v2 =	vor.u32 s18, v0;
	v3 =	vshll.u32 v1, $0x3  }
0x8d: {  	v2 =	vand.u32 $0x7F, v2;
	v1 =	vand.u32 $0x1C00, v3  }
0x8e: {  	v1 =	vor.u32 v2, v1  }
0x8f: {  	v4 =	vor.u32 $0x80, v1  }
0x90: {  	v5 =	vor.u32 $0x100, v1  }
0x91: {  	v6 =	vor.u32 $0x180, v1;
	_ =	sdelay $0x1  }
0x92: {  	v8 =	vor.u32 $0x200, v1;
	v7 =	vld.idx.msk [tilespmem:v1+s9+$0x0], $0xffff  }
0x93: {  	v2 =	vor.u32 v3, v2;
	v9 =	vor.u32 $0x280, v1;
	v4 =	vld.idx.msk [tilespmem:v4+s9+$0x0], $0xffff  }
0x94: {  	v10 =	vor.u32 $0x380, v2;
	v3 =	vld.idx.msk [tilespmem:v5+s9+$0x0], $0xffff;
	v5 =	vor.u32 $0x300, v1  }
0x95: {  	v11 =	vor.u32 $0x2000, v1;
	v12 =	vor.u32 $0x2080, v1;
	v13 =	vor.u32 $0x2100, v1;
	v6 =	vld.idx.msk [tilespmem:v6+s9+$0x0], $0xffff  }
0x96: {  	v14 =	vor.u32 $0x2180, v1;
	v15 =	vor.u32 $0x2200, v1;
	v16 =	vor.u32 $0x2280, v1  }
0x97: {  	v18 =	vor.u32 $0x2300, v1;
	v20 =	vor.u32 $0x2380, v2;
	v17 =	vld.idx.msk [tilespmem:v8+s9+$0x0], $0xffff;
	v2 =	vshll.u32 v7, $0x3  }
0x98: {  	v9 =	vld.idx.msk [tilespmem:v9+s9+$0x0], $0xffff;
	v7 =	vand.u32 $0x7F, v7;
	v2 =	vand.u32 $0xFFFFFC00, v2;
	v8 =	vshll.u32 v4, $0x3  }
0x99: {  	v4 =	vand.u32 $0x7F, v4;
	v19 =	vld.idx.msk [tilespmem:v5+s9+$0x0], $0xffff;
	v5 =	vand.u32 $0x7F, v3;
	v3 =	vshll.u32 v3, $0x3  }
0x9a: {  	v2 =	vor.u32 v7, v2;
	v7 =	vand.u32 $0xFFFFFC00, v8;
	v8 =	vshll.u32 v6, $0x3  }
0x9b: {  	v10 =	vld.idx.msk [tilespmem:v10+s9+$0x0], $0xffff;
	v3 =	vand.u32 $0xFFFFFC00, v3;
	v6 =	vand.u32 $0x7F, v6;
	v21 =	vand.u32 $0xFFFFFC00, v8  }
0x9c: {  	v12 =	vld.idx.msk [tilespmem:v12+s9+$0x0], $0xffff;
	v8 =	vor.u32 v4, v7;
	v4 =	vor.u32 v5, v3;
	v5 =	vand.u32 $0x7F, v17  }
0x9d: {  	v11 =	vld.idx.msk [tilespmem:v11+s9+$0x0], $0xffff;
	v7 =	vshll.u32 v9, $0x3;
	v3 =	vor.u32 v6, v21;
	v6 =	vshll.u32 v17, $0x3  }
0x9e: {  	v9 =	vand.u32 $0x7F, v9;
	v7 =	vand.u32 $0xFFFFFC00, v7;
	v6 =	vand.u32 $0xFFFFFC00, v6  }
0x9f: {  	v13 =	vld.idx.msk [tilespmem:v13+s9+$0x0], $0xffff;
	v6 =	vor.u32 v5, v6;
	v5 =	vor.u32 v9, v7;
	v7 =	vshll.u32 v19, $0x3  }
0xa0: {  	v14 =	vld.idx.msk [tilespmem:v14+s9+$0x0], $0xffff;
	v17 =	vshll.u32 v10, $0x3;
	v9 =	vand.u32 $0x7F, v19;
	v7 =	vand.u32 $0xFFFFFC00, v7  }
0xa1: {  	v19 =	vshll.u32 v12, $0x3;
	v7 =	vor.u32 v9, v7;
	v9 =	vand.u32 $0x7F, v10  }
0xa2: {  	v10 =	vand.u32 $0xFFFFFC00, v17;
	v17 =	vand.u32 $0x7F, v11;
	v11 =	vshll.u32 v11, $0x3  }
0xa3: {  	v15 =	vld.idx.msk [tilespmem:v15+s9+$0x0], $0xffff;
	v21 =	vand.u32 $0x7F, v12;
	v19 =	vand.u32 $0xFFFFFC00, v19;
	v11 =	vand.u32 $0xFFFFFC00, v11  }
0xa4: {  	v12 =	vor.u32 v9, v10;
	v9 =	vor.u32 v21, v19;
	v10 =	vor.u32 v17, v11  }
0xa5: {  	v11 =	vand.u32 $0x7F, v13;
	v13 =	vshll.u32 v13, $0x3;
	v17 =	vshll.u32 v14, $0x3  }
0xa6: {  	v16 =	vld.idx.msk [tilespmem:v16+s9+$0x0], $0xffff;
	v14 =	vand.u32 $0x7F, v14;
	v13 =	vand.u32 $0xFFFFFC00, v13;
	v17 =	vand.u32 $0xFFFFFC00, v17  }
0xa7: {  	v13 =	vor.u32 v11, v13;
	v11 =	vor.u32 v14, v17;
	v14 =	vmov s16  }
0xa8: {  	v17 =	vand.u32 $0x7F, v15;
	v15 =	vshll.u32 v15, $0x3;
	v19 =	vshll.u32 v14, $0xA  }
0xa9: {  	v15 =	vand.u32 $0xFFFFFC00, v15;
	v21 =	vshll.u32 v14, $0x7;
	v19 =	vand.u32 $0x6000, v19  }
0xaa: {  	v22 =	vld.idx.msk [tilespmem:v18+s9+$0x0], $0xffff;
	v14 =	vor.u32 v17, v15;
	v18 =	vand.u32 $0x380, v21;
	v15 =	vadd.s32 v8, v19  }
0xab: {  	v17 =	vand.u32 $0x7F, v16;
	v21 =	vadd.s32 v2, v19;
	v23 =	vor.u32 v18, v15  }
0xac: {  	v15 =	vshll.u32 v16, $0x3;
	v16 =	vor.u32 v18, v21;
	v21 =	vadd.s32 v4, v19  }
0xad: {  	v24 =	vadd.s32 v3, v19;
	v15 =	vand.u32 $0xFFFFFC00, v15;
	v21 =	vor.u32 v18, v21  }
0xae: {  	v20 =	vld.idx.msk [tilespmem:v20+s9+$0x0], $0xffff;
	v26 =	vadd.s32 v5, v19;
	v15 =	vor.u32 v17, v15;
	v17 =	vor.u32 v18, v24  }
0xaf: {  	v25 =	vand.u32 $0x7F, v22;
	v26 =	vor.u32 v18, v26;
	v24 =	vadd.s32 v6, v19  }
0xb0: {  	v22 =	vshll.u32 v22, $0x3;
	v27 =	vadd.s32 v7, v19;
	v24 =	vor.u32 v18, v24;
	v23 =	vld.idx.msk [tilespmem:v23+s12+$0x0], $0xffff  }
0xb1: {  	v22 =	vand.u32 $0xFFFFFC00, v22;
	v29 =	vadd.s32 v12, v19;
	v27 =	vor.u32 v18, v27;
	v28 =	vld.idx.msk [tilespmem:v16+s12+$0x0], $0xffff  }
0xb2: {  	v16 =	vor.u32 v25, v22;
	v22 =	vor.u32 v18, v29;
	v25 =	vadd.s32 v10, v19;
	v21 =	vld.idx.msk [tilespmem:v21+s12+$0x0], $0xffff  }
0xb3: {  	v29 =	vand.u32 $0x7F, v20;
	v25 =	vor.u32 v18, v25;
	v30 =	vld.idx.msk [tilespmem:v17+s12+$0x0], $0xffff;
	v17 =	vadd.s32 v9, v19  }
0xb4: {  	v20 =	vshll.u32 v20, $0x3;
	v32 =	vld.idx.msk [tilespmem:v26+s12+$0x0], $0xffff;
	v31 =	vor.u32 v18, v17;
	v17 =	vadd.s32 v13, v19  }
0xb5: {  	v33 =	vadd.s32 v11, v19;
	v20 =	vand.u32 $0xFFFFFC00, v20;
	v24 =	vld.idx.msk [tilespmem:v24+s12+$0x0], $0xffff;
	v26 =	vor.u32 v18, v17  }
0xb6: {  	v17 =	vor.u32 v29, v20;
	v20 =	vld.idx.msk [tilespmem:v27+s12+$0x0], $0xffff;
	v27 =	vor.u32 v18, v33;
	v29 =	vadd.s32 v14, v19  }
0xb7: {  	v23 =	vmax.f32 v28, v23;
	v22 =	vld.idx.msk [tilespmem:v22+s12+$0x0], $0xffff;
	v28 =	vor.u32 v18, v29;
	v29 =	vadd.s32 v15, v19  }
0xb8: {  	v21 =	vmax.f32 v23, v21;
	v23 =	vld.idx.msk [tilespmem:v25+s12+$0x0], $0xffff;
	v25 =	vor.u32 v18, v29;
	v29 =	vadd.s32 v16, v19  }
0xb9: {  	v21 =	vmax.f32 v21, v30;
	v29 =	vor.u32 v18, v29;
	v30 =	vld.idx.msk [tilespmem:v31+s12+$0x0], $0xffff;
	v31 =	vadd.s32 v17, v19  }
0xba: {  	v21 =	vmax.f32 v21, v24;
	v26 =	vld.idx.msk [tilespmem:v26+s12+$0x0], $0xffff;
	v31 =	vor.u32 v18, v31  }
0xbb: {  	v21 =	vmax.f32 v21, v32;
	v24 =	vld.idx.msk [tilespmem:v27+s12+$0x0], $0xffff  }
0xbc: {  	s31 =	simm.s32 $0x1;
	v20 =	vmax.f32 v21, v20;
	v21 =	vld.idx.msk [tilespmem:v28+s12+$0x0], $0xffff  }
0xbd: {  	v27 =	vmov s31;
	v20 =	vmax.f32 v20, v22;
	v22 =	vld.idx.msk [tilespmem:v25+s12+$0x0], $0xffff  }
0xbe: {  	v25 =	vshll.u32 v27, $0x7;
	v28 =	vmax.f32 v20, v23;
	v23 =	vld.idx.msk [tilespmem:v29+s12+$0x0], $0xffff  }
0xbf: {  	s18 =	simm.s32 $0x2;
	v27 =	vshll.u32 v27, $0xA;
	v20 =	vand.u32 $0x380, v25;
	v28 =	vmax.f32 v28, v30;
	v25 =	vld.idx.msk [tilespmem:v31+s12+$0x0], $0xffff  }
.LBB2_7:
0xc0: {  	p0 =	sne.s32 s18, $0x1F;
	v26 =	vmax.f32 v28, v26;
	v28 =	vor.u32 v19, v1;
	v19 =	vand.u32 $0x6000, v27  }
0xc1: {  	v27 =	vadd.s32 v8, v19;
	v24 =	vmax.f32 v26, v24;
	v26 =	vor.u32 v18, v28;
	v18 =	vmovc v20  }
0xc2: {  	v20 =	vadd.s32 v2, v19;
	v27 =	vor.u32 v18, v27;
	v21 =	vmax.f32 v24, v21  }
0xc3: {  	v20 =	vor.u32 v18, v20;
	v24 =	vadd.s32 v4, v19;
	v21 =	vmax.f32 v21, v22  }
0xc4: {  	v22 =	vor.u32 v18, v24;
	v24 =	vadd.s32 v3, v19;
	v21 =	vmax.f32 v21, v23  }
0xc5: {  	v23 =	vor.u32 v18, v24;
	v24 =	vadd.s32 v6, v19;
	v21 =	vmax.f32 v21, v25  }
0xc6: {  	v24 =	vor.u32 v18, v24;
	v25 =	vadd.s32 v5, v19;
	[tilespmem:v26+s13+$0x0] =	vst.idx.msk $0xffff, v21  }
0xc7: {  	v25 =	vor.u32 v18, v25;
	v26 =	vadd.s32 v7, v19;
	v21 =	vld.idx.msk [tilespmem:v27+s12+$0x0], $0xffff  }
0xc8: {  	v26 =	vor.u32 v18, v26;
	v27 =	vadd.s32 v12, v19;
	v20 =	vld.idx.msk [tilespmem:v20+s12+$0x0], $0xffff  }
0xc9: {  	v28 =	vadd.s32 v10, v19;
	v27 =	vor.u32 v18, v27;
	v22 =	vld.idx.msk [tilespmem:v22+s12+$0x0], $0xffff  }
0xca: {  	v29 =	vadd.s32 v9, v19;
	v28 =	vor.u32 v18, v28;
	v23 =	vld.idx.msk [tilespmem:v23+s12+$0x0], $0xffff  }
0xcb: {  	v30 =	vadd.s32 v13, v19;
	v29 =	vor.u32 v18, v29;
	v24 =	vld.idx.msk [tilespmem:v24+s12+$0x0], $0xffff  }
0xcc: {  	v31 =	vadd.s32 v11, v19;
	v30 =	vor.u32 v18, v30;
	v25 =	vld.idx.msk [tilespmem:v25+s12+$0x0], $0xffff  }
0xcd: {  	v31 =	vor.u32 v18, v31;
	v32 =	vld.idx.msk [tilespmem:v26+s12+$0x0], $0xffff;
	v26 =	vadd.s32 v14, v19  }
0xce: {  	v20 =	vmax.f32 v20, v21;
	v27 =	vld.idx.msk [tilespmem:v27+s12+$0x0], $0xffff;
	v21 =	vor.u32 v18, v26;
	v26 =	vadd.s32 v15, v19  }
0xcf: {  	v20 =	vmax.f32 v20, v22;
	v28 =	vld.idx.msk [tilespmem:v28+s12+$0x0], $0xffff;
	v22 =	vor.u32 v18, v26;
	v26 =	vadd.s32 v16, v19  }
0xd0: {  	v33 =	vadd.s32 v17, v19;
	v20 =	vmax.f32 v20, v23;
	v29 =	vld.idx.msk [tilespmem:v29+s12+$0x0], $0xffff;
	v23 =	vor.u32 v18, v26  }
0xd1: {  	v20 =	vmax.f32 v20, v24;
	v26 =	vld.idx.msk [tilespmem:v30+s12+$0x0], $0xffff;
	v30 =	vor.u32 v18, v33  }
.Ltmp2:
0xd2: {  	v20 =	vmax.f32 v20, v25;
	v24 =	vld.idx.msk [tilespmem:v31+s12+$0x0], $0xffff;
	(pc) =	sbr.rel @p0 .LBB2_7-.Ltmp2, $4  }
0xd3: {  	v20 =	vmax.f32 v20, v32;
	v21 =	vld.idx.msk [tilespmem:v21+s12+$0x0], $0xffff  }
0xd4: {  	v25 =	vmov s18;
	v20 =	vmax.f32 v20, v27;
	v22 =	vld.idx.msk [tilespmem:v22+s12+$0x0], $0xffff  }
0xd5: {  	v31 =	vshll.u32 v25, $0x7;
	v28 =	vmax.f32 v20, v28;
	v23 =	vld.idx.msk [tilespmem:v23+s12+$0x0], $0xffff  }
0xd6: {  	s18 =	sadd.s32 $0x1, s18;
	v27 =	vshll.u32 v25, $0xA;
	v20 =	vand.u32 $0x380, v31;
	v28 =	vmax.f32 v28, v29;
	v25 =	vld.idx.msk [tilespmem:v30+s12+$0x0], $0xffff  }
0xd7: {  	v27 =	vand.u32 $0x6000, v27;
	v26 =	vmax.f32 v28, v26;
	v19 =	vor.u32 v19, v1  }
0xd8: {  	v8 =	vadd.s32 v8, v27;
	v24 =	vmax.f32 v26, v24;
	v18 =	vor.u32 v18, v19  }
0xd9: {  	v2 =	vadd.s32 v2, v27;
	v8 =	vor.u32 v20, v8;
	v49 =	vmax.f32 v24, v21  }
0xda: {  	v4 =	vadd.s32 v4, v27;
	v2 =	vor.u32 v20, v2;
	v19 =	vmax.f32 v49, v22  }
0xdb: {  	v3 =	vadd.s32 v3, v27;
	v4 =	vor.u32 v20, v4;
	v19 =	vmax.f32 v19, v23  }
0xdc: {  	v6 =	vadd.s32 v6, v27;
	v3 =	vor.u32 v20, v3;
	v19 =	vmax.f32 v19, v25  }
0xdd: {  	v5 =	vadd.s32 v5, v27;
	v6 =	vor.u32 v20, v6;
	[tilespmem:v18+s13+$0x0] =	vst.idx.msk $0xffff, v19  }
0xde: {  	v7 =	vadd.s32 v7, v27;
	v5 =	vor.u32 v20, v5;
	v8 =	vld.idx.msk [tilespmem:v8+s12+$0x0], $0xffff  }
0xdf: {  	v12 =	vadd.s32 v12, v27;
	v7 =	vor.u32 v20, v7;
	v2 =	vld.idx.msk [tilespmem:v2+s12+$0x0], $0xffff  }
0xe0: {  	v10 =	vadd.s32 v10, v27;
	v12 =	vor.u32 v20, v12;
	v4 =	vld.idx.msk [tilespmem:v4+s12+$0x0], $0xffff  }
0xe1: {  	v9 =	vadd.s32 v9, v27;
	v10 =	vor.u32 v20, v10;
	v3 =	vld.idx.msk [tilespmem:v3+s12+$0x0], $0xffff  }
0xe2: {  	v13 =	vadd.s32 v13, v27;
	v9 =	vor.u32 v20, v9;
	v6 =	vld.idx.msk [tilespmem:v6+s12+$0x0], $0xffff  }
0xe3: {  	v11 =	vadd.s32 v11, v27;
	v13 =	vor.u32 v20, v13;
	v5 =	vld.idx.msk [tilespmem:v5+s12+$0x0], $0xffff  }
0xe4: {  	v14 =	vadd.s32 v14, v27;
	v11 =	vor.u32 v20, v11;
	v7 =	vld.idx.msk [tilespmem:v7+s12+$0x0], $0xffff;
	v2 =	vmax.f32 v2, v8  }
0xe5: {  	v52 =	vadd.s32 v15, v27;
	v51 =	vor.u32 v20, v14;
	v50 =	vld.idx.msk [tilespmem:v12+s12+$0x0], $0xffff;
	v2 =	vmax.f32 v2, v4  }
0xe6: {  	v55 =	vadd.s32 v16, v27;
	v54 =	vor.u32 v20, v52;
	v53 =	vld.idx.msk [tilespmem:v10+s12+$0x0], $0xffff;
	v2 =	vmax.f32 v2, v3  }
0xe7: {  	v57 =	vadd.s32 v17, v27;
	v56 =	vor.u32 v20, v55;
	v3 =	vld.idx.msk [tilespmem:v9+s12+$0x0], $0xffff;
	v2 =	vmax.f32 v2, v6  }
0xe8: {  	v59 =	vor.u32 v20, v57;
	v58 =	vld.idx.msk [tilespmem:v13+s12+$0x0], $0xffff;
	v2 =	vmax.f32 v2, v5  }
0xe9: {  	v60 =	vld.idx.msk [tilespmem:v11+s12+$0x0], $0xffff;
	v2 =	vmax.f32 v2, v7  }
0xea: {  	v61 =	vld.idx.msk [tilespmem:v51+s12+$0x0], $0xffff;
	v2 =	vmax.f32 v2, v50  }
0xeb: {  	v62 =	vld.idx.msk [tilespmem:v54+s12+$0x0], $0xffff;
	v2 =	vmax.f32 v2, v53  }
0xec: {  	v63 =	vld.idx.msk [tilespmem:v56+s12+$0x0], $0xffff;
	v2 =	vmax.f32 v2, v3  }
0xed: {  	s17 =	sadd.s32 $0x1, s17;
	v1 =	vor.u32 v27, v1;
	v3 =	vld.idx.msk [tilespmem:v59+s12+$0x0], $0xffff;
	v2 =	vmax.f32 v2, v58  }
0xee: {  	p0 =	sne.s32 s17, $0x40;
	v1 =	vor.u32 v20, v1;
	v2 =	vmax.f32 v2, v60  }
.Ltmp3:
0xef: {  	v2 =	vmax.f32 v2, v61;
	(pc) =	sbr.rel @p0 .LBB2_6-.Ltmp3, $4  }
0xf0: {  	v2 =	vmax.f32 v2, v62  }
0xf1: {  	v2 =	vmax.f32 v2, v63  }
0xf2: {  	v2 =	vmax.f32 v2, v3  }
0xf3: {  	[tilespmem:v1+s13+$0x0] =	vst.idx.msk $0xffff, v2  }
0xf4: {  	s15 =	sadd.s32 $0x1, s15  }
0xf5: {  	p0 =	sne.s32 s15, s8  }
.Ltmp4:
0xf6: {  	_ = 	snop;
	(pc) =	sbr.rel @p0 .LBB2_1-.Ltmp4, $4  }
0xf7: {  	[hbm4b:s7+s2] =	stream.linear.scatter [tilespmem:s13], [sflag:$0x3], $0x8000, $0x38;
	[tilespmem:$0x1C000] =	vst v63  }
0xf8: {  	_ =	swait.ge [sflag:s10], $0x8000  }
0xf9: {  	[sflag:s10] =	ssyncset.done $0x0  }
0xfa: {  	[sflag:s10] =	ssyncadd.s32 $0xFFFF8000  }
0xfb: {  	_ =	sfence.sel $0x180000  }
0xfc: {  	[bflag:$0x0] =	sbarrier.arrive $0xFFFF  }
0xfd: {  	p0 =	sne.s32 s1, $0x0;
	_ =	strace $0x90000050  }
0xfe: {  	s0 =	sadd.s32 @!p0 $0x100000, s0;
	[bflag:$0x2] =	sbarrier.arrive $0xFFFF  }
0xff: {  	[sflag:s0] =	ssyncadd.tile.s32 @!p0 $0x1;
	_ =	shalt  }
.Lfunc_end2:
_tile_overlayer_lowered:
.L_overlay_start_2:
0x100: {  	(tag) =	ssettag $0x2  }
0x101: {  	s0 =	rddreg [dreg:$0x0];
	s2 =	stileid.u32  }
0x102: {  	s1 =	rddreg [dreg:$0x1];
	p0 =	sne.s32 s2, $0x0  }
0x103: {  	s3 =	rddreg [dreg:$0x2];
	[bflag:$0x3] =	sbarrier.arrive $0xFFFF;
	s2 =	simm.s32 @!p0 $0x1C03  }
0x104: {  	[timem:s3], [sflag:s2] =	dma.local @!p0 [hbm:s0], s1  }
0x105: {  	s0 =	simm.s32 @!p0 $0x3  }
0x106: {  	_ =	swait.ge @!p0 [sflag:s0], s1  }
0x107: {  	s1 =	ssub.s32 @!p0 $0x0, s1;
	[sflag:s0] =	ssyncset.done @!p0 $0x0  }
0x108: {  	[sflag:s0] =	ssyncadd.s32 @!p0 s1  }
0x109: {  	[bflag:$0x3] =	sbarrier.arrive $0xFFFF  }
0x10a: {  	_ =	shalt  }

</sc_bundles>
